<compile_context>
chip_gen: v7x
topology: tpu7x:2x2x1
jax: 0.10.2.dev20260603
libtpu: 0.0.44.dev20260713+nightly
codegen_flags: <defaults>
</compile_context>

<pallas_src>
import functools

import jax
import jax.numpy as jnp
from jax import lax
from jax.experimental import pallas as pl
from jax.experimental.pallas import tpu as pltpu
from jax.experimental.pallas import tpu_sc as plsc

_N = 10000
_E2 = 330000
_G = 64
_NC = 2
_NS = 16
_NW = _NC * _NS
_EPW = 10496
_EP = _EPW * _NW
_RPT = 624


@functools.lru_cache(maxsize=None)
def _edge_call(dout):
    J = dout // 16
    W = dout + 16
    comb = dout == 128
    B = 64 if comb else 128
    NB = _EPW // B
    NT = NB // 2
    ring = comb
    idx_shape = (2, 2 * B) if ring else (NB, 2, B)
    mesh = plsc.VectorSubcoreMesh(core_axis_name="c", subcore_axis_name="s")

    @functools.partial(
        pl.kernel,
        out_type=jax.ShapeDtypeStruct((_NC, _N, W), jnp.float32),
        mesh=mesh,
        compiler_params=pltpu.CompilerParams(needs_layout_passes=False,
                                             use_tc_tiling_on_sc=False),
        scratch_types=[
            pltpu.VMEM_SHARED((_N, W), jnp.float32),
            pltpu.VMEM(idx_shape, jnp.int32),
            pltpu.VMEM((2, B), jnp.int32),
            pltpu.VMEM((2, 2 * B, W), jnp.float32),
            pltpu.VMEM((dout,), jnp.float32),
            pltpu.SemaphoreType.DMA,
            pltpu.SemaphoreType.DMA,
            pltpu.SemaphoreType.DMA,
            pltpu.SemaphoreType.DMA,
            pltpu.SemaphoreType.DMA,
            pltpu.SemaphoreType.DMA,
        ],
    )
    def k(xc_hbm, cidx_hbm, att_hbm, out_hbm,
          acc_sp, cidx, didx, buf, attv, gs0, gs1, ss0, ss1, is0, is1):
        c = lax.axis_index("c")
        s = lax.axis_index("s")
        wid = c * _NS + s
        zv = jnp.zeros((16,), jnp.float32)
        gsem = (gs0, gs1)
        scsem = (ss0, ss1)
        isem = (is0, is1)

        def zrow(r, carry):
            for jw in range(W // 16):
                buf[0, r, pl.ds(jw * 16, 16)] = zv
            return carry

        lax.fori_loop(0, 48, zrow, 0)
        r0 = pl.multiple_of(s * _RPT, 8)
        tail = _N - _NS * _RPT

        def zcopy(i, carry):
            pltpu.sync_copy(buf.at[0, pl.ds(0, 48)],
                            acc_sp.at[pl.ds(pl.multiple_of(r0 + i * 48, 8),
                                            48)])
            return carry

        lax.fori_loop(0, _RPT // 48, zcopy, 0)

        @pl.when(s == _NS - 1)
        def _():
            pltpu.sync_copy(buf.at[0, pl.ds(0, tail)],
                            acc_sp.at[pl.ds(_NS * _RPT, tail)])

        plsc.subcore_barrier()

        pltpu.sync_copy(att_hbm, attv)
        if ring:
            pltpu.sync_copy(cidx_hbm.at[wid, 0], cidx.at[0])
        else:
            pltpu.sync_copy(cidx_hbm.at[wid], cidx)
        att = [attv[pl.ds(j * 16, 16)] for j in range(J)]
        nvec = jnp.full((16,), _N, jnp.int32)

        def start_idx(g, pr):
            pltpu.async_copy(cidx_hbm.at[wid, g], cidx.at[pr], isem[pr])

        def wait_idx(pr):
            pltpu.make_async_copy(cidx_hbm.at[wid, 0], cidx.at[pr],
                                  isem[pr]).wait()

        if comb:
            def start_gather(g, p):
                pltpu.async_copy(xc_hbm.at[cidx.at[p]], buf.at[p], gsem[p])

            def wait_gather(g, p):
                pltpu.make_async_copy(xc_hbm.at[cidx.at[p]], buf.at[p],
                                      gsem[p]).wait()
        else:
            def start_gather(g, p):
                pltpu.async_copy(xc_hbm.at[cidx.at[g, 0]],
                                 buf.at[p, pl.ds(0, B)], gsem[p])
                pltpu.async_copy(xc_hbm.at[cidx.at[g, 1]],
                                 buf.at[p, pl.ds(B, B)], gsem[p])

            def wait_gather(g, p):
                pltpu.make_async_copy(xc_hbm.at[cidx.at[g, 0]],
                                      buf.at[p, pl.ds(0, B)],
                                      gsem[p]).wait()
                pltpu.make_async_copy(xc_hbm.at[cidx.at[g, 1]],
                                      buf.at[p, pl.ds(B, B)],
                                      gsem[p]).wait()

        def wait_scatter(g, p):
            pltpu.make_async_copy(buf.at[p, pl.ds(0, B)],
                                  acc_sp.at[didx.at[p]], scsem[p]).wait()

        def compute(g, p):
            base = wid * _EPW + g * B
            for kk in range(B // 16):
                if comb:
                    dv = cidx[p, pl.ds(B + kk * 16, 16)]
                else:
                    dv = cidx[g, 1, pl.ds(kk * 16, 16)]
                didx[p, pl.ds(kk * 16, 16)] = dv - nvec

            def ebody(e, carry):
                avs = []
                acc0 = jnp.zeros((16,), jnp.float32)
                acc1 = jnp.zeros((16,), jnp.float32)
                for j in range(J):
                    a = buf[p, e, pl.ds(j * 16, 16)]
                    b = buf[p, B + e, pl.ds(j * 16, 16)]
                    avs.append(a)
                    v = a + b
                    u = jnp.maximum(v, 0.2 * v)
                    if j % 2 == 0:
                        acc0 = acc0 + u * att[j]
                    else:
                        acc1 = acc1 + u * att[j]
                logit = jnp.sum(acc0 + acc1)
                mv = buf[p, B + e, pl.ds(dout, 16)]
                d = jnp.clip(jnp.full((16,), logit, jnp.float32) - mv,
                             -60.0, 60.0)
                ex = jnp.exp(d)
                eidv = jnp.full((16,), base + e, jnp.int32)
                ex = jnp.where(eidv < _E2, ex, 0.0)
                for j in range(J):
                    buf[p, e, pl.ds(j * 16, 16)] = avs[j] * ex
                buf[p, e, pl.ds(dout, 16)] = ex
                return carry

            lax.fori_loop(0, B, ebody, 0)

        if ring:
            start_idx(1, 1)
        start_gather(0, 0)

        def tbody(t, carry):
            for b in (0, 1):
                p = b
                g = 2 * t + b
                if b == 0:
                    @pl.when(t > 0)
                    def _():
                        wait_scatter(g - 1, 1 - p)

                    if ring:
                        wait_idx(1 - p)
                    start_gather(g + 1, 1 - p)
                else:
                    wait_scatter(g - 1, 1 - p)

                    @pl.when(t < NT - 1)
                    def _():
                        if ring:
                            wait_idx(1 - p)
                        start_gather(g + 1, 1 - p)
                wait_gather(g, p)
                compute(g, p)
                if ring:
                    @pl.when(t < NT - 1)
                    def _():
                        start_idx(g + 2, p)
                pltpu.async_copy(buf.at[p, pl.ds(0, B)],
                                 acc_sp.at[didx.at[p]], scsem[p], add=True)
            return carry

        lax.fori_loop(0, NT, tbody, 0)
        wait_scatter(NB - 1, 1)
        plsc.subcore_barrier()
        for kk in range(_RPT // 208):
            pltpu.sync_copy(
                acc_sp.at[pl.ds(pl.multiple_of(r0 + kk * 208, 8), 208)],
                out_hbm.at[c, pl.ds(pl.multiple_of(r0 + kk * 208, 8), 208)])

        @pl.when(s == _NS - 1)
        def _():
            pltpu.sync_copy(acc_sp.at[pl.ds(_NS * _RPT, tail)],
                            out_hbm.at[c, pl.ds(_NS * _RPT, tail)])

    return k


@functools.lru_cache(maxsize=None)
def _proj_call(din, dout):
    W = dout + 16

    def body(h_ref, wl_ref, bl_ref, wr_ref, br_ref, att_ref, xc_ref):
        h = h_ref[...]
        xl = jnp.dot(h, wl_ref[...],
                     preferred_element_type=jnp.float32) + bl_ref[...]
        xr = jnp.dot(h, wr_ref[...],
                     preferred_element_type=jnp.float32) + br_ref[...]
        v = xl + xr
        u = jnp.maximum(v, 0.2 * v)
        m = jnp.sum(u * att_ref[...], axis=1, keepdims=True)
        xc_ref[...] = jnp.concatenate(
            [jnp.pad(xl, ((0, 0), (0, 16))),
         jnp.concatenate([xr, jnp.broadcast_to(m, (_N, 16))], axis=1)],
            axis=0)

    return pl.pallas_call(
        body,
        out_shape=jax.ShapeDtypeStruct((2 * _N, W), jnp.float32),
    )


@functools.lru_cache(maxsize=None)
def _post_call(dout):
    W = dout + 16

    def body(ad_ref, b_ref, g_ref, bb_ref, batch_ref, h_ref, p_ref):
        sacc = ad_ref[0] + ad_ref[1]
        den = sacc[:, dout:dout + 1]
        out = sacc[:, :dout] / den + b_ref[...]
        h0 = jnp.maximum(out, 0.0)
        mu = jnp.mean(h0, axis=0, keepdims=True)
        var = jnp.mean((h0 - mu) ** 2, axis=0, keepdims=True)
        h = g_ref[...] * (h0 - mu) * lax.rsqrt(var + 1e-5) + bb_ref[...]
        h_ref[...] = h
        onehot = (batch_ref[...] == lax.broadcasted_iota(
            jnp.int32, (_N, _G), 1)).astype(jnp.float32)
        p_ref[...] = lax.dot_general(
            onehot, h, (((0,), (0,)), ((), ())),
            preferred_element_type=jnp.float32)

    return pl.pallas_call(
        body,
        out_shape=(jax.ShapeDtypeStruct((_N, dout), jnp.float32),
                   jax.ShapeDtypeStruct((_G, dout), jnp.float32)),
    )


def _head_body(p1_ref, p2_ref, p3_ref, w1_ref, b1_ref, g_ref, bb_ref,
               w2_ref, b2_ref, sig_ref, lsm_ref):
    h = jnp.concatenate(
        [p1_ref[...], p2_ref[...], p3_ref[...], p3_ref[...]], axis=1)
    z = jnp.dot(h, w1_ref[...],
                preferred_element_type=jnp.float32) + b1_ref[...]
    z = jnp.maximum(z, 0.0)
    mu = jnp.mean(z, axis=0, keepdims=True)
    var = jnp.mean((z - mu) ** 2, axis=0, keepdims=True)
    z = g_ref[...] * (z - mu) * lax.rsqrt(var + 1e-5) + bb_ref[...]
    o = jnp.dot(z, w2_ref[...],
                preferred_element_type=jnp.float32) + b2_ref[...]
    sig_ref[...] = 1.0 / (1.0 + jnp.exp(-o))
    om = jnp.max(o, axis=1, keepdims=True)
    lse = om + jnp.log(jnp.sum(jnp.exp(o - om), axis=1, keepdims=True))
    lsm_ref[...] = o - lse


_head_call = pl.pallas_call(
    _head_body,
    out_shape=(jax.ShapeDtypeStruct((_G, 10), jnp.float32),
               jax.ShapeDtypeStruct((_G, 10), jnp.float32)),
)


def kernel(x, params, edge_index, batch):
    loop = jnp.arange(_N, dtype=edge_index.dtype)
    pad = jnp.arange(_EP - _E2, dtype=edge_index.dtype) % _N
    src = jnp.concatenate([edge_index[0], loop, pad])
    dst = jnp.concatenate([edge_index[1], loop, pad]) + _N
    cidx = {
        64: jnp.concatenate([src.reshape(_NW, _EPW // 64, 64),
                             dst.reshape(_NW, _EPW // 64, 64)], axis=2),
        128: jnp.stack([src.reshape(_NW, _EPW // 128, 128),
                        dst.reshape(_NW, _EPW // 128, 128)], axis=2),
    }
    batch2 = batch.reshape(_N, 1)

    h = x
    pooled = []
    for i, (din, dout) in enumerate(((128, 128), (128, 64), (64, 32)),
                                    start=1):
        att = params['gat%d_att' % i]
        xc = _proj_call(din, dout)(
            h, params['gat%d_Wl' % i].T,
            params['gat%d_bl' % i].reshape(1, -1),
            params['gat%d_Wr' % i].T,
            params['gat%d_br' % i].reshape(1, -1),
            att.reshape(1, -1))
        bsz = 64 if dout == 128 else 128
        accden = _edge_call(dout)(xc, cidx[bsz], att)
        h, p = _post_call(dout)(
            accden, params['gat%d_b' % i].reshape(1, -1),
            params['bn%d_g' % i].reshape(1, -1),
            params['bn%d_b' % i].reshape(1, -1), batch2)
        pooled.append(p)

    return _head_call(
        pooled[0], pooled[1], pooled[2],
        params['lin1_W'].T, params['lin1_b'].reshape(1, -1),
        params['bn5_g'].reshape(1, -1), params['bn5_b'].reshape(1, -1),
        params['lin2_W'].T, params['lin2_b'].reshape(1, -1))

# --- scband reference (transcript-rebuilt; emitter-appended) ---
"""Pipeline reference for scband-gat-84507776516243 (READ-ONLY COPY).

The authoritative reference and input builder live on the scoring server;
editing this copy changes nothing except your own understanding.
"""

import jax, jax.numpy as jnp
import numpy as np

N = 10000
E = 320000
NUM_GRAPHS = 64
DIM_IN = 128
DIM_H = 128
DIM_OUT = 10


def _init_params(key):
    # (in, out) dims for the 4 GATv2 layers: 128->128, 128->64, 64->32, 32->16
    dims = [(DIM_IN, DIM_H), (DIM_H, DIM_H // 2), (DIM_H // 2, DIM_H // 4), (DIM_H // 4, DIM_H // 8)]
    params = {}
    k = key
    for i, (din, dout) in enumerate(dims, start=1):
        k, k1, k2, k3 = jax.random.split(k, 4)
        s = 1.0 / np.sqrt(din)
        params['gat%d_Wl' % i] = jax.random.uniform(k1, (dout, din), minval=-s, maxval=s, dtype=jnp.float32)
        params['gat%d_bl' % i] = jnp.zeros((dout,), jnp.float32)
        params['gat%d_Wr' % i] = jax.random.uniform(k2, (dout, din), minval=-s, maxval=s, dtype=jnp.float32)
        params['gat%d_br' % i] = jnp.zeros((dout,), jnp.float32)
        params['gat%d_att' % i] = jax.random.uniform(k3, (dout,), minval=-s, maxval=s, dtype=jnp.float32)
        params['gat%d_b' % i] = jnp.zeros((dout,), jnp.float32)
        params['bn%d_g' % i] = jnp.ones((dout,), jnp.float32)
        params['bn%d_b' % i] = jnp.zeros((dout,), jnp.float32)
    k, k1, k2 = jax.random.split(k, 3)
    params['lin1_W'] = jax.random.uniform(k1, (128, 256), minval=-1.0 / 16, maxval=1.0 / 16, dtype=jnp.float32)
    params['lin1_b'] = jnp.zeros((128,), jnp.float32)
    params['bn5_g'] = jnp.ones((128,), jnp.float32)
    params['bn5_b'] = jnp.zeros((128,), jnp.float32)
    s2 = 1.0 / np.sqrt(128)
    params['lin2_W'] = jax.random.uniform(k2, (DIM_OUT, 128), minval=-s2, maxval=s2, dtype=jnp.float32)
    params['lin2_b'] = jnp.zeros((DIM_OUT,), jnp.float32)
    return params


def setup_inputs(seed: int = 0):
    key = jax.random.key(seed)
    kx, ke, kb, kp = jax.random.split(key, 4)
    x = jax.random.normal(kx, (N, DIM_IN), dtype=jnp.float32)
    edge_index = jax.random.randint(ke, (2, E), 0, N, dtype=jnp.int32)
    batch = jnp.sort(jax.random.randint(kb, (N,), 0, NUM_GRAPHS, dtype=jnp.int32))
    return {'x': x, 'params': _init_params(kp), 'edge_index': edge_index, 'batch': batch}


def _bn(h, g, b):
    # BatchNorm1d in training mode (module was put in .train())
    mu = jnp.mean(h, axis=0)
    var = jnp.mean((h - mu) ** 2, axis=0)
    return g * (h - mu) * jax.lax.rsqrt(var + 1e-5) + b


def _gatv2(x, src, dst, p, i):
    # GATv2Conv, heads=1, concat, self-loops already appended to src/dst
    xl = x @ p['gat%d_Wl' % i].T + p['gat%d_bl' % i]
    xr = x @ p['gat%d_Wr' % i].T + p['gat%d_br' % i]
    e = jax.nn.leaky_relu(xl[src] + xr[dst], negative_slope=0.2)
    logits = e @ p['gat%d_att' % i]
    m = jax.ops.segment_max(logits, dst, num_segments=N)
    ex = jnp.exp(logits - m[dst])
    den = jax.ops.segment_sum(ex, dst, num_segments=N)
    alpha = ex / den[dst]
    out = jax.ops.segment_sum(xl[src] * alpha[:, None], dst, num_segments=N)
    return out + p['gat%d_b' % i]


def _forward(x, params, edge_index, batch):
    loop = jnp.arange(N, dtype=edge_index.dtype)
    src = jnp.concatenate([edge_index[0], loop])
    dst = jnp.concatenate([edge_index[1], loop])
    h1 = _bn(jax.nn.relu(_gatv2(x, src, dst, params, 1)), params['bn1_g'], params['bn1_b'])
    h2 = _bn(jax.nn.relu(_gatv2(h1, src, dst, params, 2)), params['bn2_g'], params['bn2_b'])
    h3 = _bn(jax.nn.relu(_gatv2(h2, src, dst, params, 3)), params['bn3_g'], params['bn3_b'])
    _h4_dead = _bn(jax.nn.relu(_gatv2(h3, src, dst, params, 4)), params['bn4_g'], params['bn4_b'])
    h4 = h3  # replicates original bug: h4 = F.dropout(h3, ...) overwrites gat4 output
    p1 = jax.ops.segment_sum(h1, batch, num_segments=NUM_GRAPHS)
    p2 = jax.ops.segment_sum(h2, batch, num_segments=NUM_GRAPHS)
    p3 = jax.ops.segment_sum(h3, batch, num_segments=NUM_GRAPHS)
    p4 = jax.ops.segment_sum(h4, batch, num_segments=NUM_GRAPHS)
    h = jnp.concatenate((p1, p2, p3, p4), axis=1)  # 128+64+32+32 = 256
    h = jax.nn.relu(h @ params['lin1_W'].T + params['lin1_b'])
    h = _bn(h, params['bn5_g'], params['bn5_b'])
    h = h @ params['lin2_W'].T + params['lin2_b']
    return (jax.nn.sigmoid(h), jax.nn.log_softmax(h, axis=1))


def reference(x, params, edge_index, batch):
    return _forward(x, params, edge_index, batch)

if __name__ == "__main__":
    import jax
    _d = setup_inputs()
    print(jax.jit(kernel)(*tuple(_d.values())))

</pallas_src>

<mosaic_0001>
#map = affine_map<(d0, d1) -> (0, 0)>
#map1 = affine_map<(d0, d1) -> (0, 0, 0, 0)>
#map2 = affine_map<(d0, d1) -> (0)>
#map3 = affine_map<(d0, d1) -> (0, 0, 0)>
module attributes {stable_mosaic.version = 14 : i64} {
  func.func @k(%arg0: i32, %arg1: i32, %arg2: memref<20000x80xf32, #tpu.memory_space<hbm>>, %arg3: memref<32x82x2x128xi32, #tpu.memory_space<hbm>>, %arg4: memref<64xf32, #tpu.memory_space<hbm>>, %arg5: memref<2x10000x80xf32, #tpu.memory_space<hbm>>, %arg6: memref<10000x80xf32, #tpu.memory_space<vmem_shared>>, %arg7: memref<82x2x128xi32, #tpu.memory_space<vmem>>, %arg8: memref<2x128xi32, #tpu.memory_space<vmem>>, %arg9: memref<2x256x80xf32, #tpu.memory_space<vmem>>, %arg10: memref<64xf32, #tpu.memory_space<vmem>>, %arg11: memref<!tpu.dma_semaphore, #tpu.memory_space<semaphore_mem>>, %arg12: memref<!tpu.dma_semaphore, #tpu.memory_space<semaphore_mem>>, %arg13: memref<!tpu.dma_semaphore, #tpu.memory_space<semaphore_mem>>, %arg14: memref<!tpu.dma_semaphore, #tpu.memory_space<semaphore_mem>>, %arg15: memref<!tpu.dma_semaphore, #tpu.memory_space<semaphore_mem>>, %arg16: memref<!tpu.dma_semaphore, #tpu.memory_space<semaphore_mem>>) attributes {dimension_semantics = [#tpu.dimension_semantics<core_parallel>, #tpu.dimension_semantics<subcore_parallel>], iteration_bounds = array<i64: 2, 16>, scalar_prefetch = 0 : i64, scratch_operands = 11 : i64, tpu.core_type = #tpu.core_type<sc_vector_subcore>, window_params = [{transform_indices = #map}, {transform_indices = #map1}, {transform_indices = #map2}, {transform_indices = #map3}]} {
    %mul3A = arith.constant 16 : i32
    %mul3A_0 = arith.muli %arg0, %mul3A : i32
    %add3A = arith.addi %mul3A_0, %arg1 : i32
    %broadcast_in_dim3A = arith.constant 0.000000e+00 : f32
    %broadcast_in_dim3A_1 = vector.broadcast %broadcast_in_dim3A : f32 to vector<16xf32>
    %scan3A = arith.constant 0 : i32
    %scan3A_2 = arith.constant 0 : i32
    %scan3A_3 = arith.constant 48 : i32
    %scan3A_4 = arith.addi %scan3A_2, %scan3A_3 : i32
    %scan3A_5 = arith.constant 1 : i32
    scf.for %scan3A_92 = %scan3A_2 to %scan3A_4 step %scan3A_5  : i32 {
      %swap3A = arith.constant 0 : i32
      %swap3A_93 = arith.index_cast %swap3A : i32 to index
      %swap3A_94 = arith.index_cast %scan3A_92 : i32 to index
      %swap3A_95 = arith.constant 0 : index
      %swap3A_96 = tpu.vector_load %arg9[%swap3A_93, %swap3A_94, %swap3A_95] {strides = array<i32>} : memref<2x256x80xf32, #tpu.memory_space<vmem>>, vector<16xf32>,
      tpu.vector_store %arg9[%swap3A_93, %swap3A_94, %swap3A_95], %broadcast_in_dim3A_1 {strides = array<i32>} : memref<2x256x80xf32, #tpu.memory_space<vmem>>, vector<16xf32>,
      %swap3A_97 = arith.constant 0 : i32
      %swap3A_98 = arith.index_cast %swap3A_97 : i32 to index
      %swap3A_99 = arith.index_cast %scan3A_92 : i32 to index
      %swap3A_100 = arith.constant 16 : index
      %swap3A_101 = tpu.vector_load %arg9[%swap3A_98, %swap3A_99, %swap3A_100] {strides = array<i32>} : memref<2x256x80xf32, #tpu.memory_space<vmem>>, vector<16xf32>,
      tpu.vector_store %arg9[%swap3A_98, %swap3A_99, %swap3A_100], %broadcast_in_dim3A_1 {strides = array<i32>} : memref<2x256x80xf32, #tpu.memory_space<vmem>>, vector<16xf32>,
      %swap3A_102 = arith.constant 0 : i32
      %swap3A_103 = arith.index_cast %swap3A_102 : i32 to index
      %swap3A_104 = arith.index_cast %scan3A_92 : i32 to index
      %swap3A_105 = arith.constant 32 : index
      %swap3A_106 = tpu.vector_load %arg9[%swap3A_103, %swap3A_104, %swap3A_105] {strides = array<i32>} : memref<2x256x80xf32, #tpu.memory_space<vmem>>, vector<16xf32>,
      tpu.vector_store %arg9[%swap3A_103, %swap3A_104, %swap3A_105], %broadcast_in_dim3A_1 {strides = array<i32>} : memref<2x256x80xf32, #tpu.memory_space<vmem>>, vector<16xf32>,
      %swap3A_107 = arith.constant 0 : i32
      %swap3A_108 = arith.index_cast %swap3A_107 : i32 to index
      %swap3A_109 = arith.index_cast %scan3A_92 : i32 to index
      %swap3A_110 = arith.constant 48 : index
      %swap3A_111 = tpu.vector_load %arg9[%swap3A_108, %swap3A_109, %swap3A_110] {strides = array<i32>} : memref<2x256x80xf32, #tpu.memory_space<vmem>>, vector<16xf32>,
      tpu.vector_store %arg9[%swap3A_108, %swap3A_109, %swap3A_110], %broadcast_in_dim3A_1 {strides = array<i32>} : memref<2x256x80xf32, #tpu.memory_space<vmem>>, vector<16xf32>,
      %swap3A_112 = arith.constant 0 : i32
      %swap3A_113 = arith.index_cast %swap3A_112 : i32 to index
      %swap3A_114 = arith.index_cast %scan3A_92 : i32 to index
      %swap3A_115 = arith.constant 64 : index
      %swap3A_116 = tpu.vector_load %arg9[%swap3A_113, %swap3A_114, %swap3A_115] {strides = array<i32>} : memref<2x256x80xf32, #tpu.memory_space<vmem>>, vector<16xf32>,
      tpu.vector_store %arg9[%swap3A_113, %swap3A_114, %swap3A_115], %broadcast_in_dim3A_1 {strides = array<i32>} : memref<2x256x80xf32, #tpu.memory_space<vmem>>, vector<16xf32>,
    }
    %scan3A_6 = arith.constant 48 : i32
    %mul3A_7 = arith.constant 624 : i32
    %mul3A_8 = arith.muli %arg1, %mul3A_7 : i32
    %multiple_of3A = tpu.assume_multiple %mul3A_8, 8 : i32
    %scan3A_9 = arith.constant 0 : i32
    %scan3A_10 = arith.constant 0 : i32
    %scan3A_11 = arith.constant 13 : i32
    %scan3A_12 = arith.addi %scan3A_10, %scan3A_11 : i32
    %scan3A_13 = arith.constant 1 : i32
    scf.for %scan3A_92 = %scan3A_10 to %scan3A_12 step %scan3A_13  : i32 {
      %mul3A_93 = arith.constant 48 : i32
      %mul3A_94 = arith.muli %scan3A_92, %mul3A_93 : i32
      %add3A_95 = arith.addi %multiple_of3A, %mul3A_94 : i32
      %multiple_of3A_96 = tpu.assume_multiple %add3A_95, 8 : i32
      %run_scoped3A = arith.constant 0 : i32
      "tpu.region"() ({
        %run_scoped3A_97 = tpu.sem_alloc : memref<!tpu.dma_semaphore, #tpu.memory_space<semaphore_mem>>
        %dma_start3A_98 = arith.constant 0 : i32
        %dma_start3A_99 = arith.constant 0 : i32
        %dma_start3A_100 = tpu.memref_slice %arg9[%run_scoped3A, %dma_start3A_98, %dma_start3A_99] : memref<2x256x80xf32, #tpu.memory_space<vmem>> -> memref<1x48x80xf32, #tpu.memory_space<vmem>>
        %dma_start3A_101 = tpu.memref_squeeze %dma_start3A_100 : memref<1x48x80xf32, #tpu.memory_space<vmem>> -> memref<48x80xf32, #tpu.memory_space<vmem>>
        %dma_start3A_102 = arith.constant 0 : i32
        %dma_start3A_103 = tpu.memref_slice %arg6[%multiple_of3A_96, %dma_start3A_102] : memref<10000x80xf32, #tpu.memory_space<vmem_shared>> -> memref<48x80xf32, #tpu.memory_space<vmem_shared>>
        %dma_start3A_104 = arith.constant 0 : i32
        %dma_start3A_105 = tpu.memref_slice %arg6[%multiple_of3A_96, %dma_start3A_104] : memref<10000x80xf32, #tpu.memory_space<vmem_shared>> -> memref<48x80xf32, #tpu.memory_space<vmem_shared>>
        %dma_start3A_106 = arith.constant 0 : i32
        %dma_start3A_107 = arith.constant 0 : i32
        %dma_start3A_108 = tpu.memref_slice %arg9[%run_scoped3A, %dma_start3A_106, %dma_start3A_107] : memref<2x256x80xf32, #tpu.memory_space<vmem>> -> memref<1x48x80xf32, #tpu.memory_space<vmem>>
        %dma_start3A_109 = tpu.memref_squeeze %dma_start3A_108 : memref<1x48x80xf32, #tpu.memory_space<vmem>> -> memref<48x80xf32, #tpu.memory_space<vmem>>
        tpu.enqueue_dma source(%dma_start3A_109 : memref<48x80xf32, #tpu.memory_space<vmem>>) target(%dma_start3A_105 : memref<48x80xf32, #tpu.memory_space<vmem_shared>>) target_semaphore(%run_scoped3A_97 : memref<!tpu.dma_semaphore, #tpu.memory_space<semaphore_mem>>)
        %dma_wait3A_110 = arith.constant 0 : i32
        %dma_wait3A_111 = arith.constant 0 : i32
        %dma_wait3A_112 = tpu.memref_slice %arg9[%run_scoped3A, %dma_wait3A_110, %dma_wait3A_111] : memref<2x256x80xf32, #tpu.memory_space<vmem>> -> memref<1x48x80xf32, #tpu.memory_space<vmem>>
        %dma_wait3A_113 = tpu.memref_squeeze %dma_wait3A_112 : memref<1x48x80xf32, #tpu.memory_space<vmem>> -> memref<48x80xf32, #tpu.memory_space<vmem>>
        %dma_wait3A_114 = arith.constant 0 : i32
        %dma_wait3A_115 = tpu.memref_slice %arg6[%multiple_of3A_96, %dma_wait3A_114] : memref<10000x80xf32, #tpu.memory_space<vmem_shared>> -> memref<48x80xf32, #tpu.memory_space<vmem_shared>>
        %dma_wait3A_116 = arith.constant 0 : i32
        %dma_wait3A_117 = tpu.memref_slice %arg6[%multiple_of3A_96, %dma_wait3A_116] : memref<10000x80xf32, #tpu.memory_space<vmem_shared>> -> memref<48x80xf32, #tpu.memory_space<vmem_shared>>
        %dma_wait3A_118 = arith.constant 0 : i32
        %dma_wait3A_119 = arith.constant 0 : i32
        %dma_wait3A_120 = tpu.memref_slice %arg9[%run_scoped3A, %dma_wait3A_118, %dma_wait3A_119] : memref<2x256x80xf32, #tpu.memory_space<vmem>> -> memref<1x48x80xf32, #tpu.memory_space<vmem>>
        %dma_wait3A_121 = tpu.memref_squeeze %dma_wait3A_120 : memref<1x48x80xf32, #tpu.memory_space<vmem>> -> memref<48x80xf32, #tpu.memory_space<vmem>>
        tpu.wait_dma2 semaphore(%run_scoped3A_97 : memref<!tpu.dma_semaphore, #tpu.memory_space<semaphore_mem>>) src(%dma_wait3A_121 : memref<48x80xf32, #tpu.memory_space<vmem>>) dst(%dma_wait3A_117 : memref<48x80xf32, #tpu.memory_space<vmem_shared>>)
        tpu.yield
      }) : () -> ()
    }
    %scan3A_14 = arith.constant 13 : i32
    %eq3A = arith.constant 15 : i32
    %eq3A_15 = arith.cmpi eq, %arg1, %eq3A : i32
    %convert_element_type3A = arith.extui %eq3A_15 : i1 to i32
    %cond3A = arith.constant 0 : i32
    %cond3A_16 = arith.cmpi ne, %convert_element_type3A, %cond3A : i32
    scf.if %cond3A_16 {
      %run_scoped3A = arith.constant 0 : i32
      "tpu.region"() ({
        %run_scoped3A_92 = tpu.sem_alloc : memref<!tpu.dma_semaphore, #tpu.memory_space<semaphore_mem>>
        %dma_start3A_93 = arith.constant 0 : i32
        %dma_start3A_94 = arith.constant 0 : i32
        %dma_start3A_95 = tpu.memref_slice %arg9[%run_scoped3A, %dma_start3A_93, %dma_start3A_94] : memref<2x256x80xf32, #tpu.memory_space<vmem>> -> memref<1x16x80xf32, #tpu.memory_space<vmem>>
        %dma_start3A_96 = tpu.memref_squeeze %dma_start3A_95 : memref<1x16x80xf32, #tpu.memory_space<vmem>> -> memref<16x80xf32, #tpu.memory_space<vmem>>
        %dma_start3A_97 = arith.constant 9984 : i32
        %dma_start3A_98 = arith.constant 0 : i32
        %dma_start3A_99 = tpu.memref_slice %arg6[%dma_start3A_97, %dma_start3A_98] : memref<10000x80xf32, #tpu.memory_space<vmem_shared>> -> memref<16x80xf32, #tpu.memory_space<vmem_shared>>
        %dma_start3A_100 = arith.constant 9984 : i32
        %dma_start3A_101 = arith.constant 0 : i32
        %dma_start3A_102 = tpu.memref_slice %arg6[%dma_start3A_100, %dma_start3A_101] : memref<10000x80xf32, #tpu.memory_space<vmem_shared>> -> memref<16x80xf32, #tpu.memory_space<vmem_shared>>
        %dma_start3A_103 = arith.constant 0 : i32
        %dma_start3A_104 = arith.constant 0 : i32
        %dma_start3A_105 = tpu.memref_slice %arg9[%run_scoped3A, %dma_start3A_103, %dma_start3A_104] : memref<2x256x80xf32, #tpu.memory_space<vmem>> -> memref<1x16x80xf32, #tpu.memory_space<vmem>>
        %dma_start3A_106 = tpu.memref_squeeze %dma_start3A_105 : memref<1x16x80xf32, #tpu.memory_space<vmem>> -> memref<16x80xf32, #tpu.memory_space<vmem>>
        tpu.enqueue_dma source(%dma_start3A_106 : memref<16x80xf32, #tpu.memory_space<vmem>>) target(%dma_start3A_102 : memref<16x80xf32, #tpu.memory_space<vmem_shared>>) target_semaphore(%run_scoped3A_92 : memref<!tpu.dma_semaphore, #tpu.memory_space<semaphore_mem>>)
        %dma_wait3A_107 = arith.constant 0 : i32
        %dma_wait3A_108 = arith.constant 0 : i32
        %dma_wait3A_109 = tpu.memref_slice %arg9[%run_scoped3A, %dma_wait3A_107, %dma_wait3A_108] : memref<2x256x80xf32, #tpu.memory_space<vmem>> -> memref<1x16x80xf32, #tpu.memory_space<vmem>>
        %dma_wait3A_110 = tpu.memref_squeeze %dma_wait3A_109 : memref<1x16x80xf32, #tpu.memory_space<vmem>> -> memref<16x80xf32, #tpu.memory_space<vmem>>
        %dma_wait3A_111 = arith.constant 9984 : i32
        %dma_wait3A_112 = arith.constant 0 : i32
        %dma_wait3A_113 = tpu.memref_slice %arg6[%dma_wait3A_111, %dma_wait3A_112] : memref<10000x80xf32, #tpu.memory_space<vmem_shared>> -> memref<16x80xf32, #tpu.memory_space<vmem_shared>>
        %dma_wait3A_114 = arith.constant 9984 : i32
        %dma_wait3A_115 = arith.constant 0 : i32
        %dma_wait3A_116 = tpu.memref_slice %arg6[%dma_wait3A_114, %dma_wait3A_115] : memref<10000x80xf32, #tpu.memory_space<vmem_shared>> -> memref<16x80xf32, #tpu.memory_space<vmem_shared>>
        %dma_wait3A_117 = arith.constant 0 : i32
        %dma_wait3A_118 = arith.constant 0 : i32
        %dma_wait3A_119 = tpu.memref_slice %arg9[%run_scoped3A, %dma_wait3A_117, %dma_wait3A_118] : memref<2x256x80xf32, #tpu.memory_space<vmem>> -> memref<1x16x80xf32, #tpu.memory_space<vmem>>
        %dma_wait3A_120 = tpu.memref_squeeze %dma_wait3A_119 : memref<1x16x80xf32, #tpu.memory_space<vmem>> -> memref<16x80xf32, #tpu.memory_space<vmem>>
        tpu.wait_dma2 semaphore(%run_scoped3A_92 : memref<!tpu.dma_semaphore, #tpu.memory_space<semaphore_mem>>) src(%dma_wait3A_120 : memref<16x80xf32, #tpu.memory_space<vmem>>) dst(%dma_wait3A_116 : memref<16x80xf32, #tpu.memory_space<vmem_shared>>)
        tpu.yield
      }) : () -> ()
    } else {
    }
    %barrier3A = arith.constant 0 : index
    tpu.barrier barrier_id(%barrier3A)
    "tpu.region"() ({
      %run_scoped3A = tpu.sem_alloc : memref<!tpu.dma_semaphore, #tpu.memory_space<semaphore_mem>>
      tpu.enqueue_dma source(%arg4 : memref<64xf32, #tpu.memory_space<hbm>>) target(%arg10 : memref<64xf32, #tpu.memory_space<vmem>>) target_semaphore(%run_scoped3A : memref<!tpu.dma_semaphore, #tpu.memory_space<semaphore_mem>>)
      tpu.wait_dma2 semaphore(%run_scoped3A : memref<!tpu.dma_semaphore, #tpu.memory_space<semaphore_mem>>) src(%arg4 : memref<64xf32, #tpu.memory_space<hbm>>) dst(%arg10 : memref<64xf32, #tpu.memory_space<vmem>>)
      tpu.yield
    }) : () -> ()
    "tpu.region"() ({
      %run_scoped3A = tpu.sem_alloc : memref<!tpu.dma_semaphore, #tpu.memory_space<semaphore_mem>>
      %dma_start3A_92 = arith.constant 0 : i32
      %dma_start3A_93 = arith.constant 0 : i32
      %dma_start3A_94 = arith.constant 0 : i32
      %dma_start3A_95 = tpu.memref_slice %arg3[%add3A, %dma_start3A_92, %dma_start3A_93, %dma_start3A_94] : memref<32x82x2x128xi32, #tpu.memory_space<hbm>> -> memref<1x82x2x128xi32, #tpu.memory_space<hbm>>
      %dma_start3A_96 = tpu.memref_squeeze %dma_start3A_95 : memref<1x82x2x128xi32, #tpu.memory_space<hbm>> -> memref<82x2x128xi32, #tpu.memory_space<hbm>>
      %dma_start3A_97 = arith.constant 0 : i32
      %dma_start3A_98 = arith.constant 0 : i32
      %dma_start3A_99 = arith.constant 0 : i32
      %dma_start3A_100 = tpu.memref_slice %arg3[%add3A, %dma_start3A_97, %dma_start3A_98, %dma_start3A_99] : memref<32x82x2x128xi32, #tpu.memory_space<hbm>> -> memref<1x82x2x128xi32, #tpu.memory_space<hbm>>
      %dma_start3A_101 = tpu.memref_squeeze %dma_start3A_100 : memref<1x82x2x128xi32, #tpu.memory_space<hbm>> -> memref<82x2x128xi32, #tpu.memory_space<hbm>>
      tpu.enqueue_dma source(%dma_start3A_101 : memref<82x2x128xi32, #tpu.memory_space<hbm>>) target(%arg7 : memref<82x2x128xi32, #tpu.memory_space<vmem>>) target_semaphore(%run_scoped3A : memref<!tpu.dma_semaphore, #tpu.memory_space<semaphore_mem>>)
      %dma_wait3A_102 = arith.constant 0 : i32
      %dma_wait3A_103 = arith.constant 0 : i32
      %dma_wait3A_104 = arith.constant 0 : i32
      %dma_wait3A_105 = tpu.memref_slice %arg3[%add3A, %dma_wait3A_102, %dma_wait3A_103, %dma_wait3A_104] : memref<32x82x2x128xi32, #tpu.memory_space<hbm>> -> memref<1x82x2x128xi32, #tpu.memory_space<hbm>>
      %dma_wait3A_106 = tpu.memref_squeeze %dma_wait3A_105 : memref<1x82x2x128xi32, #tpu.memory_space<hbm>> -> memref<82x2x128xi32, #tpu.memory_space<hbm>>
      %dma_wait3A_107 = arith.constant 0 : i32
      %dma_wait3A_108 = arith.constant 0 : i32
      %dma_wait3A_109 = arith.constant 0 : i32
      %dma_wait3A_110 = tpu.memref_slice %arg3[%add3A, %dma_wait3A_107, %dma_wait3A_108, %dma_wait3A_109] : memref<32x82x2x128xi32, #tpu.memory_space<hbm>> -> memref<1x82x2x128xi32, #tpu.memory_space<hbm>>
      %dma_wait3A_111 = tpu.memref_squeeze %dma_wait3A_110 : memref<1x82x2x128xi32, #tpu.memory_space<hbm>> -> memref<82x2x128xi32, #tpu.memory_space<hbm>>
      tpu.wait_dma2 semaphore(%run_scoped3A : memref<!tpu.dma_semaphore, #tpu.memory_space<semaphore_mem>>) src(%dma_wait3A_111 : memref<82x2x128xi32, #tpu.memory_space<hbm>>) dst(%arg7 : memref<82x2x128xi32, #tpu.memory_space<vmem>>)
      tpu.yield
    }) : () -> ()
    %get3A = arith.constant 0 : index
    %get3A_17 = tpu.vector_load %arg10[%get3A] {strides = array<i32>} : memref<64xf32, #tpu.memory_space<vmem>>, vector<16xf32>,
    %get3A_18 = arith.constant 16 : index
    %get3A_19 = tpu.vector_load %arg10[%get3A_18] {strides = array<i32>} : memref<64xf32, #tpu.memory_space<vmem>>, vector<16xf32>,
    %get3A_20 = arith.constant 32 : index
    %get3A_21 = tpu.vector_load %arg10[%get3A_20] {strides = array<i32>} : memref<64xf32, #tpu.memory_space<vmem>>, vector<16xf32>,
    %get3A_22 = arith.constant 48 : index
    %get3A_23 = tpu.vector_load %arg10[%get3A_22] {strides = array<i32>} : memref<64xf32, #tpu.memory_space<vmem>>, vector<16xf32>,
    %broadcast_in_dim3A_24 = arith.constant 10000 : i32
    %broadcast_in_dim3A_25 = vector.broadcast %broadcast_in_dim3A_24 : i32 to vector<16xi32>
    %dma_start3A = arith.constant 0 : i32
    %dma_start3A_26 = arith.constant 0 : i32
    %dma_start3A_27 = arith.constant 0 : i32
    %dma_start3A_28 = arith.constant 0 : i32
    %dma_start3A_29 = arith.constant 0 : i32
    %dma_start3A_30 = tpu.memref_slice %arg9[%dma_start3A_27, %dma_start3A_28, %dma_start3A_29] : memref<2x256x80xf32, #tpu.memory_space<vmem>> -> memref<1x128x80xf32, #tpu.memory_space<vmem>>
    %dma_start3A_31 = tpu.memref_squeeze %dma_start3A_30 : memref<1x128x80xf32, #tpu.memory_space<vmem>> -> memref<128x80xf32, #tpu.memory_space<vmem>>
    %dma_start3A_32 = arith.constant 0 : i32
    %dma_start3A_33 = tpu.memref_slice %arg7[%dma_start3A, %dma_start3A_26, %dma_start3A_32] : memref<82x2x128xi32, #tpu.memory_space<vmem>> -> memref<1x1x128xi32, #tpu.memory_space<vmem>>
    %dma_start3A_34 = tpu.memref_squeeze %dma_start3A_33 : memref<1x1x128xi32, #tpu.memory_space<vmem>> -> memref<128xi32, #tpu.memory_space<vmem>>
    %dma_start3A_35 = arith.constant 0 : i32
    %dma_start3A_36 = arith.constant 0 : i32
    %dma_start3A_37 = tpu.memref_slice %arg2[%dma_start3A_35, %dma_start3A_36] : memref<20000x80xf32, #tpu.memory_space<hbm>> -> memref<20000x80xf32, #tpu.memory_space<hbm>>
    tpu.enqueue_indirect_dma source(%dma_start3A_37 : memref<20000x80xf32, #tpu.memory_space<hbm>>) target(%dma_start3A_31 : memref<128x80xf32, #tpu.memory_space<vmem>>) offsets(%dma_start3A_34 : memref<128xi32, #tpu.memory_space<vmem>>) semaphore(%arg11 : memref<!tpu.dma_semaphore, #tpu.memory_space<semaphore_mem>>)
    %dma_start3A_38 = arith.constant 0 : i32
    %dma_start3A_39 = arith.constant 1 : i32
    %dma_start3A_40 = arith.constant 0 : i32
    %dma_start3A_41 = arith.constant 128 : i32
    %dma_start3A_42 = arith.constant 0 : i32
    %dma_start3A_43 = tpu.memref_slice %arg9[%dma_start3A_40, %dma_start3A_41, %dma_start3A_42] : memref<2x256x80xf32, #tpu.memory_space<vmem>> -> memref<1x128x80xf32, #tpu.memory_space<vmem>>
    %dma_start3A_44 = tpu.memref_squeeze %dma_start3A_43 : memref<1x128x80xf32, #tpu.memory_space<vmem>> -> memref<128x80xf32, #tpu.memory_space<vmem>>
    %dma_start3A_45 = arith.constant 0 : i32
    %dma_start3A_46 = tpu.memref_slice %arg7[%dma_start3A_38, %dma_start3A_39, %dma_start3A_45] : memref<82x2x128xi32, #tpu.memory_space<vmem>> -> memref<1x1x128xi32, #tpu.memory_space<vmem>>
    %dma_start3A_47 = tpu.memref_squeeze %dma_start3A_46 : memref<1x1x128xi32, #tpu.memory_space<vmem>> -> memref<128xi32, #tpu.memory_space<vmem>>
    %dma_start3A_48 = arith.constant 0 : i32
    %dma_start3A_49 = arith.constant 0 : i32
    %dma_start3A_50 = tpu.memref_slice %arg2[%dma_start3A_48, %dma_start3A_49] : memref<20000x80xf32, #tpu.memory_space<hbm>> -> memref<20000x80xf32, #tpu.memory_space<hbm>>
    tpu.enqueue_indirect_dma source(%dma_start3A_50 : memref<20000x80xf32, #tpu.memory_space<hbm>>) target(%dma_start3A_44 : memref<128x80xf32, #tpu.memory_space<vmem>>) offsets(%dma_start3A_47 : memref<128xi32, #tpu.memory_space<vmem>>) semaphore(%arg11 : memref<!tpu.dma_semaphore, #tpu.memory_space<semaphore_mem>>)
    %scan3A_51 = arith.constant 0 : i32
    %scan3A_52 = arith.constant 0 : i32
    %scan3A_53 = arith.constant 41 : i32
    %scan3A_54 = arith.addi %scan3A_52, %scan3A_53 : i32
    %scan3A_55 = arith.constant 1 : i32
    scf.for %scan3A_92 = %scan3A_52 to %scan3A_54 step %scan3A_55  : i32 {
      %mul3A_93 = arith.constant 2 : i32
      %mul3A_94 = arith.muli %mul3A_93, %scan3A_92 : i32
      %add3A_95 = arith.constant 0 : i32
      %add3A_96 = arith.addi %mul3A_94, %add3A_95 : i32
      %gt3A = arith.constant 0 : i32
      %gt3A_97 = arith.cmpi sgt, %scan3A_92, %gt3A : i32
      %convert_element_type3A_98 = arith.extui %gt3A_97 : i1 to i32
      %cond3A_99 = arith.constant 0 : i32
      %cond3A_100 = arith.cmpi ne, %convert_element_type3A_98, %cond3A_99 : i32
      scf.if %cond3A_100 {
        %sub3A_401 = arith.constant 1 : i32
        %sub3A_402 = arith.subi %add3A_96, %sub3A_401 : i32
        %dma_wait3A_403 = arith.constant 1 : i32
        %dma_wait3A_404 = arith.constant 1 : i32
        %dma_wait3A_405 = arith.constant 0 : i32
        %dma_wait3A_406 = arith.constant 0 : i32
        %dma_wait3A_407 = tpu.memref_slice %arg9[%dma_wait3A_403, %dma_wait3A_405, %dma_wait3A_406] : memref<2x256x80xf32, #tpu.memory_space<vmem>> -> memref<1x128x80xf32, #tpu.memory_space<vmem>>
        %dma_wait3A_408 = tpu.memref_squeeze %dma_wait3A_407 : memref<1x128x80xf32, #tpu.memory_space<vmem>> -> memref<128x80xf32, #tpu.memory_space<vmem>>
        %dma_wait3A_409 = arith.constant 0 : i32
        %dma_wait3A_410 = tpu.memref_slice %arg8[%dma_wait3A_404, %dma_wait3A_409] : memref<2x128xi32, #tpu.memory_space<vmem>> -> memref<1x128xi32, #tpu.memory_space<vmem>>
        %dma_wait3A_411 = tpu.memref_squeeze %dma_wait3A_410 : memref<1x128xi32, #tpu.memory_space<vmem>> -> memref<128xi32, #tpu.memory_space<vmem>>
        %dma_wait3A_412 = arith.constant 0 : i32
        %dma_wait3A_413 = arith.constant 0 : i32
        %dma_wait3A_414 = tpu.memref_slice %arg6[%dma_wait3A_412, %dma_wait3A_413] : memref<10000x80xf32, #tpu.memory_space<vmem_shared>> -> memref<10000x80xf32, #tpu.memory_space<vmem_shared>>
        tpu.wait_indirect_dma semaphore(%arg14 : memref<!tpu.dma_semaphore, #tpu.memory_space<semaphore_mem>>) src(%dma_wait3A_408 : memref<128x80xf32, #tpu.memory_space<vmem>>) dst(%dma_wait3A_414 : memref<10000x80xf32, #tpu.memory_space<vmem_shared>>)
      } else {
      }
      %add3A_101 = arith.constant 1 : i32
      %add3A_102 = arith.addi %add3A_96, %add3A_101 : i32
      %dma_start3A_103 = arith.constant 0 : i32
      %dma_start3A_104 = arith.constant 1 : i32
      %dma_start3A_105 = arith.constant 0 : i32
      %dma_start3A_106 = arith.constant 0 : i32
      %dma_start3A_107 = tpu.memref_slice %arg9[%dma_start3A_104, %dma_start3A_105, %dma_start3A_106] : memref<2x256x80xf32, #tpu.memory_space<vmem>> -> memref<1x128x80xf32, #tpu.memory_space<vmem>>
      %dma_start3A_108 = tpu.memref_squeeze %dma_start3A_107 : memref<1x128x80xf32, #tpu.memory_space<vmem>> -> memref<128x80xf32, #tpu.memory_space<vmem>>
      %dma_start3A_109 = arith.constant 0 : i32
      %dma_start3A_110 = tpu.memref_slice %arg7[%add3A_102, %dma_start3A_103, %dma_start3A_109] : memref<82x2x128xi32, #tpu.memory_space<vmem>> -> memref<1x1x128xi32, #tpu.memory_space<vmem>>
      %dma_start3A_111 = tpu.memref_squeeze %dma_start3A_110 : memref<1x1x128xi32, #tpu.memory_space<vmem>> -> memref<128xi32, #tpu.memory_space<vmem>>
      %dma_start3A_112 = arith.constant 0 : i32
      %dma_start3A_113 = arith.constant 0 : i32
      %dma_start3A_114 = tpu.memref_slice %arg2[%dma_start3A_112, %dma_start3A_113] : memref<20000x80xf32, #tpu.memory_space<hbm>> -> memref<20000x80xf32, #tpu.memory_space<hbm>>
      tpu.enqueue_indirect_dma source(%dma_start3A_114 : memref<20000x80xf32, #tpu.memory_space<hbm>>) target(%dma_start3A_108 : memref<128x80xf32, #tpu.memory_space<vmem>>) offsets(%dma_start3A_111 : memref<128xi32, #tpu.memory_space<vmem>>) semaphore(%arg12 : memref<!tpu.dma_semaphore, #tpu.memory_space<semaphore_mem>>)
      %dma_start3A_115 = arith.constant 1 : i32
      %dma_start3A_116 = arith.constant 1 : i32
      %dma_start3A_117 = arith.constant 128 : i32
      %dma_start3A_118 = arith.constant 0 : i32
      %dma_start3A_119 = tpu.memref_slice %arg9[%dma_start3A_116, %dma_start3A_117, %dma_start3A_118] : memref<2x256x80xf32, #tpu.memory_space<vmem>> -> memref<1x128x80xf32, #tpu.memory_space<vmem>>
      %dma_start3A_120 = tpu.memref_squeeze %dma_start3A_119 : memref<1x128x80xf32, #tpu.memory_space<vmem>> -> memref<128x80xf32, #tpu.memory_space<vmem>>
      %dma_start3A_121 = arith.constant 0 : i32
      %dma_start3A_122 = tpu.memref_slice %arg7[%add3A_102, %dma_start3A_115, %dma_start3A_121] : memref<82x2x128xi32, #tpu.memory_space<vmem>> -> memref<1x1x128xi32, #tpu.memory_space<vmem>>
      %dma_start3A_123 = tpu.memref_squeeze %dma_start3A_122 : memref<1x1x128xi32, #tpu.memory_space<vmem>> -> memref<128xi32, #tpu.memory_space<vmem>>
      %dma_start3A_124 = arith.constant 0 : i32
      %dma_start3A_125 = arith.constant 0 : i32
      %dma_start3A_126 = tpu.memref_slice %arg2[%dma_start3A_124, %dma_start3A_125] : memref<20000x80xf32, #tpu.memory_space<hbm>> -> memref<20000x80xf32, #tpu.memory_space<hbm>>
      tpu.enqueue_indirect_dma source(%dma_start3A_126 : memref<20000x80xf32, #tpu.memory_space<hbm>>) target(%dma_start3A_120 : memref<128x80xf32, #tpu.memory_space<vmem>>) offsets(%dma_start3A_123 : memref<128xi32, #tpu.memory_space<vmem>>) semaphore(%arg12 : memref<!tpu.dma_semaphore, #tpu.memory_space<semaphore_mem>>)
      %dma_wait3A_127 = arith.constant 0 : i32
      %dma_wait3A_128 = arith.constant 0 : i32
      %dma_wait3A_129 = arith.constant 0 : i32
      %dma_wait3A_130 = arith.constant 0 : i32
      %dma_wait3A_131 = tpu.memref_slice %arg9[%dma_wait3A_128, %dma_wait3A_129, %dma_wait3A_130] : memref<2x256x80xf32, #tpu.memory_space<vmem>> -> memref<1x128x80xf32, #tpu.memory_space<vmem>>
      %dma_wait3A_132 = tpu.memref_squeeze %dma_wait3A_131 : memref<1x128x80xf32, #tpu.memory_space<vmem>> -> memref<128x80xf32, #tpu.memory_space<vmem>>
      %dma_wait3A_133 = arith.constant 0 : i32
      %dma_wait3A_134 = tpu.memref_slice %arg7[%add3A_96, %dma_wait3A_127, %dma_wait3A_133] : memref<82x2x128xi32, #tpu.memory_space<vmem>> -> memref<1x1x128xi32, #tpu.memory_space<vmem>>
      %dma_wait3A_135 = tpu.memref_squeeze %dma_wait3A_134 : memref<1x1x128xi32, #tpu.memory_space<vmem>> -> memref<128xi32, #tpu.memory_space<vmem>>
      %dma_wait3A_136 = arith.constant 0 : i32
      %dma_wait3A_137 = arith.constant 0 : i32
      %dma_wait3A_138 = tpu.memref_slice %arg2[%dma_wait3A_136, %dma_wait3A_137] : memref<20000x80xf32, #tpu.memory_space<hbm>> -> memref<20000x80xf32, #tpu.memory_space<hbm>>
      tpu.wait_indirect_dma semaphore(%arg11 : memref<!tpu.dma_semaphore, #tpu.memory_space<semaphore_mem>>) src(%dma_wait3A_138 : memref<20000x80xf32, #tpu.memory_space<hbm>>) dst(%dma_wait3A_132 : memref<128x80xf32, #tpu.memory_space<vmem>>)
      %dma_wait3A_139 = arith.constant 1 : i32
      %dma_wait3A_140 = arith.constant 0 : i32
      %dma_wait3A_141 = arith.constant 128 : i32
      %dma_wait3A_142 = arith.constant 0 : i32
      %dma_wait3A_143 = tpu.memref_slice %arg9[%dma_wait3A_140, %dma_wait3A_141, %dma_wait3A_142] : memref<2x256x80xf32, #tpu.memory_space<vmem>> -> memref<1x128x80xf32, #tpu.memory_space<vmem>>
      %dma_wait3A_144 = tpu.memref_squeeze %dma_wait3A_143 : memref<1x128x80xf32, #tpu.memory_space<vmem>> -> memref<128x80xf32, #tpu.memory_space<vmem>>
      %dma_wait3A_145 = arith.constant 0 : i32
      %dma_wait3A_146 = tpu.memref_slice %arg7[%add3A_96, %dma_wait3A_139, %dma_wait3A_145] : memref<82x2x128xi32, #tpu.memory_space<vmem>> -> memref<1x1x128xi32, #tpu.memory_space<vmem>>
      %dma_wait3A_147 = tpu.memref_squeeze %dma_wait3A_146 : memref<1x1x128xi32, #tpu.memory_space<vmem>> -> memref<128xi32, #tpu.memory_space<vmem>>
      %dma_wait3A_148 = arith.constant 0 : i32
      %dma_wait3A_149 = arith.constant 0 : i32
      %dma_wait3A_150 = tpu.memref_slice %arg2[%dma_wait3A_148, %dma_wait3A_149] : memref<20000x80xf32, #tpu.memory_space<hbm>> -> memref<20000x80xf32, #tpu.memory_space<hbm>>
      tpu.wait_indirect_dma semaphore(%arg11 : memref<!tpu.dma_semaphore, #tpu.memory_space<semaphore_mem>>) src(%dma_wait3A_150 : memref<20000x80xf32, #tpu.memory_space<hbm>>) dst(%dma_wait3A_144 : memref<128x80xf32, #tpu.memory_space<vmem>>)
      %mul3A_151 = arith.constant 10496 : i32
      %mul3A_152 = arith.muli %add3A, %mul3A_151 : i32
      %mul3A_153 = arith.constant 128 : i32
      %mul3A_154 = arith.muli %add3A_96, %mul3A_153 : i32
      %add3A_155 = arith.addi %mul3A_152, %mul3A_154 : i32
      %get3A_156 = arith.constant 1 : i32
      %get3A_157 = arith.index_cast %add3A_96 : i32 to index
      %get3A_158 = arith.index_cast %get3A_156 : i32 to index
      %get3A_159 = arith.constant 0 : index
      %get3A_160 = tpu.vector_load %arg7[%get3A_157, %get3A_158, %get3A_159] {strides = array<i32>} : memref<82x2x128xi32, #tpu.memory_space<vmem>>, vector<16xi32>,
      %sub3A = arith.subi %get3A_160, %broadcast_in_dim3A_25 : vector<16xi32>
      %swap3A = arith.constant 0 : i32
      %swap3A_161 = arith.index_cast %swap3A : i32 to index
      %swap3A_162 = arith.constant 0 : index
      %swap3A_163 = tpu.vector_load %arg8[%swap3A_161, %swap3A_162] {strides = array<i32>} : memref<2x128xi32, #tpu.memory_space<vmem>>, vector<16xi32>,
      tpu.vector_store %arg8[%swap3A_161, %swap3A_162], %sub3A {strides = array<i32>} : memref<2x128xi32, #tpu.memory_space<vmem>>, vector<16xi32>,
      %get3A_164 = arith.constant 1 : i32
      %get3A_165 = arith.index_cast %add3A_96 : i32 to index
      %get3A_166 = arith.index_cast %get3A_164 : i32 to index
      %get3A_167 = arith.constant 16 : index
      %get3A_168 = tpu.vector_load %arg7[%get3A_165, %get3A_166, %get3A_167] {strides = array<i32>} : memref<82x2x128xi32, #tpu.memory_space<vmem>>, vector<16xi32>,
      %sub3A_169 = arith.subi %get3A_168, %broadcast_in_dim3A_25 : vector<16xi32>
      %swap3A_170 = arith.constant 0 : i32
      %swap3A_171 = arith.index_cast %swap3A_170 : i32 to index
      %swap3A_172 = arith.constant 16 : index
      %swap3A_173 = tpu.vector_load %arg8[%swap3A_171, %swap3A_172] {strides = array<i32>} : memref<2x128xi32, #tpu.memory_space<vmem>>, vector<16xi32>,
      tpu.vector_store %arg8[%swap3A_171, %swap3A_172], %sub3A_169 {strides = array<i32>} : memref<2x128xi32, #tpu.memory_space<vmem>>, vector<16xi32>,
      %get3A_174 = arith.constant 1 : i32
      %get3A_175 = arith.index_cast %add3A_96 : i32 to index
      %get3A_176 = arith.index_cast %get3A_174 : i32 to index
      %get3A_177 = arith.constant 32 : index
      %get3A_178 = tpu.vector_load %arg7[%get3A_175, %get3A_176, %get3A_177] {strides = array<i32>} : memref<82x2x128xi32, #tpu.memory_space<vmem>>, vector<16xi32>,
      %sub3A_179 = arith.subi %get3A_178, %broadcast_in_dim3A_25 : vector<16xi32>
      %swap3A_180 = arith.constant 0 : i32
      %swap3A_181 = arith.index_cast %swap3A_180 : i32 to index
      %swap3A_182 = arith.constant 32 : index
      %swap3A_183 = tpu.vector_load %arg8[%swap3A_181, %swap3A_182] {strides = array<i32>} : memref<2x128xi32, #tpu.memory_space<vmem>>, vector<16xi32>,
      tpu.vector_store %arg8[%swap3A_181, %swap3A_182], %sub3A_179 {strides = array<i32>} : memref<2x128xi32, #tpu.memory_space<vmem>>, vector<16xi32>,
      %get3A_184 = arith.constant 1 : i32
      %get3A_185 = arith.index_cast %add3A_96 : i32 to index
      %get3A_186 = arith.index_cast %get3A_184 : i32 to index
      %get3A_187 = arith.constant 48 : index
      %get3A_188 = tpu.vector_load %arg7[%get3A_185, %get3A_186, %get3A_187] {strides = array<i32>} : memref<82x2x128xi32, #tpu.memory_space<vmem>>, vector<16xi32>,
      %sub3A_189 = arith.subi %get3A_188, %broadcast_in_dim3A_25 : vector<16xi32>
      %swap3A_190 = arith.constant 0 : i32
      %swap3A_191 = arith.index_cast %swap3A_190 : i32 to index
      %swap3A_192 = arith.constant 48 : index
      %swap3A_193 = tpu.vector_load %arg8[%swap3A_191, %swap3A_192] {strides = array<i32>} : memref<2x128xi32, #tpu.memory_space<vmem>>, vector<16xi32>,
      tpu.vector_store %arg8[%swap3A_191, %swap3A_192], %sub3A_189 {strides = array<i32>} : memref<2x128xi32, #tpu.memory_space<vmem>>, vector<16xi32>,
      %get3A_194 = arith.constant 1 : i32
      %get3A_195 = arith.index_cast %add3A_96 : i32 to index
      %get3A_196 = arith.index_cast %get3A_194 : i32 to index
      %get3A_197 = arith.constant 64 : index
      %get3A_198 = tpu.vector_load %arg7[%get3A_195, %get3A_196, %get3A_197] {strides = array<i32>} : memref<82x2x128xi32, #tpu.memory_space<vmem>>, vector<16xi32>,
      %sub3A_199 = arith.subi %get3A_198, %broadcast_in_dim3A_25 : vector<16xi32>
      %swap3A_200 = arith.constant 0 : i32
      %swap3A_201 = arith.index_cast %swap3A_200 : i32 to index
      %swap3A_202 = arith.constant 64 : index
      %swap3A_203 = tpu.vector_load %arg8[%swap3A_201, %swap3A_202] {strides = array<i32>} : memref<2x128xi32, #tpu.memory_space<vmem>>, vector<16xi32>,
      tpu.vector_store %arg8[%swap3A_201, %swap3A_202], %sub3A_199 {strides = array<i32>} : memref<2x128xi32, #tpu.memory_space<vmem>>, vector<16xi32>,
      %get3A_204 = arith.constant 1 : i32
      %get3A_205 = arith.index_cast %add3A_96 : i32 to index
      %get3A_206 = arith.index_cast %get3A_204 : i32 to index
      %get3A_207 = arith.constant 80 : index
      %get3A_208 = tpu.vector_load %arg7[%get3A_205, %get3A_206, %get3A_207] {strides = array<i32>} : memref<82x2x128xi32, #tpu.memory_space<vmem>>, vector<16xi32>,
      %sub3A_209 = arith.subi %get3A_208, %broadcast_in_dim3A_25 : vector<16xi32>
      %swap3A_210 = arith.constant 0 : i32
      %swap3A_211 = arith.index_cast %swap3A_210 : i32 to index
      %swap3A_212 = arith.constant 80 : index
      %swap3A_213 = tpu.vector_load %arg8[%swap3A_211, %swap3A_212] {strides = array<i32>} : memref<2x128xi32, #tpu.memory_space<vmem>>, vector<16xi32>,
      tpu.vector_store %arg8[%swap3A_211, %swap3A_212], %sub3A_209 {strides = array<i32>} : memref<2x128xi32, #tpu.memory_space<vmem>>, vector<16xi32>,
      %get3A_214 = arith.constant 1 : i32
      %get3A_215 = arith.index_cast %add3A_96 : i32 to index
      %get3A_216 = arith.index_cast %get3A_214 : i32 to index
      %get3A_217 = arith.constant 96 : index
      %get3A_218 = tpu.vector_load %arg7[%get3A_215, %get3A_216, %get3A_217] {strides = array<i32>} : memref<82x2x128xi32, #tpu.memory_space<vmem>>, vector<16xi32>,
      %sub3A_219 = arith.subi %get3A_218, %broadcast_in_dim3A_25 : vector<16xi32>
      %swap3A_220 = arith.constant 0 : i32
      %swap3A_221 = arith.index_cast %swap3A_220 : i32 to index
      %swap3A_222 = arith.constant 96 : index
      %swap3A_223 = tpu.vector_load %arg8[%swap3A_221, %swap3A_222] {strides = array<i32>} : memref<2x128xi32, #tpu.memory_space<vmem>>, vector<16xi32>,
      tpu.vector_store %arg8[%swap3A_221, %swap3A_222], %sub3A_219 {strides = array<i32>} : memref<2x128xi32, #tpu.memory_space<vmem>>, vector<16xi32>,
      %get3A_224 = arith.constant 1 : i32
      %get3A_225 = arith.index_cast %add3A_96 : i32 to index
      %get3A_226 = arith.index_cast %get3A_224 : i32 to index
      %get3A_227 = arith.constant 112 : index
      %get3A_228 = tpu.vector_load %arg7[%get3A_225, %get3A_226, %get3A_227] {strides = array<i32>} : memref<82x2x128xi32, #tpu.memory_space<vmem>>, vector<16xi32>,
      %sub3A_229 = arith.subi %get3A_228, %broadcast_in_dim3A_25 : vector<16xi32>
      %swap3A_230 = arith.constant 0 : i32
      %swap3A_231 = arith.index_cast %swap3A_230 : i32 to index
      %swap3A_232 = arith.constant 112 : index
      %swap3A_233 = tpu.vector_load %arg8[%swap3A_231, %swap3A_232] {strides = array<i32>} : memref<2x128xi32, #tpu.memory_space<vmem>>, vector<16xi32>,
      tpu.vector_store %arg8[%swap3A_231, %swap3A_232], %sub3A_229 {strides = array<i32>} : memref<2x128xi32, #tpu.memory_space<vmem>>, vector<16xi32>,
      %scan3A_234 = arith.constant 0 : i32
      %scan3A_235 = arith.constant 0 : i32
      %scan3A_236 = arith.constant 128 : i32
      %scan3A_237 = arith.addi %scan3A_235, %scan3A_236 : i32
      %scan3A_238 = arith.constant 1 : i32
      scf.for %scan3A_401 = %scan3A_235 to %scan3A_237 step %scan3A_238  : i32 {
        %broadcast_in_dim3A_402 = arith.constant 0.000000e+00 : f32
        %broadcast_in_dim3A_403 = vector.broadcast %broadcast_in_dim3A_402 : f32 to vector<16xf32>
        %broadcast_in_dim3A_404 = arith.constant 0.000000e+00 : f32
        %broadcast_in_dim3A_405 = vector.broadcast %broadcast_in_dim3A_404 : f32 to vector<16xf32>
        %get3A_406 = arith.constant 0 : i32
        %get3A_407 = arith.index_cast %get3A_406 : i32 to index
        %get3A_408 = arith.index_cast %scan3A_401 : i32 to index
        %get3A_409 = arith.constant 0 : index
        %get3A_410 = tpu.vector_load %arg9[%get3A_407, %get3A_408, %get3A_409] {strides = array<i32>} : memref<2x256x80xf32, #tpu.memory_space<vmem>>, vector<16xf32>,
        %add3A_411 = arith.constant 128 : i32
        %add3A_412 = arith.addi %add3A_411, %scan3A_401 : i32
        %get3A_413 = arith.constant 0 : i32
        %get3A_414 = arith.index_cast %get3A_413 : i32 to index
        %get3A_415 = arith.index_cast %add3A_412 : i32 to index
        %get3A_416 = arith.constant 0 : index
        %get3A_417 = tpu.vector_load %arg9[%get3A_414, %get3A_415, %get3A_416] {strides = array<i32>} : memref<2x256x80xf32, #tpu.memory_space<vmem>>, vector<16xf32>,
        %add3A_418 = arith.addf %get3A_410, %get3A_417 : vector<16xf32>
        %mul3A_419 = arith.constant 2.000000e-01 : f32
        %mul3A_420 = vector.broadcast %mul3A_419 : f32 to vector<16xf32>
        %mul3A_421 = arith.mulf %mul3A_420, %add3A_418 : vector<16xf32>
        %max3A = arith.maximumf %add3A_418, %mul3A_421 : vector<16xf32>
        %mul3A_422 = arith.mulf %max3A, %get3A_17 : vector<16xf32>
        %add3A_423 = arith.addf %broadcast_in_dim3A_403, %mul3A_422 : vector<16xf32>
        %get3A_424 = arith.constant 0 : i32
        %get3A_425 = arith.index_cast %get3A_424 : i32 to index
        %get3A_426 = arith.index_cast %scan3A_401 : i32 to index
        %get3A_427 = arith.constant 16 : index
        %get3A_428 = tpu.vector_load %arg9[%get3A_425, %get3A_426, %get3A_427] {strides = array<i32>} : memref<2x256x80xf32, #tpu.memory_space<vmem>>, vector<16xf32>,
        %add3A_429 = arith.constant 128 : i32
        %add3A_430 = arith.addi %add3A_429, %scan3A_401 : i32
        %get3A_431 = arith.constant 0 : i32
        %get3A_432 = arith.index_cast %get3A_431 : i32 to index
        %get3A_433 = arith.index_cast %add3A_430 : i32 to index
        %get3A_434 = arith.constant 16 : index
        %get3A_435 = tpu.vector_load %arg9[%get3A_432, %get3A_433, %get3A_434] {strides = array<i32>} : memref<2x256x80xf32, #tpu.memory_space<vmem>>, vector<16xf32>,
        %add3A_436 = arith.addf %get3A_428, %get3A_435 : vector<16xf32>
        %mul3A_437 = arith.constant 2.000000e-01 : f32
        %mul3A_438 = vector.broadcast %mul3A_437 : f32 to vector<16xf32>
        %mul3A_439 = arith.mulf %mul3A_438, %add3A_436 : vector<16xf32>
        %max3A_440 = arith.maximumf %add3A_436, %mul3A_439 : vector<16xf32>
        %mul3A_441 = arith.mulf %max3A_440, %get3A_19 : vector<16xf32>
        %add3A_442 = arith.addf %broadcast_in_dim3A_405, %mul3A_441 : vector<16xf32>
        %get3A_443 = arith.constant 0 : i32
        %get3A_444 = arith.index_cast %get3A_443 : i32 to index
        %get3A_445 = arith.index_cast %scan3A_401 : i32 to index
        %get3A_446 = arith.constant 32 : index
        %get3A_447 = tpu.vector_load %arg9[%get3A_444, %get3A_445, %get3A_446] {strides = array<i32>} : memref<2x256x80xf32, #tpu.memory_space<vmem>>, vector<16xf32>,
        %add3A_448 = arith.constant 128 : i32
        %add3A_449 = arith.addi %add3A_448, %scan3A_401 : i32
        %get3A_450 = arith.constant 0 : i32
        %get3A_451 = arith.index_cast %get3A_450 : i32 to index
        %get3A_452 = arith.index_cast %add3A_449 : i32 to index
        %get3A_453 = arith.constant 32 : index
        %get3A_454 = tpu.vector_load %arg9[%get3A_451, %get3A_452, %get3A_453] {strides = array<i32>} : memref<2x256x80xf32, #tpu.memory_space<vmem>>, vector<16xf32>,
        %add3A_455 = arith.addf %get3A_447, %get3A_454 : vector<16xf32>
        %mul3A_456 = arith.constant 2.000000e-01 : f32
        %mul3A_457 = vector.broadcast %mul3A_456 : f32 to vector<16xf32>
        %mul3A_458 = arith.mulf %mul3A_457, %add3A_455 : vector<16xf32>
        %max3A_459 = arith.maximumf %add3A_455, %mul3A_458 : vector<16xf32>
        %mul3A_460 = arith.mulf %max3A_459, %get3A_21 : vector<16xf32>
        %add3A_461 = arith.addf %add3A_423, %mul3A_460 : vector<16xf32>
        %get3A_462 = arith.constant 0 : i32
        %get3A_463 = arith.index_cast %get3A_462 : i32 to index
        %get3A_464 = arith.index_cast %scan3A_401 : i32 to index
        %get3A_465 = arith.constant 48 : index
        %get3A_466 = tpu.vector_load %arg9[%get3A_463, %get3A_464, %get3A_465] {strides = array<i32>} : memref<2x256x80xf32, #tpu.memory_space<vmem>>, vector<16xf32>,
        %add3A_467 = arith.constant 128 : i32
        %add3A_468 = arith.addi %add3A_467, %scan3A_401 : i32
        %get3A_469 = arith.constant 0 : i32
        %get3A_470 = arith.index_cast %get3A_469 : i32 to index
        %get3A_471 = arith.index_cast %add3A_468 : i32 to index
        %get3A_472 = arith.constant 48 : index
        %get3A_473 = tpu.vector_load %arg9[%get3A_470, %get3A_471, %get3A_472] {strides = array<i32>} : memref<2x256x80xf32, #tpu.memory_space<vmem>>, vector<16xf32>,
        %add3A_474 = arith.addf %get3A_466, %get3A_473 : vector<16xf32>
        %mul3A_475 = arith.constant 2.000000e-01 : f32
        %mul3A_476 = vector.broadcast %mul3A_475 : f32 to vector<16xf32>
        %mul3A_477 = arith.mulf %mul3A_476, %add3A_474 : vector<16xf32>
        %max3A_478 = arith.maximumf %add3A_474, %mul3A_477 : vector<16xf32>
        %mul3A_479 = arith.mulf %max3A_478, %get3A_23 : vector<16xf32>
        %add3A_480 = arith.addf %add3A_442, %mul3A_479 : vector<16xf32>
        %add3A_481 = arith.addf %add3A_461, %add3A_480 : vector<16xf32>
        %reduce_sum3A = arith.constant true
        %reduce_sum3A_482 = vector.broadcast %reduce_sum3A : i1 to vector<16xi1>
        %reduce_sum3A_483 = tpu.scan <sum>, %add3A_481 masked %reduce_sum3A_482 : vector<16xf32>, vector<16xi1> -> vector<16xf32>
        %reduce_sum3A_484 = vector.extract %reduce_sum3A_483[15] : f32 from vector<16xf32>
        %add3A_485 = arith.constant 128 : i32
        %add3A_486 = arith.addi %add3A_485, %scan3A_401 : i32
        %get3A_487 = arith.constant 0 : i32
        %get3A_488 = arith.index_cast %get3A_487 : i32 to index
        %get3A_489 = arith.index_cast %add3A_486 : i32 to index
        %get3A_490 = arith.constant 64 : index
        %get3A_491 = tpu.vector_load %arg9[%get3A_488, %get3A_489, %get3A_490] {strides = array<i32>} : memref<2x256x80xf32, #tpu.memory_space<vmem>>, vector<16xf32>,
        %broadcast_in_dim3A_492 = vector.broadcast %reduce_sum3A_484 : f32 to vector<16xf32>
        %sub3A_493 = arith.subf %broadcast_in_dim3A_492, %get3A_491 : vector<16xf32>
        %jit3A = arith.constant -6.000000e+01 : f32
        %jit3A_494 = arith.constant 6.000000e+01 : f32
        %max3A_495 = vector.broadcast %jit3A : f32 to vector<16xf32>
        %max3A_496 = arith.maximumf %max3A_495, %sub3A_493 : vector<16xf32>
        %min3A = vector.broadcast %jit3A_494 : f32 to vector<16xf32>
        %min3A_497 = arith.minimumf %min3A, %max3A_496 : vector<16xf32>
        %exp3A = math.exp %min3A_497 : vector<16xf32>
        %add3A_498 = arith.addi %add3A_155, %scan3A_401 : i32
        %broadcast_in_dim3A_499 = vector.broadcast %add3A_498 : i32 to vector<16xi32>
        %lt3A_500 = arith.constant 330000 : i32
        %lt3A_501 = vector.broadcast %lt3A_500 : i32 to vector<16xi32>
        %lt3A_502 = arith.cmpi slt, %broadcast_in_dim3A_499, %lt3A_501 : vector<16xi32>
        %jit3A_503 = arith.constant 0.000000e+00 : f32
        %broadcast_in_dim3A_504 = vector.broadcast %jit3A_503 : f32 to vector<16xf32>
        %select_n3A = arith.select %lt3A_502, %exp3A, %broadcast_in_dim3A_504 : vector<16xi1>, vector<16xf32>
        %mul3A_505 = arith.mulf %get3A_410, %select_n3A : vector<16xf32>
        %swap3A_506 = arith.constant 0 : i32
        %swap3A_507 = arith.index_cast %swap3A_506 : i32 to index
        %swap3A_508 = arith.index_cast %scan3A_401 : i32 to index
        %swap3A_509 = arith.constant 0 : index
        %swap3A_510 = tpu.vector_load %arg9[%swap3A_507, %swap3A_508, %swap3A_509] {strides = array<i32>} : memref<2x256x80xf32, #tpu.memory_space<vmem>>, vector<16xf32>,
        tpu.vector_store %arg9[%swap3A_507, %swap3A_508, %swap3A_509], %mul3A_505 {strides = array<i32>} : memref<2x256x80xf32, #tpu.memory_space<vmem>>, vector<16xf32>,
        %mul3A_511 = arith.mulf %get3A_428, %select_n3A : vector<16xf32>
        %swap3A_512 = arith.constant 0 : i32
        %swap3A_513 = arith.index_cast %swap3A_512 : i32 to index
        %swap3A_514 = arith.index_cast %scan3A_401 : i32 to index
        %swap3A_515 = arith.constant 16 : index
        %swap3A_516 = tpu.vector_load %arg9[%swap3A_513, %swap3A_514, %swap3A_515] {strides = array<i32>} : memref<2x256x80xf32, #tpu.memory_space<vmem>>, vector<16xf32>,
        tpu.vector_store %arg9[%swap3A_513, %swap3A_514, %swap3A_515], %mul3A_511 {strides = array<i32>} : memref<2x256x80xf32, #tpu.memory_space<vmem>>, vector<16xf32>,
        %mul3A_517 = arith.mulf %get3A_447, %select_n3A : vector<16xf32>
        %swap3A_518 = arith.constant 0 : i32
        %swap3A_519 = arith.index_cast %swap3A_518 : i32 to index
        %swap3A_520 = arith.index_cast %scan3A_401 : i32 to index
        %swap3A_521 = arith.constant 32 : index
        %swap3A_522 = tpu.vector_load %arg9[%swap3A_519, %swap3A_520, %swap3A_521] {strides = array<i32>} : memref<2x256x80xf32, #tpu.memory_space<vmem>>, vector<16xf32>,
        tpu.vector_store %arg9[%swap3A_519, %swap3A_520, %swap3A_521], %mul3A_517 {strides = array<i32>} : memref<2x256x80xf32, #tpu.memory_space<vmem>>, vector<16xf32>,
        %mul3A_523 = arith.mulf %get3A_466, %select_n3A : vector<16xf32>
        %swap3A_524 = arith.constant 0 : i32
        %swap3A_525 = arith.index_cast %swap3A_524 : i32 to index
        %swap3A_526 = arith.index_cast %scan3A_401 : i32 to index
        %swap3A_527 = arith.constant 48 : index
        %swap3A_528 = tpu.vector_load %arg9[%swap3A_525, %swap3A_526, %swap3A_527] {strides = array<i32>} : memref<2x256x80xf32, #tpu.memory_space<vmem>>, vector<16xf32>,
        tpu.vector_store %arg9[%swap3A_525, %swap3A_526, %swap3A_527], %mul3A_523 {strides = array<i32>} : memref<2x256x80xf32, #tpu.memory_space<vmem>>, vector<16xf32>,
        %swap3A_529 = arith.constant 0 : i32
        %swap3A_530 = arith.index_cast %swap3A_529 : i32 to index
        %swap3A_531 = arith.index_cast %scan3A_401 : i32 to index
        %swap3A_532 = arith.constant 64 : index
        %swap3A_533 = tpu.vector_load %arg9[%swap3A_530, %swap3A_531, %swap3A_532] {strides = array<i32>} : memref<2x256x80xf32, #tpu.memory_space<vmem>>, vector<16xf32>,
        tpu.vector_store %arg9[%swap3A_530, %swap3A_531, %swap3A_532], %select_n3A {strides = array<i32>} : memref<2x256x80xf32, #tpu.memory_space<vmem>>, vector<16xf32>,
      }
      %scan3A_239 = arith.constant 128 : i32
      %dma_start3A_240 = arith.constant 0 : i32
      %dma_start3A_241 = arith.constant 0 : i32
      %dma_start3A_242 = arith.constant 0 : i32
      %dma_start3A_243 = arith.constant 0 : i32
      %dma_start3A_244 = tpu.memref_slice %arg9[%dma_start3A_240, %dma_start3A_242, %dma_start3A_243] : memref<2x256x80xf32, #tpu.memory_space<vmem>> -> memref<1x128x80xf32, #tpu.memory_space<vmem>>
      %dma_start3A_245 = tpu.memref_squeeze %dma_start3A_244 : memref<1x128x80xf32, #tpu.memory_space<vmem>> -> memref<128x80xf32, #tpu.memory_space<vmem>>
      %dma_start3A_246 = arith.constant 0 : i32
      %dma_start3A_247 = tpu.memref_slice %arg8[%dma_start3A_241, %dma_start3A_246] : memref<2x128xi32, #tpu.memory_space<vmem>> -> memref<1x128xi32, #tpu.memory_space<vmem>>
      %dma_start3A_248 = tpu.memref_squeeze %dma_start3A_247 : memref<1x128xi32, #tpu.memory_space<vmem>> -> memref<128xi32, #tpu.memory_space<vmem>>
      %dma_start3A_249 = arith.constant 0 : i32
      %dma_start3A_250 = arith.constant 0 : i32
      %dma_start3A_251 = tpu.memref_slice %arg6[%dma_start3A_249, %dma_start3A_250] : memref<10000x80xf32, #tpu.memory_space<vmem_shared>> -> memref<10000x80xf32, #tpu.memory_space<vmem_shared>>
      tpu.enqueue_indirect_dma source(%dma_start3A_245 : memref<128x80xf32, #tpu.memory_space<vmem>>) target(%dma_start3A_251 : memref<10000x80xf32, #tpu.memory_space<vmem_shared>>) offsets(%dma_start3A_248 : memref<128xi32, #tpu.memory_space<vmem>>) semaphore(%arg13 : memref<!tpu.dma_semaphore, #tpu.memory_space<semaphore_mem>>) {add = true}
      %mul3A_252 = arith.constant 2 : i32
      %mul3A_253 = arith.muli %mul3A_252, %scan3A_92 : i32
      %add3A_254 = arith.constant 1 : i32
      %add3A_255 = arith.addi %mul3A_253, %add3A_254 : i32
      %sub3A_256 = arith.constant 1 : i32
      %sub3A_257 = arith.subi %add3A_255, %sub3A_256 : i32
      %dma_wait3A_258 = arith.constant 0 : i32
      %dma_wait3A_259 = arith.constant 0 : i32
      %dma_wait3A_260 = arith.constant 0 : i32
      %dma_wait3A_261 = arith.constant 0 : i32
      %dma_wait3A_262 = tpu.memref_slice %arg9[%dma_wait3A_258, %dma_wait3A_260, %dma_wait3A_261] : memref<2x256x80xf32, #tpu.memory_space<vmem>> -> memref<1x128x80xf32, #tpu.memory_space<vmem>>
      %dma_wait3A_263 = tpu.memref_squeeze %dma_wait3A_262 : memref<1x128x80xf32, #tpu.memory_space<vmem>> -> memref<128x80xf32, #tpu.memory_space<vmem>>
      %dma_wait3A_264 = arith.constant 0 : i32
      %dma_wait3A_265 = tpu.memref_slice %arg8[%dma_wait3A_259, %dma_wait3A_264] : memref<2x128xi32, #tpu.memory_space<vmem>> -> memref<1x128xi32, #tpu.memory_space<vmem>>
      %dma_wait3A_266 = tpu.memref_squeeze %dma_wait3A_265 : memref<1x128xi32, #tpu.memory_space<vmem>> -> memref<128xi32, #tpu.memory_space<vmem>>
      %dma_wait3A_267 = arith.constant 0 : i32
      %dma_wait3A_268 = arith.constant 0 : i32
      %dma_wait3A_269 = tpu.memref_slice %arg6[%dma_wait3A_267, %dma_wait3A_268] : memref<10000x80xf32, #tpu.memory_space<vmem_shared>> -> memref<10000x80xf32, #tpu.memory_space<vmem_shared>>
      tpu.wait_indirect_dma semaphore(%arg13 : memref<!tpu.dma_semaphore, #tpu.memory_space<semaphore_mem>>) src(%dma_wait3A_263 : memref<128x80xf32, #tpu.memory_space<vmem>>) dst(%dma_wait3A_269 : memref<10000x80xf32, #tpu.memory_space<vmem_shared>>)
      %lt3A = arith.constant 40 : i32
      %lt3A_270 = arith.cmpi slt, %scan3A_92, %lt3A : i32
      %convert_element_type3A_271 = arith.extui %lt3A_270 : i1 to i32
      %cond3A_272 = arith.constant 0 : i32
      %cond3A_273 = arith.cmpi ne, %convert_element_type3A_271, %cond3A_272 : i32
      scf.if %cond3A_273 {
        %add3A_401 = arith.constant 1 : i32
        %add3A_402 = arith.addi %add3A_255, %add3A_401 : i32
        %dma_start3A_403 = arith.constant 0 : i32
        %dma_start3A_404 = arith.constant 0 : i32
        %dma_start3A_405 = arith.constant 0 : i32
        %dma_start3A_406 = arith.constant 0 : i32
        %dma_start3A_407 = tpu.memref_slice %arg9[%dma_start3A_404, %dma_start3A_405, %dma_start3A_406] : memref<2x256x80xf32, #tpu.memory_space<vmem>> -> memref<1x128x80xf32, #tpu.memory_space<vmem>>
        %dma_start3A_408 = tpu.memref_squeeze %dma_start3A_407 : memref<1x128x80xf32, #tpu.memory_space<vmem>> -> memref<128x80xf32, #tpu.memory_space<vmem>>
        %dma_start3A_409 = arith.constant 0 : i32
        %dma_start3A_410 = tpu.memref_slice %arg7[%add3A_402, %dma_start3A_403, %dma_start3A_409] : memref<82x2x128xi32, #tpu.memory_space<vmem>> -> memref<1x1x128xi32, #tpu.memory_space<vmem>>
        %dma_start3A_411 = tpu.memref_squeeze %dma_start3A_410 : memref<1x1x128xi32, #tpu.memory_space<vmem>> -> memref<128xi32, #tpu.memory_space<vmem>>
        %dma_start3A_412 = arith.constant 0 : i32
        %dma_start3A_413 = arith.constant 0 : i32
        %dma_start3A_414 = tpu.memref_slice %arg2[%dma_start3A_412, %dma_start3A_413] : memref<20000x80xf32, #tpu.memory_space<hbm>> -> memref<20000x80xf32, #tpu.memory_space<hbm>>
        tpu.enqueue_indirect_dma source(%dma_start3A_414 : memref<20000x80xf32, #tpu.memory_space<hbm>>) target(%dma_start3A_408 : memref<128x80xf32, #tpu.memory_space<vmem>>) offsets(%dma_start3A_411 : memref<128xi32, #tpu.memory_space<vmem>>) semaphore(%arg11 : memref<!tpu.dma_semaphore, #tpu.memory_space<semaphore_mem>>)
        %dma_start3A_415 = arith.constant 1 : i32
        %dma_start3A_416 = arith.constant 0 : i32
        %dma_start3A_417 = arith.constant 128 : i32
        %dma_start3A_418 = arith.constant 0 : i32
        %dma_start3A_419 = tpu.memref_slice %arg9[%dma_start3A_416, %dma_start3A_417, %dma_start3A_418] : memref<2x256x80xf32, #tpu.memory_space<vmem>> -> memref<1x128x80xf32, #tpu.memory_space<vmem>>
        %dma_start3A_420 = tpu.memref_squeeze %dma_start3A_419 : memref<1x128x80xf32, #tpu.memory_space<vmem>> -> memref<128x80xf32, #tpu.memory_space<vmem>>
        %dma_start3A_421 = arith.constant 0 : i32
        %dma_start3A_422 = tpu.memref_slice %arg7[%add3A_402, %dma_start3A_415, %dma_start3A_421] : memref<82x2x128xi32, #tpu.memory_space<vmem>> -> memref<1x1x128xi32, #tpu.memory_space<vmem>>
        %dma_start3A_423 = tpu.memref_squeeze %dma_start3A_422 : memref<1x1x128xi32, #tpu.memory_space<vmem>> -> memref<128xi32, #tpu.memory_space<vmem>>
        %dma_start3A_424 = arith.constant 0 : i32
        %dma_start3A_425 = arith.constant 0 : i32
        %dma_start3A_426 = tpu.memref_slice %arg2[%dma_start3A_424, %dma_start3A_425] : memref<20000x80xf32, #tpu.memory_space<hbm>> -> memref<20000x80xf32, #tpu.memory_space<hbm>>
        tpu.enqueue_indirect_dma source(%dma_start3A_426 : memref<20000x80xf32, #tpu.memory_space<hbm>>) target(%dma_start3A_420 : memref<128x80xf32, #tpu.memory_space<vmem>>) offsets(%dma_start3A_423 : memref<128xi32, #tpu.memory_space<vmem>>) semaphore(%arg11 : memref<!tpu.dma_semaphore, #tpu.memory_space<semaphore_mem>>)
      } else {
      }
      %dma_wait3A_274 = arith.constant 0 : i32
      %dma_wait3A_275 = arith.constant 1 : i32
      %dma_wait3A_276 = arith.constant 0 : i32
      %dma_wait3A_277 = arith.constant 0 : i32
      %dma_wait3A_278 = tpu.memref_slice %arg9[%dma_wait3A_275, %dma_wait3A_276, %dma_wait3A_277] : memref<2x256x80xf32, #tpu.memory_space<vmem>> -> memref<1x128x80xf32, #tpu.memory_space<vmem>>
      %dma_wait3A_279 = tpu.memref_squeeze %dma_wait3A_278 : memref<1x128x80xf32, #tpu.memory_space<vmem>> -> memref<128x80xf32, #tpu.memory_space<vmem>>
      %dma_wait3A_280 = arith.constant 0 : i32
      %dma_wait3A_281 = tpu.memref_slice %arg7[%add3A_255, %dma_wait3A_274, %dma_wait3A_280] : memref<82x2x128xi32, #tpu.memory_space<vmem>> -> memref<1x1x128xi32, #tpu.memory_space<vmem>>
      %dma_wait3A_282 = tpu.memref_squeeze %dma_wait3A_281 : memref<1x1x128xi32, #tpu.memory_space<vmem>> -> memref<128xi32, #tpu.memory_space<vmem>>
      %dma_wait3A_283 = arith.constant 0 : i32
      %dma_wait3A_284 = arith.constant 0 : i32
      %dma_wait3A_285 = tpu.memref_slice %arg2[%dma_wait3A_283, %dma_wait3A_284] : memref<20000x80xf32, #tpu.memory_space<hbm>> -> memref<20000x80xf32, #tpu.memory_space<hbm>>
      tpu.wait_indirect_dma semaphore(%arg12 : memref<!tpu.dma_semaphore, #tpu.memory_space<semaphore_mem>>) src(%dma_wait3A_285 : memref<20000x80xf32, #tpu.memory_space<hbm>>) dst(%dma_wait3A_279 : memref<128x80xf32, #tpu.memory_space<vmem>>)
      %dma_wait3A_286 = arith.constant 1 : i32
      %dma_wait3A_287 = arith.constant 1 : i32
      %dma_wait3A_288 = arith.constant 128 : i32
      %dma_wait3A_289 = arith.constant 0 : i32
      %dma_wait3A_290 = tpu.memref_slice %arg9[%dma_wait3A_287, %dma_wait3A_288, %dma_wait3A_289] : memref<2x256x80xf32, #tpu.memory_space<vmem>> -> memref<1x128x80xf32, #tpu.memory_space<vmem>>
      %dma_wait3A_291 = tpu.memref_squeeze %dma_wait3A_290 : memref<1x128x80xf32, #tpu.memory_space<vmem>> -> memref<128x80xf32, #tpu.memory_space<vmem>>
      %dma_wait3A_292 = arith.constant 0 : i32
      %dma_wait3A_293 = tpu.memref_slice %arg7[%add3A_255, %dma_wait3A_286, %dma_wait3A_292] : memref<82x2x128xi32, #tpu.memory_space<vmem>> -> memref<1x1x128xi32, #tpu.memory_space<vmem>>
      %dma_wait3A_294 = tpu.memref_squeeze %dma_wait3A_293 : memref<1x1x128xi32, #tpu.memory_space<vmem>> -> memref<128xi32, #tpu.memory_space<vmem>>
      %dma_wait3A_295 = arith.constant 0 : i32
      %dma_wait3A_296 = arith.constant 0 : i32
      %dma_wait3A_297 = tpu.memref_slice %arg2[%dma_wait3A_295, %dma_wait3A_296] : memref<20000x80xf32, #tpu.memory_space<hbm>> -> memref<20000x80xf32, #tpu.memory_space<hbm>>
      tpu.wait_indirect_dma semaphore(%arg12 : memref<!tpu.dma_semaphore, #tpu.memory_space<semaphore_mem>>) src(%dma_wait3A_297 : memref<20000x80xf32, #tpu.memory_space<hbm>>) dst(%dma_wait3A_291 : memref<128x80xf32, #tpu.memory_space<vmem>>)
      %mul3A_298 = arith.constant 10496 : i32
      %mul3A_299 = arith.muli %add3A, %mul3A_298 : i32
      %mul3A_300 = arith.constant 128 : i32
      %mul3A_301 = arith.muli %add3A_255, %mul3A_300 : i32
      %add3A_302 = arith.addi %mul3A_299, %mul3A_301 : i32
      %get3A_303 = arith.constant 1 : i32
      %get3A_304 = arith.index_cast %add3A_255 : i32 to index
      %get3A_305 = arith.index_cast %get3A_303 : i32 to index
      %get3A_306 = arith.constant 0 : index
      %get3A_307 = tpu.vector_load %arg7[%get3A_304, %get3A_305, %get3A_306] {strides = array<i32>} : memref<82x2x128xi32, #tpu.memory_space<vmem>>, vector<16xi32>,
      %sub3A_308 = arith.subi %get3A_307, %broadcast_in_dim3A_25 : vector<16xi32>
      %swap3A_309 = arith.constant 1 : i32
      %swap3A_310 = arith.index_cast %swap3A_309 : i32 to index
      %swap3A_311 = arith.constant 0 : index
      %swap3A_312 = tpu.vector_load %arg8[%swap3A_310, %swap3A_311] {strides = array<i32>} : memref<2x128xi32, #tpu.memory_space<vmem>>, vector<16xi32>,
      tpu.vector_store %arg8[%swap3A_310, %swap3A_311], %sub3A_308 {strides = array<i32>} : memref<2x128xi32, #tpu.memory_space<vmem>>, vector<16xi32>,
      %get3A_313 = arith.constant 1 : i32
      %get3A_314 = arith.index_cast %add3A_255 : i32 to index
      %get3A_315 = arith.index_cast %get3A_313 : i32 to index
      %get3A_316 = arith.constant 16 : index
      %get3A_317 = tpu.vector_load %arg7[%get3A_314, %get3A_315, %get3A_316] {strides = array<i32>} : memref<82x2x128xi32, #tpu.memory_space<vmem>>, vector<16xi32>,
      %sub3A_318 = arith.subi %get3A_317, %broadcast_in_dim3A_25 : vector<16xi32>
      %swap3A_319 = arith.constant 1 : i32
      %swap3A_320 = arith.index_cast %swap3A_319 : i32 to index
      %swap3A_321 = arith.constant 16 : index
      %swap3A_322 = tpu.vector_load %arg8[%swap3A_320, %swap3A_321] {strides = array<i32>} : memref<2x128xi32, #tpu.memory_space<vmem>>, vector<16xi32>,
      tpu.vector_store %arg8[%swap3A_320, %swap3A_321], %sub3A_318 {strides = array<i32>} : memref<2x128xi32, #tpu.memory_space<vmem>>, vector<16xi32>,
      %get3A_323 = arith.constant 1 : i32
      %get3A_324 = arith.index_cast %add3A_255 : i32 to index
      %get3A_325 = arith.index_cast %get3A_323 : i32 to index
      %get3A_326 = arith.constant 32 : index
      %get3A_327 = tpu.vector_load %arg7[%get3A_324, %get3A_325, %get3A_326] {strides = array<i32>} : memref<82x2x128xi32, #tpu.memory_space<vmem>>, vector<16xi32>,
      %sub3A_328 = arith.subi %get3A_327, %broadcast_in_dim3A_25 : vector<16xi32>
      %swap3A_329 = arith.constant 1 : i32
      %swap3A_330 = arith.index_cast %swap3A_329 : i32 to index
      %swap3A_331 = arith.constant 32 : index
      %swap3A_332 = tpu.vector_load %arg8[%swap3A_330, %swap3A_331] {strides = array<i32>} : memref<2x128xi32, #tpu.memory_space<vmem>>, vector<16xi32>,
      tpu.vector_store %arg8[%swap3A_330, %swap3A_331], %sub3A_328 {strides = array<i32>} : memref<2x128xi32, #tpu.memory_space<vmem>>, vector<16xi32>,
      %get3A_333 = arith.constant 1 : i32
      %get3A_334 = arith.index_cast %add3A_255 : i32 to index
      %get3A_335 = arith.index_cast %get3A_333 : i32 to index
      %get3A_336 = arith.constant 48 : index
      %get3A_337 = tpu.vector_load %arg7[%get3A_334, %get3A_335, %get3A_336] {strides = array<i32>} : memref<82x2x128xi32, #tpu.memory_space<vmem>>, vector<16xi32>,
      %sub3A_338 = arith.subi %get3A_337, %broadcast_in_dim3A_25 : vector<16xi32>
      %swap3A_339 = arith.constant 1 : i32
      %swap3A_340 = arith.index_cast %swap3A_339 : i32 to index
      %swap3A_341 = arith.constant 48 : index
      %swap3A_342 = tpu.vector_load %arg8[%swap3A_340, %swap3A_341] {strides = array<i32>} : memref<2x128xi32, #tpu.memory_space<vmem>>, vector<16xi32>,
      tpu.vector_store %arg8[%swap3A_340, %swap3A_341], %sub3A_338 {strides = array<i32>} : memref<2x128xi32, #tpu.memory_space<vmem>>, vector<16xi32>,
      %get3A_343 = arith.constant 1 : i32
      %get3A_344 = arith.index_cast %add3A_255 : i32 to index
      %get3A_345 = arith.index_cast %get3A_343 : i32 to index
      %get3A_346 = arith.constant 64 : index
      %get3A_347 = tpu.vector_load %arg7[%get3A_344, %get3A_345, %get3A_346] {strides = array<i32>} : memref<82x2x128xi32, #tpu.memory_space<vmem>>, vector<16xi32>,
      %sub3A_348 = arith.subi %get3A_347, %broadcast_in_dim3A_25 : vector<16xi32>
      %swap3A_349 = arith.constant 1 : i32
      %swap3A_350 = arith.index_cast %swap3A_349 : i32 to index
      %swap3A_351 = arith.constant 64 : index
      %swap3A_352 = tpu.vector_load %arg8[%swap3A_350, %swap3A_351] {strides = array<i32>} : memref<2x128xi32, #tpu.memory_space<vmem>>, vector<16xi32>,
      tpu.vector_store %arg8[%swap3A_350, %swap3A_351], %sub3A_348 {strides = array<i32>} : memref<2x128xi32, #tpu.memory_space<vmem>>, vector<16xi32>,
      %get3A_353 = arith.constant 1 : i32
      %get3A_354 = arith.index_cast %add3A_255 : i32 to index
      %get3A_355 = arith.index_cast %get3A_353 : i32 to index
      %get3A_356 = arith.constant 80 : index
      %get3A_357 = tpu.vector_load %arg7[%get3A_354, %get3A_355, %get3A_356] {strides = array<i32>} : memref<82x2x128xi32, #tpu.memory_space<vmem>>, vector<16xi32>,
      %sub3A_358 = arith.subi %get3A_357, %broadcast_in_dim3A_25 : vector<16xi32>
      %swap3A_359 = arith.constant 1 : i32
      %swap3A_360 = arith.index_cast %swap3A_359 : i32 to index
      %swap3A_361 = arith.constant 80 : index
      %swap3A_362 = tpu.vector_load %arg8[%swap3A_360, %swap3A_361] {strides = array<i32>} : memref<2x128xi32, #tpu.memory_space<vmem>>, vector<16xi32>,
      tpu.vector_store %arg8[%swap3A_360, %swap3A_361], %sub3A_358 {strides = array<i32>} : memref<2x128xi32, #tpu.memory_space<vmem>>, vector<16xi32>,
      %get3A_363 = arith.constant 1 : i32
      %get3A_364 = arith.index_cast %add3A_255 : i32 to index
      %get3A_365 = arith.index_cast %get3A_363 : i32 to index
      %get3A_366 = arith.constant 96 : index
      %get3A_367 = tpu.vector_load %arg7[%get3A_364, %get3A_365, %get3A_366] {strides = array<i32>} : memref<82x2x128xi32, #tpu.memory_space<vmem>>, vector<16xi32>,
      %sub3A_368 = arith.subi %get3A_367, %broadcast_in_dim3A_25 : vector<16xi32>
      %swap3A_369 = arith.constant 1 : i32
      %swap3A_370 = arith.index_cast %swap3A_369 : i32 to index
      %swap3A_371 = arith.constant 96 : index
      %swap3A_372 = tpu.vector_load %arg8[%swap3A_370, %swap3A_371] {strides = array<i32>} : memref<2x128xi32, #tpu.memory_space<vmem>>, vector<16xi32>,
      tpu.vector_store %arg8[%swap3A_370, %swap3A_371], %sub3A_368 {strides = array<i32>} : memref<2x128xi32, #tpu.memory_space<vmem>>, vector<16xi32>,
      %get3A_373 = arith.constant 1 : i32
      %get3A_374 = arith.index_cast %add3A_255 : i32 to index
      %get3A_375 = arith.index_cast %get3A_373 : i32 to index
      %get3A_376 = arith.constant 112 : index
      %get3A_377 = tpu.vector_load %arg7[%get3A_374, %get3A_375, %get3A_376] {strides = array<i32>} : memref<82x2x128xi32, #tpu.memory_space<vmem>>, vector<16xi32>,
      %sub3A_378 = arith.subi %get3A_377, %broadcast_in_dim3A_25 : vector<16xi32>
      %swap3A_379 = arith.constant 1 : i32
      %swap3A_380 = arith.index_cast %swap3A_379 : i32 to index
      %swap3A_381 = arith.constant 112 : index
      %swap3A_382 = tpu.vector_load %arg8[%swap3A_380, %swap3A_381] {strides = array<i32>} : memref<2x128xi32, #tpu.memory_space<vmem>>, vector<16xi32>,
      tpu.vector_store %arg8[%swap3A_380, %swap3A_381], %sub3A_378 {strides = array<i32>} : memref<2x128xi32, #tpu.memory_space<vmem>>, vector<16xi32>,
      %scan3A_383 = arith.constant 0 : i32
      %scan3A_384 = arith.constant 0 : i32
      %scan3A_385 = arith.constant 128 : i32
      %scan3A_386 = arith.addi %scan3A_384, %scan3A_385 : i32
      %scan3A_387 = arith.constant 1 : i32
      scf.for %scan3A_401 = %scan3A_384 to %scan3A_386 step %scan3A_387  : i32 {
        %broadcast_in_dim3A_402 = arith.constant 0.000000e+00 : f32
        %broadcast_in_dim3A_403 = vector.broadcast %broadcast_in_dim3A_402 : f32 to vector<16xf32>
        %broadcast_in_dim3A_404 = arith.constant 0.000000e+00 : f32
        %broadcast_in_dim3A_405 = vector.broadcast %broadcast_in_dim3A_404 : f32 to vector<16xf32>
        %get3A_406 = arith.constant 1 : i32
        %get3A_407 = arith.index_cast %get3A_406 : i32 to index
        %get3A_408 = arith.index_cast %scan3A_401 : i32 to index
        %get3A_409 = arith.constant 0 : index
        %get3A_410 = tpu.vector_load %arg9[%get3A_407, %get3A_408, %get3A_409] {strides = array<i32>} : memref<2x256x80xf32, #tpu.memory_space<vmem>>, vector<16xf32>,
        %add3A_411 = arith.constant 128 : i32
        %add3A_412 = arith.addi %add3A_411, %scan3A_401 : i32
        %get3A_413 = arith.constant 1 : i32
        %get3A_414 = arith.index_cast %get3A_413 : i32 to index
        %get3A_415 = arith.index_cast %add3A_412 : i32 to index
        %get3A_416 = arith.constant 0 : index
        %get3A_417 = tpu.vector_load %arg9[%get3A_414, %get3A_415, %get3A_416] {strides = array<i32>} : memref<2x256x80xf32, #tpu.memory_space<vmem>>, vector<16xf32>,
        %add3A_418 = arith.addf %get3A_410, %get3A_417 : vector<16xf32>
        %mul3A_419 = arith.constant 2.000000e-01 : f32
        %mul3A_420 = vector.broadcast %mul3A_419 : f32 to vector<16xf32>
        %mul3A_421 = arith.mulf %mul3A_420, %add3A_418 : vector<16xf32>
        %max3A = arith.maximumf %add3A_418, %mul3A_421 : vector<16xf32>
        %mul3A_422 = arith.mulf %max3A, %get3A_17 : vector<16xf32>
        %add3A_423 = arith.addf %broadcast_in_dim3A_403, %mul3A_422 : vector<16xf32>
        %get3A_424 = arith.constant 1 : i32
        %get3A_425 = arith.index_cast %get3A_424 : i32 to index
        %get3A_426 = arith.index_cast %scan3A_401 : i32 to index
        %get3A_427 = arith.constant 16 : index
        %get3A_428 = tpu.vector_load %arg9[%get3A_425, %get3A_426, %get3A_427] {strides = array<i32>} : memref<2x256x80xf32, #tpu.memory_space<vmem>>, vector<16xf32>,
        %add3A_429 = arith.constant 128 : i32
        %add3A_430 = arith.addi %add3A_429, %scan3A_401 : i32
        %get3A_431 = arith.constant 1 : i32
        %get3A_432 = arith.index_cast %get3A_431 : i32 to index
        %get3A_433 = arith.index_cast %add3A_430 : i32 to index
        %get3A_434 = arith.constant 16 : index
        %get3A_435 = tpu.vector_load %arg9[%get3A_432, %get3A_433, %get3A_434] {strides = array<i32>} : memref<2x256x80xf32, #tpu.memory_space<vmem>>, vector<16xf32>,
        %add3A_436 = arith.addf %get3A_428, %get3A_435 : vector<16xf32>
        %mul3A_437 = arith.constant 2.000000e-01 : f32
        %mul3A_438 = vector.broadcast %mul3A_437 : f32 to vector<16xf32>
        %mul3A_439 = arith.mulf %mul3A_438, %add3A_436 : vector<16xf32>
        %max3A_440 = arith.maximumf %add3A_436, %mul3A_439 : vector<16xf32>
        %mul3A_441 = arith.mulf %max3A_440, %get3A_19 : vector<16xf32>
        %add3A_442 = arith.addf %broadcast_in_dim3A_405, %mul3A_441 : vector<16xf32>
        %get3A_443 = arith.constant 1 : i32
        %get3A_444 = arith.index_cast %get3A_443 : i32 to index
        %get3A_445 = arith.index_cast %scan3A_401 : i32 to index
        %get3A_446 = arith.constant 32 : index
        %get3A_447 = tpu.vector_load %arg9[%get3A_444, %get3A_445, %get3A_446] {strides = array<i32>} : memref<2x256x80xf32, #tpu.memory_space<vmem>>, vector<16xf32>,
        %add3A_448 = arith.constant 128 : i32
        %add3A_449 = arith.addi %add3A_448, %scan3A_401 : i32
        %get3A_450 = arith.constant 1 : i32
        %get3A_451 = arith.index_cast %get3A_450 : i32 to index
        %get3A_452 = arith.index_cast %add3A_449 : i32 to index
        %get3A_453 = arith.constant 32 : index
        %get3A_454 = tpu.vector_load %arg9[%get3A_451, %get3A_452, %get3A_453] {strides = array<i32>} : memref<2x256x80xf32, #tpu.memory_space<vmem>>, vector<16xf32>,
        %add3A_455 = arith.addf %get3A_447, %get3A_454 : vector<16xf32>
        %mul3A_456 = arith.constant 2.000000e-01 : f32
        %mul3A_457 = vector.broadcast %mul3A_456 : f32 to vector<16xf32>
        %mul3A_458 = arith.mulf %mul3A_457, %add3A_455 : vector<16xf32>
        %max3A_459 = arith.maximumf %add3A_455, %mul3A_458 : vector<16xf32>
        %mul3A_460 = arith.mulf %max3A_459, %get3A_21 : vector<16xf32>
        %add3A_461 = arith.addf %add3A_423, %mul3A_460 : vector<16xf32>
        %get3A_462 = arith.constant 1 : i32
        %get3A_463 = arith.index_cast %get3A_462 : i32 to index
        %get3A_464 = arith.index_cast %scan3A_401 : i32 to index
        %get3A_465 = arith.constant 48 : index
        %get3A_466 = tpu.vector_load %arg9[%get3A_463, %get3A_464, %get3A_465] {strides = array<i32>} : memref<2x256x80xf32, #tpu.memory_space<vmem>>, vector<16xf32>,
        %add3A_467 = arith.constant 128 : i32
        %add3A_468 = arith.addi %add3A_467, %scan3A_401 : i32
        %get3A_469 = arith.constant 1 : i32
        %get3A_470 = arith.index_cast %get3A_469 : i32 to index
        %get3A_471 = arith.index_cast %add3A_468 : i32 to index
        %get3A_472 = arith.constant 48 : index
        %get3A_473 = tpu.vector_load %arg9[%get3A_470, %get3A_471, %get3A_472] {strides = array<i32>} : memref<2x256x80xf32, #tpu.memory_space<vmem>>, vector<16xf32>,
        %add3A_474 = arith.addf %get3A_466, %get3A_473 : vector<16xf32>
        %mul3A_475 = arith.constant 2.000000e-01 : f32
        %mul3A_476 = vector.broadcast %mul3A_475 : f32 to vector<16xf32>
        %mul3A_477 = arith.mulf %mul3A_476, %add3A_474 : vector<16xf32>
        %max3A_478 = arith.maximumf %add3A_474, %mul3A_477 : vector<16xf32>
        %mul3A_479 = arith.mulf %max3A_478, %get3A_23 : vector<16xf32>
        %add3A_480 = arith.addf %add3A_442, %mul3A_479 : vector<16xf32>
        %add3A_481 = arith.addf %add3A_461, %add3A_480 : vector<16xf32>
        %reduce_sum3A = arith.constant true
        %reduce_sum3A_482 = vector.broadcast %reduce_sum3A : i1 to vector<16xi1>
        %reduce_sum3A_483 = tpu.scan <sum>, %add3A_481 masked %reduce_sum3A_482 : vector<16xf32>, vector<16xi1> -> vector<16xf32>
        %reduce_sum3A_484 = vector.extract %reduce_sum3A_483[15] : f32 from vector<16xf32>
        %add3A_485 = arith.constant 128 : i32
        %add3A_486 = arith.addi %add3A_485, %scan3A_401 : i32
        %get3A_487 = arith.constant 1 : i32
        %get3A_488 = arith.index_cast %get3A_487 : i32 to index
        %get3A_489 = arith.index_cast %add3A_486 : i32 to index
        %get3A_490 = arith.constant 64 : index
        %get3A_491 = tpu.vector_load %arg9[%get3A_488, %get3A_489, %get3A_490] {strides = array<i32>} : memref<2x256x80xf32, #tpu.memory_space<vmem>>, vector<16xf32>,
        %broadcast_in_dim3A_492 = vector.broadcast %reduce_sum3A_484 : f32 to vector<16xf32>
        %sub3A_493 = arith.subf %broadcast_in_dim3A_492, %get3A_491 : vector<16xf32>
        %jit3A = arith.constant -6.000000e+01 : f32
        %jit3A_494 = arith.constant 6.000000e+01 : f32
        %max3A_495 = vector.broadcast %jit3A : f32 to vector<16xf32>
        %max3A_496 = arith.maximumf %max3A_495, %sub3A_493 : vector<16xf32>
        %min3A = vector.broadcast %jit3A_494 : f32 to vector<16xf32>
        %min3A_497 = arith.minimumf %min3A, %max3A_496 : vector<16xf32>
        %exp3A = math.exp %min3A_497 : vector<16xf32>
        %add3A_498 = arith.addi %add3A_302, %scan3A_401 : i32
        %broadcast_in_dim3A_499 = vector.broadcast %add3A_498 : i32 to vector<16xi32>
        %lt3A_500 = arith.constant 330000 : i32
        %lt3A_501 = vector.broadcast %lt3A_500 : i32 to vector<16xi32>
        %lt3A_502 = arith.cmpi slt, %broadcast_in_dim3A_499, %lt3A_501 : vector<16xi32>
        %jit3A_503 = arith.constant 0.000000e+00 : f32
        %broadcast_in_dim3A_504 = vector.broadcast %jit3A_503 : f32 to vector<16xf32>
        %select_n3A = arith.select %lt3A_502, %exp3A, %broadcast_in_dim3A_504 : vector<16xi1>, vector<16xf32>
        %mul3A_505 = arith.mulf %get3A_410, %select_n3A : vector<16xf32>
        %swap3A_506 = arith.constant 1 : i32
        %swap3A_507 = arith.index_cast %swap3A_506 : i32 to index
        %swap3A_508 = arith.index_cast %scan3A_401 : i32 to index
        %swap3A_509 = arith.constant 0 : index
        %swap3A_510 = tpu.vector_load %arg9[%swap3A_507, %swap3A_508, %swap3A_509] {strides = array<i32>} : memref<2x256x80xf32, #tpu.memory_space<vmem>>, vector<16xf32>,
        tpu.vector_store %arg9[%swap3A_507, %swap3A_508, %swap3A_509], %mul3A_505 {strides = array<i32>} : memref<2x256x80xf32, #tpu.memory_space<vmem>>, vector<16xf32>,
        %mul3A_511 = arith.mulf %get3A_428, %select_n3A : vector<16xf32>
        %swap3A_512 = arith.constant 1 : i32
        %swap3A_513 = arith.index_cast %swap3A_512 : i32 to index
        %swap3A_514 = arith.index_cast %scan3A_401 : i32 to index
        %swap3A_515 = arith.constant 16 : index
        %swap3A_516 = tpu.vector_load %arg9[%swap3A_513, %swap3A_514, %swap3A_515] {strides = array<i32>} : memref<2x256x80xf32, #tpu.memory_space<vmem>>, vector<16xf32>,
        tpu.vector_store %arg9[%swap3A_513, %swap3A_514, %swap3A_515], %mul3A_511 {strides = array<i32>} : memref<2x256x80xf32, #tpu.memory_space<vmem>>, vector<16xf32>,
        %mul3A_517 = arith.mulf %get3A_447, %select_n3A : vector<16xf32>
        %swap3A_518 = arith.constant 1 : i32
        %swap3A_519 = arith.index_cast %swap3A_518 : i32 to index
        %swap3A_520 = arith.index_cast %scan3A_401 : i32 to index
        %swap3A_521 = arith.constant 32 : index
        %swap3A_522 = tpu.vector_load %arg9[%swap3A_519, %swap3A_520, %swap3A_521] {strides = array<i32>} : memref<2x256x80xf32, #tpu.memory_space<vmem>>, vector<16xf32>,
        tpu.vector_store %arg9[%swap3A_519, %swap3A_520, %swap3A_521], %mul3A_517 {strides = array<i32>} : memref<2x256x80xf32, #tpu.memory_space<vmem>>, vector<16xf32>,
        %mul3A_523 = arith.mulf %get3A_466, %select_n3A : vector<16xf32>
        %swap3A_524 = arith.constant 1 : i32
        %swap3A_525 = arith.index_cast %swap3A_524 : i32 to index
        %swap3A_526 = arith.index_cast %scan3A_401 : i32 to index
        %swap3A_527 = arith.constant 48 : index
        %swap3A_528 = tpu.vector_load %arg9[%swap3A_525, %swap3A_526, %swap3A_527] {strides = array<i32>} : memref<2x256x80xf32, #tpu.memory_space<vmem>>, vector<16xf32>,
        tpu.vector_store %arg9[%swap3A_525, %swap3A_526, %swap3A_527], %mul3A_523 {strides = array<i32>} : memref<2x256x80xf32, #tpu.memory_space<vmem>>, vector<16xf32>,
        %swap3A_529 = arith.constant 1 : i32
        %swap3A_530 = arith.index_cast %swap3A_529 : i32 to index
        %swap3A_531 = arith.index_cast %scan3A_401 : i32 to index
        %swap3A_532 = arith.constant 64 : index
        %swap3A_533 = tpu.vector_load %arg9[%swap3A_530, %swap3A_531, %swap3A_532] {strides = array<i32>} : memref<2x256x80xf32, #tpu.memory_space<vmem>>, vector<16xf32>,
        tpu.vector_store %arg9[%swap3A_530, %swap3A_531, %swap3A_532], %select_n3A {strides = array<i32>} : memref<2x256x80xf32, #tpu.memory_space<vmem>>, vector<16xf32>,
      }
      %scan3A_388 = arith.constant 128 : i32
      %dma_start3A_389 = arith.constant 1 : i32
      %dma_start3A_390 = arith.constant 1 : i32
      %dma_start3A_391 = arith.constant 0 : i32
      %dma_start3A_392 = arith.constant 0 : i32
      %dma_start3A_393 = tpu.memref_slice %arg9[%dma_start3A_389, %dma_start3A_391, %dma_start3A_392] : memref<2x256x80xf32, #tpu.memory_space<vmem>> -> memref<1x128x80xf32, #tpu.memory_space<vmem>>
      %dma_start3A_394 = tpu.memref_squeeze %dma_start3A_393 : memref<1x128x80xf32, #tpu.memory_space<vmem>> -> memref<128x80xf32, #tpu.memory_space<vmem>>
      %dma_start3A_395 = arith.constant 0 : i32
      %dma_start3A_396 = tpu.memref_slice %arg8[%dma_start3A_390, %dma_start3A_395] : memref<2x128xi32, #tpu.memory_space<vmem>> -> memref<1x128xi32, #tpu.memory_space<vmem>>
      %dma_start3A_397 = tpu.memref_squeeze %dma_start3A_396 : memref<1x128xi32, #tpu.memory_space<vmem>> -> memref<128xi32, #tpu.memory_space<vmem>>
      %dma_start3A_398 = arith.constant 0 : i32
      %dma_start3A_399 = arith.constant 0 : i32
      %dma_start3A_400 = tpu.memref_slice %arg6[%dma_start3A_398, %dma_start3A_399] : memref<10000x80xf32, #tpu.memory_space<vmem_shared>> -> memref<10000x80xf32, #tpu.memory_space<vmem_shared>>
      tpu.enqueue_indirect_dma source(%dma_start3A_394 : memref<128x80xf32, #tpu.memory_space<vmem>>) target(%dma_start3A_400 : memref<10000x80xf32, #tpu.memory_space<vmem_shared>>) offsets(%dma_start3A_397 : memref<128xi32, #tpu.memory_space<vmem>>) semaphore(%arg14 : memref<!tpu.dma_semaphore, #tpu.memory_space<semaphore_mem>>) {add = true}
    }
    %scan3A_56 = arith.constant 41 : i32
    %dma_wait3A = arith.constant 1 : i32
    %dma_wait3A_57 = arith.constant 1 : i32
    %dma_wait3A_58 = arith.constant 0 : i32
    %dma_wait3A_59 = arith.constant 0 : i32
    %dma_wait3A_60 = tpu.memref_slice %arg9[%dma_wait3A, %dma_wait3A_58, %dma_wait3A_59] : memref<2x256x80xf32, #tpu.memory_space<vmem>> -> memref<1x128x80xf32, #tpu.memory_space<vmem>>
    %dma_wait3A_61 = tpu.memref_squeeze %dma_wait3A_60 : memref<1x128x80xf32, #tpu.memory_space<vmem>> -> memref<128x80xf32, #tpu.memory_space<vmem>>
    %dma_wait3A_62 = arith.constant 0 : i32
    %dma_wait3A_63 = tpu.memref_slice %arg8[%dma_wait3A_57, %dma_wait3A_62] : memref<2x128xi32, #tpu.memory_space<vmem>> -> memref<1x128xi32, #tpu.memory_space<vmem>>
    %dma_wait3A_64 = tpu.memref_squeeze %dma_wait3A_63 : memref<1x128xi32, #tpu.memory_space<vmem>> -> memref<128xi32, #tpu.memory_space<vmem>>
    %dma_wait3A_65 = arith.constant 0 : i32
    %dma_wait3A_66 = arith.constant 0 : i32
    %dma_wait3A_67 = tpu.memref_slice %arg6[%dma_wait3A_65, %dma_wait3A_66] : memref<10000x80xf32, #tpu.memory_space<vmem_shared>> -> memref<10000x80xf32, #tpu.memory_space<vmem_shared>>
    tpu.wait_indirect_dma semaphore(%arg14 : memref<!tpu.dma_semaphore, #tpu.memory_space<semaphore_mem>>) src(%dma_wait3A_61 : memref<128x80xf32, #tpu.memory_space<vmem>>) dst(%dma_wait3A_67 : memref<10000x80xf32, #tpu.memory_space<vmem_shared>>)
    %barrier3A_68 = arith.constant 0 : index
    tpu.barrier barrier_id(%barrier3A_68)
    %add3A_69 = arith.constant 0 : i32
    %add3A_70 = arith.addi %multiple_of3A, %add3A_69 : i32
    %multiple_of3A_71 = tpu.assume_multiple %add3A_70, 8 : i32
    %add3A_72 = arith.constant 0 : i32
    %add3A_73 = arith.addi %multiple_of3A, %add3A_72 : i32
    %multiple_of3A_74 = tpu.assume_multiple %add3A_73, 8 : i32
    "tpu.region"() ({
      %run_scoped3A = tpu.sem_alloc : memref<!tpu.dma_semaphore, #tpu.memory_space<semaphore_mem>>
      %dma_start3A_92 = arith.constant 0 : i32
      %dma_start3A_93 = tpu.memref_slice %arg5[%arg0, %multiple_of3A_74, %dma_start3A_92] : memref<2x10000x80xf32, #tpu.memory_space<hbm>> -> memref<1x208x80xf32, #tpu.memory_space<hbm>>
      %dma_start3A_94 = tpu.memref_squeeze %dma_start3A_93 : memref<1x208x80xf32, #tpu.memory_space<hbm>> -> memref<208x80xf32, #tpu.memory_space<hbm>>
      %dma_start3A_95 = arith.constant 0 : i32
      %dma_start3A_96 = tpu.memref_slice %arg6[%multiple_of3A_71, %dma_start3A_95] : memref<10000x80xf32, #tpu.memory_space<vmem_shared>> -> memref<208x80xf32, #tpu.memory_space<vmem_shared>>
      tpu.enqueue_dma source(%dma_start3A_96 : memref<208x80xf32, #tpu.memory_space<vmem_shared>>) target(%dma_start3A_94 : memref<208x80xf32, #tpu.memory_space<hbm>>) target_semaphore(%run_scoped3A : memref<!tpu.dma_semaphore, #tpu.memory_space<semaphore_mem>>)
      %dma_wait3A_97 = arith.constant 0 : i32
      %dma_wait3A_98 = tpu.memref_slice %arg5[%arg0, %multiple_of3A_74, %dma_wait3A_97] : memref<2x10000x80xf32, #tpu.memory_space<hbm>> -> memref<1x208x80xf32, #tpu.memory_space<hbm>>
      %dma_wait3A_99 = tpu.memref_squeeze %dma_wait3A_98 : memref<1x208x80xf32, #tpu.memory_space<hbm>> -> memref<208x80xf32, #tpu.memory_space<hbm>>
      %dma_wait3A_100 = arith.constant 0 : i32
      %dma_wait3A_101 = tpu.memref_slice %arg6[%multiple_of3A_71, %dma_wait3A_100] : memref<10000x80xf32, #tpu.memory_space<vmem_shared>> -> memref<208x80xf32, #tpu.memory_space<vmem_shared>>
      tpu.wait_dma2 semaphore(%run_scoped3A : memref<!tpu.dma_semaphore, #tpu.memory_space<semaphore_mem>>) src(%dma_wait3A_101 : memref<208x80xf32, #tpu.memory_space<vmem_shared>>) dst(%dma_wait3A_99 : memref<208x80xf32, #tpu.memory_space<hbm>>)
      tpu.yield
    }) : () -> ()
    %add3A_75 = arith.constant 208 : i32
    %add3A_76 = arith.addi %multiple_of3A, %add3A_75 : i32
    %multiple_of3A_77 = tpu.assume_multiple %add3A_76, 8 : i32
    %add3A_78 = arith.constant 208 : i32
    %add3A_79 = arith.addi %multiple_of3A, %add3A_78 : i32
    %multiple_of3A_80 = tpu.assume_multiple %add3A_79, 8 : i32
    "tpu.region"() ({
      %run_scoped3A = tpu.sem_alloc : memref<!tpu.dma_semaphore, #tpu.memory_space<semaphore_mem>>
      %dma_start3A_92 = arith.constant 0 : i32
      %dma_start3A_93 = tpu.memref_slice %arg5[%arg0, %multiple_of3A_80, %dma_start3A_92] : memref<2x10000x80xf32, #tpu.memory_space<hbm>> -> memref<1x208x80xf32, #tpu.memory_space<hbm>>
      %dma_start3A_94 = tpu.memref_squeeze %dma_start3A_93 : memref<1x208x80xf32, #tpu.memory_space<hbm>> -> memref<208x80xf32, #tpu.memory_space<hbm>>
      %dma_start3A_95 = arith.constant 0 : i32
      %dma_start3A_96 = tpu.memref_slice %arg6[%multiple_of3A_77, %dma_start3A_95] : memref<10000x80xf32, #tpu.memory_space<vmem_shared>> -> memref<208x80xf32, #tpu.memory_space<vmem_shared>>
      tpu.enqueue_dma source(%dma_start3A_96 : memref<208x80xf32, #tpu.memory_space<vmem_shared>>) target(%dma_start3A_94 : memref<208x80xf32, #tpu.memory_space<hbm>>) target_semaphore(%run_scoped3A : memref<!tpu.dma_semaphore, #tpu.memory_space<semaphore_mem>>)
      %dma_wait3A_97 = arith.constant 0 : i32
      %dma_wait3A_98 = tpu.memref_slice %arg5[%arg0, %multiple_of3A_80, %dma_wait3A_97] : memref<2x10000x80xf32, #tpu.memory_space<hbm>> -> memref<1x208x80xf32, #tpu.memory_space<hbm>>
      %dma_wait3A_99 = tpu.memref_squeeze %dma_wait3A_98 : memref<1x208x80xf32, #tpu.memory_space<hbm>> -> memref<208x80xf32, #tpu.memory_space<hbm>>
      %dma_wait3A_100 = arith.constant 0 : i32
      %dma_wait3A_101 = tpu.memref_slice %arg6[%multiple_of3A_77, %dma_wait3A_100] : memref<10000x80xf32, #tpu.memory_space<vmem_shared>> -> memref<208x80xf32, #tpu.memory_space<vmem_shared>>
      tpu.wait_dma2 semaphore(%run_scoped3A : memref<!tpu.dma_semaphore, #tpu.memory_space<semaphore_mem>>) src(%dma_wait3A_101 : memref<208x80xf32, #tpu.memory_space<vmem_shared>>) dst(%dma_wait3A_99 : memref<208x80xf32, #tpu.memory_space<hbm>>)
      tpu.yield
    }) : () -> ()
    %add3A_81 = arith.constant 416 : i32
    %add3A_82 = arith.addi %multiple_of3A, %add3A_81 : i32
    %multiple_of3A_83 = tpu.assume_multiple %add3A_82, 8 : i32
    %add3A_84 = arith.constant 416 : i32
    %add3A_85 = arith.addi %multiple_of3A, %add3A_84 : i32
    %multiple_of3A_86 = tpu.assume_multiple %add3A_85, 8 : i32
    "tpu.region"() ({
      %run_scoped3A = tpu.sem_alloc : memref<!tpu.dma_semaphore, #tpu.memory_space<semaphore_mem>>
      %dma_start3A_92 = arith.constant 0 : i32
      %dma_start3A_93 = tpu.memref_slice %arg5[%arg0, %multiple_of3A_86, %dma_start3A_92] : memref<2x10000x80xf32, #tpu.memory_space<hbm>> -> memref<1x208x80xf32, #tpu.memory_space<hbm>>
      %dma_start3A_94 = tpu.memref_squeeze %dma_start3A_93 : memref<1x208x80xf32, #tpu.memory_space<hbm>> -> memref<208x80xf32, #tpu.memory_space<hbm>>
      %dma_start3A_95 = arith.constant 0 : i32
      %dma_start3A_96 = tpu.memref_slice %arg6[%multiple_of3A_83, %dma_start3A_95] : memref<10000x80xf32, #tpu.memory_space<vmem_shared>> -> memref<208x80xf32, #tpu.memory_space<vmem_shared>>
      tpu.enqueue_dma source(%dma_start3A_96 : memref<208x80xf32, #tpu.memory_space<vmem_shared>>) target(%dma_start3A_94 : memref<208x80xf32, #tpu.memory_space<hbm>>) target_semaphore(%run_scoped3A : memref<!tpu.dma_semaphore, #tpu.memory_space<semaphore_mem>>)
      %dma_wait3A_97 = arith.constant 0 : i32
      %dma_wait3A_98 = tpu.memref_slice %arg5[%arg0, %multiple_of3A_86, %dma_wait3A_97] : memref<2x10000x80xf32, #tpu.memory_space<hbm>> -> memref<1x208x80xf32, #tpu.memory_space<hbm>>
      %dma_wait3A_99 = tpu.memref_squeeze %dma_wait3A_98 : memref<1x208x80xf32, #tpu.memory_space<hbm>> -> memref<208x80xf32, #tpu.memory_space<hbm>>
      %dma_wait3A_100 = arith.constant 0 : i32
      %dma_wait3A_101 = tpu.memref_slice %arg6[%multiple_of3A_83, %dma_wait3A_100] : memref<10000x80xf32, #tpu.memory_space<vmem_shared>> -> memref<208x80xf32, #tpu.memory_space<vmem_shared>>
      tpu.wait_dma2 semaphore(%run_scoped3A : memref<!tpu.dma_semaphore, #tpu.memory_space<semaphore_mem>>) src(%dma_wait3A_101 : memref<208x80xf32, #tpu.memory_space<vmem_shared>>) dst(%dma_wait3A_99 : memref<208x80xf32, #tpu.memory_space<hbm>>)
      tpu.yield
    }) : () -> ()
    %eq3A_87 = arith.constant 15 : i32
    %eq3A_88 = arith.cmpi eq, %arg1, %eq3A_87 : i32
    %convert_element_type3A_89 = arith.extui %eq3A_88 : i1 to i32
    %cond3A_90 = arith.constant 0 : i32
    %cond3A_91 = arith.cmpi ne, %convert_element_type3A_89, %cond3A_90 : i32
    scf.if %cond3A_91 {
      "tpu.region"() ({
        %run_scoped3A = tpu.sem_alloc : memref<!tpu.dma_semaphore, #tpu.memory_space<semaphore_mem>>
        %dma_start3A_92 = arith.constant 9984 : i32
        %dma_start3A_93 = arith.constant 0 : i32
        %dma_start3A_94 = tpu.memref_slice %arg5[%arg0, %dma_start3A_92, %dma_start3A_93] : memref<2x10000x80xf32, #tpu.memory_space<hbm>> -> memref<1x16x80xf32, #tpu.memory_space<hbm>>
        %dma_start3A_95 = tpu.memref_squeeze %dma_start3A_94 : memref<1x16x80xf32, #tpu.memory_space<hbm>> -> memref<16x80xf32, #tpu.memory_space<hbm>>
        %dma_start3A_96 = arith.constant 9984 : i32
        %dma_start3A_97 = arith.constant 0 : i32
        %dma_start3A_98 = tpu.memref_slice %arg6[%dma_start3A_96, %dma_start3A_97] : memref<10000x80xf32, #tpu.memory_space<vmem_shared>> -> memref<16x80xf32, #tpu.memory_space<vmem_shared>>
        tpu.enqueue_dma source(%dma_start3A_98 : memref<16x80xf32, #tpu.memory_space<vmem_shared>>) target(%dma_start3A_95 : memref<16x80xf32, #tpu.memory_space<hbm>>) target_semaphore(%run_scoped3A : memref<!tpu.dma_semaphore, #tpu.memory_space<semaphore_mem>>)
        %dma_wait3A_99 = arith.constant 9984 : i32
        %dma_wait3A_100 = arith.constant 0 : i32
        %dma_wait3A_101 = tpu.memref_slice %arg5[%arg0, %dma_wait3A_99, %dma_wait3A_100] : memref<2x10000x80xf32, #tpu.memory_space<hbm>> -> memref<1x16x80xf32, #tpu.memory_space<hbm>>
        %dma_wait3A_102 = tpu.memref_squeeze %dma_wait3A_101 : memref<1x16x80xf32, #tpu.memory_space<hbm>> -> memref<16x80xf32, #tpu.memory_space<hbm>>
        %dma_wait3A_103 = arith.constant 9984 : i32
        %dma_wait3A_104 = arith.constant 0 : i32
        %dma_wait3A_105 = tpu.memref_slice %arg6[%dma_wait3A_103, %dma_wait3A_104] : memref<10000x80xf32, #tpu.memory_space<vmem_shared>> -> memref<16x80xf32, #tpu.memory_space<vmem_shared>>
        tpu.wait_dma2 semaphore(%run_scoped3A : memref<!tpu.dma_semaphore, #tpu.memory_space<semaphore_mem>>) src(%dma_wait3A_105 : memref<16x80xf32, #tpu.memory_space<vmem_shared>>) dst(%dma_wait3A_102 : memref<16x80xf32, #tpu.memory_space<hbm>>)
        tpu.yield
      }) : () -> ()
    } else {
    }
    return
  }
}

#map = affine_map<(d0, d1) -> (0, 0)>
#map1 = affine_map<(d0, d1) -> (0, 0, 0)>
#map2 = affine_map<(d0, d1) -> (0)>
module attributes {stable_mosaic.version = 14 : i64} {
  func.func @k(%arg0: i32, %arg1: i32, %arg2: memref<20000x144xf32, #tpu.memory_space<hbm>>, %arg3: memref<32x164x128xi32, #tpu.memory_space<hbm>>, %arg4: memref<128xf32, #tpu.memory_space<hbm>>, %arg5: memref<2x10000x144xf32, #tpu.memory_space<hbm>>, %arg6: memref<10000x144xf32, #tpu.memory_space<vmem_shared>>, %arg7: memref<2x128xi32, #tpu.memory_space<vmem>>, %arg8: memref<2x64xi32, #tpu.memory_space<vmem>>, %arg9: memref<2x128x144xf32, #tpu.memory_space<vmem>>, %arg10: memref<128xf32, #tpu.memory_space<vmem>>, %arg11: memref<!tpu.dma_semaphore, #tpu.memory_space<semaphore_mem>>, %arg12: memref<!tpu.dma_semaphore, #tpu.memory_space<semaphore_mem>>, %arg13: memref<!tpu.dma_semaphore, #tpu.memory_space<semaphore_mem>>, %arg14: memref<!tpu.dma_semaphore, #tpu.memory_space<semaphore_mem>>, %arg15: memref<!tpu.dma_semaphore, #tpu.memory_space<semaphore_mem>>, %arg16: memref<!tpu.dma_semaphore, #tpu.memory_space<semaphore_mem>>) attributes {dimension_semantics = [#tpu.dimension_semantics<core_parallel>, #tpu.dimension_semantics<subcore_parallel>], iteration_bounds = array<i64: 2, 16>, scalar_prefetch = 0 : i64, scratch_operands = 11 : i64, tpu.core_type = #tpu.core_type<sc_vector_subcore>, window_params = [{transform_indices = #map}, {transform_indices = #map1}, {transform_indices = #map2}, {transform_indices = #map1}]} {
    %mul3A = arith.constant 16 : i32
    %mul3A_0 = arith.muli %arg0, %mul3A : i32
    %add3A = arith.addi %mul3A_0, %arg1 : i32
    %broadcast_in_dim3A = arith.constant 0.000000e+00 : f32
    %broadcast_in_dim3A_1 = vector.broadcast %broadcast_in_dim3A : f32 to vector<16xf32>
    %scan3A = arith.constant 0 : i32
    %scan3A_2 = arith.constant 0 : i32
    %scan3A_3 = arith.constant 48 : i32
    %scan3A_4 = arith.addi %scan3A_2, %scan3A_3 : i32
    %scan3A_5 = arith.constant 1 : i32
    scf.for %scan3A_101 = %scan3A_2 to %scan3A_4 step %scan3A_5  : i32 {
      %swap3A = arith.constant 0 : i32
      %swap3A_102 = arith.index_cast %swap3A : i32 to index
      %swap3A_103 = arith.index_cast %scan3A_101 : i32 to index
      %swap3A_104 = arith.constant 0 : index
      %swap3A_105 = tpu.vector_load %arg9[%swap3A_102, %swap3A_103, %swap3A_104] {strides = array<i32>} : memref<2x128x144xf32, #tpu.memory_space<vmem>>, vector<16xf32>,
      tpu.vector_store %arg9[%swap3A_102, %swap3A_103, %swap3A_104], %broadcast_in_dim3A_1 {strides = array<i32>} : memref<2x128x144xf32, #tpu.memory_space<vmem>>, vector<16xf32>,
      %swap3A_106 = arith.constant 0 : i32
      %swap3A_107 = arith.index_cast %swap3A_106 : i32 to index
      %swap3A_108 = arith.index_cast %scan3A_101 : i32 to index
      %swap3A_109 = arith.constant 16 : index
      %swap3A_110 = tpu.vector_load %arg9[%swap3A_107, %swap3A_108, %swap3A_109] {strides = array<i32>} : memref<2x128x144xf32, #tpu.memory_space<vmem>>, vector<16xf32>,
      tpu.vector_store %arg9[%swap3A_107, %swap3A_108, %swap3A_109], %broadcast_in_dim3A_1 {strides = array<i32>} : memref<2x128x144xf32, #tpu.memory_space<vmem>>, vector<16xf32>,
      %swap3A_111 = arith.constant 0 : i32
      %swap3A_112 = arith.index_cast %swap3A_111 : i32 to index
      %swap3A_113 = arith.index_cast %scan3A_101 : i32 to index
      %swap3A_114 = arith.constant 32 : index
      %swap3A_115 = tpu.vector_load %arg9[%swap3A_112, %swap3A_113, %swap3A_114] {strides = array<i32>} : memref<2x128x144xf32, #tpu.memory_space<vmem>>, vector<16xf32>,
      tpu.vector_store %arg9[%swap3A_112, %swap3A_113, %swap3A_114], %broadcast_in_dim3A_1 {strides = array<i32>} : memref<2x128x144xf32, #tpu.memory_space<vmem>>, vector<16xf32>,
      %swap3A_116 = arith.constant 0 : i32
      %swap3A_117 = arith.index_cast %swap3A_116 : i32 to index
      %swap3A_118 = arith.index_cast %scan3A_101 : i32 to index
      %swap3A_119 = arith.constant 48 : index
      %swap3A_120 = tpu.vector_load %arg9[%swap3A_117, %swap3A_118, %swap3A_119] {strides = array<i32>} : memref<2x128x144xf32, #tpu.memory_space<vmem>>, vector<16xf32>,
      tpu.vector_store %arg9[%swap3A_117, %swap3A_118, %swap3A_119], %broadcast_in_dim3A_1 {strides = array<i32>} : memref<2x128x144xf32, #tpu.memory_space<vmem>>, vector<16xf32>,
      %swap3A_121 = arith.constant 0 : i32
      %swap3A_122 = arith.index_cast %swap3A_121 : i32 to index
      %swap3A_123 = arith.index_cast %scan3A_101 : i32 to index
      %swap3A_124 = arith.constant 64 : index
      %swap3A_125 = tpu.vector_load %arg9[%swap3A_122, %swap3A_123, %swap3A_124] {strides = array<i32>} : memref<2x128x144xf32, #tpu.memory_space<vmem>>, vector<16xf32>,
      tpu.vector_store %arg9[%swap3A_122, %swap3A_123, %swap3A_124], %broadcast_in_dim3A_1 {strides = array<i32>} : memref<2x128x144xf32, #tpu.memory_space<vmem>>, vector<16xf32>,
      %swap3A_126 = arith.constant 0 : i32
      %swap3A_127 = arith.index_cast %swap3A_126 : i32 to index
      %swap3A_128 = arith.index_cast %scan3A_101 : i32 to index
      %swap3A_129 = arith.constant 80 : index
      %swap3A_130 = tpu.vector_load %arg9[%swap3A_127, %swap3A_128, %swap3A_129] {strides = array<i32>} : memref<2x128x144xf32, #tpu.memory_space<vmem>>, vector<16xf32>,
      tpu.vector_store %arg9[%swap3A_127, %swap3A_128, %swap3A_129], %broadcast_in_dim3A_1 {strides = array<i32>} : memref<2x128x144xf32, #tpu.memory_space<vmem>>, vector<16xf32>,
      %swap3A_131 = arith.constant 0 : i32
      %swap3A_132 = arith.index_cast %swap3A_131 : i32 to index
      %swap3A_133 = arith.index_cast %scan3A_101 : i32 to index
      %swap3A_134 = arith.constant 96 : index
      %swap3A_135 = tpu.vector_load %arg9[%swap3A_132, %swap3A_133, %swap3A_134] {strides = array<i32>} : memref<2x128x144xf32, #tpu.memory_space<vmem>>, vector<16xf32>,
      tpu.vector_store %arg9[%swap3A_132, %swap3A_133, %swap3A_134], %broadcast_in_dim3A_1 {strides = array<i32>} : memref<2x128x144xf32, #tpu.memory_space<vmem>>, vector<16xf32>,
      %swap3A_136 = arith.constant 0 : i32
      %swap3A_137 = arith.index_cast %swap3A_136 : i32 to index
      %swap3A_138 = arith.index_cast %scan3A_101 : i32 to index
      %swap3A_139 = arith.constant 112 : index
      %swap3A_140 = tpu.vector_load %arg9[%swap3A_137, %swap3A_138, %swap3A_139] {strides = array<i32>} : memref<2x128x144xf32, #tpu.memory_space<vmem>>, vector<16xf32>,
      tpu.vector_store %arg9[%swap3A_137, %swap3A_138, %swap3A_139], %broadcast_in_dim3A_1 {strides = array<i32>} : memref<2x128x144xf32, #tpu.memory_space<vmem>>, vector<16xf32>,
      %swap3A_141 = arith.constant 0 : i32
      %swap3A_142 = arith.index_cast %swap3A_141 : i32 to index
      %swap3A_143 = arith.index_cast %scan3A_101 : i32 to index
      %swap3A_144 = arith.constant 128 : index
      %swap3A_145 = tpu.vector_load %arg9[%swap3A_142, %swap3A_143, %swap3A_144] {strides = array<i32>} : memref<2x128x144xf32, #tpu.memory_space<vmem>>, vector<16xf32>,
      tpu.vector_store %arg9[%swap3A_142, %swap3A_143, %swap3A_144], %broadcast_in_dim3A_1 {strides = array<i32>} : memref<2x128x144xf32, #tpu.memory_space<vmem>>, vector<16xf32>,
    }
    %scan3A_6 = arith.constant 48 : i32
    %mul3A_7 = arith.constant 624 : i32
    %mul3A_8 = arith.muli %arg1, %mul3A_7 : i32
    %multiple_of3A = tpu.assume_multiple %mul3A_8, 8 : i32
    %scan3A_9 = arith.constant 0 : i32
    %scan3A_10 = arith.constant 0 : i32
    %scan3A_11 = arith.constant 13 : i32
    %scan3A_12 = arith.addi %scan3A_10, %scan3A_11 : i32
    %scan3A_13 = arith.constant 1 : i32
    scf.for %scan3A_101 = %scan3A_10 to %scan3A_12 step %scan3A_13  : i32 {
      %mul3A_102 = arith.constant 48 : i32
      %mul3A_103 = arith.muli %scan3A_101, %mul3A_102 : i32
      %add3A_104 = arith.addi %multiple_of3A, %mul3A_103 : i32
      %multiple_of3A_105 = tpu.assume_multiple %add3A_104, 8 : i32
      %run_scoped3A_106 = arith.constant 0 : i32
      "tpu.region"() ({
        %run_scoped3A_107 = tpu.sem_alloc : memref<!tpu.dma_semaphore, #tpu.memory_space<semaphore_mem>>
        %dma_start3A_108 = arith.constant 0 : i32
        %dma_start3A_109 = arith.constant 0 : i32
        %dma_start3A_110 = tpu.memref_slice %arg9[%run_scoped3A_106, %dma_start3A_108, %dma_start3A_109] : memref<2x128x144xf32, #tpu.memory_space<vmem>> -> memref<1x48x144xf32, #tpu.memory_space<vmem>>
        %dma_start3A_111 = tpu.memref_squeeze %dma_start3A_110 : memref<1x48x144xf32, #tpu.memory_space<vmem>> -> memref<48x144xf32, #tpu.memory_space<vmem>>
        %dma_start3A_112 = arith.constant 0 : i32
        %dma_start3A_113 = tpu.memref_slice %arg6[%multiple_of3A_105, %dma_start3A_112] : memref<10000x144xf32, #tpu.memory_space<vmem_shared>> -> memref<48x144xf32, #tpu.memory_space<vmem_shared>>
        %dma_start3A_114 = arith.constant 0 : i32
        %dma_start3A_115 = tpu.memref_slice %arg6[%multiple_of3A_105, %dma_start3A_114] : memref<10000x144xf32, #tpu.memory_space<vmem_shared>> -> memref<48x144xf32, #tpu.memory_space<vmem_shared>>
        %dma_start3A_116 = arith.constant 0 : i32
        %dma_start3A_117 = arith.constant 0 : i32
        %dma_start3A_118 = tpu.memref_slice %arg9[%run_scoped3A_106, %dma_start3A_116, %dma_start3A_117] : memref<2x128x144xf32, #tpu.memory_space<vmem>> -> memref<1x48x144xf32, #tpu.memory_space<vmem>>
        %dma_start3A_119 = tpu.memref_squeeze %dma_start3A_118 : memref<1x48x144xf32, #tpu.memory_space<vmem>> -> memref<48x144xf32, #tpu.memory_space<vmem>>
        tpu.enqueue_dma source(%dma_start3A_119 : memref<48x144xf32, #tpu.memory_space<vmem>>) target(%dma_start3A_115 : memref<48x144xf32, #tpu.memory_space<vmem_shared>>) target_semaphore(%run_scoped3A_107 : memref<!tpu.dma_semaphore, #tpu.memory_space<semaphore_mem>>)
        %dma_wait3A_120 = arith.constant 0 : i32
        %dma_wait3A_121 = arith.constant 0 : i32
        %dma_wait3A_122 = tpu.memref_slice %arg9[%run_scoped3A_106, %dma_wait3A_120, %dma_wait3A_121] : memref<2x128x144xf32, #tpu.memory_space<vmem>> -> memref<1x48x144xf32, #tpu.memory_space<vmem>>
        %dma_wait3A_123 = tpu.memref_squeeze %dma_wait3A_122 : memref<1x48x144xf32, #tpu.memory_space<vmem>> -> memref<48x144xf32, #tpu.memory_space<vmem>>
        %dma_wait3A_124 = arith.constant 0 : i32
        %dma_wait3A_125 = tpu.memref_slice %arg6[%multiple_of3A_105, %dma_wait3A_124] : memref<10000x144xf32, #tpu.memory_space<vmem_shared>> -> memref<48x144xf32, #tpu.memory_space<vmem_shared>>
        %dma_wait3A_126 = arith.constant 0 : i32
        %dma_wait3A_127 = tpu.memref_slice %arg6[%multiple_of3A_105, %dma_wait3A_126] : memref<10000x144xf32, #tpu.memory_space<vmem_shared>> -> memref<48x144xf32, #tpu.memory_space<vmem_shared>>
        %dma_wait3A_128 = arith.constant 0 : i32
        %dma_wait3A_129 = arith.constant 0 : i32
        %dma_wait3A_130 = tpu.memref_slice %arg9[%run_scoped3A_106, %dma_wait3A_128, %dma_wait3A_129] : memref<2x128x144xf32, #tpu.memory_space<vmem>> -> memref<1x48x144xf32, #tpu.memory_space<vmem>>
        %dma_wait3A_131 = tpu.memref_squeeze %dma_wait3A_130 : memref<1x48x144xf32, #tpu.memory_space<vmem>> -> memref<48x144xf32, #tpu.memory_space<vmem>>
        tpu.wait_dma2 semaphore(%run_scoped3A_107 : memref<!tpu.dma_semaphore, #tpu.memory_space<semaphore_mem>>) src(%dma_wait3A_131 : memref<48x144xf32, #tpu.memory_space<vmem>>) dst(%dma_wait3A_127 : memref<48x144xf32, #tpu.memory_space<vmem_shared>>)
        tpu.yield
      }) : () -> ()
    }
    %scan3A_14 = arith.constant 13 : i32
    %eq3A = arith.constant 15 : i32
    %eq3A_15 = arith.cmpi eq, %arg1, %eq3A : i32
    %convert_element_type3A = arith.extui %eq3A_15 : i1 to i32
    %cond3A = arith.constant 0 : i32
    %cond3A_16 = arith.cmpi ne, %convert_element_type3A, %cond3A : i32
    scf.if %cond3A_16 {
      %run_scoped3A_101 = arith.constant 0 : i32
      "tpu.region"() ({
        %run_scoped3A_102 = tpu.sem_alloc : memref<!tpu.dma_semaphore, #tpu.memory_space<semaphore_mem>>
        %dma_start3A_103 = arith.constant 0 : i32
        %dma_start3A_104 = arith.constant 0 : i32
        %dma_start3A_105 = tpu.memref_slice %arg9[%run_scoped3A_101, %dma_start3A_103, %dma_start3A_104] : memref<2x128x144xf32, #tpu.memory_space<vmem>> -> memref<1x16x144xf32, #tpu.memory_space<vmem>>
        %dma_start3A_106 = tpu.memref_squeeze %dma_start3A_105 : memref<1x16x144xf32, #tpu.memory_space<vmem>> -> memref<16x144xf32, #tpu.memory_space<vmem>>
        %dma_start3A_107 = arith.constant 9984 : i32
        %dma_start3A_108 = arith.constant 0 : i32
        %dma_start3A_109 = tpu.memref_slice %arg6[%dma_start3A_107, %dma_start3A_108] : memref<10000x144xf32, #tpu.memory_space<vmem_shared>> -> memref<16x144xf32, #tpu.memory_space<vmem_shared>>
        %dma_start3A_110 = arith.constant 9984 : i32
        %dma_start3A_111 = arith.constant 0 : i32
        %dma_start3A_112 = tpu.memref_slice %arg6[%dma_start3A_110, %dma_start3A_111] : memref<10000x144xf32, #tpu.memory_space<vmem_shared>> -> memref<16x144xf32, #tpu.memory_space<vmem_shared>>
        %dma_start3A_113 = arith.constant 0 : i32
        %dma_start3A_114 = arith.constant 0 : i32
        %dma_start3A_115 = tpu.memref_slice %arg9[%run_scoped3A_101, %dma_start3A_113, %dma_start3A_114] : memref<2x128x144xf32, #tpu.memory_space<vmem>> -> memref<1x16x144xf32, #tpu.memory_space<vmem>>
        %dma_start3A_116 = tpu.memref_squeeze %dma_start3A_115 : memref<1x16x144xf32, #tpu.memory_space<vmem>> -> memref<16x144xf32, #tpu.memory_space<vmem>>
        tpu.enqueue_dma source(%dma_start3A_116 : memref<16x144xf32, #tpu.memory_space<vmem>>) target(%dma_start3A_112 : memref<16x144xf32, #tpu.memory_space<vmem_shared>>) target_semaphore(%run_scoped3A_102 : memref<!tpu.dma_semaphore, #tpu.memory_space<semaphore_mem>>)
        %dma_wait3A_117 = arith.constant 0 : i32
        %dma_wait3A_118 = arith.constant 0 : i32
        %dma_wait3A_119 = tpu.memref_slice %arg9[%run_scoped3A_101, %dma_wait3A_117, %dma_wait3A_118] : memref<2x128x144xf32, #tpu.memory_space<vmem>> -> memref<1x16x144xf32, #tpu.memory_space<vmem>>
        %dma_wait3A_120 = tpu.memref_squeeze %dma_wait3A_119 : memref<1x16x144xf32, #tpu.memory_space<vmem>> -> memref<16x144xf32, #tpu.memory_space<vmem>>
        %dma_wait3A_121 = arith.constant 9984 : i32
        %dma_wait3A_122 = arith.constant 0 : i32
        %dma_wait3A_123 = tpu.memref_slice %arg6[%dma_wait3A_121, %dma_wait3A_122] : memref<10000x144xf32, #tpu.memory_space<vmem_shared>> -> memref<16x144xf32, #tpu.memory_space<vmem_shared>>
        %dma_wait3A_124 = arith.constant 9984 : i32
        %dma_wait3A_125 = arith.constant 0 : i32
        %dma_wait3A_126 = tpu.memref_slice %arg6[%dma_wait3A_124, %dma_wait3A_125] : memref<10000x144xf32, #tpu.memory_space<vmem_shared>> -> memref<16x144xf32, #tpu.memory_space<vmem_shared>>
        %dma_wait3A_127 = arith.constant 0 : i32
        %dma_wait3A_128 = arith.constant 0 : i32
        %dma_wait3A_129 = tpu.memref_slice %arg9[%run_scoped3A_101, %dma_wait3A_127, %dma_wait3A_128] : memref<2x128x144xf32, #tpu.memory_space<vmem>> -> memref<1x16x144xf32, #tpu.memory_space<vmem>>
        %dma_wait3A_130 = tpu.memref_squeeze %dma_wait3A_129 : memref<1x16x144xf32, #tpu.memory_space<vmem>> -> memref<16x144xf32, #tpu.memory_space<vmem>>
        tpu.wait_dma2 semaphore(%run_scoped3A_102 : memref<!tpu.dma_semaphore, #tpu.memory_space<semaphore_mem>>) src(%dma_wait3A_130 : memref<16x144xf32, #tpu.memory_space<vmem>>) dst(%dma_wait3A_126 : memref<16x144xf32, #tpu.memory_space<vmem_shared>>)
        tpu.yield
      }) : () -> ()
    } else {
    }
    %barrier3A = arith.constant 0 : index
    tpu.barrier barrier_id(%barrier3A)
    "tpu.region"() ({
      %run_scoped3A_101 = tpu.sem_alloc : memref<!tpu.dma_semaphore, #tpu.memory_space<semaphore_mem>>
      tpu.enqueue_dma source(%arg4 : memref<128xf32, #tpu.memory_space<hbm>>) target(%arg10 : memref<128xf32, #tpu.memory_space<vmem>>) target_semaphore(%run_scoped3A_101 : memref<!tpu.dma_semaphore, #tpu.memory_space<semaphore_mem>>)
      tpu.wait_dma2 semaphore(%run_scoped3A_101 : memref<!tpu.dma_semaphore, #tpu.memory_space<semaphore_mem>>) src(%arg4 : memref<128xf32, #tpu.memory_space<hbm>>) dst(%arg10 : memref<128xf32, #tpu.memory_space<vmem>>)
      tpu.yield
    }) : () -> ()
    %run_scoped3A = arith.constant 0 : i32
    %run_scoped3A_17 = arith.constant 0 : i32
    "tpu.region"() ({
      %run_scoped3A_101 = tpu.sem_alloc : memref<!tpu.dma_semaphore, #tpu.memory_space<semaphore_mem>>
      %dma_start3A_102 = arith.constant 0 : i32
      %dma_start3A_103 = tpu.memref_slice %arg7[%run_scoped3A_17, %dma_start3A_102] : memref<2x128xi32, #tpu.memory_space<vmem>> -> memref<1x128xi32, #tpu.memory_space<vmem>>
      %dma_start3A_104 = tpu.memref_squeeze %dma_start3A_103 : memref<1x128xi32, #tpu.memory_space<vmem>> -> memref<128xi32, #tpu.memory_space<vmem>>
      %dma_start3A_105 = arith.constant 0 : i32
      %dma_start3A_106 = tpu.memref_slice %arg3[%add3A, %run_scoped3A, %dma_start3A_105] : memref<32x164x128xi32, #tpu.memory_space<hbm>> -> memref<1x1x128xi32, #tpu.memory_space<hbm>>
      %dma_start3A_107 = tpu.memref_squeeze %dma_start3A_106 : memref<1x1x128xi32, #tpu.memory_space<hbm>> -> memref<128xi32, #tpu.memory_space<hbm>>
      %dma_start3A_108 = arith.constant 0 : i32
      %dma_start3A_109 = tpu.memref_slice %arg7[%run_scoped3A_17, %dma_start3A_108] : memref<2x128xi32, #tpu.memory_space<vmem>> -> memref<1x128xi32, #tpu.memory_space<vmem>>
      %dma_start3A_110 = tpu.memref_squeeze %dma_start3A_109 : memref<1x128xi32, #tpu.memory_space<vmem>> -> memref<128xi32, #tpu.memory_space<vmem>>
      %dma_start3A_111 = arith.constant 0 : i32
      %dma_start3A_112 = tpu.memref_slice %arg3[%add3A, %run_scoped3A, %dma_start3A_111] : memref<32x164x128xi32, #tpu.memory_space<hbm>> -> memref<1x1x128xi32, #tpu.memory_space<hbm>>
      %dma_start3A_113 = tpu.memref_squeeze %dma_start3A_112 : memref<1x1x128xi32, #tpu.memory_space<hbm>> -> memref<128xi32, #tpu.memory_space<hbm>>
      tpu.enqueue_dma source(%dma_start3A_113 : memref<128xi32, #tpu.memory_space<hbm>>) target(%dma_start3A_110 : memref<128xi32, #tpu.memory_space<vmem>>) target_semaphore(%run_scoped3A_101 : memref<!tpu.dma_semaphore, #tpu.memory_space<semaphore_mem>>)
      %dma_wait3A_114 = arith.constant 0 : i32
      %dma_wait3A_115 = tpu.memref_slice %arg7[%run_scoped3A_17, %dma_wait3A_114] : memref<2x128xi32, #tpu.memory_space<vmem>> -> memref<1x128xi32, #tpu.memory_space<vmem>>
      %dma_wait3A_116 = tpu.memref_squeeze %dma_wait3A_115 : memref<1x128xi32, #tpu.memory_space<vmem>> -> memref<128xi32, #tpu.memory_space<vmem>>
      %dma_wait3A_117 = arith.constant 0 : i32
      %dma_wait3A_118 = tpu.memref_slice %arg3[%add3A, %run_scoped3A, %dma_wait3A_117] : memref<32x164x128xi32, #tpu.memory_space<hbm>> -> memref<1x1x128xi32, #tpu.memory_space<hbm>>
      %dma_wait3A_119 = tpu.memref_squeeze %dma_wait3A_118 : memref<1x1x128xi32, #tpu.memory_space<hbm>> -> memref<128xi32, #tpu.memory_space<hbm>>
      %dma_wait3A_120 = arith.constant 0 : i32
      %dma_wait3A_121 = tpu.memref_slice %arg7[%run_scoped3A_17, %dma_wait3A_120] : memref<2x128xi32, #tpu.memory_space<vmem>> -> memref<1x128xi32, #tpu.memory_space<vmem>>
      %dma_wait3A_122 = tpu.memref_squeeze %dma_wait3A_121 : memref<1x128xi32, #tpu.memory_space<vmem>> -> memref<128xi32, #tpu.memory_space<vmem>>
      %dma_wait3A_123 = arith.constant 0 : i32
      %dma_wait3A_124 = tpu.memref_slice %arg3[%add3A, %run_scoped3A, %dma_wait3A_123] : memref<32x164x128xi32, #tpu.memory_space<hbm>> -> memref<1x1x128xi32, #tpu.memory_space<hbm>>
      %dma_wait3A_125 = tpu.memref_squeeze %dma_wait3A_124 : memref<1x1x128xi32, #tpu.memory_space<hbm>> -> memref<128xi32, #tpu.memory_space<hbm>>
      tpu.wait_dma2 semaphore(%run_scoped3A_101 : memref<!tpu.dma_semaphore, #tpu.memory_space<semaphore_mem>>) src(%dma_wait3A_125 : memref<128xi32, #tpu.memory_space<hbm>>) dst(%dma_wait3A_122 : memref<128xi32, #tpu.memory_space<vmem>>)
      tpu.yield
    }) : () -> ()
    %get3A = arith.constant 0 : index
    %get3A_18 = tpu.vector_load %arg10[%get3A] {strides = array<i32>} : memref<128xf32, #tpu.memory_space<vmem>>, vector<16xf32>,
    %get3A_19 = arith.constant 16 : index
    %get3A_20 = tpu.vector_load %arg10[%get3A_19] {strides = array<i32>} : memref<128xf32, #tpu.memory_space<vmem>>, vector<16xf32>,
    %get3A_21 = arith.constant 32 : index
    %get3A_22 = tpu.vector_load %arg10[%get3A_21] {strides = array<i32>} : memref<128xf32, #tpu.memory_space<vmem>>, vector<16xf32>,
    %get3A_23 = arith.constant 48 : index
    %get3A_24 = tpu.vector_load %arg10[%get3A_23] {strides = array<i32>} : memref<128xf32, #tpu.memory_space<vmem>>, vector<16xf32>,
    %get3A_25 = arith.constant 64 : index
    %get3A_26 = tpu.vector_load %arg10[%get3A_25] {strides = array<i32>} : memref<128xf32, #tpu.memory_space<vmem>>, vector<16xf32>,
    %get3A_27 = arith.constant 80 : index
    %get3A_28 = tpu.vector_load %arg10[%get3A_27] {strides = array<i32>} : memref<128xf32, #tpu.memory_space<vmem>>, vector<16xf32>,
    %get3A_29 = arith.constant 96 : index
    %get3A_30 = tpu.vector_load %arg10[%get3A_29] {strides = array<i32>} : memref<128xf32, #tpu.memory_space<vmem>>, vector<16xf32>,
    %get3A_31 = arith.constant 112 : index
    %get3A_32 = tpu.vector_load %arg10[%get3A_31] {strides = array<i32>} : memref<128xf32, #tpu.memory_space<vmem>>, vector<16xf32>,
    %broadcast_in_dim3A_33 = arith.constant 10000 : i32
    %broadcast_in_dim3A_34 = vector.broadcast %broadcast_in_dim3A_33 : i32 to vector<16xi32>
    %dma_start3A = arith.constant 1 : i32
    %dma_start3A_35 = arith.constant 1 : i32
    %dma_start3A_36 = arith.constant 0 : i32
    %dma_start3A_37 = tpu.memref_slice %arg7[%dma_start3A_35, %dma_start3A_36] : memref<2x128xi32, #tpu.memory_space<vmem>> -> memref<1x128xi32, #tpu.memory_space<vmem>>
    %dma_start3A_38 = tpu.memref_squeeze %dma_start3A_37 : memref<1x128xi32, #tpu.memory_space<vmem>> -> memref<128xi32, #tpu.memory_space<vmem>>
    %dma_start3A_39 = arith.constant 0 : i32
    %dma_start3A_40 = tpu.memref_slice %arg3[%add3A, %dma_start3A, %dma_start3A_39] : memref<32x164x128xi32, #tpu.memory_space<hbm>> -> memref<1x1x128xi32, #tpu.memory_space<hbm>>
    %dma_start3A_41 = tpu.memref_squeeze %dma_start3A_40 : memref<1x1x128xi32, #tpu.memory_space<hbm>> -> memref<128xi32, #tpu.memory_space<hbm>>
    %dma_start3A_42 = arith.constant 0 : i32
    %dma_start3A_43 = tpu.memref_slice %arg7[%dma_start3A_35, %dma_start3A_42] : memref<2x128xi32, #tpu.memory_space<vmem>> -> memref<1x128xi32, #tpu.memory_space<vmem>>
    %dma_start3A_44 = tpu.memref_squeeze %dma_start3A_43 : memref<1x128xi32, #tpu.memory_space<vmem>> -> memref<128xi32, #tpu.memory_space<vmem>>
    %dma_start3A_45 = arith.constant 0 : i32
    %dma_start3A_46 = tpu.memref_slice %arg3[%add3A, %dma_start3A, %dma_start3A_45] : memref<32x164x128xi32, #tpu.memory_space<hbm>> -> memref<1x1x128xi32, #tpu.memory_space<hbm>>
    %dma_start3A_47 = tpu.memref_squeeze %dma_start3A_46 : memref<1x1x128xi32, #tpu.memory_space<hbm>> -> memref<128xi32, #tpu.memory_space<hbm>>
    tpu.enqueue_dma source(%dma_start3A_47 : memref<128xi32, #tpu.memory_space<hbm>>) target(%dma_start3A_44 : memref<128xi32, #tpu.memory_space<vmem>>) target_semaphore(%arg16 : memref<!tpu.dma_semaphore, #tpu.memory_space<semaphore_mem>>)
    %dma_start3A_48 = arith.constant 0 : i32
    %dma_start3A_49 = arith.constant 0 : i32
    %dma_start3A_50 = arith.constant 0 : i32
    %dma_start3A_51 = arith.constant 0 : i32
    %dma_start3A_52 = tpu.memref_slice %arg9[%dma_start3A_49, %dma_start3A_50, %dma_start3A_51] : memref<2x128x144xf32, #tpu.memory_space<vmem>> -> memref<1x128x144xf32, #tpu.memory_space<vmem>>
    %dma_start3A_53 = tpu.memref_squeeze %dma_start3A_52 : memref<1x128x144xf32, #tpu.memory_space<vmem>> -> memref<128x144xf32, #tpu.memory_space<vmem>>
    %dma_start3A_54 = arith.constant 0 : i32
    %dma_start3A_55 = tpu.memref_slice %arg7[%dma_start3A_48, %dma_start3A_54] : memref<2x128xi32, #tpu.memory_space<vmem>> -> memref<1x128xi32, #tpu.memory_space<vmem>>
    %dma_start3A_56 = tpu.memref_squeeze %dma_start3A_55 : memref<1x128xi32, #tpu.memory_space<vmem>> -> memref<128xi32, #tpu.memory_space<vmem>>
    %dma_start3A_57 = arith.constant 0 : i32
    %dma_start3A_58 = arith.constant 0 : i32
    %dma_start3A_59 = tpu.memref_slice %arg2[%dma_start3A_57, %dma_start3A_58] : memref<20000x144xf32, #tpu.memory_space<hbm>> -> memref<20000x144xf32, #tpu.memory_space<hbm>>
    tpu.enqueue_indirect_dma source(%dma_start3A_59 : memref<20000x144xf32, #tpu.memory_space<hbm>>) target(%dma_start3A_53 : memref<128x144xf32, #tpu.memory_space<vmem>>) offsets(%dma_start3A_56 : memref<128xi32, #tpu.memory_space<vmem>>) semaphore(%arg11 : memref<!tpu.dma_semaphore, #tpu.memory_space<semaphore_mem>>)
    %scan3A_60 = arith.constant 0 : i32
    %scan3A_61 = arith.constant 0 : i32
    %scan3A_62 = arith.constant 82 : i32
    %scan3A_63 = arith.addi %scan3A_61, %scan3A_62 : i32
    %scan3A_64 = arith.constant 1 : i32
    scf.for %scan3A_101 = %scan3A_61 to %scan3A_63 step %scan3A_64  : i32 {
      %mul3A_102 = arith.constant 2 : i32
      %mul3A_103 = arith.muli %mul3A_102, %scan3A_101 : i32
      %add3A_104 = arith.constant 0 : i32
      %add3A_105 = arith.addi %mul3A_103, %add3A_104 : i32
      %gt3A = arith.constant 0 : i32
      %gt3A_106 = arith.cmpi sgt, %scan3A_101, %gt3A : i32
      %convert_element_type3A_107 = arith.extui %gt3A_106 : i1 to i32
      %cond3A_108 = arith.constant 0 : i32
      %cond3A_109 = arith.cmpi ne, %convert_element_type3A_107, %cond3A_108 : i32
      scf.if %cond3A_109 {
        %sub3A_310 = arith.constant 1 : i32
        %sub3A_311 = arith.subi %add3A_105, %sub3A_310 : i32
        %dma_wait3A_312 = arith.constant 1 : i32
        %dma_wait3A_313 = arith.constant 1 : i32
        %dma_wait3A_314 = arith.constant 0 : i32
        %dma_wait3A_315 = arith.constant 0 : i32
        %dma_wait3A_316 = tpu.memref_slice %arg9[%dma_wait3A_312, %dma_wait3A_314, %dma_wait3A_315] : memref<2x128x144xf32, #tpu.memory_space<vmem>> -> memref<1x64x144xf32, #tpu.memory_space<vmem>>
        %dma_wait3A_317 = tpu.memref_squeeze %dma_wait3A_316 : memref<1x64x144xf32, #tpu.memory_space<vmem>> -> memref<64x144xf32, #tpu.memory_space<vmem>>
        %dma_wait3A_318 = arith.constant 0 : i32
        %dma_wait3A_319 = tpu.memref_slice %arg8[%dma_wait3A_313, %dma_wait3A_318] : memref<2x64xi32, #tpu.memory_space<vmem>> -> memref<1x64xi32, #tpu.memory_space<vmem>>
        %dma_wait3A_320 = tpu.memref_squeeze %dma_wait3A_319 : memref<1x64xi32, #tpu.memory_space<vmem>> -> memref<64xi32, #tpu.memory_space<vmem>>
        %dma_wait3A_321 = arith.constant 0 : i32
        %dma_wait3A_322 = arith.constant 0 : i32
        %dma_wait3A_323 = tpu.memref_slice %arg6[%dma_wait3A_321, %dma_wait3A_322] : memref<10000x144xf32, #tpu.memory_space<vmem_shared>> -> memref<10000x144xf32, #tpu.memory_space<vmem_shared>>
        tpu.wait_indirect_dma semaphore(%arg14 : memref<!tpu.dma_semaphore, #tpu.memory_space<semaphore_mem>>) src(%dma_wait3A_317 : memref<64x144xf32, #tpu.memory_space<vmem>>) dst(%dma_wait3A_323 : memref<10000x144xf32, #tpu.memory_space<vmem_shared>>)
      } else {
      }
      %dma_wait3A_110 = arith.constant 0 : i32
      %dma_wait3A_111 = arith.constant 1 : i32
      %dma_wait3A_112 = arith.constant 0 : i32
      %dma_wait3A_113 = tpu.memref_slice %arg7[%dma_wait3A_111, %dma_wait3A_112] : memref<2x128xi32, #tpu.memory_space<vmem>> -> memref<1x128xi32, #tpu.memory_space<vmem>>
      %dma_wait3A_114 = tpu.memref_squeeze %dma_wait3A_113 : memref<1x128xi32, #tpu.memory_space<vmem>> -> memref<128xi32, #tpu.memory_space<vmem>>
      %dma_wait3A_115 = arith.constant 0 : i32
      %dma_wait3A_116 = tpu.memref_slice %arg3[%add3A, %dma_wait3A_110, %dma_wait3A_115] : memref<32x164x128xi32, #tpu.memory_space<hbm>> -> memref<1x1x128xi32, #tpu.memory_space<hbm>>
      %dma_wait3A_117 = tpu.memref_squeeze %dma_wait3A_116 : memref<1x1x128xi32, #tpu.memory_space<hbm>> -> memref<128xi32, #tpu.memory_space<hbm>>
      %dma_wait3A_118 = arith.constant 0 : i32
      %dma_wait3A_119 = tpu.memref_slice %arg7[%dma_wait3A_111, %dma_wait3A_118] : memref<2x128xi32, #tpu.memory_space<vmem>> -> memref<1x128xi32, #tpu.memory_space<vmem>>
      %dma_wait3A_120 = tpu.memref_squeeze %dma_wait3A_119 : memref<1x128xi32, #tpu.memory_space<vmem>> -> memref<128xi32, #tpu.memory_space<vmem>>
      %dma_wait3A_121 = arith.constant 0 : i32
      %dma_wait3A_122 = tpu.memref_slice %arg3[%add3A, %dma_wait3A_110, %dma_wait3A_121] : memref<32x164x128xi32, #tpu.memory_space<hbm>> -> memref<1x1x128xi32, #tpu.memory_space<hbm>>
      %dma_wait3A_123 = tpu.memref_squeeze %dma_wait3A_122 : memref<1x1x128xi32, #tpu.memory_space<hbm>> -> memref<128xi32, #tpu.memory_space<hbm>>
      tpu.wait_dma2 semaphore(%arg16 : memref<!tpu.dma_semaphore, #tpu.memory_space<semaphore_mem>>) src(%dma_wait3A_123 : memref<128xi32, #tpu.memory_space<hbm>>) dst(%dma_wait3A_120 : memref<128xi32, #tpu.memory_space<vmem>>)
      %add3A_124 = arith.constant 1 : i32
      %add3A_125 = arith.addi %add3A_105, %add3A_124 : i32
      %dma_start3A_126 = arith.constant 1 : i32
      %dma_start3A_127 = arith.constant 1 : i32
      %dma_start3A_128 = arith.constant 0 : i32
      %dma_start3A_129 = arith.constant 0 : i32
      %dma_start3A_130 = tpu.memref_slice %arg9[%dma_start3A_127, %dma_start3A_128, %dma_start3A_129] : memref<2x128x144xf32, #tpu.memory_space<vmem>> -> memref<1x128x144xf32, #tpu.memory_space<vmem>>
      %dma_start3A_131 = tpu.memref_squeeze %dma_start3A_130 : memref<1x128x144xf32, #tpu.memory_space<vmem>> -> memref<128x144xf32, #tpu.memory_space<vmem>>
      %dma_start3A_132 = arith.constant 0 : i32
      %dma_start3A_133 = tpu.memref_slice %arg7[%dma_start3A_126, %dma_start3A_132] : memref<2x128xi32, #tpu.memory_space<vmem>> -> memref<1x128xi32, #tpu.memory_space<vmem>>
      %dma_start3A_134 = tpu.memref_squeeze %dma_start3A_133 : memref<1x128xi32, #tpu.memory_space<vmem>> -> memref<128xi32, #tpu.memory_space<vmem>>
      %dma_start3A_135 = arith.constant 0 : i32
      %dma_start3A_136 = arith.constant 0 : i32
      %dma_start3A_137 = tpu.memref_slice %arg2[%dma_start3A_135, %dma_start3A_136] : memref<20000x144xf32, #tpu.memory_space<hbm>> -> memref<20000x144xf32, #tpu.memory_space<hbm>>
      tpu.enqueue_indirect_dma source(%dma_start3A_137 : memref<20000x144xf32, #tpu.memory_space<hbm>>) target(%dma_start3A_131 : memref<128x144xf32, #tpu.memory_space<vmem>>) offsets(%dma_start3A_134 : memref<128xi32, #tpu.memory_space<vmem>>) semaphore(%arg12 : memref<!tpu.dma_semaphore, #tpu.memory_space<semaphore_mem>>)
      %dma_wait3A_138 = arith.constant 0 : i32
      %dma_wait3A_139 = arith.constant 0 : i32
      %dma_wait3A_140 = arith.constant 0 : i32
      %dma_wait3A_141 = arith.constant 0 : i32
      %dma_wait3A_142 = tpu.memref_slice %arg9[%dma_wait3A_139, %dma_wait3A_140, %dma_wait3A_141] : memref<2x128x144xf32, #tpu.memory_space<vmem>> -> memref<1x128x144xf32, #tpu.memory_space<vmem>>
      %dma_wait3A_143 = tpu.memref_squeeze %dma_wait3A_142 : memref<1x128x144xf32, #tpu.memory_space<vmem>> -> memref<128x144xf32, #tpu.memory_space<vmem>>
      %dma_wait3A_144 = arith.constant 0 : i32
      %dma_wait3A_145 = tpu.memref_slice %arg7[%dma_wait3A_138, %dma_wait3A_144] : memref<2x128xi32, #tpu.memory_space<vmem>> -> memref<1x128xi32, #tpu.memory_space<vmem>>
      %dma_wait3A_146 = tpu.memref_squeeze %dma_wait3A_145 : memref<1x128xi32, #tpu.memory_space<vmem>> -> memref<128xi32, #tpu.memory_space<vmem>>
      %dma_wait3A_147 = arith.constant 0 : i32
      %dma_wait3A_148 = arith.constant 0 : i32
      %dma_wait3A_149 = tpu.memref_slice %arg2[%dma_wait3A_147, %dma_wait3A_148] : memref<20000x144xf32, #tpu.memory_space<hbm>> -> memref<20000x144xf32, #tpu.memory_space<hbm>>
      tpu.wait_indirect_dma semaphore(%arg11 : memref<!tpu.dma_semaphore, #tpu.memory_space<semaphore_mem>>) src(%dma_wait3A_149 : memref<20000x144xf32, #tpu.memory_space<hbm>>) dst(%dma_wait3A_143 : memref<128x144xf32, #tpu.memory_space<vmem>>)
      %mul3A_150 = arith.constant 10496 : i32
      %mul3A_151 = arith.muli %add3A, %mul3A_150 : i32
      %mul3A_152 = arith.constant 64 : i32
      %mul3A_153 = arith.muli %add3A_105, %mul3A_152 : i32
      %add3A_154 = arith.addi %mul3A_151, %mul3A_153 : i32
      %get3A_155 = arith.constant 0 : i32
      %get3A_156 = arith.index_cast %get3A_155 : i32 to index
      %get3A_157 = arith.constant 64 : index
      %get3A_158 = tpu.vector_load %arg7[%get3A_156, %get3A_157] {strides = array<i32>} : memref<2x128xi32, #tpu.memory_space<vmem>>, vector<16xi32>,
      %sub3A = arith.subi %get3A_158, %broadcast_in_dim3A_34 : vector<16xi32>
      %swap3A = arith.constant 0 : i32
      %swap3A_159 = arith.index_cast %swap3A : i32 to index
      %swap3A_160 = arith.constant 0 : index
      %swap3A_161 = tpu.vector_load %arg8[%swap3A_159, %swap3A_160] {strides = array<i32>} : memref<2x64xi32, #tpu.memory_space<vmem>>, vector<16xi32>,
      tpu.vector_store %arg8[%swap3A_159, %swap3A_160], %sub3A {strides = array<i32>} : memref<2x64xi32, #tpu.memory_space<vmem>>, vector<16xi32>,
      %get3A_162 = arith.constant 0 : i32
      %get3A_163 = arith.index_cast %get3A_162 : i32 to index
      %get3A_164 = arith.constant 80 : index
      %get3A_165 = tpu.vector_load %arg7[%get3A_163, %get3A_164] {strides = array<i32>} : memref<2x128xi32, #tpu.memory_space<vmem>>, vector<16xi32>,
      %sub3A_166 = arith.subi %get3A_165, %broadcast_in_dim3A_34 : vector<16xi32>
      %swap3A_167 = arith.constant 0 : i32
      %swap3A_168 = arith.index_cast %swap3A_167 : i32 to index
      %swap3A_169 = arith.constant 16 : index
      %swap3A_170 = tpu.vector_load %arg8[%swap3A_168, %swap3A_169] {strides = array<i32>} : memref<2x64xi32, #tpu.memory_space<vmem>>, vector<16xi32>,
      tpu.vector_store %arg8[%swap3A_168, %swap3A_169], %sub3A_166 {strides = array<i32>} : memref<2x64xi32, #tpu.memory_space<vmem>>, vector<16xi32>,
      %get3A_171 = arith.constant 0 : i32
      %get3A_172 = arith.index_cast %get3A_171 : i32 to index
      %get3A_173 = arith.constant 96 : index
      %get3A_174 = tpu.vector_load %arg7[%get3A_172, %get3A_173] {strides = array<i32>} : memref<2x128xi32, #tpu.memory_space<vmem>>, vector<16xi32>,
      %sub3A_175 = arith.subi %get3A_174, %broadcast_in_dim3A_34 : vector<16xi32>
      %swap3A_176 = arith.constant 0 : i32
      %swap3A_177 = arith.index_cast %swap3A_176 : i32 to index
      %swap3A_178 = arith.constant 32 : index
      %swap3A_179 = tpu.vector_load %arg8[%swap3A_177, %swap3A_178] {strides = array<i32>} : memref<2x64xi32, #tpu.memory_space<vmem>>, vector<16xi32>,
      tpu.vector_store %arg8[%swap3A_177, %swap3A_178], %sub3A_175 {strides = array<i32>} : memref<2x64xi32, #tpu.memory_space<vmem>>, vector<16xi32>,
      %get3A_180 = arith.constant 0 : i32
      %get3A_181 = arith.index_cast %get3A_180 : i32 to index
      %get3A_182 = arith.constant 112 : index
      %get3A_183 = tpu.vector_load %arg7[%get3A_181, %get3A_182] {strides = array<i32>} : memref<2x128xi32, #tpu.memory_space<vmem>>, vector<16xi32>,
      %sub3A_184 = arith.subi %get3A_183, %broadcast_in_dim3A_34 : vector<16xi32>
      %swap3A_185 = arith.constant 0 : i32
      %swap3A_186 = arith.index_cast %swap3A_185 : i32 to index
      %swap3A_187 = arith.constant 48 : index
      %swap3A_188 = tpu.vector_load %arg8[%swap3A_186, %swap3A_187] {strides = array<i32>} : memref<2x64xi32, #tpu.memory_space<vmem>>, vector<16xi32>,
      tpu.vector_store %arg8[%swap3A_186, %swap3A_187], %sub3A_184 {strides = array<i32>} : memref<2x64xi32, #tpu.memory_space<vmem>>, vector<16xi32>,
      %scan3A_189 = arith.constant 0 : i32
      %scan3A_190 = arith.constant 0 : i32
      %scan3A_191 = arith.constant 64 : i32
      %scan3A_192 = arith.addi %scan3A_190, %scan3A_191 : i32
      %scan3A_193 = arith.constant 1 : i32
      scf.for %scan3A_310 = %scan3A_190 to %scan3A_192 step %scan3A_193  : i32 {
        %broadcast_in_dim3A_311 = arith.constant 0.000000e+00 : f32
        %broadcast_in_dim3A_312 = vector.broadcast %broadcast_in_dim3A_311 : f32 to vector<16xf32>
        %broadcast_in_dim3A_313 = arith.constant 0.000000e+00 : f32
        %broadcast_in_dim3A_314 = vector.broadcast %broadcast_in_dim3A_313 : f32 to vector<16xf32>
        %get3A_315 = arith.constant 0 : i32
        %get3A_316 = arith.index_cast %get3A_315 : i32 to index
        %get3A_317 = arith.index_cast %scan3A_310 : i32 to index
        %get3A_318 = arith.constant 0 : index
        %get3A_319 = tpu.vector_load %arg9[%get3A_316, %get3A_317, %get3A_318] {strides = array<i32>} : memref<2x128x144xf32, #tpu.memory_space<vmem>>, vector<16xf32>,
        %add3A_320 = arith.constant 64 : i32
        %add3A_321 = arith.addi %add3A_320, %scan3A_310 : i32
        %get3A_322 = arith.constant 0 : i32
        %get3A_323 = arith.index_cast %get3A_322 : i32 to index
        %get3A_324 = arith.index_cast %add3A_321 : i32 to index
        %get3A_325 = arith.constant 0 : index
        %get3A_326 = tpu.vector_load %arg9[%get3A_323, %get3A_324, %get3A_325] {strides = array<i32>} : memref<2x128x144xf32, #tpu.memory_space<vmem>>, vector<16xf32>,
        %add3A_327 = arith.addf %get3A_319, %get3A_326 : vector<16xf32>
        %mul3A_328 = arith.constant 2.000000e-01 : f32
        %mul3A_329 = vector.broadcast %mul3A_328 : f32 to vector<16xf32>
        %mul3A_330 = arith.mulf %mul3A_329, %add3A_327 : vector<16xf32>
        %max3A = arith.maximumf %add3A_327, %mul3A_330 : vector<16xf32>
        %mul3A_331 = arith.mulf %max3A, %get3A_18 : vector<16xf32>
        %add3A_332 = arith.addf %broadcast_in_dim3A_312, %mul3A_331 : vector<16xf32>
        %get3A_333 = arith.constant 0 : i32
        %get3A_334 = arith.index_cast %get3A_333 : i32 to index
        %get3A_335 = arith.index_cast %scan3A_310 : i32 to index
        %get3A_336 = arith.constant 16 : index
        %get3A_337 = tpu.vector_load %arg9[%get3A_334, %get3A_335, %get3A_336] {strides = array<i32>} : memref<2x128x144xf32, #tpu.memory_space<vmem>>, vector<16xf32>,
        %add3A_338 = arith.constant 64 : i32
        %add3A_339 = arith.addi %add3A_338, %scan3A_310 : i32
        %get3A_340 = arith.constant 0 : i32
        %get3A_341 = arith.index_cast %get3A_340 : i32 to index
        %get3A_342 = arith.index_cast %add3A_339 : i32 to index
        %get3A_343 = arith.constant 16 : index
        %get3A_344 = tpu.vector_load %arg9[%get3A_341, %get3A_342, %get3A_343] {strides = array<i32>} : memref<2x128x144xf32, #tpu.memory_space<vmem>>, vector<16xf32>,
        %add3A_345 = arith.addf %get3A_337, %get3A_344 : vector<16xf32>
        %mul3A_346 = arith.constant 2.000000e-01 : f32
        %mul3A_347 = vector.broadcast %mul3A_346 : f32 to vector<16xf32>
        %mul3A_348 = arith.mulf %mul3A_347, %add3A_345 : vector<16xf32>
        %max3A_349 = arith.maximumf %add3A_345, %mul3A_348 : vector<16xf32>
        %mul3A_350 = arith.mulf %max3A_349, %get3A_20 : vector<16xf32>
        %add3A_351 = arith.addf %broadcast_in_dim3A_314, %mul3A_350 : vector<16xf32>
        %get3A_352 = arith.constant 0 : i32
        %get3A_353 = arith.index_cast %get3A_352 : i32 to index
        %get3A_354 = arith.index_cast %scan3A_310 : i32 to index
        %get3A_355 = arith.constant 32 : index
        %get3A_356 = tpu.vector_load %arg9[%get3A_353, %get3A_354, %get3A_355] {strides = array<i32>} : memref<2x128x144xf32, #tpu.memory_space<vmem>>, vector<16xf32>,
        %add3A_357 = arith.constant 64 : i32
        %add3A_358 = arith.addi %add3A_357, %scan3A_310 : i32
        %get3A_359 = arith.constant 0 : i32
        %get3A_360 = arith.index_cast %get3A_359 : i32 to index
        %get3A_361 = arith.index_cast %add3A_358 : i32 to index
        %get3A_362 = arith.constant 32 : index
        %get3A_363 = tpu.vector_load %arg9[%get3A_360, %get3A_361, %get3A_362] {strides = array<i32>} : memref<2x128x144xf32, #tpu.memory_space<vmem>>, vector<16xf32>,
        %add3A_364 = arith.addf %get3A_356, %get3A_363 : vector<16xf32>
        %mul3A_365 = arith.constant 2.000000e-01 : f32
        %mul3A_366 = vector.broadcast %mul3A_365 : f32 to vector<16xf32>
        %mul3A_367 = arith.mulf %mul3A_366, %add3A_364 : vector<16xf32>
        %max3A_368 = arith.maximumf %add3A_364, %mul3A_367 : vector<16xf32>
        %mul3A_369 = arith.mulf %max3A_368, %get3A_22 : vector<16xf32>
        %add3A_370 = arith.addf %add3A_332, %mul3A_369 : vector<16xf32>
        %get3A_371 = arith.constant 0 : i32
        %get3A_372 = arith.index_cast %get3A_371 : i32 to index
        %get3A_373 = arith.index_cast %scan3A_310 : i32 to index
        %get3A_374 = arith.constant 48 : index
        %get3A_375 = tpu.vector_load %arg9[%get3A_372, %get3A_373, %get3A_374] {strides = array<i32>} : memref<2x128x144xf32, #tpu.memory_space<vmem>>, vector<16xf32>,
        %add3A_376 = arith.constant 64 : i32
        %add3A_377 = arith.addi %add3A_376, %scan3A_310 : i32
        %get3A_378 = arith.constant 0 : i32
        %get3A_379 = arith.index_cast %get3A_378 : i32 to index
        %get3A_380 = arith.index_cast %add3A_377 : i32 to index
        %get3A_381 = arith.constant 48 : index
        %get3A_382 = tpu.vector_load %arg9[%get3A_379, %get3A_380, %get3A_381] {strides = array<i32>} : memref<2x128x144xf32, #tpu.memory_space<vmem>>, vector<16xf32>,
        %add3A_383 = arith.addf %get3A_375, %get3A_382 : vector<16xf32>
        %mul3A_384 = arith.constant 2.000000e-01 : f32
        %mul3A_385 = vector.broadcast %mul3A_384 : f32 to vector<16xf32>
        %mul3A_386 = arith.mulf %mul3A_385, %add3A_383 : vector<16xf32>
        %max3A_387 = arith.maximumf %add3A_383, %mul3A_386 : vector<16xf32>
        %mul3A_388 = arith.mulf %max3A_387, %get3A_24 : vector<16xf32>
        %add3A_389 = arith.addf %add3A_351, %mul3A_388 : vector<16xf32>
        %get3A_390 = arith.constant 0 : i32
        %get3A_391 = arith.index_cast %get3A_390 : i32 to index
        %get3A_392 = arith.index_cast %scan3A_310 : i32 to index
        %get3A_393 = arith.constant 64 : index
        %get3A_394 = tpu.vector_load %arg9[%get3A_391, %get3A_392, %get3A_393] {strides = array<i32>} : memref<2x128x144xf32, #tpu.memory_space<vmem>>, vector<16xf32>,
        %add3A_395 = arith.constant 64 : i32
        %add3A_396 = arith.addi %add3A_395, %scan3A_310 : i32
        %get3A_397 = arith.constant 0 : i32
        %get3A_398 = arith.index_cast %get3A_397 : i32 to index
        %get3A_399 = arith.index_cast %add3A_396 : i32 to index
        %get3A_400 = arith.constant 64 : index
        %get3A_401 = tpu.vector_load %arg9[%get3A_398, %get3A_399, %get3A_400] {strides = array<i32>} : memref<2x128x144xf32, #tpu.memory_space<vmem>>, vector<16xf32>,
        %add3A_402 = arith.addf %get3A_394, %get3A_401 : vector<16xf32>
        %mul3A_403 = arith.constant 2.000000e-01 : f32
        %mul3A_404 = vector.broadcast %mul3A_403 : f32 to vector<16xf32>
        %mul3A_405 = arith.mulf %mul3A_404, %add3A_402 : vector<16xf32>
        %max3A_406 = arith.maximumf %add3A_402, %mul3A_405 : vector<16xf32>
        %mul3A_407 = arith.mulf %max3A_406, %get3A_26 : vector<16xf32>
        %add3A_408 = arith.addf %add3A_370, %mul3A_407 : vector<16xf32>
        %get3A_409 = arith.constant 0 : i32
        %get3A_410 = arith.index_cast %get3A_409 : i32 to index
        %get3A_411 = arith.index_cast %scan3A_310 : i32 to index
        %get3A_412 = arith.constant 80 : index
        %get3A_413 = tpu.vector_load %arg9[%get3A_410, %get3A_411, %get3A_412] {strides = array<i32>} : memref<2x128x144xf32, #tpu.memory_space<vmem>>, vector<16xf32>,
        %add3A_414 = arith.constant 64 : i32
        %add3A_415 = arith.addi %add3A_414, %scan3A_310 : i32
        %get3A_416 = arith.constant 0 : i32
        %get3A_417 = arith.index_cast %get3A_416 : i32 to index
        %get3A_418 = arith.index_cast %add3A_415 : i32 to index
        %get3A_419 = arith.constant 80 : index
        %get3A_420 = tpu.vector_load %arg9[%get3A_417, %get3A_418, %get3A_419] {strides = array<i32>} : memref<2x128x144xf32, #tpu.memory_space<vmem>>, vector<16xf32>,
        %add3A_421 = arith.addf %get3A_413, %get3A_420 : vector<16xf32>
        %mul3A_422 = arith.constant 2.000000e-01 : f32
        %mul3A_423 = vector.broadcast %mul3A_422 : f32 to vector<16xf32>
        %mul3A_424 = arith.mulf %mul3A_423, %add3A_421 : vector<16xf32>
        %max3A_425 = arith.maximumf %add3A_421, %mul3A_424 : vector<16xf32>
        %mul3A_426 = arith.mulf %max3A_425, %get3A_28 : vector<16xf32>
        %add3A_427 = arith.addf %add3A_389, %mul3A_426 : vector<16xf32>
        %get3A_428 = arith.constant 0 : i32
        %get3A_429 = arith.index_cast %get3A_428 : i32 to index
        %get3A_430 = arith.index_cast %scan3A_310 : i32 to index
        %get3A_431 = arith.constant 96 : index
        %get3A_432 = tpu.vector_load %arg9[%get3A_429, %get3A_430, %get3A_431] {strides = array<i32>} : memref<2x128x144xf32, #tpu.memory_space<vmem>>, vector<16xf32>,
        %add3A_433 = arith.constant 64 : i32
        %add3A_434 = arith.addi %add3A_433, %scan3A_310 : i32
        %get3A_435 = arith.constant 0 : i32
        %get3A_436 = arith.index_cast %get3A_435 : i32 to index
        %get3A_437 = arith.index_cast %add3A_434 : i32 to index
        %get3A_438 = arith.constant 96 : index
        %get3A_439 = tpu.vector_load %arg9[%get3A_436, %get3A_437, %get3A_438] {strides = array<i32>} : memref<2x128x144xf32, #tpu.memory_space<vmem>>, vector<16xf32>,
        %add3A_440 = arith.addf %get3A_432, %get3A_439 : vector<16xf32>
        %mul3A_441 = arith.constant 2.000000e-01 : f32
        %mul3A_442 = vector.broadcast %mul3A_441 : f32 to vector<16xf32>
        %mul3A_443 = arith.mulf %mul3A_442, %add3A_440 : vector<16xf32>
        %max3A_444 = arith.maximumf %add3A_440, %mul3A_443 : vector<16xf32>
        %mul3A_445 = arith.mulf %max3A_444, %get3A_30 : vector<16xf32>
        %add3A_446 = arith.addf %add3A_408, %mul3A_445 : vector<16xf32>
        %get3A_447 = arith.constant 0 : i32
        %get3A_448 = arith.index_cast %get3A_447 : i32 to index
        %get3A_449 = arith.index_cast %scan3A_310 : i32 to index
        %get3A_450 = arith.constant 112 : index
        %get3A_451 = tpu.vector_load %arg9[%get3A_448, %get3A_449, %get3A_450] {strides = array<i32>} : memref<2x128x144xf32, #tpu.memory_space<vmem>>, vector<16xf32>,
        %add3A_452 = arith.constant 64 : i32
        %add3A_453 = arith.addi %add3A_452, %scan3A_310 : i32
        %get3A_454 = arith.constant 0 : i32
        %get3A_455 = arith.index_cast %get3A_454 : i32 to index
        %get3A_456 = arith.index_cast %add3A_453 : i32 to index
        %get3A_457 = arith.constant 112 : index
        %get3A_458 = tpu.vector_load %arg9[%get3A_455, %get3A_456, %get3A_457] {strides = array<i32>} : memref<2x128x144xf32, #tpu.memory_space<vmem>>, vector<16xf32>,
        %add3A_459 = arith.addf %get3A_451, %get3A_458 : vector<16xf32>
        %mul3A_460 = arith.constant 2.000000e-01 : f32
        %mul3A_461 = vector.broadcast %mul3A_460 : f32 to vector<16xf32>
        %mul3A_462 = arith.mulf %mul3A_461, %add3A_459 : vector<16xf32>
        %max3A_463 = arith.maximumf %add3A_459, %mul3A_462 : vector<16xf32>
        %mul3A_464 = arith.mulf %max3A_463, %get3A_32 : vector<16xf32>
        %add3A_465 = arith.addf %add3A_427, %mul3A_464 : vector<16xf32>
        %add3A_466 = arith.addf %add3A_446, %add3A_465 : vector<16xf32>
        %reduce_sum3A = arith.constant true
        %reduce_sum3A_467 = vector.broadcast %reduce_sum3A : i1 to vector<16xi1>
        %reduce_sum3A_468 = tpu.scan <sum>, %add3A_466 masked %reduce_sum3A_467 : vector<16xf32>, vector<16xi1> -> vector<16xf32>
        %reduce_sum3A_469 = vector.extract %reduce_sum3A_468[15] : f32 from vector<16xf32>
        %add3A_470 = arith.constant 64 : i32
        %add3A_471 = arith.addi %add3A_470, %scan3A_310 : i32
        %get3A_472 = arith.constant 0 : i32
        %get3A_473 = arith.index_cast %get3A_472 : i32 to index
        %get3A_474 = arith.index_cast %add3A_471 : i32 to index
        %get3A_475 = arith.constant 128 : index
        %get3A_476 = tpu.vector_load %arg9[%get3A_473, %get3A_474, %get3A_475] {strides = array<i32>} : memref<2x128x144xf32, #tpu.memory_space<vmem>>, vector<16xf32>,
        %broadcast_in_dim3A_477 = vector.broadcast %reduce_sum3A_469 : f32 to vector<16xf32>
        %sub3A_478 = arith.subf %broadcast_in_dim3A_477, %get3A_476 : vector<16xf32>
        %jit3A = arith.constant -6.000000e+01 : f32
        %jit3A_479 = arith.constant 6.000000e+01 : f32
        %max3A_480 = vector.broadcast %jit3A : f32 to vector<16xf32>
        %max3A_481 = arith.maximumf %max3A_480, %sub3A_478 : vector<16xf32>
        %min3A = vector.broadcast %jit3A_479 : f32 to vector<16xf32>
        %min3A_482 = arith.minimumf %min3A, %max3A_481 : vector<16xf32>
        %exp3A = math.exp %min3A_482 : vector<16xf32>
        %add3A_483 = arith.addi %add3A_154, %scan3A_310 : i32
        %broadcast_in_dim3A_484 = vector.broadcast %add3A_483 : i32 to vector<16xi32>
        %lt3A_485 = arith.constant 330000 : i32
        %lt3A_486 = vector.broadcast %lt3A_485 : i32 to vector<16xi32>
        %lt3A_487 = arith.cmpi slt, %broadcast_in_dim3A_484, %lt3A_486 : vector<16xi32>
        %jit3A_488 = arith.constant 0.000000e+00 : f32
        %broadcast_in_dim3A_489 = vector.broadcast %jit3A_488 : f32 to vector<16xf32>
        %select_n3A = arith.select %lt3A_487, %exp3A, %broadcast_in_dim3A_489 : vector<16xi1>, vector<16xf32>
        %mul3A_490 = arith.mulf %get3A_319, %select_n3A : vector<16xf32>
        %swap3A_491 = arith.constant 0 : i32
        %swap3A_492 = arith.index_cast %swap3A_491 : i32 to index
        %swap3A_493 = arith.index_cast %scan3A_310 : i32 to index
        %swap3A_494 = arith.constant 0 : index
        %swap3A_495 = tpu.vector_load %arg9[%swap3A_492, %swap3A_493, %swap3A_494] {strides = array<i32>} : memref<2x128x144xf32, #tpu.memory_space<vmem>>, vector<16xf32>,
        tpu.vector_store %arg9[%swap3A_492, %swap3A_493, %swap3A_494], %mul3A_490 {strides = array<i32>} : memref<2x128x144xf32, #tpu.memory_space<vmem>>, vector<16xf32>,
        %mul3A_496 = arith.mulf %get3A_337, %select_n3A : vector<16xf32>
        %swap3A_497 = arith.constant 0 : i32
        %swap3A_498 = arith.index_cast %swap3A_497 : i32 to index
        %swap3A_499 = arith.index_cast %scan3A_310 : i32 to index
        %swap3A_500 = arith.constant 16 : index
        %swap3A_501 = tpu.vector_load %arg9[%swap3A_498, %swap3A_499, %swap3A_500] {strides = array<i32>} : memref<2x128x144xf32, #tpu.memory_space<vmem>>, vector<16xf32>,
        tpu.vector_store %arg9[%swap3A_498, %swap3A_499, %swap3A_500], %mul3A_496 {strides = array<i32>} : memref<2x128x144xf32, #tpu.memory_space<vmem>>, vector<16xf32>,
        %mul3A_502 = arith.mulf %get3A_356, %select_n3A : vector<16xf32>
        %swap3A_503 = arith.constant 0 : i32
        %swap3A_504 = arith.index_cast %swap3A_503 : i32 to index
        %swap3A_505 = arith.index_cast %scan3A_310 : i32 to index
        %swap3A_506 = arith.constant 32 : index
        %swap3A_507 = tpu.vector_load %arg9[%swap3A_504, %swap3A_505, %swap3A_506] {strides = array<i32>} : memref<2x128x144xf32, #tpu.memory_space<vmem>>, vector<16xf32>,
        tpu.vector_store %arg9[%swap3A_504, %swap3A_505, %swap3A_506], %mul3A_502 {strides = array<i32>} : memref<2x128x144xf32, #tpu.memory_space<vmem>>, vector<16xf32>,
        %mul3A_508 = arith.mulf %get3A_375, %select_n3A : vector<16xf32>
        %swap3A_509 = arith.constant 0 : i32
        %swap3A_510 = arith.index_cast %swap3A_509 : i32 to index
        %swap3A_511 = arith.index_cast %scan3A_310 : i32 to index
        %swap3A_512 = arith.constant 48 : index
        %swap3A_513 = tpu.vector_load %arg9[%swap3A_510, %swap3A_511, %swap3A_512] {strides = array<i32>} : memref<2x128x144xf32, #tpu.memory_space<vmem>>, vector<16xf32>,
        tpu.vector_store %arg9[%swap3A_510, %swap3A_511, %swap3A_512], %mul3A_508 {strides = array<i32>} : memref<2x128x144xf32, #tpu.memory_space<vmem>>, vector<16xf32>,
        %mul3A_514 = arith.mulf %get3A_394, %select_n3A : vector<16xf32>
        %swap3A_515 = arith.constant 0 : i32
        %swap3A_516 = arith.index_cast %swap3A_515 : i32 to index
        %swap3A_517 = arith.index_cast %scan3A_310 : i32 to index
        %swap3A_518 = arith.constant 64 : index
        %swap3A_519 = tpu.vector_load %arg9[%swap3A_516, %swap3A_517, %swap3A_518] {strides = array<i32>} : memref<2x128x144xf32, #tpu.memory_space<vmem>>, vector<16xf32>,
        tpu.vector_store %arg9[%swap3A_516, %swap3A_517, %swap3A_518], %mul3A_514 {strides = array<i32>} : memref<2x128x144xf32, #tpu.memory_space<vmem>>, vector<16xf32>,
        %mul3A_520 = arith.mulf %get3A_413, %select_n3A : vector<16xf32>
        %swap3A_521 = arith.constant 0 : i32
        %swap3A_522 = arith.index_cast %swap3A_521 : i32 to index
        %swap3A_523 = arith.index_cast %scan3A_310 : i32 to index
        %swap3A_524 = arith.constant 80 : index
        %swap3A_525 = tpu.vector_load %arg9[%swap3A_522, %swap3A_523, %swap3A_524] {strides = array<i32>} : memref<2x128x144xf32, #tpu.memory_space<vmem>>, vector<16xf32>,
        tpu.vector_store %arg9[%swap3A_522, %swap3A_523, %swap3A_524], %mul3A_520 {strides = array<i32>} : memref<2x128x144xf32, #tpu.memory_space<vmem>>, vector<16xf32>,
        %mul3A_526 = arith.mulf %get3A_432, %select_n3A : vector<16xf32>
        %swap3A_527 = arith.constant 0 : i32
        %swap3A_528 = arith.index_cast %swap3A_527 : i32 to index
        %swap3A_529 = arith.index_cast %scan3A_310 : i32 to index
        %swap3A_530 = arith.constant 96 : index
        %swap3A_531 = tpu.vector_load %arg9[%swap3A_528, %swap3A_529, %swap3A_530] {strides = array<i32>} : memref<2x128x144xf32, #tpu.memory_space<vmem>>, vector<16xf32>,
        tpu.vector_store %arg9[%swap3A_528, %swap3A_529, %swap3A_530], %mul3A_526 {strides = array<i32>} : memref<2x128x144xf32, #tpu.memory_space<vmem>>, vector<16xf32>,
        %mul3A_532 = arith.mulf %get3A_451, %select_n3A : vector<16xf32>
        %swap3A_533 = arith.constant 0 : i32
        %swap3A_534 = arith.index_cast %swap3A_533 : i32 to index
        %swap3A_535 = arith.index_cast %scan3A_310 : i32 to index
        %swap3A_536 = arith.constant 112 : index
        %swap3A_537 = tpu.vector_load %arg9[%swap3A_534, %swap3A_535, %swap3A_536] {strides = array<i32>} : memref<2x128x144xf32, #tpu.memory_space<vmem>>, vector<16xf32>,
        tpu.vector_store %arg9[%swap3A_534, %swap3A_535, %swap3A_536], %mul3A_532 {strides = array<i32>} : memref<2x128x144xf32, #tpu.memory_space<vmem>>, vector<16xf32>,
        %swap3A_538 = arith.constant 0 : i32
        %swap3A_539 = arith.index_cast %swap3A_538 : i32 to index
        %swap3A_540 = arith.index_cast %scan3A_310 : i32 to index
        %swap3A_541 = arith.constant 128 : index
        %swap3A_542 = tpu.vector_load %arg9[%swap3A_539, %swap3A_540, %swap3A_541] {strides = array<i32>} : memref<2x128x144xf32, #tpu.memory_space<vmem>>, vector<16xf32>,
        tpu.vector_store %arg9[%swap3A_539, %swap3A_540, %swap3A_541], %select_n3A {strides = array<i32>} : memref<2x128x144xf32, #tpu.memory_space<vmem>>, vector<16xf32>,
      }
      %scan3A_194 = arith.constant 64 : i32
      %lt3A = arith.constant 81 : i32
      %lt3A_195 = arith.cmpi slt, %scan3A_101, %lt3A : i32
      %convert_element_type3A_196 = arith.extui %lt3A_195 : i1 to i32
      %cond3A_197 = arith.constant 0 : i32
      %cond3A_198 = arith.cmpi ne, %convert_element_type3A_196, %cond3A_197 : i32
      scf.if %cond3A_198 {
        %add3A_310 = arith.constant 2 : i32
        %add3A_311 = arith.addi %add3A_105, %add3A_310 : i32
        %dma_start3A_312 = arith.constant 0 : i32
        %dma_start3A_313 = arith.constant 0 : i32
        %dma_start3A_314 = tpu.memref_slice %arg7[%dma_start3A_312, %dma_start3A_313] : memref<2x128xi32, #tpu.memory_space<vmem>> -> memref<1x128xi32, #tpu.memory_space<vmem>>
        %dma_start3A_315 = tpu.memref_squeeze %dma_start3A_314 : memref<1x128xi32, #tpu.memory_space<vmem>> -> memref<128xi32, #tpu.memory_space<vmem>>
        %dma_start3A_316 = arith.constant 0 : i32
        %dma_start3A_317 = tpu.memref_slice %arg3[%add3A, %add3A_311, %dma_start3A_316] : memref<32x164x128xi32, #tpu.memory_space<hbm>> -> memref<1x1x128xi32, #tpu.memory_space<hbm>>
        %dma_start3A_318 = tpu.memref_squeeze %dma_start3A_317 : memref<1x1x128xi32, #tpu.memory_space<hbm>> -> memref<128xi32, #tpu.memory_space<hbm>>
        %dma_start3A_319 = arith.constant 0 : i32
        %dma_start3A_320 = tpu.memref_slice %arg7[%dma_start3A_312, %dma_start3A_319] : memref<2x128xi32, #tpu.memory_space<vmem>> -> memref<1x128xi32, #tpu.memory_space<vmem>>
        %dma_start3A_321 = tpu.memref_squeeze %dma_start3A_320 : memref<1x128xi32, #tpu.memory_space<vmem>> -> memref<128xi32, #tpu.memory_space<vmem>>
        %dma_start3A_322 = arith.constant 0 : i32
        %dma_start3A_323 = tpu.memref_slice %arg3[%add3A, %add3A_311, %dma_start3A_322] : memref<32x164x128xi32, #tpu.memory_space<hbm>> -> memref<1x1x128xi32, #tpu.memory_space<hbm>>
        %dma_start3A_324 = tpu.memref_squeeze %dma_start3A_323 : memref<1x1x128xi32, #tpu.memory_space<hbm>> -> memref<128xi32, #tpu.memory_space<hbm>>
        tpu.enqueue_dma source(%dma_start3A_324 : memref<128xi32, #tpu.memory_space<hbm>>) target(%dma_start3A_321 : memref<128xi32, #tpu.memory_space<vmem>>) target_semaphore(%arg15 : memref<!tpu.dma_semaphore, #tpu.memory_space<semaphore_mem>>)
      } else {
      }
      %dma_start3A_199 = arith.constant 0 : i32
      %dma_start3A_200 = arith.constant 0 : i32
      %dma_start3A_201 = arith.constant 0 : i32
      %dma_start3A_202 = arith.constant 0 : i32
      %dma_start3A_203 = tpu.memref_slice %arg9[%dma_start3A_199, %dma_start3A_201, %dma_start3A_202] : memref<2x128x144xf32, #tpu.memory_space<vmem>> -> memref<1x64x144xf32, #tpu.memory_space<vmem>>
      %dma_start3A_204 = tpu.memref_squeeze %dma_start3A_203 : memref<1x64x144xf32, #tpu.memory_space<vmem>> -> memref<64x144xf32, #tpu.memory_space<vmem>>
      %dma_start3A_205 = arith.constant 0 : i32
      %dma_start3A_206 = tpu.memref_slice %arg8[%dma_start3A_200, %dma_start3A_205] : memref<2x64xi32, #tpu.memory_space<vmem>> -> memref<1x64xi32, #tpu.memory_space<vmem>>
      %dma_start3A_207 = tpu.memref_squeeze %dma_start3A_206 : memref<1x64xi32, #tpu.memory_space<vmem>> -> memref<64xi32, #tpu.memory_space<vmem>>
      %dma_start3A_208 = arith.constant 0 : i32
      %dma_start3A_209 = arith.constant 0 : i32
      %dma_start3A_210 = tpu.memref_slice %arg6[%dma_start3A_208, %dma_start3A_209] : memref<10000x144xf32, #tpu.memory_space<vmem_shared>> -> memref<10000x144xf32, #tpu.memory_space<vmem_shared>>
      tpu.enqueue_indirect_dma source(%dma_start3A_204 : memref<64x144xf32, #tpu.memory_space<vmem>>) target(%dma_start3A_210 : memref<10000x144xf32, #tpu.memory_space<vmem_shared>>) offsets(%dma_start3A_207 : memref<64xi32, #tpu.memory_space<vmem>>) semaphore(%arg13 : memref<!tpu.dma_semaphore, #tpu.memory_space<semaphore_mem>>) {add = true}
      %mul3A_211 = arith.constant 2 : i32
      %mul3A_212 = arith.muli %mul3A_211, %scan3A_101 : i32
      %add3A_213 = arith.constant 1 : i32
      %add3A_214 = arith.addi %mul3A_212, %add3A_213 : i32
      %sub3A_215 = arith.constant 1 : i32
      %sub3A_216 = arith.subi %add3A_214, %sub3A_215 : i32
      %dma_wait3A_217 = arith.constant 0 : i32
      %dma_wait3A_218 = arith.constant 0 : i32
      %dma_wait3A_219 = arith.constant 0 : i32
      %dma_wait3A_220 = arith.constant 0 : i32
      %dma_wait3A_221 = tpu.memref_slice %arg9[%dma_wait3A_217, %dma_wait3A_219, %dma_wait3A_220] : memref<2x128x144xf32, #tpu.memory_space<vmem>> -> memref<1x64x144xf32, #tpu.memory_space<vmem>>
      %dma_wait3A_222 = tpu.memref_squeeze %dma_wait3A_221 : memref<1x64x144xf32, #tpu.memory_space<vmem>> -> memref<64x144xf32, #tpu.memory_space<vmem>>
      %dma_wait3A_223 = arith.constant 0 : i32
      %dma_wait3A_224 = tpu.memref_slice %arg8[%dma_wait3A_218, %dma_wait3A_223] : memref<2x64xi32, #tpu.memory_space<vmem>> -> memref<1x64xi32, #tpu.memory_space<vmem>>
      %dma_wait3A_225 = tpu.memref_squeeze %dma_wait3A_224 : memref<1x64xi32, #tpu.memory_space<vmem>> -> memref<64xi32, #tpu.memory_space<vmem>>
      %dma_wait3A_226 = arith.constant 0 : i32
      %dma_wait3A_227 = arith.constant 0 : i32
      %dma_wait3A_228 = tpu.memref_slice %arg6[%dma_wait3A_226, %dma_wait3A_227] : memref<10000x144xf32, #tpu.memory_space<vmem_shared>> -> memref<10000x144xf32, #tpu.memory_space<vmem_shared>>
      tpu.wait_indirect_dma semaphore(%arg13 : memref<!tpu.dma_semaphore, #tpu.memory_space<semaphore_mem>>) src(%dma_wait3A_222 : memref<64x144xf32, #tpu.memory_space<vmem>>) dst(%dma_wait3A_228 : memref<10000x144xf32, #tpu.memory_space<vmem_shared>>)
      %lt3A_229 = arith.constant 81 : i32
      %lt3A_230 = arith.cmpi slt, %scan3A_101, %lt3A_229 : i32
      %convert_element_type3A_231 = arith.extui %lt3A_230 : i1 to i32
      %cond3A_232 = arith.constant 0 : i32
      %cond3A_233 = arith.cmpi ne, %convert_element_type3A_231, %cond3A_232 : i32
      scf.if %cond3A_233 {
        %dma_wait3A_310 = arith.constant 0 : i32
        %dma_wait3A_311 = arith.constant 0 : i32
        %dma_wait3A_312 = arith.constant 0 : i32
        %dma_wait3A_313 = tpu.memref_slice %arg7[%dma_wait3A_311, %dma_wait3A_312] : memref<2x128xi32, #tpu.memory_space<vmem>> -> memref<1x128xi32, #tpu.memory_space<vmem>>
        %dma_wait3A_314 = tpu.memref_squeeze %dma_wait3A_313 : memref<1x128xi32, #tpu.memory_space<vmem>> -> memref<128xi32, #tpu.memory_space<vmem>>
        %dma_wait3A_315 = arith.constant 0 : i32
        %dma_wait3A_316 = tpu.memref_slice %arg3[%add3A, %dma_wait3A_310, %dma_wait3A_315] : memref<32x164x128xi32, #tpu.memory_space<hbm>> -> memref<1x1x128xi32, #tpu.memory_space<hbm>>
        %dma_wait3A_317 = tpu.memref_squeeze %dma_wait3A_316 : memref<1x1x128xi32, #tpu.memory_space<hbm>> -> memref<128xi32, #tpu.memory_space<hbm>>
        %dma_wait3A_318 = arith.constant 0 : i32
        %dma_wait3A_319 = tpu.memref_slice %arg7[%dma_wait3A_311, %dma_wait3A_318] : memref<2x128xi32, #tpu.memory_space<vmem>> -> memref<1x128xi32, #tpu.memory_space<vmem>>
        %dma_wait3A_320 = tpu.memref_squeeze %dma_wait3A_319 : memref<1x128xi32, #tpu.memory_space<vmem>> -> memref<128xi32, #tpu.memory_space<vmem>>
        %dma_wait3A_321 = arith.constant 0 : i32
        %dma_wait3A_322 = tpu.memref_slice %arg3[%add3A, %dma_wait3A_310, %dma_wait3A_321] : memref<32x164x128xi32, #tpu.memory_space<hbm>> -> memref<1x1x128xi32, #tpu.memory_space<hbm>>
        %dma_wait3A_323 = tpu.memref_squeeze %dma_wait3A_322 : memref<1x1x128xi32, #tpu.memory_space<hbm>> -> memref<128xi32, #tpu.memory_space<hbm>>
        tpu.wait_dma2 semaphore(%arg15 : memref<!tpu.dma_semaphore, #tpu.memory_space<semaphore_mem>>) src(%dma_wait3A_323 : memref<128xi32, #tpu.memory_space<hbm>>) dst(%dma_wait3A_320 : memref<128xi32, #tpu.memory_space<vmem>>)
        %add3A_324 = arith.constant 1 : i32
        %add3A_325 = arith.addi %add3A_214, %add3A_324 : i32
        %dma_start3A_326 = arith.constant 0 : i32
        %dma_start3A_327 = arith.constant 0 : i32
        %dma_start3A_328 = arith.constant 0 : i32
        %dma_start3A_329 = arith.constant 0 : i32
        %dma_start3A_330 = tpu.memref_slice %arg9[%dma_start3A_327, %dma_start3A_328, %dma_start3A_329] : memref<2x128x144xf32, #tpu.memory_space<vmem>> -> memref<1x128x144xf32, #tpu.memory_space<vmem>>
        %dma_start3A_331 = tpu.memref_squeeze %dma_start3A_330 : memref<1x128x144xf32, #tpu.memory_space<vmem>> -> memref<128x144xf32, #tpu.memory_space<vmem>>
        %dma_start3A_332 = arith.constant 0 : i32
        %dma_start3A_333 = tpu.memref_slice %arg7[%dma_start3A_326, %dma_start3A_332] : memref<2x128xi32, #tpu.memory_space<vmem>> -> memref<1x128xi32, #tpu.memory_space<vmem>>
        %dma_start3A_334 = tpu.memref_squeeze %dma_start3A_333 : memref<1x128xi32, #tpu.memory_space<vmem>> -> memref<128xi32, #tpu.memory_space<vmem>>
        %dma_start3A_335 = arith.constant 0 : i32
        %dma_start3A_336 = arith.constant 0 : i32
        %dma_start3A_337 = tpu.memref_slice %arg2[%dma_start3A_335, %dma_start3A_336] : memref<20000x144xf32, #tpu.memory_space<hbm>> -> memref<20000x144xf32, #tpu.memory_space<hbm>>
        tpu.enqueue_indirect_dma source(%dma_start3A_337 : memref<20000x144xf32, #tpu.memory_space<hbm>>) target(%dma_start3A_331 : memref<128x144xf32, #tpu.memory_space<vmem>>) offsets(%dma_start3A_334 : memref<128xi32, #tpu.memory_space<vmem>>) semaphore(%arg11 : memref<!tpu.dma_semaphore, #tpu.memory_space<semaphore_mem>>)
      } else {
      }
      %dma_wait3A_234 = arith.constant 1 : i32
      %dma_wait3A_235 = arith.constant 1 : i32
      %dma_wait3A_236 = arith.constant 0 : i32
      %dma_wait3A_237 = arith.constant 0 : i32
      %dma_wait3A_238 = tpu.memref_slice %arg9[%dma_wait3A_235, %dma_wait3A_236, %dma_wait3A_237] : memref<2x128x144xf32, #tpu.memory_space<vmem>> -> memref<1x128x144xf32, #tpu.memory_space<vmem>>
      %dma_wait3A_239 = tpu.memref_squeeze %dma_wait3A_238 : memref<1x128x144xf32, #tpu.memory_space<vmem>> -> memref<128x144xf32, #tpu.memory_space<vmem>>
      %dma_wait3A_240 = arith.constant 0 : i32
      %dma_wait3A_241 = tpu.memref_slice %arg7[%dma_wait3A_234, %dma_wait3A_240] : memref<2x128xi32, #tpu.memory_space<vmem>> -> memref<1x128xi32, #tpu.memory_space<vmem>>
      %dma_wait3A_242 = tpu.memref_squeeze %dma_wait3A_241 : memref<1x128xi32, #tpu.memory_space<vmem>> -> memref<128xi32, #tpu.memory_space<vmem>>
      %dma_wait3A_243 = arith.constant 0 : i32
      %dma_wait3A_244 = arith.constant 0 : i32
      %dma_wait3A_245 = tpu.memref_slice %arg2[%dma_wait3A_243, %dma_wait3A_244] : memref<20000x144xf32, #tpu.memory_space<hbm>> -> memref<20000x144xf32, #tpu.memory_space<hbm>>
      tpu.wait_indirect_dma semaphore(%arg12 : memref<!tpu.dma_semaphore, #tpu.memory_space<semaphore_mem>>) src(%dma_wait3A_245 : memref<20000x144xf32, #tpu.memory_space<hbm>>) dst(%dma_wait3A_239 : memref<128x144xf32, #tpu.memory_space<vmem>>)
      %mul3A_246 = arith.constant 10496 : i32
      %mul3A_247 = arith.muli %add3A, %mul3A_246 : i32
      %mul3A_248 = arith.constant 64 : i32
      %mul3A_249 = arith.muli %add3A_214, %mul3A_248 : i32
      %add3A_250 = arith.addi %mul3A_247, %mul3A_249 : i32
      %get3A_251 = arith.constant 1 : i32
      %get3A_252 = arith.index_cast %get3A_251 : i32 to index
      %get3A_253 = arith.constant 64 : index
      %get3A_254 = tpu.vector_load %arg7[%get3A_252, %get3A_253] {strides = array<i32>} : memref<2x128xi32, #tpu.memory_space<vmem>>, vector<16xi32>,
      %sub3A_255 = arith.subi %get3A_254, %broadcast_in_dim3A_34 : vector<16xi32>
      %swap3A_256 = arith.constant 1 : i32
      %swap3A_257 = arith.index_cast %swap3A_256 : i32 to index
      %swap3A_258 = arith.constant 0 : index
      %swap3A_259 = tpu.vector_load %arg8[%swap3A_257, %swap3A_258] {strides = array<i32>} : memref<2x64xi32, #tpu.memory_space<vmem>>, vector<16xi32>,
      tpu.vector_store %arg8[%swap3A_257, %swap3A_258], %sub3A_255 {strides = array<i32>} : memref<2x64xi32, #tpu.memory_space<vmem>>, vector<16xi32>,
      %get3A_260 = arith.constant 1 : i32
      %get3A_261 = arith.index_cast %get3A_260 : i32 to index
      %get3A_262 = arith.constant 80 : index
      %get3A_263 = tpu.vector_load %arg7[%get3A_261, %get3A_262] {strides = array<i32>} : memref<2x128xi32, #tpu.memory_space<vmem>>, vector<16xi32>,
      %sub3A_264 = arith.subi %get3A_263, %broadcast_in_dim3A_34 : vector<16xi32>
      %swap3A_265 = arith.constant 1 : i32
      %swap3A_266 = arith.index_cast %swap3A_265 : i32 to index
      %swap3A_267 = arith.constant 16 : index
      %swap3A_268 = tpu.vector_load %arg8[%swap3A_266, %swap3A_267] {strides = array<i32>} : memref<2x64xi32, #tpu.memory_space<vmem>>, vector<16xi32>,
      tpu.vector_store %arg8[%swap3A_266, %swap3A_267], %sub3A_264 {strides = array<i32>} : memref<2x64xi32, #tpu.memory_space<vmem>>, vector<16xi32>,
      %get3A_269 = arith.constant 1 : i32
      %get3A_270 = arith.index_cast %get3A_269 : i32 to index
      %get3A_271 = arith.constant 96 : index
      %get3A_272 = tpu.vector_load %arg7[%get3A_270, %get3A_271] {strides = array<i32>} : memref<2x128xi32, #tpu.memory_space<vmem>>, vector<16xi32>,
      %sub3A_273 = arith.subi %get3A_272, %broadcast_in_dim3A_34 : vector<16xi32>
      %swap3A_274 = arith.constant 1 : i32
      %swap3A_275 = arith.index_cast %swap3A_274 : i32 to index
      %swap3A_276 = arith.constant 32 : index
      %swap3A_277 = tpu.vector_load %arg8[%swap3A_275, %swap3A_276] {strides = array<i32>} : memref<2x64xi32, #tpu.memory_space<vmem>>, vector<16xi32>,
      tpu.vector_store %arg8[%swap3A_275, %swap3A_276], %sub3A_273 {strides = array<i32>} : memref<2x64xi32, #tpu.memory_space<vmem>>, vector<16xi32>,
      %get3A_278 = arith.constant 1 : i32
      %get3A_279 = arith.index_cast %get3A_278 : i32 to index
      %get3A_280 = arith.constant 112 : index
      %get3A_281 = tpu.vector_load %arg7[%get3A_279, %get3A_280] {strides = array<i32>} : memref<2x128xi32, #tpu.memory_space<vmem>>, vector<16xi32>,
      %sub3A_282 = arith.subi %get3A_281, %broadcast_in_dim3A_34 : vector<16xi32>
      %swap3A_283 = arith.constant 1 : i32
      %swap3A_284 = arith.index_cast %swap3A_283 : i32 to index
      %swap3A_285 = arith.constant 48 : index
      %swap3A_286 = tpu.vector_load %arg8[%swap3A_284, %swap3A_285] {strides = array<i32>} : memref<2x64xi32, #tpu.memory_space<vmem>>, vector<16xi32>,
      tpu.vector_store %arg8[%swap3A_284, %swap3A_285], %sub3A_282 {strides = array<i32>} : memref<2x64xi32, #tpu.memory_space<vmem>>, vector<16xi32>,
      %scan3A_287 = arith.constant 0 : i32
      %scan3A_288 = arith.constant 0 : i32
      %scan3A_289 = arith.constant 64 : i32
      %scan3A_290 = arith.addi %scan3A_288, %scan3A_289 : i32
      %scan3A_291 = arith.constant 1 : i32
      scf.for %scan3A_310 = %scan3A_288 to %scan3A_290 step %scan3A_291  : i32 {
        %broadcast_in_dim3A_311 = arith.constant 0.000000e+00 : f32
        %broadcast_in_dim3A_312 = vector.broadcast %broadcast_in_dim3A_311 : f32 to vector<16xf32>
        %broadcast_in_dim3A_313 = arith.constant 0.000000e+00 : f32
        %broadcast_in_dim3A_314 = vector.broadcast %broadcast_in_dim3A_313 : f32 to vector<16xf32>
        %get3A_315 = arith.constant 1 : i32
        %get3A_316 = arith.index_cast %get3A_315 : i32 to index
        %get3A_317 = arith.index_cast %scan3A_310 : i32 to index
        %get3A_318 = arith.constant 0 : index
        %get3A_319 = tpu.vector_load %arg9[%get3A_316, %get3A_317, %get3A_318] {strides = array<i32>} : memref<2x128x144xf32, #tpu.memory_space<vmem>>, vector<16xf32>,
        %add3A_320 = arith.constant 64 : i32
        %add3A_321 = arith.addi %add3A_320, %scan3A_310 : i32
        %get3A_322 = arith.constant 1 : i32
        %get3A_323 = arith.index_cast %get3A_322 : i32 to index
        %get3A_324 = arith.index_cast %add3A_321 : i32 to index
        %get3A_325 = arith.constant 0 : index
        %get3A_326 = tpu.vector_load %arg9[%get3A_323, %get3A_324, %get3A_325] {strides = array<i32>} : memref<2x128x144xf32, #tpu.memory_space<vmem>>, vector<16xf32>,
        %add3A_327 = arith.addf %get3A_319, %get3A_326 : vector<16xf32>
        %mul3A_328 = arith.constant 2.000000e-01 : f32
        %mul3A_329 = vector.broadcast %mul3A_328 : f32 to vector<16xf32>
        %mul3A_330 = arith.mulf %mul3A_329, %add3A_327 : vector<16xf32>
        %max3A = arith.maximumf %add3A_327, %mul3A_330 : vector<16xf32>
        %mul3A_331 = arith.mulf %max3A, %get3A_18 : vector<16xf32>
        %add3A_332 = arith.addf %broadcast_in_dim3A_312, %mul3A_331 : vector<16xf32>
        %get3A_333 = arith.constant 1 : i32
        %get3A_334 = arith.index_cast %get3A_333 : i32 to index
        %get3A_335 = arith.index_cast %scan3A_310 : i32 to index
        %get3A_336 = arith.constant 16 : index
        %get3A_337 = tpu.vector_load %arg9[%get3A_334, %get3A_335, %get3A_336] {strides = array<i32>} : memref<2x128x144xf32, #tpu.memory_space<vmem>>, vector<16xf32>,
        %add3A_338 = arith.constant 64 : i32
        %add3A_339 = arith.addi %add3A_338, %scan3A_310 : i32
        %get3A_340 = arith.constant 1 : i32
        %get3A_341 = arith.index_cast %get3A_340 : i32 to index
        %get3A_342 = arith.index_cast %add3A_339 : i32 to index
        %get3A_343 = arith.constant 16 : index
        %get3A_344 = tpu.vector_load %arg9[%get3A_341, %get3A_342, %get3A_343] {strides = array<i32>} : memref<2x128x144xf32, #tpu.memory_space<vmem>>, vector<16xf32>,
        %add3A_345 = arith.addf %get3A_337, %get3A_344 : vector<16xf32>
        %mul3A_346 = arith.constant 2.000000e-01 : f32
        %mul3A_347 = vector.broadcast %mul3A_346 : f32 to vector<16xf32>
        %mul3A_348 = arith.mulf %mul3A_347, %add3A_345 : vector<16xf32>
        %max3A_349 = arith.maximumf %add3A_345, %mul3A_348 : vector<16xf32>
        %mul3A_350 = arith.mulf %max3A_349, %get3A_20 : vector<16xf32>
        %add3A_351 = arith.addf %broadcast_in_dim3A_314, %mul3A_350 : vector<16xf32>
        %get3A_352 = arith.constant 1 : i32
        %get3A_353 = arith.index_cast %get3A_352 : i32 to index
        %get3A_354 = arith.index_cast %scan3A_310 : i32 to index
        %get3A_355 = arith.constant 32 : index
        %get3A_356 = tpu.vector_load %arg9[%get3A_353, %get3A_354, %get3A_355] {strides = array<i32>} : memref<2x128x144xf32, #tpu.memory_space<vmem>>, vector<16xf32>,
        %add3A_357 = arith.constant 64 : i32
        %add3A_358 = arith.addi %add3A_357, %scan3A_310 : i32
        %get3A_359 = arith.constant 1 : i32
        %get3A_360 = arith.index_cast %get3A_359 : i32 to index
        %get3A_361 = arith.index_cast %add3A_358 : i32 to index
        %get3A_362 = arith.constant 32 : index
        %get3A_363 = tpu.vector_load %arg9[%get3A_360, %get3A_361, %get3A_362] {strides = array<i32>} : memref<2x128x144xf32, #tpu.memory_space<vmem>>, vector<16xf32>,
        %add3A_364 = arith.addf %get3A_356, %get3A_363 : vector<16xf32>
        %mul3A_365 = arith.constant 2.000000e-01 : f32
        %mul3A_366 = vector.broadcast %mul3A_365 : f32 to vector<16xf32>
        %mul3A_367 = arith.mulf %mul3A_366, %add3A_364 : vector<16xf32>
        %max3A_368 = arith.maximumf %add3A_364, %mul3A_367 : vector<16xf32>
        %mul3A_369 = arith.mulf %max3A_368, %get3A_22 : vector<16xf32>
        %add3A_370 = arith.addf %add3A_332, %mul3A_369 : vector<16xf32>
        %get3A_371 = arith.constant 1 : i32
        %get3A_372 = arith.index_cast %get3A_371 : i32 to index
        %get3A_373 = arith.index_cast %scan3A_310 : i32 to index
        %get3A_374 = arith.constant 48 : index
        %get3A_375 = tpu.vector_load %arg9[%get3A_372, %get3A_373, %get3A_374] {strides = array<i32>} : memref<2x128x144xf32, #tpu.memory_space<vmem>>, vector<16xf32>,
        %add3A_376 = arith.constant 64 : i32
        %add3A_377 = arith.addi %add3A_376, %scan3A_310 : i32
        %get3A_378 = arith.constant 1 : i32
        %get3A_379 = arith.index_cast %get3A_378 : i32 to index
        %get3A_380 = arith.index_cast %add3A_377 : i32 to index
        %get3A_381 = arith.constant 48 : index
        %get3A_382 = tpu.vector_load %arg9[%get3A_379, %get3A_380, %get3A_381] {strides = array<i32>} : memref<2x128x144xf32, #tpu.memory_space<vmem>>, vector<16xf32>,
        %add3A_383 = arith.addf %get3A_375, %get3A_382 : vector<16xf32>
        %mul3A_384 = arith.constant 2.000000e-01 : f32
        %mul3A_385 = vector.broadcast %mul3A_384 : f32 to vector<16xf32>
        %mul3A_386 = arith.mulf %mul3A_385, %add3A_383 : vector<16xf32>
        %max3A_387 = arith.maximumf %add3A_383, %mul3A_386 : vector<16xf32>
        %mul3A_388 = arith.mulf %max3A_387, %get3A_24 : vector<16xf32>
        %add3A_389 = arith.addf %add3A_351, %mul3A_388 : vector<16xf32>
        %get3A_390 = arith.constant 1 : i32
        %get3A_391 = arith.index_cast %get3A_390 : i32 to index
        %get3A_392 = arith.index_cast %scan3A_310 : i32 to index
        %get3A_393 = arith.constant 64 : index
        %get3A_394 = tpu.vector_load %arg9[%get3A_391, %get3A_392, %get3A_393] {strides = array<i32>} : memref<2x128x144xf32, #tpu.memory_space<vmem>>, vector<16xf32>,
        %add3A_395 = arith.constant 64 : i32
        %add3A_396 = arith.addi %add3A_395, %scan3A_310 : i32
        %get3A_397 = arith.constant 1 : i32
        %get3A_398 = arith.index_cast %get3A_397 : i32 to index
        %get3A_399 = arith.index_cast %add3A_396 : i32 to index
        %get3A_400 = arith.constant 64 : index
        %get3A_401 = tpu.vector_load %arg9[%get3A_398, %get3A_399, %get3A_400] {strides = array<i32>} : memref<2x128x144xf32, #tpu.memory_space<vmem>>, vector<16xf32>,
        %add3A_402 = arith.addf %get3A_394, %get3A_401 : vector<16xf32>
        %mul3A_403 = arith.constant 2.000000e-01 : f32
        %mul3A_404 = vector.broadcast %mul3A_403 : f32 to vector<16xf32>
        %mul3A_405 = arith.mulf %mul3A_404, %add3A_402 : vector<16xf32>
        %max3A_406 = arith.maximumf %add3A_402, %mul3A_405 : vector<16xf32>
        %mul3A_407 = arith.mulf %max3A_406, %get3A_26 : vector<16xf32>
        %add3A_408 = arith.addf %add3A_370, %mul3A_407 : vector<16xf32>
        %get3A_409 = arith.constant 1 : i32
        %get3A_410 = arith.index_cast %get3A_409 : i32 to index
        %get3A_411 = arith.index_cast %scan3A_310 : i32 to index
        %get3A_412 = arith.constant 80 : index
        %get3A_413 = tpu.vector_load %arg9[%get3A_410, %get3A_411, %get3A_412] {strides = array<i32>} : memref<2x128x144xf32, #tpu.memory_space<vmem>>, vector<16xf32>,
        %add3A_414 = arith.constant 64 : i32
        %add3A_415 = arith.addi %add3A_414, %scan3A_310 : i32
        %get3A_416 = arith.constant 1 : i32
        %get3A_417 = arith.index_cast %get3A_416 : i32 to index
        %get3A_418 = arith.index_cast %add3A_415 : i32 to index
        %get3A_419 = arith.constant 80 : index
        %get3A_420 = tpu.vector_load %arg9[%get3A_417, %get3A_418, %get3A_419] {strides = array<i32>} : memref<2x128x144xf32, #tpu.memory_space<vmem>>, vector<16xf32>,
        %add3A_421 = arith.addf %get3A_413, %get3A_420 : vector<16xf32>
        %mul3A_422 = arith.constant 2.000000e-01 : f32
        %mul3A_423 = vector.broadcast %mul3A_422 : f32 to vector<16xf32>
        %mul3A_424 = arith.mulf %mul3A_423, %add3A_421 : vector<16xf32>
        %max3A_425 = arith.maximumf %add3A_421, %mul3A_424 : vector<16xf32>
        %mul3A_426 = arith.mulf %max3A_425, %get3A_28 : vector<16xf32>
        %add3A_427 = arith.addf %add3A_389, %mul3A_426 : vector<16xf32>
        %get3A_428 = arith.constant 1 : i32
        %get3A_429 = arith.index_cast %get3A_428 : i32 to index
        %get3A_430 = arith.index_cast %scan3A_310 : i32 to index
        %get3A_431 = arith.constant 96 : index
        %get3A_432 = tpu.vector_load %arg9[%get3A_429, %get3A_430, %get3A_431] {strides = array<i32>} : memref<2x128x144xf32, #tpu.memory_space<vmem>>, vector<16xf32>,
        %add3A_433 = arith.constant 64 : i32
        %add3A_434 = arith.addi %add3A_433, %scan3A_310 : i32
        %get3A_435 = arith.constant 1 : i32
        %get3A_436 = arith.index_cast %get3A_435 : i32 to index
        %get3A_437 = arith.index_cast %add3A_434 : i32 to index
        %get3A_438 = arith.constant 96 : index
        %get3A_439 = tpu.vector_load %arg9[%get3A_436, %get3A_437, %get3A_438] {strides = array<i32>} : memref<2x128x144xf32, #tpu.memory_space<vmem>>, vector<16xf32>,
        %add3A_440 = arith.addf %get3A_432, %get3A_439 : vector<16xf32>
        %mul3A_441 = arith.constant 2.000000e-01 : f32
        %mul3A_442 = vector.broadcast %mul3A_441 : f32 to vector<16xf32>
        %mul3A_443 = arith.mulf %mul3A_442, %add3A_440 : vector<16xf32>
        %max3A_444 = arith.maximumf %add3A_440, %mul3A_443 : vector<16xf32>
        %mul3A_445 = arith.mulf %max3A_444, %get3A_30 : vector<16xf32>
        %add3A_446 = arith.addf %add3A_408, %mul3A_445 : vector<16xf32>
        %get3A_447 = arith.constant 1 : i32
        %get3A_448 = arith.index_cast %get3A_447 : i32 to index
        %get3A_449 = arith.index_cast %scan3A_310 : i32 to index
        %get3A_450 = arith.constant 112 : index
        %get3A_451 = tpu.vector_load %arg9[%get3A_448, %get3A_449, %get3A_450] {strides = array<i32>} : memref<2x128x144xf32, #tpu.memory_space<vmem>>, vector<16xf32>,
        %add3A_452 = arith.constant 64 : i32
        %add3A_453 = arith.addi %add3A_452, %scan3A_310 : i32
        %get3A_454 = arith.constant 1 : i32
        %get3A_455 = arith.index_cast %get3A_454 : i32 to index
        %get3A_456 = arith.index_cast %add3A_453 : i32 to index
        %get3A_457 = arith.constant 112 : index
        %get3A_458 = tpu.vector_load %arg9[%get3A_455, %get3A_456, %get3A_457] {strides = array<i32>} : memref<2x128x144xf32, #tpu.memory_space<vmem>>, vector<16xf32>,
        %add3A_459 = arith.addf %get3A_451, %get3A_458 : vector<16xf32>
        %mul3A_460 = arith.constant 2.000000e-01 : f32
        %mul3A_461 = vector.broadcast %mul3A_460 : f32 to vector<16xf32>
        %mul3A_462 = arith.mulf %mul3A_461, %add3A_459 : vector<16xf32>
        %max3A_463 = arith.maximumf %add3A_459, %mul3A_462 : vector<16xf32>
        %mul3A_464 = arith.mulf %max3A_463, %get3A_32 : vector<16xf32>
        %add3A_465 = arith.addf %add3A_427, %mul3A_464 : vector<16xf32>
        %add3A_466 = arith.addf %add3A_446, %add3A_465 : vector<16xf32>
        %reduce_sum3A = arith.constant true
        %reduce_sum3A_467 = vector.broadcast %reduce_sum3A : i1 to vector<16xi1>
        %reduce_sum3A_468 = tpu.scan <sum>, %add3A_466 masked %reduce_sum3A_467 : vector<16xf32>, vector<16xi1> -> vector<16xf32>
        %reduce_sum3A_469 = vector.extract %reduce_sum3A_468[15] : f32 from vector<16xf32>
        %add3A_470 = arith.constant 64 : i32
        %add3A_471 = arith.addi %add3A_470, %scan3A_310 : i32
        %get3A_472 = arith.constant 1 : i32
        %get3A_473 = arith.index_cast %get3A_472 : i32 to index
        %get3A_474 = arith.index_cast %add3A_471 : i32 to index
        %get3A_475 = arith.constant 128 : index
        %get3A_476 = tpu.vector_load %arg9[%get3A_473, %get3A_474, %get3A_475] {strides = array<i32>} : memref<2x128x144xf32, #tpu.memory_space<vmem>>, vector<16xf32>,
        %broadcast_in_dim3A_477 = vector.broadcast %reduce_sum3A_469 : f32 to vector<16xf32>
        %sub3A_478 = arith.subf %broadcast_in_dim3A_477, %get3A_476 : vector<16xf32>
        %jit3A = arith.constant -6.000000e+01 : f32
        %jit3A_479 = arith.constant 6.000000e+01 : f32
        %max3A_480 = vector.broadcast %jit3A : f32 to vector<16xf32>
        %max3A_481 = arith.maximumf %max3A_480, %sub3A_478 : vector<16xf32>
        %min3A = vector.broadcast %jit3A_479 : f32 to vector<16xf32>
        %min3A_482 = arith.minimumf %min3A, %max3A_481 : vector<16xf32>
        %exp3A = math.exp %min3A_482 : vector<16xf32>
        %add3A_483 = arith.addi %add3A_250, %scan3A_310 : i32
        %broadcast_in_dim3A_484 = vector.broadcast %add3A_483 : i32 to vector<16xi32>
        %lt3A_485 = arith.constant 330000 : i32
        %lt3A_486 = vector.broadcast %lt3A_485 : i32 to vector<16xi32>
        %lt3A_487 = arith.cmpi slt, %broadcast_in_dim3A_484, %lt3A_486 : vector<16xi32>
        %jit3A_488 = arith.constant 0.000000e+00 : f32
        %broadcast_in_dim3A_489 = vector.broadcast %jit3A_488 : f32 to vector<16xf32>
        %select_n3A = arith.select %lt3A_487, %exp3A, %broadcast_in_dim3A_489 : vector<16xi1>, vector<16xf32>
        %mul3A_490 = arith.mulf %get3A_319, %select_n3A : vector<16xf32>
        %swap3A_491 = arith.constant 1 : i32
        %swap3A_492 = arith.index_cast %swap3A_491 : i32 to index
        %swap3A_493 = arith.index_cast %scan3A_310 : i32 to index
        %swap3A_494 = arith.constant 0 : index
        %swap3A_495 = tpu.vector_load %arg9[%swap3A_492, %swap3A_493, %swap3A_494] {strides = array<i32>} : memref<2x128x144xf32, #tpu.memory_space<vmem>>, vector<16xf32>,
        tpu.vector_store %arg9[%swap3A_492, %swap3A_493, %swap3A_494], %mul3A_490 {strides = array<i32>} : memref<2x128x144xf32, #tpu.memory_space<vmem>>, vector<16xf32>,
        %mul3A_496 = arith.mulf %get3A_337, %select_n3A : vector<16xf32>
        %swap3A_497 = arith.constant 1 : i32
        %swap3A_498 = arith.index_cast %swap3A_497 : i32 to index
        %swap3A_499 = arith.index_cast %scan3A_310 : i32 to index
        %swap3A_500 = arith.constant 16 : index
        %swap3A_501 = tpu.vector_load %arg9[%swap3A_498, %swap3A_499, %swap3A_500] {strides = array<i32>} : memref<2x128x144xf32, #tpu.memory_space<vmem>>, vector<16xf32>,
        tpu.vector_store %arg9[%swap3A_498, %swap3A_499, %swap3A_500], %mul3A_496 {strides = array<i32>} : memref<2x128x144xf32, #tpu.memory_space<vmem>>, vector<16xf32>,
        %mul3A_502 = arith.mulf %get3A_356, %select_n3A : vector<16xf32>
        %swap3A_503 = arith.constant 1 : i32
        %swap3A_504 = arith.index_cast %swap3A_503 : i32 to index
        %swap3A_505 = arith.index_cast %scan3A_310 : i32 to index
        %swap3A_506 = arith.constant 32 : index
        %swap3A_507 = tpu.vector_load %arg9[%swap3A_504, %swap3A_505, %swap3A_506] {strides = array<i32>} : memref<2x128x144xf32, #tpu.memory_space<vmem>>, vector<16xf32>,
        tpu.vector_store %arg9[%swap3A_504, %swap3A_505, %swap3A_506], %mul3A_502 {strides = array<i32>} : memref<2x128x144xf32, #tpu.memory_space<vmem>>, vector<16xf32>,
        %mul3A_508 = arith.mulf %get3A_375, %select_n3A : vector<16xf32>
        %swap3A_509 = arith.constant 1 : i32
        %swap3A_510 = arith.index_cast %swap3A_509 : i32 to index
        %swap3A_511 = arith.index_cast %scan3A_310 : i32 to index
        %swap3A_512 = arith.constant 48 : index
        %swap3A_513 = tpu.vector_load %arg9[%swap3A_510, %swap3A_511, %swap3A_512] {strides = array<i32>} : memref<2x128x144xf32, #tpu.memory_space<vmem>>, vector<16xf32>,
        tpu.vector_store %arg9[%swap3A_510, %swap3A_511, %swap3A_512], %mul3A_508 {strides = array<i32>} : memref<2x128x144xf32, #tpu.memory_space<vmem>>, vector<16xf32>,
        %mul3A_514 = arith.mulf %get3A_394, %select_n3A : vector<16xf32>
        %swap3A_515 = arith.constant 1 : i32
        %swap3A_516 = arith.index_cast %swap3A_515 : i32 to index
        %swap3A_517 = arith.index_cast %scan3A_310 : i32 to index
        %swap3A_518 = arith.constant 64 : index
        %swap3A_519 = tpu.vector_load %arg9[%swap3A_516, %swap3A_517, %swap3A_518] {strides = array<i32>} : memref<2x128x144xf32, #tpu.memory_space<vmem>>, vector<16xf32>,
        tpu.vector_store %arg9[%swap3A_516, %swap3A_517, %swap3A_518], %mul3A_514 {strides = array<i32>} : memref<2x128x144xf32, #tpu.memory_space<vmem>>, vector<16xf32>,
        %mul3A_520 = arith.mulf %get3A_413, %select_n3A : vector<16xf32>
        %swap3A_521 = arith.constant 1 : i32
        %swap3A_522 = arith.index_cast %swap3A_521 : i32 to index
        %swap3A_523 = arith.index_cast %scan3A_310 : i32 to index
        %swap3A_524 = arith.constant 80 : index
        %swap3A_525 = tpu.vector_load %arg9[%swap3A_522, %swap3A_523, %swap3A_524] {strides = array<i32>} : memref<2x128x144xf32, #tpu.memory_space<vmem>>, vector<16xf32>,
        tpu.vector_store %arg9[%swap3A_522, %swap3A_523, %swap3A_524], %mul3A_520 {strides = array<i32>} : memref<2x128x144xf32, #tpu.memory_space<vmem>>, vector<16xf32>,
        %mul3A_526 = arith.mulf %get3A_432, %select_n3A : vector<16xf32>
        %swap3A_527 = arith.constant 1 : i32
        %swap3A_528 = arith.index_cast %swap3A_527 : i32 to index
        %swap3A_529 = arith.index_cast %scan3A_310 : i32 to index
        %swap3A_530 = arith.constant 96 : index
        %swap3A_531 = tpu.vector_load %arg9[%swap3A_528, %swap3A_529, %swap3A_530] {strides = array<i32>} : memref<2x128x144xf32, #tpu.memory_space<vmem>>, vector<16xf32>,
        tpu.vector_store %arg9[%swap3A_528, %swap3A_529, %swap3A_530], %mul3A_526 {strides = array<i32>} : memref<2x128x144xf32, #tpu.memory_space<vmem>>, vector<16xf32>,
        %mul3A_532 = arith.mulf %get3A_451, %select_n3A : vector<16xf32>
        %swap3A_533 = arith.constant 1 : i32
        %swap3A_534 = arith.index_cast %swap3A_533 : i32 to index
        %swap3A_535 = arith.index_cast %scan3A_310 : i32 to index
        %swap3A_536 = arith.constant 112 : index
        %swap3A_537 = tpu.vector_load %arg9[%swap3A_534, %swap3A_535, %swap3A_536] {strides = array<i32>} : memref<2x128x144xf32, #tpu.memory_space<vmem>>, vector<16xf32>,
        tpu.vector_store %arg9[%swap3A_534, %swap3A_535, %swap3A_536], %mul3A_532 {strides = array<i32>} : memref<2x128x144xf32, #tpu.memory_space<vmem>>, vector<16xf32>,
        %swap3A_538 = arith.constant 1 : i32
        %swap3A_539 = arith.index_cast %swap3A_538 : i32 to index
        %swap3A_540 = arith.index_cast %scan3A_310 : i32 to index
        %swap3A_541 = arith.constant 128 : index
        %swap3A_542 = tpu.vector_load %arg9[%swap3A_539, %swap3A_540, %swap3A_541] {strides = array<i32>} : memref<2x128x144xf32, #tpu.memory_space<vmem>>, vector<16xf32>,
        tpu.vector_store %arg9[%swap3A_539, %swap3A_540, %swap3A_541], %select_n3A {strides = array<i32>} : memref<2x128x144xf32, #tpu.memory_space<vmem>>, vector<16xf32>,
      }
      %scan3A_292 = arith.constant 64 : i32
      %lt3A_293 = arith.constant 81 : i32
      %lt3A_294 = arith.cmpi slt, %scan3A_101, %lt3A_293 : i32
      %convert_element_type3A_295 = arith.extui %lt3A_294 : i1 to i32
      %cond3A_296 = arith.constant 0 : i32
      %cond3A_297 = arith.cmpi ne, %convert_element_type3A_295, %cond3A_296 : i32
      scf.if %cond3A_297 {
        %add3A_310 = arith.constant 2 : i32
        %add3A_311 = arith.addi %add3A_214, %add3A_310 : i32
        %dma_start3A_312 = arith.constant 1 : i32
        %dma_start3A_313 = arith.constant 0 : i32
        %dma_start3A_314 = tpu.memref_slice %arg7[%dma_start3A_312, %dma_start3A_313] : memref<2x128xi32, #tpu.memory_space<vmem>> -> memref<1x128xi32, #tpu.memory_space<vmem>>
        %dma_start3A_315 = tpu.memref_squeeze %dma_start3A_314 : memref<1x128xi32, #tpu.memory_space<vmem>> -> memref<128xi32, #tpu.memory_space<vmem>>
        %dma_start3A_316 = arith.constant 0 : i32
        %dma_start3A_317 = tpu.memref_slice %arg3[%add3A, %add3A_311, %dma_start3A_316] : memref<32x164x128xi32, #tpu.memory_space<hbm>> -> memref<1x1x128xi32, #tpu.memory_space<hbm>>
        %dma_start3A_318 = tpu.memref_squeeze %dma_start3A_317 : memref<1x1x128xi32, #tpu.memory_space<hbm>> -> memref<128xi32, #tpu.memory_space<hbm>>
        %dma_start3A_319 = arith.constant 0 : i32
        %dma_start3A_320 = tpu.memref_slice %arg7[%dma_start3A_312, %dma_start3A_319] : memref<2x128xi32, #tpu.memory_space<vmem>> -> memref<1x128xi32, #tpu.memory_space<vmem>>
        %dma_start3A_321 = tpu.memref_squeeze %dma_start3A_320 : memref<1x128xi32, #tpu.memory_space<vmem>> -> memref<128xi32, #tpu.memory_space<vmem>>
        %dma_start3A_322 = arith.constant 0 : i32
        %dma_start3A_323 = tpu.memref_slice %arg3[%add3A, %add3A_311, %dma_start3A_322] : memref<32x164x128xi32, #tpu.memory_space<hbm>> -> memref<1x1x128xi32, #tpu.memory_space<hbm>>
        %dma_start3A_324 = tpu.memref_squeeze %dma_start3A_323 : memref<1x1x128xi32, #tpu.memory_space<hbm>> -> memref<128xi32, #tpu.memory_space<hbm>>
        tpu.enqueue_dma source(%dma_start3A_324 : memref<128xi32, #tpu.memory_space<hbm>>) target(%dma_start3A_321 : memref<128xi32, #tpu.memory_space<vmem>>) target_semaphore(%arg16 : memref<!tpu.dma_semaphore, #tpu.memory_space<semaphore_mem>>)
      } else {
      }
      %dma_start3A_298 = arith.constant 1 : i32
      %dma_start3A_299 = arith.constant 1 : i32
      %dma_start3A_300 = arith.constant 0 : i32
      %dma_start3A_301 = arith.constant 0 : i32
      %dma_start3A_302 = tpu.memref_slice %arg9[%dma_start3A_298, %dma_start3A_300, %dma_start3A_301] : memref<2x128x144xf32, #tpu.memory_space<vmem>> -> memref<1x64x144xf32, #tpu.memory_space<vmem>>
      %dma_start3A_303 = tpu.memref_squeeze %dma_start3A_302 : memref<1x64x144xf32, #tpu.memory_space<vmem>> -> memref<64x144xf32, #tpu.memory_space<vmem>>
      %dma_start3A_304 = arith.constant 0 : i32
      %dma_start3A_305 = tpu.memref_slice %arg8[%dma_start3A_299, %dma_start3A_304] : memref<2x64xi32, #tpu.memory_space<vmem>> -> memref<1x64xi32, #tpu.memory_space<vmem>>
      %dma_start3A_306 = tpu.memref_squeeze %dma_start3A_305 : memref<1x64xi32, #tpu.memory_space<vmem>> -> memref<64xi32, #tpu.memory_space<vmem>>
      %dma_start3A_307 = arith.constant 0 : i32
      %dma_start3A_308 = arith.constant 0 : i32
      %dma_start3A_309 = tpu.memref_slice %arg6[%dma_start3A_307, %dma_start3A_308] : memref<10000x144xf32, #tpu.memory_space<vmem_shared>> -> memref<10000x144xf32, #tpu.memory_space<vmem_shared>>
      tpu.enqueue_indirect_dma source(%dma_start3A_303 : memref<64x144xf32, #tpu.memory_space<vmem>>) target(%dma_start3A_309 : memref<10000x144xf32, #tpu.memory_space<vmem_shared>>) offsets(%dma_start3A_306 : memref<64xi32, #tpu.memory_space<vmem>>) semaphore(%arg14 : memref<!tpu.dma_semaphore, #tpu.memory_space<semaphore_mem>>) {add = true}
    }
    %scan3A_65 = arith.constant 82 : i32
    %dma_wait3A = arith.constant 1 : i32
    %dma_wait3A_66 = arith.constant 1 : i32
    %dma_wait3A_67 = arith.constant 0 : i32
    %dma_wait3A_68 = arith.constant 0 : i32
    %dma_wait3A_69 = tpu.memref_slice %arg9[%dma_wait3A, %dma_wait3A_67, %dma_wait3A_68] : memref<2x128x144xf32, #tpu.memory_space<vmem>> -> memref<1x64x144xf32, #tpu.memory_space<vmem>>
    %dma_wait3A_70 = tpu.memref_squeeze %dma_wait3A_69 : memref<1x64x144xf32, #tpu.memory_space<vmem>> -> memref<64x144xf32, #tpu.memory_space<vmem>>
    %dma_wait3A_71 = arith.constant 0 : i32
    %dma_wait3A_72 = tpu.memref_slice %arg8[%dma_wait3A_66, %dma_wait3A_71] : memref<2x64xi32, #tpu.memory_space<vmem>> -> memref<1x64xi32, #tpu.memory_space<vmem>>
    %dma_wait3A_73 = tpu.memref_squeeze %dma_wait3A_72 : memref<1x64xi32, #tpu.memory_space<vmem>> -> memref<64xi32, #tpu.memory_space<vmem>>
    %dma_wait3A_74 = arith.constant 0 : i32
    %dma_wait3A_75 = arith.constant 0 : i32
    %dma_wait3A_76 = tpu.memref_slice %arg6[%dma_wait3A_74, %dma_wait3A_75] : memref<10000x144xf32, #tpu.memory_space<vmem_shared>> -> memref<10000x144xf32, #tpu.memory_space<vmem_shared>>
    tpu.wait_indirect_dma semaphore(%arg14 : memref<!tpu.dma_semaphore, #tpu.memory_space<semaphore_mem>>) src(%dma_wait3A_70 : memref<64x144xf32, #tpu.memory_space<vmem>>) dst(%dma_wait3A_76 : memref<10000x144xf32, #tpu.memory_space<vmem_shared>>)
    %barrier3A_77 = arith.constant 0 : index
    tpu.barrier barrier_id(%barrier3A_77)
    %add3A_78 = arith.constant 0 : i32
    %add3A_79 = arith.addi %multiple_of3A, %add3A_78 : i32
    %multiple_of3A_80 = tpu.assume_multiple %add3A_79, 8 : i32
    %add3A_81 = arith.constant 0 : i32
    %add3A_82 = arith.addi %multiple_of3A, %add3A_81 : i32
    %multiple_of3A_83 = tpu.assume_multiple %add3A_82, 8 : i32
    "tpu.region"() ({
      %run_scoped3A_101 = tpu.sem_alloc : memref<!tpu.dma_semaphore, #tpu.memory_space<semaphore_mem>>
      %dma_start3A_102 = arith.constant 0 : i32
      %dma_start3A_103 = tpu.memref_slice %arg5[%arg0, %multiple_of3A_83, %dma_start3A_102] : memref<2x10000x144xf32, #tpu.memory_space<hbm>> -> memref<1x208x144xf32, #tpu.memory_space<hbm>>
      %dma_start3A_104 = tpu.memref_squeeze %dma_start3A_103 : memref<1x208x144xf32, #tpu.memory_space<hbm>> -> memref<208x144xf32, #tpu.memory_space<hbm>>
      %dma_start3A_105 = arith.constant 0 : i32
      %dma_start3A_106 = tpu.memref_slice %arg6[%multiple_of3A_80, %dma_start3A_105] : memref<10000x144xf32, #tpu.memory_space<vmem_shared>> -> memref<208x144xf32, #tpu.memory_space<vmem_shared>>
      tpu.enqueue_dma source(%dma_start3A_106 : memref<208x144xf32, #tpu.memory_space<vmem_shared>>) target(%dma_start3A_104 : memref<208x144xf32, #tpu.memory_space<hbm>>) target_semaphore(%run_scoped3A_101 : memref<!tpu.dma_semaphore, #tpu.memory_space<semaphore_mem>>)
      %dma_wait3A_107 = arith.constant 0 : i32
      %dma_wait3A_108 = tpu.memref_slice %arg5[%arg0, %multiple_of3A_83, %dma_wait3A_107] : memref<2x10000x144xf32, #tpu.memory_space<hbm>> -> memref<1x208x144xf32, #tpu.memory_space<hbm>>
      %dma_wait3A_109 = tpu.memref_squeeze %dma_wait3A_108 : memref<1x208x144xf32, #tpu.memory_space<hbm>> -> memref<208x144xf32, #tpu.memory_space<hbm>>
      %dma_wait3A_110 = arith.constant 0 : i32
      %dma_wait3A_111 = tpu.memref_slice %arg6[%multiple_of3A_80, %dma_wait3A_110] : memref<10000x144xf32, #tpu.memory_space<vmem_shared>> -> memref<208x144xf32, #tpu.memory_space<vmem_shared>>
      tpu.wait_dma2 semaphore(%run_scoped3A_101 : memref<!tpu.dma_semaphore, #tpu.memory_space<semaphore_mem>>) src(%dma_wait3A_111 : memref<208x144xf32, #tpu.memory_space<vmem_shared>>) dst(%dma_wait3A_109 : memref<208x144xf32, #tpu.memory_space<hbm>>)
      tpu.yield
    }) : () -> ()
    %add3A_84 = arith.constant 208 : i32
    %add3A_85 = arith.addi %multiple_of3A, %add3A_84 : i32
    %multiple_of3A_86 = tpu.assume_multiple %add3A_85, 8 : i32
    %add3A_87 = arith.constant 208 : i32
    %add3A_88 = arith.addi %multiple_of3A, %add3A_87 : i32
    %multiple_of3A_89 = tpu.assume_multiple %add3A_88, 8 : i32
    "tpu.region"() ({
      %run_scoped3A_101 = tpu.sem_alloc : memref<!tpu.dma_semaphore, #tpu.memory_space<semaphore_mem>>
      %dma_start3A_102 = arith.constant 0 : i32
      %dma_start3A_103 = tpu.memref_slice %arg5[%arg0, %multiple_of3A_89, %dma_start3A_102] : memref<2x10000x144xf32, #tpu.memory_space<hbm>> -> memref<1x208x144xf32, #tpu.memory_space<hbm>>
      %dma_start3A_104 = tpu.memref_squeeze %dma_start3A_103 : memref<1x208x144xf32, #tpu.memory_space<hbm>> -> memref<208x144xf32, #tpu.memory_space<hbm>>
      %dma_start3A_105 = arith.constant 0 : i32
      %dma_start3A_106 = tpu.memref_slice %arg6[%multiple_of3A_86, %dma_start3A_105] : memref<10000x144xf32, #tpu.memory_space<vmem_shared>> -> memref<208x144xf32, #tpu.memory_space<vmem_shared>>
      tpu.enqueue_dma source(%dma_start3A_106 : memref<208x144xf32, #tpu.memory_space<vmem_shared>>) target(%dma_start3A_104 : memref<208x144xf32, #tpu.memory_space<hbm>>) target_semaphore(%run_scoped3A_101 : memref<!tpu.dma_semaphore, #tpu.memory_space<semaphore_mem>>)
      %dma_wait3A_107 = arith.constant 0 : i32
      %dma_wait3A_108 = tpu.memref_slice %arg5[%arg0, %multiple_of3A_89, %dma_wait3A_107] : memref<2x10000x144xf32, #tpu.memory_space<hbm>> -> memref<1x208x144xf32, #tpu.memory_space<hbm>>
      %dma_wait3A_109 = tpu.memref_squeeze %dma_wait3A_108 : memref<1x208x144xf32, #tpu.memory_space<hbm>> -> memref<208x144xf32, #tpu.memory_space<hbm>>
      %dma_wait3A_110 = arith.constant 0 : i32
      %dma_wait3A_111 = tpu.memref_slice %arg6[%multiple_of3A_86, %dma_wait3A_110] : memref<10000x144xf32, #tpu.memory_space<vmem_shared>> -> memref<208x144xf32, #tpu.memory_space<vmem_shared>>
      tpu.wait_dma2 semaphore(%run_scoped3A_101 : memref<!tpu.dma_semaphore, #tpu.memory_space<semaphore_mem>>) src(%dma_wait3A_111 : memref<208x144xf32, #tpu.memory_space<vmem_shared>>) dst(%dma_wait3A_109 : memref<208x144xf32, #tpu.memory_space<hbm>>)
      tpu.yield
    }) : () -> ()
    %add3A_90 = arith.constant 416 : i32
    %add3A_91 = arith.addi %multiple_of3A, %add3A_90 : i32
    %multiple_of3A_92 = tpu.assume_multiple %add3A_91, 8 : i32
    %add3A_93 = arith.constant 416 : i32
    %add3A_94 = arith.addi %multiple_of3A, %add3A_93 : i32
    %multiple_of3A_95 = tpu.assume_multiple %add3A_94, 8 : i32
    "tpu.region"() ({
      %run_scoped3A_101 = tpu.sem_alloc : memref<!tpu.dma_semaphore, #tpu.memory_space<semaphore_mem>>
      %dma_start3A_102 = arith.constant 0 : i32
      %dma_start3A_103 = tpu.memref_slice %arg5[%arg0, %multiple_of3A_95, %dma_start3A_102] : memref<2x10000x144xf32, #tpu.memory_space<hbm>> -> memref<1x208x144xf32, #tpu.memory_space<hbm>>
      %dma_start3A_104 = tpu.memref_squeeze %dma_start3A_103 : memref<1x208x144xf32, #tpu.memory_space<hbm>> -> memref<208x144xf32, #tpu.memory_space<hbm>>
      %dma_start3A_105 = arith.constant 0 : i32
      %dma_start3A_106 = tpu.memref_slice %arg6[%multiple_of3A_92, %dma_start3A_105] : memref<10000x144xf32, #tpu.memory_space<vmem_shared>> -> memref<208x144xf32, #tpu.memory_space<vmem_shared>>
      tpu.enqueue_dma source(%dma_start3A_106 : memref<208x144xf32, #tpu.memory_space<vmem_shared>>) target(%dma_start3A_104 : memref<208x144xf32, #tpu.memory_space<hbm>>) target_semaphore(%run_scoped3A_101 : memref<!tpu.dma_semaphore, #tpu.memory_space<semaphore_mem>>)
      %dma_wait3A_107 = arith.constant 0 : i32
      %dma_wait3A_108 = tpu.memref_slice %arg5[%arg0, %multiple_of3A_95, %dma_wait3A_107] : memref<2x10000x144xf32, #tpu.memory_space<hbm>> -> memref<1x208x144xf32, #tpu.memory_space<hbm>>
      %dma_wait3A_109 = tpu.memref_squeeze %dma_wait3A_108 : memref<1x208x144xf32, #tpu.memory_space<hbm>> -> memref<208x144xf32, #tpu.memory_space<hbm>>
      %dma_wait3A_110 = arith.constant 0 : i32
      %dma_wait3A_111 = tpu.memref_slice %arg6[%multiple_of3A_92, %dma_wait3A_110] : memref<10000x144xf32, #tpu.memory_space<vmem_shared>> -> memref<208x144xf32, #tpu.memory_space<vmem_shared>>
      tpu.wait_dma2 semaphore(%run_scoped3A_101 : memref<!tpu.dma_semaphore, #tpu.memory_space<semaphore_mem>>) src(%dma_wait3A_111 : memref<208x144xf32, #tpu.memory_space<vmem_shared>>) dst(%dma_wait3A_109 : memref<208x144xf32, #tpu.memory_space<hbm>>)
      tpu.yield
    }) : () -> ()
    %eq3A_96 = arith.constant 15 : i32
    %eq3A_97 = arith.cmpi eq, %arg1, %eq3A_96 : i32
    %convert_element_type3A_98 = arith.extui %eq3A_97 : i1 to i32
    %cond3A_99 = arith.constant 0 : i32
    %cond3A_100 = arith.cmpi ne, %convert_element_type3A_98, %cond3A_99 : i32
    scf.if %cond3A_100 {
      "tpu.region"() ({
        %run_scoped3A_101 = tpu.sem_alloc : memref<!tpu.dma_semaphore, #tpu.memory_space<semaphore_mem>>
        %dma_start3A_102 = arith.constant 9984 : i32
        %dma_start3A_103 = arith.constant 0 : i32
        %dma_start3A_104 = tpu.memref_slice %arg5[%arg0, %dma_start3A_102, %dma_start3A_103] : memref<2x10000x144xf32, #tpu.memory_space<hbm>> -> memref<1x16x144xf32, #tpu.memory_space<hbm>>
        %dma_start3A_105 = tpu.memref_squeeze %dma_start3A_104 : memref<1x16x144xf32, #tpu.memory_space<hbm>> -> memref<16x144xf32, #tpu.memory_space<hbm>>
        %dma_start3A_106 = arith.constant 9984 : i32
        %dma_start3A_107 = arith.constant 0 : i32
        %dma_start3A_108 = tpu.memref_slice %arg6[%dma_start3A_106, %dma_start3A_107] : memref<10000x144xf32, #tpu.memory_space<vmem_shared>> -> memref<16x144xf32, #tpu.memory_space<vmem_shared>>
        tpu.enqueue_dma source(%dma_start3A_108 : memref<16x144xf32, #tpu.memory_space<vmem_shared>>) target(%dma_start3A_105 : memref<16x144xf32, #tpu.memory_space<hbm>>) target_semaphore(%run_scoped3A_101 : memref<!tpu.dma_semaphore, #tpu.memory_space<semaphore_mem>>)
        %dma_wait3A_109 = arith.constant 9984 : i32
        %dma_wait3A_110 = arith.constant 0 : i32
        %dma_wait3A_111 = tpu.memref_slice %arg5[%arg0, %dma_wait3A_109, %dma_wait3A_110] : memref<2x10000x144xf32, #tpu.memory_space<hbm>> -> memref<1x16x144xf32, #tpu.memory_space<hbm>>
        %dma_wait3A_112 = tpu.memref_squeeze %dma_wait3A_111 : memref<1x16x144xf32, #tpu.memory_space<hbm>> -> memref<16x144xf32, #tpu.memory_space<hbm>>
        %dma_wait3A_113 = arith.constant 9984 : i32
        %dma_wait3A_114 = arith.constant 0 : i32
        %dma_wait3A_115 = tpu.memref_slice %arg6[%dma_wait3A_113, %dma_wait3A_114] : memref<10000x144xf32, #tpu.memory_space<vmem_shared>> -> memref<16x144xf32, #tpu.memory_space<vmem_shared>>
        tpu.wait_dma2 semaphore(%run_scoped3A_101 : memref<!tpu.dma_semaphore, #tpu.memory_space<semaphore_mem>>) src(%dma_wait3A_115 : memref<16x144xf32, #tpu.memory_space<vmem_shared>>) dst(%dma_wait3A_112 : memref<16x144xf32, #tpu.memory_space<hbm>>)
        tpu.yield
      }) : () -> ()
    } else {
    }
    return
  }
}

#map = affine_map<(d0, d1) -> (0, 0)>
#map1 = affine_map<(d0, d1) -> (0, 0, 0, 0)>
#map2 = affine_map<(d0, d1) -> (0)>
#map3 = affine_map<(d0, d1) -> (0, 0, 0)>
module attributes {stable_mosaic.version = 14 : i64} {
  func.func @k(%arg0: i32, %arg1: i32, %arg2: memref<20000x48xf32, #tpu.memory_space<hbm>>, %arg3: memref<32x82x2x128xi32, #tpu.memory_space<hbm>>, %arg4: memref<32xf32, #tpu.memory_space<hbm>>, %arg5: memref<2x10000x48xf32, #tpu.memory_space<hbm>>, %arg6: memref<10000x48xf32, #tpu.memory_space<vmem_shared>>, %arg7: memref<82x2x128xi32, #tpu.memory_space<vmem>>, %arg8: memref<2x128xi32, #tpu.memory_space<vmem>>, %arg9: memref<2x256x48xf32, #tpu.memory_space<vmem>>, %arg10: memref<32xf32, #tpu.memory_space<vmem>>, %arg11: memref<!tpu.dma_semaphore, #tpu.memory_space<semaphore_mem>>, %arg12: memref<!tpu.dma_semaphore, #tpu.memory_space<semaphore_mem>>, %arg13: memref<!tpu.dma_semaphore, #tpu.memory_space<semaphore_mem>>, %arg14: memref<!tpu.dma_semaphore, #tpu.memory_space<semaphore_mem>>, %arg15: memref<!tpu.dma_semaphore, #tpu.memory_space<semaphore_mem>>, %arg16: memref<!tpu.dma_semaphore, #tpu.memory_space<semaphore_mem>>) attributes {dimension_semantics = [#tpu.dimension_semantics<core_parallel>, #tpu.dimension_semantics<subcore_parallel>], iteration_bounds = array<i64: 2, 16>, scalar_prefetch = 0 : i64, scratch_operands = 11 : i64, tpu.core_type = #tpu.core_type<sc_vector_subcore>, window_params = [{transform_indices = #map}, {transform_indices = #map1}, {transform_indices = #map2}, {transform_indices = #map3}]} {
    %mul3A = arith.constant 16 : i32
    %mul3A_0 = arith.muli %arg0, %mul3A : i32
    %add3A = arith.addi %mul3A_0, %arg1 : i32
    %broadcast_in_dim3A = arith.constant 0.000000e+00 : f32
    %broadcast_in_dim3A_1 = vector.broadcast %broadcast_in_dim3A : f32 to vector<16xf32>
    %scan3A = arith.constant 0 : i32
    %scan3A_2 = arith.constant 0 : i32
    %scan3A_3 = arith.constant 48 : i32
    %scan3A_4 = arith.addi %scan3A_2, %scan3A_3 : i32
    %scan3A_5 = arith.constant 1 : i32
    scf.for %scan3A_88 = %scan3A_2 to %scan3A_4 step %scan3A_5  : i32 {
      %swap3A = arith.constant 0 : i32
      %swap3A_89 = arith.index_cast %swap3A : i32 to index
      %swap3A_90 = arith.index_cast %scan3A_88 : i32 to index
      %swap3A_91 = arith.constant 0 : index
      %swap3A_92 = tpu.vector_load %arg9[%swap3A_89, %swap3A_90, %swap3A_91] {strides = array<i32>} : memref<2x256x48xf32, #tpu.memory_space<vmem>>, vector<16xf32>,
      tpu.vector_store %arg9[%swap3A_89, %swap3A_90, %swap3A_91], %broadcast_in_dim3A_1 {strides = array<i32>} : memref<2x256x48xf32, #tpu.memory_space<vmem>>, vector<16xf32>,
      %swap3A_93 = arith.constant 0 : i32
      %swap3A_94 = arith.index_cast %swap3A_93 : i32 to index
      %swap3A_95 = arith.index_cast %scan3A_88 : i32 to index
      %swap3A_96 = arith.constant 16 : index
      %swap3A_97 = tpu.vector_load %arg9[%swap3A_94, %swap3A_95, %swap3A_96] {strides = array<i32>} : memref<2x256x48xf32, #tpu.memory_space<vmem>>, vector<16xf32>,
      tpu.vector_store %arg9[%swap3A_94, %swap3A_95, %swap3A_96], %broadcast_in_dim3A_1 {strides = array<i32>} : memref<2x256x48xf32, #tpu.memory_space<vmem>>, vector<16xf32>,
      %swap3A_98 = arith.constant 0 : i32
      %swap3A_99 = arith.index_cast %swap3A_98 : i32 to index
      %swap3A_100 = arith.index_cast %scan3A_88 : i32 to index
      %swap3A_101 = arith.constant 32 : index
      %swap3A_102 = tpu.vector_load %arg9[%swap3A_99, %swap3A_100, %swap3A_101] {strides = array<i32>} : memref<2x256x48xf32, #tpu.memory_space<vmem>>, vector<16xf32>,
      tpu.vector_store %arg9[%swap3A_99, %swap3A_100, %swap3A_101], %broadcast_in_dim3A_1 {strides = array<i32>} : memref<2x256x48xf32, #tpu.memory_space<vmem>>, vector<16xf32>,
    }
    %scan3A_6 = arith.constant 48 : i32
    %mul3A_7 = arith.constant 624 : i32
    %mul3A_8 = arith.muli %arg1, %mul3A_7 : i32
    %multiple_of3A = tpu.assume_multiple %mul3A_8, 8 : i32
    %scan3A_9 = arith.constant 0 : i32
    %scan3A_10 = arith.constant 0 : i32
    %scan3A_11 = arith.constant 13 : i32
    %scan3A_12 = arith.addi %scan3A_10, %scan3A_11 : i32
    %scan3A_13 = arith.constant 1 : i32
    scf.for %scan3A_88 = %scan3A_10 to %scan3A_12 step %scan3A_13  : i32 {
      %mul3A_89 = arith.constant 48 : i32
      %mul3A_90 = arith.muli %scan3A_88, %mul3A_89 : i32
      %add3A_91 = arith.addi %multiple_of3A, %mul3A_90 : i32
      %multiple_of3A_92 = tpu.assume_multiple %add3A_91, 8 : i32
      %run_scoped3A = arith.constant 0 : i32
      "tpu.region"() ({
        %run_scoped3A_93 = tpu.sem_alloc : memref<!tpu.dma_semaphore, #tpu.memory_space<semaphore_mem>>
        %dma_start3A_94 = arith.constant 0 : i32
        %dma_start3A_95 = arith.constant 0 : i32
        %dma_start3A_96 = tpu.memref_slice %arg9[%run_scoped3A, %dma_start3A_94, %dma_start3A_95] : memref<2x256x48xf32, #tpu.memory_space<vmem>> -> memref<1x48x48xf32, #tpu.memory_space<vmem>>
        %dma_start3A_97 = tpu.memref_squeeze %dma_start3A_96 : memref<1x48x48xf32, #tpu.memory_space<vmem>> -> memref<48x48xf32, #tpu.memory_space<vmem>>
        %dma_start3A_98 = arith.constant 0 : i32
        %dma_start3A_99 = tpu.memref_slice %arg6[%multiple_of3A_92, %dma_start3A_98] : memref<10000x48xf32, #tpu.memory_space<vmem_shared>> -> memref<48x48xf32, #tpu.memory_space<vmem_shared>>
        %dma_start3A_100 = arith.constant 0 : i32
        %dma_start3A_101 = tpu.memref_slice %arg6[%multiple_of3A_92, %dma_start3A_100] : memref<10000x48xf32, #tpu.memory_space<vmem_shared>> -> memref<48x48xf32, #tpu.memory_space<vmem_shared>>
        %dma_start3A_102 = arith.constant 0 : i32
        %dma_start3A_103 = arith.constant 0 : i32
        %dma_start3A_104 = tpu.memref_slice %arg9[%run_scoped3A, %dma_start3A_102, %dma_start3A_103] : memref<2x256x48xf32, #tpu.memory_space<vmem>> -> memref<1x48x48xf32, #tpu.memory_space<vmem>>
        %dma_start3A_105 = tpu.memref_squeeze %dma_start3A_104 : memref<1x48x48xf32, #tpu.memory_space<vmem>> -> memref<48x48xf32, #tpu.memory_space<vmem>>
        tpu.enqueue_dma source(%dma_start3A_105 : memref<48x48xf32, #tpu.memory_space<vmem>>) target(%dma_start3A_101 : memref<48x48xf32, #tpu.memory_space<vmem_shared>>) target_semaphore(%run_scoped3A_93 : memref<!tpu.dma_semaphore, #tpu.memory_space<semaphore_mem>>)
        %dma_wait3A_106 = arith.constant 0 : i32
        %dma_wait3A_107 = arith.constant 0 : i32
        %dma_wait3A_108 = tpu.memref_slice %arg9[%run_scoped3A, %dma_wait3A_106, %dma_wait3A_107] : memref<2x256x48xf32, #tpu.memory_space<vmem>> -> memref<1x48x48xf32, #tpu.memory_space<vmem>>
        %dma_wait3A_109 = tpu.memref_squeeze %dma_wait3A_108 : memref<1x48x48xf32, #tpu.memory_space<vmem>> -> memref<48x48xf32, #tpu.memory_space<vmem>>
        %dma_wait3A_110 = arith.constant 0 : i32
        %dma_wait3A_111 = tpu.memref_slice %arg6[%multiple_of3A_92, %dma_wait3A_110] : memref<10000x48xf32, #tpu.memory_space<vmem_shared>> -> memref<48x48xf32, #tpu.memory_space<vmem_shared>>
        %dma_wait3A_112 = arith.constant 0 : i32
        %dma_wait3A_113 = tpu.memref_slice %arg6[%multiple_of3A_92, %dma_wait3A_112] : memref<10000x48xf32, #tpu.memory_space<vmem_shared>> -> memref<48x48xf32, #tpu.memory_space<vmem_shared>>
        %dma_wait3A_114 = arith.constant 0 : i32
        %dma_wait3A_115 = arith.constant 0 : i32
        %dma_wait3A_116 = tpu.memref_slice %arg9[%run_scoped3A, %dma_wait3A_114, %dma_wait3A_115] : memref<2x256x48xf32, #tpu.memory_space<vmem>> -> memref<1x48x48xf32, #tpu.memory_space<vmem>>
        %dma_wait3A_117 = tpu.memref_squeeze %dma_wait3A_116 : memref<1x48x48xf32, #tpu.memory_space<vmem>> -> memref<48x48xf32, #tpu.memory_space<vmem>>
        tpu.wait_dma2 semaphore(%run_scoped3A_93 : memref<!tpu.dma_semaphore, #tpu.memory_space<semaphore_mem>>) src(%dma_wait3A_117 : memref<48x48xf32, #tpu.memory_space<vmem>>) dst(%dma_wait3A_113 : memref<48x48xf32, #tpu.memory_space<vmem_shared>>)
        tpu.yield
      }) : () -> ()
    }
    %scan3A_14 = arith.constant 13 : i32
    %eq3A = arith.constant 15 : i32
    %eq3A_15 = arith.cmpi eq, %arg1, %eq3A : i32
    %convert_element_type3A = arith.extui %eq3A_15 : i1 to i32
    %cond3A = arith.constant 0 : i32
    %cond3A_16 = arith.cmpi ne, %convert_element_type3A, %cond3A : i32
    scf.if %cond3A_16 {
      %run_scoped3A = arith.constant 0 : i32
      "tpu.region"() ({
        %run_scoped3A_88 = tpu.sem_alloc : memref<!tpu.dma_semaphore, #tpu.memory_space<semaphore_mem>>
        %dma_start3A_89 = arith.constant 0 : i32
        %dma_start3A_90 = arith.constant 0 : i32
        %dma_start3A_91 = tpu.memref_slice %arg9[%run_scoped3A, %dma_start3A_89, %dma_start3A_90] : memref<2x256x48xf32, #tpu.memory_space<vmem>> -> memref<1x16x48xf32, #tpu.memory_space<vmem>>
        %dma_start3A_92 = tpu.memref_squeeze %dma_start3A_91 : memref<1x16x48xf32, #tpu.memory_space<vmem>> -> memref<16x48xf32, #tpu.memory_space<vmem>>
        %dma_start3A_93 = arith.constant 9984 : i32
        %dma_start3A_94 = arith.constant 0 : i32
        %dma_start3A_95 = tpu.memref_slice %arg6[%dma_start3A_93, %dma_start3A_94] : memref<10000x48xf32, #tpu.memory_space<vmem_shared>> -> memref<16x48xf32, #tpu.memory_space<vmem_shared>>
        %dma_start3A_96 = arith.constant 9984 : i32
        %dma_start3A_97 = arith.constant 0 : i32
        %dma_start3A_98 = tpu.memref_slice %arg6[%dma_start3A_96, %dma_start3A_97] : memref<10000x48xf32, #tpu.memory_space<vmem_shared>> -> memref<16x48xf32, #tpu.memory_space<vmem_shared>>
        %dma_start3A_99 = arith.constant 0 : i32
        %dma_start3A_100 = arith.constant 0 : i32
        %dma_start3A_101 = tpu.memref_slice %arg9[%run_scoped3A, %dma_start3A_99, %dma_start3A_100] : memref<2x256x48xf32, #tpu.memory_space<vmem>> -> memref<1x16x48xf32, #tpu.memory_space<vmem>>
        %dma_start3A_102 = tpu.memref_squeeze %dma_start3A_101 : memref<1x16x48xf32, #tpu.memory_space<vmem>> -> memref<16x48xf32, #tpu.memory_space<vmem>>
        tpu.enqueue_dma source(%dma_start3A_102 : memref<16x48xf32, #tpu.memory_space<vmem>>) target(%dma_start3A_98 : memref<16x48xf32, #tpu.memory_space<vmem_shared>>) target_semaphore(%run_scoped3A_88 : memref<!tpu.dma_semaphore, #tpu.memory_space<semaphore_mem>>)
        %dma_wait3A_103 = arith.constant 0 : i32
        %dma_wait3A_104 = arith.constant 0 : i32
        %dma_wait3A_105 = tpu.memref_slice %arg9[%run_scoped3A, %dma_wait3A_103, %dma_wait3A_104] : memref<2x256x48xf32, #tpu.memory_space<vmem>> -> memref<1x16x48xf32, #tpu.memory_space<vmem>>
        %dma_wait3A_106 = tpu.memref_squeeze %dma_wait3A_105 : memref<1x16x48xf32, #tpu.memory_space<vmem>> -> memref<16x48xf32, #tpu.memory_space<vmem>>
        %dma_wait3A_107 = arith.constant 9984 : i32
        %dma_wait3A_108 = arith.constant 0 : i32
        %dma_wait3A_109 = tpu.memref_slice %arg6[%dma_wait3A_107, %dma_wait3A_108] : memref<10000x48xf32, #tpu.memory_space<vmem_shared>> -> memref<16x48xf32, #tpu.memory_space<vmem_shared>>
        %dma_wait3A_110 = arith.constant 9984 : i32
        %dma_wait3A_111 = arith.constant 0 : i32
        %dma_wait3A_112 = tpu.memref_slice %arg6[%dma_wait3A_110, %dma_wait3A_111] : memref<10000x48xf32, #tpu.memory_space<vmem_shared>> -> memref<16x48xf32, #tpu.memory_space<vmem_shared>>
        %dma_wait3A_113 = arith.constant 0 : i32
        %dma_wait3A_114 = arith.constant 0 : i32
        %dma_wait3A_115 = tpu.memref_slice %arg9[%run_scoped3A, %dma_wait3A_113, %dma_wait3A_114] : memref<2x256x48xf32, #tpu.memory_space<vmem>> -> memref<1x16x48xf32, #tpu.memory_space<vmem>>
        %dma_wait3A_116 = tpu.memref_squeeze %dma_wait3A_115 : memref<1x16x48xf32, #tpu.memory_space<vmem>> -> memref<16x48xf32, #tpu.memory_space<vmem>>
        tpu.wait_dma2 semaphore(%run_scoped3A_88 : memref<!tpu.dma_semaphore, #tpu.memory_space<semaphore_mem>>) src(%dma_wait3A_116 : memref<16x48xf32, #tpu.memory_space<vmem>>) dst(%dma_wait3A_112 : memref<16x48xf32, #tpu.memory_space<vmem_shared>>)
        tpu.yield
      }) : () -> ()
    } else {
    }
    %barrier3A = arith.constant 0 : index
    tpu.barrier barrier_id(%barrier3A)
    "tpu.region"() ({
      %run_scoped3A = tpu.sem_alloc : memref<!tpu.dma_semaphore, #tpu.memory_space<semaphore_mem>>
      tpu.enqueue_dma source(%arg4 : memref<32xf32, #tpu.memory_space<hbm>>) target(%arg10 : memref<32xf32, #tpu.memory_space<vmem>>) target_semaphore(%run_scoped3A : memref<!tpu.dma_semaphore, #tpu.memory_space<semaphore_mem>>)
      tpu.wait_dma2 semaphore(%run_scoped3A : memref<!tpu.dma_semaphore, #tpu.memory_space<semaphore_mem>>) src(%arg4 : memref<32xf32, #tpu.memory_space<hbm>>) dst(%arg10 : memref<32xf32, #tpu.memory_space<vmem>>)
      tpu.yield
    }) : () -> ()
    "tpu.region"() ({
      %run_scoped3A = tpu.sem_alloc : memref<!tpu.dma_semaphore, #tpu.memory_space<semaphore_mem>>
      %dma_start3A_88 = arith.constant 0 : i32
      %dma_start3A_89 = arith.constant 0 : i32
      %dma_start3A_90 = arith.constant 0 : i32
      %dma_start3A_91 = tpu.memref_slice %arg3[%add3A, %dma_start3A_88, %dma_start3A_89, %dma_start3A_90] : memref<32x82x2x128xi32, #tpu.memory_space<hbm>> -> memref<1x82x2x128xi32, #tpu.memory_space<hbm>>
      %dma_start3A_92 = tpu.memref_squeeze %dma_start3A_91 : memref<1x82x2x128xi32, #tpu.memory_space<hbm>> -> memref<82x2x128xi32, #tpu.memory_space<hbm>>
      %dma_start3A_93 = arith.constant 0 : i32
      %dma_start3A_94 = arith.constant 0 : i32
      %dma_start3A_95 = arith.constant 0 : i32
      %dma_start3A_96 = tpu.memref_slice %arg3[%add3A, %dma_start3A_93, %dma_start3A_94, %dma_start3A_95] : memref<32x82x2x128xi32, #tpu.memory_space<hbm>> -> memref<1x82x2x128xi32, #tpu.memory_space<hbm>>
      %dma_start3A_97 = tpu.memref_squeeze %dma_start3A_96 : memref<1x82x2x128xi32, #tpu.memory_space<hbm>> -> memref<82x2x128xi32, #tpu.memory_space<hbm>>
      tpu.enqueue_dma source(%dma_start3A_97 : memref<82x2x128xi32, #tpu.memory_space<hbm>>) target(%arg7 : memref<82x2x128xi32, #tpu.memory_space<vmem>>) target_semaphore(%run_scoped3A : memref<!tpu.dma_semaphore, #tpu.memory_space<semaphore_mem>>)
      %dma_wait3A_98 = arith.constant 0 : i32
      %dma_wait3A_99 = arith.constant 0 : i32
      %dma_wait3A_100 = arith.constant 0 : i32
      %dma_wait3A_101 = tpu.memref_slice %arg3[%add3A, %dma_wait3A_98, %dma_wait3A_99, %dma_wait3A_100] : memref<32x82x2x128xi32, #tpu.memory_space<hbm>> -> memref<1x82x2x128xi32, #tpu.memory_space<hbm>>
      %dma_wait3A_102 = tpu.memref_squeeze %dma_wait3A_101 : memref<1x82x2x128xi32, #tpu.memory_space<hbm>> -> memref<82x2x128xi32, #tpu.memory_space<hbm>>
      %dma_wait3A_103 = arith.constant 0 : i32
      %dma_wait3A_104 = arith.constant 0 : i32
      %dma_wait3A_105 = arith.constant 0 : i32
      %dma_wait3A_106 = tpu.memref_slice %arg3[%add3A, %dma_wait3A_103, %dma_wait3A_104, %dma_wait3A_105] : memref<32x82x2x128xi32, #tpu.memory_space<hbm>> -> memref<1x82x2x128xi32, #tpu.memory_space<hbm>>
      %dma_wait3A_107 = tpu.memref_squeeze %dma_wait3A_106 : memref<1x82x2x128xi32, #tpu.memory_space<hbm>> -> memref<82x2x128xi32, #tpu.memory_space<hbm>>
      tpu.wait_dma2 semaphore(%run_scoped3A : memref<!tpu.dma_semaphore, #tpu.memory_space<semaphore_mem>>) src(%dma_wait3A_107 : memref<82x2x128xi32, #tpu.memory_space<hbm>>) dst(%arg7 : memref<82x2x128xi32, #tpu.memory_space<vmem>>)
      tpu.yield
    }) : () -> ()
    %get3A = arith.constant 0 : index
    %get3A_17 = tpu.vector_load %arg10[%get3A] {strides = array<i32>} : memref<32xf32, #tpu.memory_space<vmem>>, vector<16xf32>,
    %get3A_18 = arith.constant 16 : index
    %get3A_19 = tpu.vector_load %arg10[%get3A_18] {strides = array<i32>} : memref<32xf32, #tpu.memory_space<vmem>>, vector<16xf32>,
    %broadcast_in_dim3A_20 = arith.constant 10000 : i32
    %broadcast_in_dim3A_21 = vector.broadcast %broadcast_in_dim3A_20 : i32 to vector<16xi32>
    %dma_start3A = arith.constant 0 : i32
    %dma_start3A_22 = arith.constant 0 : i32
    %dma_start3A_23 = arith.constant 0 : i32
    %dma_start3A_24 = arith.constant 0 : i32
    %dma_start3A_25 = arith.constant 0 : i32
    %dma_start3A_26 = tpu.memref_slice %arg9[%dma_start3A_23, %dma_start3A_24, %dma_start3A_25] : memref<2x256x48xf32, #tpu.memory_space<vmem>> -> memref<1x128x48xf32, #tpu.memory_space<vmem>>
    %dma_start3A_27 = tpu.memref_squeeze %dma_start3A_26 : memref<1x128x48xf32, #tpu.memory_space<vmem>> -> memref<128x48xf32, #tpu.memory_space<vmem>>
    %dma_start3A_28 = arith.constant 0 : i32
    %dma_start3A_29 = tpu.memref_slice %arg7[%dma_start3A, %dma_start3A_22, %dma_start3A_28] : memref<82x2x128xi32, #tpu.memory_space<vmem>> -> memref<1x1x128xi32, #tpu.memory_space<vmem>>
    %dma_start3A_30 = tpu.memref_squeeze %dma_start3A_29 : memref<1x1x128xi32, #tpu.memory_space<vmem>> -> memref<128xi32, #tpu.memory_space<vmem>>
    %dma_start3A_31 = arith.constant 0 : i32
    %dma_start3A_32 = arith.constant 0 : i32
    %dma_start3A_33 = tpu.memref_slice %arg2[%dma_start3A_31, %dma_start3A_32] : memref<20000x48xf32, #tpu.memory_space<hbm>> -> memref<20000x48xf32, #tpu.memory_space<hbm>>
    tpu.enqueue_indirect_dma source(%dma_start3A_33 : memref<20000x48xf32, #tpu.memory_space<hbm>>) target(%dma_start3A_27 : memref<128x48xf32, #tpu.memory_space<vmem>>) offsets(%dma_start3A_30 : memref<128xi32, #tpu.memory_space<vmem>>) semaphore(%arg11 : memref<!tpu.dma_semaphore, #tpu.memory_space<semaphore_mem>>)
    %dma_start3A_34 = arith.constant 0 : i32
    %dma_start3A_35 = arith.constant 1 : i32
    %dma_start3A_36 = arith.constant 0 : i32
    %dma_start3A_37 = arith.constant 128 : i32
    %dma_start3A_38 = arith.constant 0 : i32
    %dma_start3A_39 = tpu.memref_slice %arg9[%dma_start3A_36, %dma_start3A_37, %dma_start3A_38] : memref<2x256x48xf32, #tpu.memory_space<vmem>> -> memref<1x128x48xf32, #tpu.memory_space<vmem>>
    %dma_start3A_40 = tpu.memref_squeeze %dma_start3A_39 : memref<1x128x48xf32, #tpu.memory_space<vmem>> -> memref<128x48xf32, #tpu.memory_space<vmem>>
    %dma_start3A_41 = arith.constant 0 : i32
    %dma_start3A_42 = tpu.memref_slice %arg7[%dma_start3A_34, %dma_start3A_35, %dma_start3A_41] : memref<82x2x128xi32, #tpu.memory_space<vmem>> -> memref<1x1x128xi32, #tpu.memory_space<vmem>>
    %dma_start3A_43 = tpu.memref_squeeze %dma_start3A_42 : memref<1x1x128xi32, #tpu.memory_space<vmem>> -> memref<128xi32, #tpu.memory_space<vmem>>
    %dma_start3A_44 = arith.constant 0 : i32
    %dma_start3A_45 = arith.constant 0 : i32
    %dma_start3A_46 = tpu.memref_slice %arg2[%dma_start3A_44, %dma_start3A_45] : memref<20000x48xf32, #tpu.memory_space<hbm>> -> memref<20000x48xf32, #tpu.memory_space<hbm>>
    tpu.enqueue_indirect_dma source(%dma_start3A_46 : memref<20000x48xf32, #tpu.memory_space<hbm>>) target(%dma_start3A_40 : memref<128x48xf32, #tpu.memory_space<vmem>>) offsets(%dma_start3A_43 : memref<128xi32, #tpu.memory_space<vmem>>) semaphore(%arg11 : memref<!tpu.dma_semaphore, #tpu.memory_space<semaphore_mem>>)
    %scan3A_47 = arith.constant 0 : i32
    %scan3A_48 = arith.constant 0 : i32
    %scan3A_49 = arith.constant 41 : i32
    %scan3A_50 = arith.addi %scan3A_48, %scan3A_49 : i32
    %scan3A_51 = arith.constant 1 : i32
    scf.for %scan3A_88 = %scan3A_48 to %scan3A_50 step %scan3A_51  : i32 {
      %mul3A_89 = arith.constant 2 : i32
      %mul3A_90 = arith.muli %mul3A_89, %scan3A_88 : i32
      %add3A_91 = arith.constant 0 : i32
      %add3A_92 = arith.addi %mul3A_90, %add3A_91 : i32
      %gt3A = arith.constant 0 : i32
      %gt3A_93 = arith.cmpi sgt, %scan3A_88, %gt3A : i32
      %convert_element_type3A_94 = arith.extui %gt3A_93 : i1 to i32
      %cond3A_95 = arith.constant 0 : i32
      %cond3A_96 = arith.cmpi ne, %convert_element_type3A_94, %cond3A_95 : i32
      scf.if %cond3A_96 {
        %sub3A_397 = arith.constant 1 : i32
        %sub3A_398 = arith.subi %add3A_92, %sub3A_397 : i32
        %dma_wait3A_399 = arith.constant 1 : i32
        %dma_wait3A_400 = arith.constant 1 : i32
        %dma_wait3A_401 = arith.constant 0 : i32
        %dma_wait3A_402 = arith.constant 0 : i32
        %dma_wait3A_403 = tpu.memref_slice %arg9[%dma_wait3A_399, %dma_wait3A_401, %dma_wait3A_402] : memref<2x256x48xf32, #tpu.memory_space<vmem>> -> memref<1x128x48xf32, #tpu.memory_space<vmem>>
        %dma_wait3A_404 = tpu.memref_squeeze %dma_wait3A_403 : memref<1x128x48xf32, #tpu.memory_space<vmem>> -> memref<128x48xf32, #tpu.memory_space<vmem>>
        %dma_wait3A_405 = arith.constant 0 : i32
        %dma_wait3A_406 = tpu.memref_slice %arg8[%dma_wait3A_400, %dma_wait3A_405] : memref<2x128xi32, #tpu.memory_space<vmem>> -> memref<1x128xi32, #tpu.memory_space<vmem>>
        %dma_wait3A_407 = tpu.memref_squeeze %dma_wait3A_406 : memref<1x128xi32, #tpu.memory_space<vmem>> -> memref<128xi32, #tpu.memory_space<vmem>>
        %dma_wait3A_408 = arith.constant 0 : i32
        %dma_wait3A_409 = arith.constant 0 : i32
        %dma_wait3A_410 = tpu.memref_slice %arg6[%dma_wait3A_408, %dma_wait3A_409] : memref<10000x48xf32, #tpu.memory_space<vmem_shared>> -> memref<10000x48xf32, #tpu.memory_space<vmem_shared>>
        tpu.wait_indirect_dma semaphore(%arg14 : memref<!tpu.dma_semaphore, #tpu.memory_space<semaphore_mem>>) src(%dma_wait3A_404 : memref<128x48xf32, #tpu.memory_space<vmem>>) dst(%dma_wait3A_410 : memref<10000x48xf32, #tpu.memory_space<vmem_shared>>)
      } else {
      }
      %add3A_97 = arith.constant 1 : i32
      %add3A_98 = arith.addi %add3A_92, %add3A_97 : i32
      %dma_start3A_99 = arith.constant 0 : i32
      %dma_start3A_100 = arith.constant 1 : i32
      %dma_start3A_101 = arith.constant 0 : i32
      %dma_start3A_102 = arith.constant 0 : i32
      %dma_start3A_103 = tpu.memref_slice %arg9[%dma_start3A_100, %dma_start3A_101, %dma_start3A_102] : memref<2x256x48xf32, #tpu.memory_space<vmem>> -> memref<1x128x48xf32, #tpu.memory_space<vmem>>
      %dma_start3A_104 = tpu.memref_squeeze %dma_start3A_103 : memref<1x128x48xf32, #tpu.memory_space<vmem>> -> memref<128x48xf32, #tpu.memory_space<vmem>>
      %dma_start3A_105 = arith.constant 0 : i32
      %dma_start3A_106 = tpu.memref_slice %arg7[%add3A_98, %dma_start3A_99, %dma_start3A_105] : memref<82x2x128xi32, #tpu.memory_space<vmem>> -> memref<1x1x128xi32, #tpu.memory_space<vmem>>
      %dma_start3A_107 = tpu.memref_squeeze %dma_start3A_106 : memref<1x1x128xi32, #tpu.memory_space<vmem>> -> memref<128xi32, #tpu.memory_space<vmem>>
      %dma_start3A_108 = arith.constant 0 : i32
      %dma_start3A_109 = arith.constant 0 : i32
      %dma_start3A_110 = tpu.memref_slice %arg2[%dma_start3A_108, %dma_start3A_109] : memref<20000x48xf32, #tpu.memory_space<hbm>> -> memref<20000x48xf32, #tpu.memory_space<hbm>>
      tpu.enqueue_indirect_dma source(%dma_start3A_110 : memref<20000x48xf32, #tpu.memory_space<hbm>>) target(%dma_start3A_104 : memref<128x48xf32, #tpu.memory_space<vmem>>) offsets(%dma_start3A_107 : memref<128xi32, #tpu.memory_space<vmem>>) semaphore(%arg12 : memref<!tpu.dma_semaphore, #tpu.memory_space<semaphore_mem>>)
      %dma_start3A_111 = arith.constant 1 : i32
      %dma_start3A_112 = arith.constant 1 : i32
      %dma_start3A_113 = arith.constant 128 : i32
      %dma_start3A_114 = arith.constant 0 : i32
      %dma_start3A_115 = tpu.memref_slice %arg9[%dma_start3A_112, %dma_start3A_113, %dma_start3A_114] : memref<2x256x48xf32, #tpu.memory_space<vmem>> -> memref<1x128x48xf32, #tpu.memory_space<vmem>>
      %dma_start3A_116 = tpu.memref_squeeze %dma_start3A_115 : memref<1x128x48xf32, #tpu.memory_space<vmem>> -> memref<128x48xf32, #tpu.memory_space<vmem>>
      %dma_start3A_117 = arith.constant 0 : i32
      %dma_start3A_118 = tpu.memref_slice %arg7[%add3A_98, %dma_start3A_111, %dma_start3A_117] : memref<82x2x128xi32, #tpu.memory_space<vmem>> -> memref<1x1x128xi32, #tpu.memory_space<vmem>>
      %dma_start3A_119 = tpu.memref_squeeze %dma_start3A_118 : memref<1x1x128xi32, #tpu.memory_space<vmem>> -> memref<128xi32, #tpu.memory_space<vmem>>
      %dma_start3A_120 = arith.constant 0 : i32
      %dma_start3A_121 = arith.constant 0 : i32
      %dma_start3A_122 = tpu.memref_slice %arg2[%dma_start3A_120, %dma_start3A_121] : memref<20000x48xf32, #tpu.memory_space<hbm>> -> memref<20000x48xf32, #tpu.memory_space<hbm>>
      tpu.enqueue_indirect_dma source(%dma_start3A_122 : memref<20000x48xf32, #tpu.memory_space<hbm>>) target(%dma_start3A_116 : memref<128x48xf32, #tpu.memory_space<vmem>>) offsets(%dma_start3A_119 : memref<128xi32, #tpu.memory_space<vmem>>) semaphore(%arg12 : memref<!tpu.dma_semaphore, #tpu.memory_space<semaphore_mem>>)
      %dma_wait3A_123 = arith.constant 0 : i32
      %dma_wait3A_124 = arith.constant 0 : i32
      %dma_wait3A_125 = arith.constant 0 : i32
      %dma_wait3A_126 = arith.constant 0 : i32
      %dma_wait3A_127 = tpu.memref_slice %arg9[%dma_wait3A_124, %dma_wait3A_125, %dma_wait3A_126] : memref<2x256x48xf32, #tpu.memory_space<vmem>> -> memref<1x128x48xf32, #tpu.memory_space<vmem>>
      %dma_wait3A_128 = tpu.memref_squeeze %dma_wait3A_127 : memref<1x128x48xf32, #tpu.memory_space<vmem>> -> memref<128x48xf32, #tpu.memory_space<vmem>>
      %dma_wait3A_129 = arith.constant 0 : i32
      %dma_wait3A_130 = tpu.memref_slice %arg7[%add3A_92, %dma_wait3A_123, %dma_wait3A_129] : memref<82x2x128xi32, #tpu.memory_space<vmem>> -> memref<1x1x128xi32, #tpu.memory_space<vmem>>
      %dma_wait3A_131 = tpu.memref_squeeze %dma_wait3A_130 : memref<1x1x128xi32, #tpu.memory_space<vmem>> -> memref<128xi32, #tpu.memory_space<vmem>>
      %dma_wait3A_132 = arith.constant 0 : i32
      %dma_wait3A_133 = arith.constant 0 : i32
      %dma_wait3A_134 = tpu.memref_slice %arg2[%dma_wait3A_132, %dma_wait3A_133] : memref<20000x48xf32, #tpu.memory_space<hbm>> -> memref<20000x48xf32, #tpu.memory_space<hbm>>
      tpu.wait_indirect_dma semaphore(%arg11 : memref<!tpu.dma_semaphore, #tpu.memory_space<semaphore_mem>>) src(%dma_wait3A_134 : memref<20000x48xf32, #tpu.memory_space<hbm>>) dst(%dma_wait3A_128 : memref<128x48xf32, #tpu.memory_space<vmem>>)
      %dma_wait3A_135 = arith.constant 1 : i32
      %dma_wait3A_136 = arith.constant 0 : i32
      %dma_wait3A_137 = arith.constant 128 : i32
      %dma_wait3A_138 = arith.constant 0 : i32
      %dma_wait3A_139 = tpu.memref_slice %arg9[%dma_wait3A_136, %dma_wait3A_137, %dma_wait3A_138] : memref<2x256x48xf32, #tpu.memory_space<vmem>> -> memref<1x128x48xf32, #tpu.memory_space<vmem>>
      %dma_wait3A_140 = tpu.memref_squeeze %dma_wait3A_139 : memref<1x128x48xf32, #tpu.memory_space<vmem>> -> memref<128x48xf32, #tpu.memory_space<vmem>>
      %dma_wait3A_141 = arith.constant 0 : i32
      %dma_wait3A_142 = tpu.memref_slice %arg7[%add3A_92, %dma_wait3A_135, %dma_wait3A_141] : memref<82x2x128xi32, #tpu.memory_space<vmem>> -> memref<1x1x128xi32, #tpu.memory_space<vmem>>
      %dma_wait3A_143 = tpu.memref_squeeze %dma_wait3A_142 : memref<1x1x128xi32, #tpu.memory_space<vmem>> -> memref<128xi32, #tpu.memory_space<vmem>>
      %dma_wait3A_144 = arith.constant 0 : i32
      %dma_wait3A_145 = arith.constant 0 : i32
      %dma_wait3A_146 = tpu.memref_slice %arg2[%dma_wait3A_144, %dma_wait3A_145] : memref<20000x48xf32, #tpu.memory_space<hbm>> -> memref<20000x48xf32, #tpu.memory_space<hbm>>
      tpu.wait_indirect_dma semaphore(%arg11 : memref<!tpu.dma_semaphore, #tpu.memory_space<semaphore_mem>>) src(%dma_wait3A_146 : memref<20000x48xf32, #tpu.memory_space<hbm>>) dst(%dma_wait3A_140 : memref<128x48xf32, #tpu.memory_space<vmem>>)
      %mul3A_147 = arith.constant 10496 : i32
      %mul3A_148 = arith.muli %add3A, %mul3A_147 : i32
      %mul3A_149 = arith.constant 128 : i32
      %mul3A_150 = arith.muli %add3A_92, %mul3A_149 : i32
      %add3A_151 = arith.addi %mul3A_148, %mul3A_150 : i32
      %get3A_152 = arith.constant 1 : i32
      %get3A_153 = arith.index_cast %add3A_92 : i32 to index
      %get3A_154 = arith.index_cast %get3A_152 : i32 to index
      %get3A_155 = arith.constant 0 : index
      %get3A_156 = tpu.vector_load %arg7[%get3A_153, %get3A_154, %get3A_155] {strides = array<i32>} : memref<82x2x128xi32, #tpu.memory_space<vmem>>, vector<16xi32>,
      %sub3A = arith.subi %get3A_156, %broadcast_in_dim3A_21 : vector<16xi32>
      %swap3A = arith.constant 0 : i32
      %swap3A_157 = arith.index_cast %swap3A : i32 to index
      %swap3A_158 = arith.constant 0 : index
      %swap3A_159 = tpu.vector_load %arg8[%swap3A_157, %swap3A_158] {strides = array<i32>} : memref<2x128xi32, #tpu.memory_space<vmem>>, vector<16xi32>,
      tpu.vector_store %arg8[%swap3A_157, %swap3A_158], %sub3A {strides = array<i32>} : memref<2x128xi32, #tpu.memory_space<vmem>>, vector<16xi32>,
      %get3A_160 = arith.constant 1 : i32
      %get3A_161 = arith.index_cast %add3A_92 : i32 to index
      %get3A_162 = arith.index_cast %get3A_160 : i32 to index
      %get3A_163 = arith.constant 16 : index
      %get3A_164 = tpu.vector_load %arg7[%get3A_161, %get3A_162, %get3A_163] {strides = array<i32>} : memref<82x2x128xi32, #tpu.memory_space<vmem>>, vector<16xi32>,
      %sub3A_165 = arith.subi %get3A_164, %broadcast_in_dim3A_21 : vector<16xi32>
      %swap3A_166 = arith.constant 0 : i32
      %swap3A_167 = arith.index_cast %swap3A_166 : i32 to index
      %swap3A_168 = arith.constant 16 : index
      %swap3A_169 = tpu.vector_load %arg8[%swap3A_167, %swap3A_168] {strides = array<i32>} : memref<2x128xi32, #tpu.memory_space<vmem>>, vector<16xi32>,
      tpu.vector_store %arg8[%swap3A_167, %swap3A_168], %sub3A_165 {strides = array<i32>} : memref<2x128xi32, #tpu.memory_space<vmem>>, vector<16xi32>,
      %get3A_170 = arith.constant 1 : i32
      %get3A_171 = arith.index_cast %add3A_92 : i32 to index
      %get3A_172 = arith.index_cast %get3A_170 : i32 to index
      %get3A_173 = arith.constant 32 : index
      %get3A_174 = tpu.vector_load %arg7[%get3A_171, %get3A_172, %get3A_173] {strides = array<i32>} : memref<82x2x128xi32, #tpu.memory_space<vmem>>, vector<16xi32>,
      %sub3A_175 = arith.subi %get3A_174, %broadcast_in_dim3A_21 : vector<16xi32>
      %swap3A_176 = arith.constant 0 : i32
      %swap3A_177 = arith.index_cast %swap3A_176 : i32 to index
      %swap3A_178 = arith.constant 32 : index
      %swap3A_179 = tpu.vector_load %arg8[%swap3A_177, %swap3A_178] {strides = array<i32>} : memref<2x128xi32, #tpu.memory_space<vmem>>, vector<16xi32>,
      tpu.vector_store %arg8[%swap3A_177, %swap3A_178], %sub3A_175 {strides = array<i32>} : memref<2x128xi32, #tpu.memory_space<vmem>>, vector<16xi32>,
      %get3A_180 = arith.constant 1 : i32
      %get3A_181 = arith.index_cast %add3A_92 : i32 to index
      %get3A_182 = arith.index_cast %get3A_180 : i32 to index
      %get3A_183 = arith.constant 48 : index
      %get3A_184 = tpu.vector_load %arg7[%get3A_181, %get3A_182, %get3A_183] {strides = array<i32>} : memref<82x2x128xi32, #tpu.memory_space<vmem>>, vector<16xi32>,
      %sub3A_185 = arith.subi %get3A_184, %broadcast_in_dim3A_21 : vector<16xi32>
      %swap3A_186 = arith.constant 0 : i32
      %swap3A_187 = arith.index_cast %swap3A_186 : i32 to index
      %swap3A_188 = arith.constant 48 : index
      %swap3A_189 = tpu.vector_load %arg8[%swap3A_187, %swap3A_188] {strides = array<i32>} : memref<2x128xi32, #tpu.memory_space<vmem>>, vector<16xi32>,
      tpu.vector_store %arg8[%swap3A_187, %swap3A_188], %sub3A_185 {strides = array<i32>} : memref<2x128xi32, #tpu.memory_space<vmem>>, vector<16xi32>,
      %get3A_190 = arith.constant 1 : i32
      %get3A_191 = arith.index_cast %add3A_92 : i32 to index
      %get3A_192 = arith.index_cast %get3A_190 : i32 to index
      %get3A_193 = arith.constant 64 : index
      %get3A_194 = tpu.vector_load %arg7[%get3A_191, %get3A_192, %get3A_193] {strides = array<i32>} : memref<82x2x128xi32, #tpu.memory_space<vmem>>, vector<16xi32>,
      %sub3A_195 = arith.subi %get3A_194, %broadcast_in_dim3A_21 : vector<16xi32>
      %swap3A_196 = arith.constant 0 : i32
      %swap3A_197 = arith.index_cast %swap3A_196 : i32 to index
      %swap3A_198 = arith.constant 64 : index
      %swap3A_199 = tpu.vector_load %arg8[%swap3A_197, %swap3A_198] {strides = array<i32>} : memref<2x128xi32, #tpu.memory_space<vmem>>, vector<16xi32>,
      tpu.vector_store %arg8[%swap3A_197, %swap3A_198], %sub3A_195 {strides = array<i32>} : memref<2x128xi32, #tpu.memory_space<vmem>>, vector<16xi32>,
      %get3A_200 = arith.constant 1 : i32
      %get3A_201 = arith.index_cast %add3A_92 : i32 to index
      %get3A_202 = arith.index_cast %get3A_200 : i32 to index
      %get3A_203 = arith.constant 80 : index
      %get3A_204 = tpu.vector_load %arg7[%get3A_201, %get3A_202, %get3A_203] {strides = array<i32>} : memref<82x2x128xi32, #tpu.memory_space<vmem>>, vector<16xi32>,
      %sub3A_205 = arith.subi %get3A_204, %broadcast_in_dim3A_21 : vector<16xi32>
      %swap3A_206 = arith.constant 0 : i32
      %swap3A_207 = arith.index_cast %swap3A_206 : i32 to index
      %swap3A_208 = arith.constant 80 : index
      %swap3A_209 = tpu.vector_load %arg8[%swap3A_207, %swap3A_208] {strides = array<i32>} : memref<2x128xi32, #tpu.memory_space<vmem>>, vector<16xi32>,
      tpu.vector_store %arg8[%swap3A_207, %swap3A_208], %sub3A_205 {strides = array<i32>} : memref<2x128xi32, #tpu.memory_space<vmem>>, vector<16xi32>,
      %get3A_210 = arith.constant 1 : i32
      %get3A_211 = arith.index_cast %add3A_92 : i32 to index
      %get3A_212 = arith.index_cast %get3A_210 : i32 to index
      %get3A_213 = arith.constant 96 : index
      %get3A_214 = tpu.vector_load %arg7[%get3A_211, %get3A_212, %get3A_213] {strides = array<i32>} : memref<82x2x128xi32, #tpu.memory_space<vmem>>, vector<16xi32>,
      %sub3A_215 = arith.subi %get3A_214, %broadcast_in_dim3A_21 : vector<16xi32>
      %swap3A_216 = arith.constant 0 : i32
      %swap3A_217 = arith.index_cast %swap3A_216 : i32 to index
      %swap3A_218 = arith.constant 96 : index
      %swap3A_219 = tpu.vector_load %arg8[%swap3A_217, %swap3A_218] {strides = array<i32>} : memref<2x128xi32, #tpu.memory_space<vmem>>, vector<16xi32>,
      tpu.vector_store %arg8[%swap3A_217, %swap3A_218], %sub3A_215 {strides = array<i32>} : memref<2x128xi32, #tpu.memory_space<vmem>>, vector<16xi32>,
      %get3A_220 = arith.constant 1 : i32
      %get3A_221 = arith.index_cast %add3A_92 : i32 to index
      %get3A_222 = arith.index_cast %get3A_220 : i32 to index
      %get3A_223 = arith.constant 112 : index
      %get3A_224 = tpu.vector_load %arg7[%get3A_221, %get3A_222, %get3A_223] {strides = array<i32>} : memref<82x2x128xi32, #tpu.memory_space<vmem>>, vector<16xi32>,
      %sub3A_225 = arith.subi %get3A_224, %broadcast_in_dim3A_21 : vector<16xi32>
      %swap3A_226 = arith.constant 0 : i32
      %swap3A_227 = arith.index_cast %swap3A_226 : i32 to index
      %swap3A_228 = arith.constant 112 : index
      %swap3A_229 = tpu.vector_load %arg8[%swap3A_227, %swap3A_228] {strides = array<i32>} : memref<2x128xi32, #tpu.memory_space<vmem>>, vector<16xi32>,
      tpu.vector_store %arg8[%swap3A_227, %swap3A_228], %sub3A_225 {strides = array<i32>} : memref<2x128xi32, #tpu.memory_space<vmem>>, vector<16xi32>,
      %scan3A_230 = arith.constant 0 : i32
      %scan3A_231 = arith.constant 0 : i32
      %scan3A_232 = arith.constant 128 : i32
      %scan3A_233 = arith.addi %scan3A_231, %scan3A_232 : i32
      %scan3A_234 = arith.constant 1 : i32
      scf.for %scan3A_397 = %scan3A_231 to %scan3A_233 step %scan3A_234  : i32 {
        %broadcast_in_dim3A_398 = arith.constant 0.000000e+00 : f32
        %broadcast_in_dim3A_399 = vector.broadcast %broadcast_in_dim3A_398 : f32 to vector<16xf32>
        %broadcast_in_dim3A_400 = arith.constant 0.000000e+00 : f32
        %broadcast_in_dim3A_401 = vector.broadcast %broadcast_in_dim3A_400 : f32 to vector<16xf32>
        %get3A_402 = arith.constant 0 : i32
        %get3A_403 = arith.index_cast %get3A_402 : i32 to index
        %get3A_404 = arith.index_cast %scan3A_397 : i32 to index
        %get3A_405 = arith.constant 0 : index
        %get3A_406 = tpu.vector_load %arg9[%get3A_403, %get3A_404, %get3A_405] {strides = array<i32>} : memref<2x256x48xf32, #tpu.memory_space<vmem>>, vector<16xf32>,
        %add3A_407 = arith.constant 128 : i32
        %add3A_408 = arith.addi %add3A_407, %scan3A_397 : i32
        %get3A_409 = arith.constant 0 : i32
        %get3A_410 = arith.index_cast %get3A_409 : i32 to index
        %get3A_411 = arith.index_cast %add3A_408 : i32 to index
        %get3A_412 = arith.constant 0 : index
        %get3A_413 = tpu.vector_load %arg9[%get3A_410, %get3A_411, %get3A_412] {strides = array<i32>} : memref<2x256x48xf32, #tpu.memory_space<vmem>>, vector<16xf32>,
        %add3A_414 = arith.addf %get3A_406, %get3A_413 : vector<16xf32>
        %mul3A_415 = arith.constant 2.000000e-01 : f32
        %mul3A_416 = vector.broadcast %mul3A_415 : f32 to vector<16xf32>
        %mul3A_417 = arith.mulf %mul3A_416, %add3A_414 : vector<16xf32>
        %max3A = arith.maximumf %add3A_414, %mul3A_417 : vector<16xf32>
        %mul3A_418 = arith.mulf %max3A, %get3A_17 : vector<16xf32>
        %add3A_419 = arith.addf %broadcast_in_dim3A_399, %mul3A_418 : vector<16xf32>
        %get3A_420 = arith.constant 0 : i32
        %get3A_421 = arith.index_cast %get3A_420 : i32 to index
        %get3A_422 = arith.index_cast %scan3A_397 : i32 to index
        %get3A_423 = arith.constant 16 : index
        %get3A_424 = tpu.vector_load %arg9[%get3A_421, %get3A_422, %get3A_423] {strides = array<i32>} : memref<2x256x48xf32, #tpu.memory_space<vmem>>, vector<16xf32>,
        %add3A_425 = arith.constant 128 : i32
        %add3A_426 = arith.addi %add3A_425, %scan3A_397 : i32
        %get3A_427 = arith.constant 0 : i32
        %get3A_428 = arith.index_cast %get3A_427 : i32 to index
        %get3A_429 = arith.index_cast %add3A_426 : i32 to index
        %get3A_430 = arith.constant 16 : index
        %get3A_431 = tpu.vector_load %arg9[%get3A_428, %get3A_429, %get3A_430] {strides = array<i32>} : memref<2x256x48xf32, #tpu.memory_space<vmem>>, vector<16xf32>,
        %add3A_432 = arith.addf %get3A_424, %get3A_431 : vector<16xf32>
        %mul3A_433 = arith.constant 2.000000e-01 : f32
        %mul3A_434 = vector.broadcast %mul3A_433 : f32 to vector<16xf32>
        %mul3A_435 = arith.mulf %mul3A_434, %add3A_432 : vector<16xf32>
        %max3A_436 = arith.maximumf %add3A_432, %mul3A_435 : vector<16xf32>
        %mul3A_437 = arith.mulf %max3A_436, %get3A_19 : vector<16xf32>
        %add3A_438 = arith.addf %broadcast_in_dim3A_401, %mul3A_437 : vector<16xf32>
        %add3A_439 = arith.addf %add3A_419, %add3A_438 : vector<16xf32>
        %reduce_sum3A = arith.constant true
        %reduce_sum3A_440 = vector.broadcast %reduce_sum3A : i1 to vector<16xi1>
        %reduce_sum3A_441 = tpu.scan <sum>, %add3A_439 masked %reduce_sum3A_440 : vector<16xf32>, vector<16xi1> -> vector<16xf32>
        %reduce_sum3A_442 = vector.extract %reduce_sum3A_441[15] : f32 from vector<16xf32>
        %add3A_443 = arith.constant 128 : i32
        %add3A_444 = arith.addi %add3A_443, %scan3A_397 : i32
        %get3A_445 = arith.constant 0 : i32
        %get3A_446 = arith.index_cast %get3A_445 : i32 to index
        %get3A_447 = arith.index_cast %add3A_444 : i32 to index
        %get3A_448 = arith.constant 32 : index
        %get3A_449 = tpu.vector_load %arg9[%get3A_446, %get3A_447, %get3A_448] {strides = array<i32>} : memref<2x256x48xf32, #tpu.memory_space<vmem>>, vector<16xf32>,
        %broadcast_in_dim3A_450 = vector.broadcast %reduce_sum3A_442 : f32 to vector<16xf32>
        %sub3A_451 = arith.subf %broadcast_in_dim3A_450, %get3A_449 : vector<16xf32>
        %jit3A = arith.constant -6.000000e+01 : f32
        %jit3A_452 = arith.constant 6.000000e+01 : f32
        %max3A_453 = vector.broadcast %jit3A : f32 to vector<16xf32>
        %max3A_454 = arith.maximumf %max3A_453, %sub3A_451 : vector<16xf32>
        %min3A = vector.broadcast %jit3A_452 : f32 to vector<16xf32>
        %min3A_455 = arith.minimumf %min3A, %max3A_454 : vector<16xf32>
        %exp3A = math.exp %min3A_455 : vector<16xf32>
        %add3A_456 = arith.addi %add3A_151, %scan3A_397 : i32
        %broadcast_in_dim3A_457 = vector.broadcast %add3A_456 : i32 to vector<16xi32>
        %lt3A_458 = arith.constant 330000 : i32
        %lt3A_459 = vector.broadcast %lt3A_458 : i32 to vector<16xi32>
        %lt3A_460 = arith.cmpi slt, %broadcast_in_dim3A_457, %lt3A_459 : vector<16xi32>
        %jit3A_461 = arith.constant 0.000000e+00 : f32
        %broadcast_in_dim3A_462 = vector.broadcast %jit3A_461 : f32 to vector<16xf32>
        %select_n3A = arith.select %lt3A_460, %exp3A, %broadcast_in_dim3A_462 : vector<16xi1>, vector<16xf32>
        %mul3A_463 = arith.mulf %get3A_406, %select_n3A : vector<16xf32>
        %swap3A_464 = arith.constant 0 : i32
        %swap3A_465 = arith.index_cast %swap3A_464 : i32 to index
        %swap3A_466 = arith.index_cast %scan3A_397 : i32 to index
        %swap3A_467 = arith.constant 0 : index
        %swap3A_468 = tpu.vector_load %arg9[%swap3A_465, %swap3A_466, %swap3A_467] {strides = array<i32>} : memref<2x256x48xf32, #tpu.memory_space<vmem>>, vector<16xf32>,
        tpu.vector_store %arg9[%swap3A_465, %swap3A_466, %swap3A_467], %mul3A_463 {strides = array<i32>} : memref<2x256x48xf32, #tpu.memory_space<vmem>>, vector<16xf32>,
        %mul3A_469 = arith.mulf %get3A_424, %select_n3A : vector<16xf32>
        %swap3A_470 = arith.constant 0 : i32
        %swap3A_471 = arith.index_cast %swap3A_470 : i32 to index
        %swap3A_472 = arith.index_cast %scan3A_397 : i32 to index
        %swap3A_473 = arith.constant 16 : index
        %swap3A_474 = tpu.vector_load %arg9[%swap3A_471, %swap3A_472, %swap3A_473] {strides = array<i32>} : memref<2x256x48xf32, #tpu.memory_space<vmem>>, vector<16xf32>,
        tpu.vector_store %arg9[%swap3A_471, %swap3A_472, %swap3A_473], %mul3A_469 {strides = array<i32>} : memref<2x256x48xf32, #tpu.memory_space<vmem>>, vector<16xf32>,
        %swap3A_475 = arith.constant 0 : i32
        %swap3A_476 = arith.index_cast %swap3A_475 : i32 to index
        %swap3A_477 = arith.index_cast %scan3A_397 : i32 to index
        %swap3A_478 = arith.constant 32 : index
        %swap3A_479 = tpu.vector_load %arg9[%swap3A_476, %swap3A_477, %swap3A_478] {strides = array<i32>} : memref<2x256x48xf32, #tpu.memory_space<vmem>>, vector<16xf32>,
        tpu.vector_store %arg9[%swap3A_476, %swap3A_477, %swap3A_478], %select_n3A {strides = array<i32>} : memref<2x256x48xf32, #tpu.memory_space<vmem>>, vector<16xf32>,
      }
      %scan3A_235 = arith.constant 128 : i32
      %dma_start3A_236 = arith.constant 0 : i32
      %dma_start3A_237 = arith.constant 0 : i32
      %dma_start3A_238 = arith.constant 0 : i32
      %dma_start3A_239 = arith.constant 0 : i32
      %dma_start3A_240 = tpu.memref_slice %arg9[%dma_start3A_236, %dma_start3A_238, %dma_start3A_239] : memref<2x256x48xf32, #tpu.memory_space<vmem>> -> memref<1x128x48xf32, #tpu.memory_space<vmem>>
      %dma_start3A_241 = tpu.memref_squeeze %dma_start3A_240 : memref<1x128x48xf32, #tpu.memory_space<vmem>> -> memref<128x48xf32, #tpu.memory_space<vmem>>
      %dma_start3A_242 = arith.constant 0 : i32
      %dma_start3A_243 = tpu.memref_slice %arg8[%dma_start3A_237, %dma_start3A_242] : memref<2x128xi32, #tpu.memory_space<vmem>> -> memref<1x128xi32, #tpu.memory_space<vmem>>
      %dma_start3A_244 = tpu.memref_squeeze %dma_start3A_243 : memref<1x128xi32, #tpu.memory_space<vmem>> -> memref<128xi32, #tpu.memory_space<vmem>>
      %dma_start3A_245 = arith.constant 0 : i32
      %dma_start3A_246 = arith.constant 0 : i32
      %dma_start3A_247 = tpu.memref_slice %arg6[%dma_start3A_245, %dma_start3A_246] : memref<10000x48xf32, #tpu.memory_space<vmem_shared>> -> memref<10000x48xf32, #tpu.memory_space<vmem_shared>>
      tpu.enqueue_indirect_dma source(%dma_start3A_241 : memref<128x48xf32, #tpu.memory_space<vmem>>) target(%dma_start3A_247 : memref<10000x48xf32, #tpu.memory_space<vmem_shared>>) offsets(%dma_start3A_244 : memref<128xi32, #tpu.memory_space<vmem>>) semaphore(%arg13 : memref<!tpu.dma_semaphore, #tpu.memory_space<semaphore_mem>>) {add = true}
      %mul3A_248 = arith.constant 2 : i32
      %mul3A_249 = arith.muli %mul3A_248, %scan3A_88 : i32
      %add3A_250 = arith.constant 1 : i32
      %add3A_251 = arith.addi %mul3A_249, %add3A_250 : i32
      %sub3A_252 = arith.constant 1 : i32
      %sub3A_253 = arith.subi %add3A_251, %sub3A_252 : i32
      %dma_wait3A_254 = arith.constant 0 : i32
      %dma_wait3A_255 = arith.constant 0 : i32
      %dma_wait3A_256 = arith.constant 0 : i32
      %dma_wait3A_257 = arith.constant 0 : i32
      %dma_wait3A_258 = tpu.memref_slice %arg9[%dma_wait3A_254, %dma_wait3A_256, %dma_wait3A_257] : memref<2x256x48xf32, #tpu.memory_space<vmem>> -> memref<1x128x48xf32, #tpu.memory_space<vmem>>
      %dma_wait3A_259 = tpu.memref_squeeze %dma_wait3A_258 : memref<1x128x48xf32, #tpu.memory_space<vmem>> -> memref<128x48xf32, #tpu.memory_space<vmem>>
      %dma_wait3A_260 = arith.constant 0 : i32
      %dma_wait3A_261 = tpu.memref_slice %arg8[%dma_wait3A_255, %dma_wait3A_260] : memref<2x128xi32, #tpu.memory_space<vmem>> -> memref<1x128xi32, #tpu.memory_space<vmem>>
      %dma_wait3A_262 = tpu.memref_squeeze %dma_wait3A_261 : memref<1x128xi32, #tpu.memory_space<vmem>> -> memref<128xi32, #tpu.memory_space<vmem>>
      %dma_wait3A_263 = arith.constant 0 : i32
      %dma_wait3A_264 = arith.constant 0 : i32
      %dma_wait3A_265 = tpu.memref_slice %arg6[%dma_wait3A_263, %dma_wait3A_264] : memref<10000x48xf32, #tpu.memory_space<vmem_shared>> -> memref<10000x48xf32, #tpu.memory_space<vmem_shared>>
      tpu.wait_indirect_dma semaphore(%arg13 : memref<!tpu.dma_semaphore, #tpu.memory_space<semaphore_mem>>) src(%dma_wait3A_259 : memref<128x48xf32, #tpu.memory_space<vmem>>) dst(%dma_wait3A_265 : memref<10000x48xf32, #tpu.memory_space<vmem_shared>>)
      %lt3A = arith.constant 40 : i32
      %lt3A_266 = arith.cmpi slt, %scan3A_88, %lt3A : i32
      %convert_element_type3A_267 = arith.extui %lt3A_266 : i1 to i32
      %cond3A_268 = arith.constant 0 : i32
      %cond3A_269 = arith.cmpi ne, %convert_element_type3A_267, %cond3A_268 : i32
      scf.if %cond3A_269 {
        %add3A_397 = arith.constant 1 : i32
        %add3A_398 = arith.addi %add3A_251, %add3A_397 : i32
        %dma_start3A_399 = arith.constant 0 : i32
        %dma_start3A_400 = arith.constant 0 : i32
        %dma_start3A_401 = arith.constant 0 : i32
        %dma_start3A_402 = arith.constant 0 : i32
        %dma_start3A_403 = tpu.memref_slice %arg9[%dma_start3A_400, %dma_start3A_401, %dma_start3A_402] : memref<2x256x48xf32, #tpu.memory_space<vmem>> -> memref<1x128x48xf32, #tpu.memory_space<vmem>>
        %dma_start3A_404 = tpu.memref_squeeze %dma_start3A_403 : memref<1x128x48xf32, #tpu.memory_space<vmem>> -> memref<128x48xf32, #tpu.memory_space<vmem>>
        %dma_start3A_405 = arith.constant 0 : i32
        %dma_start3A_406 = tpu.memref_slice %arg7[%add3A_398, %dma_start3A_399, %dma_start3A_405] : memref<82x2x128xi32, #tpu.memory_space<vmem>> -> memref<1x1x128xi32, #tpu.memory_space<vmem>>
        %dma_start3A_407 = tpu.memref_squeeze %dma_start3A_406 : memref<1x1x128xi32, #tpu.memory_space<vmem>> -> memref<128xi32, #tpu.memory_space<vmem>>
        %dma_start3A_408 = arith.constant 0 : i32
        %dma_start3A_409 = arith.constant 0 : i32
        %dma_start3A_410 = tpu.memref_slice %arg2[%dma_start3A_408, %dma_start3A_409] : memref<20000x48xf32, #tpu.memory_space<hbm>> -> memref<20000x48xf32, #tpu.memory_space<hbm>>
        tpu.enqueue_indirect_dma source(%dma_start3A_410 : memref<20000x48xf32, #tpu.memory_space<hbm>>) target(%dma_start3A_404 : memref<128x48xf32, #tpu.memory_space<vmem>>) offsets(%dma_start3A_407 : memref<128xi32, #tpu.memory_space<vmem>>) semaphore(%arg11 : memref<!tpu.dma_semaphore, #tpu.memory_space<semaphore_mem>>)
        %dma_start3A_411 = arith.constant 1 : i32
        %dma_start3A_412 = arith.constant 0 : i32
        %dma_start3A_413 = arith.constant 128 : i32
        %dma_start3A_414 = arith.constant 0 : i32
        %dma_start3A_415 = tpu.memref_slice %arg9[%dma_start3A_412, %dma_start3A_413, %dma_start3A_414] : memref<2x256x48xf32, #tpu.memory_space<vmem>> -> memref<1x128x48xf32, #tpu.memory_space<vmem>>
        %dma_start3A_416 = tpu.memref_squeeze %dma_start3A_415 : memref<1x128x48xf32, #tpu.memory_space<vmem>> -> memref<128x48xf32, #tpu.memory_space<vmem>>
        %dma_start3A_417 = arith.constant 0 : i32
        %dma_start3A_418 = tpu.memref_slice %arg7[%add3A_398, %dma_start3A_411, %dma_start3A_417] : memref<82x2x128xi32, #tpu.memory_space<vmem>> -> memref<1x1x128xi32, #tpu.memory_space<vmem>>
        %dma_start3A_419 = tpu.memref_squeeze %dma_start3A_418 : memref<1x1x128xi32, #tpu.memory_space<vmem>> -> memref<128xi32, #tpu.memory_space<vmem>>
        %dma_start3A_420 = arith.constant 0 : i32
        %dma_start3A_421 = arith.constant 0 : i32
        %dma_start3A_422 = tpu.memref_slice %arg2[%dma_start3A_420, %dma_start3A_421] : memref<20000x48xf32, #tpu.memory_space<hbm>> -> memref<20000x48xf32, #tpu.memory_space<hbm>>
        tpu.enqueue_indirect_dma source(%dma_start3A_422 : memref<20000x48xf32, #tpu.memory_space<hbm>>) target(%dma_start3A_416 : memref<128x48xf32, #tpu.memory_space<vmem>>) offsets(%dma_start3A_419 : memref<128xi32, #tpu.memory_space<vmem>>) semaphore(%arg11 : memref<!tpu.dma_semaphore, #tpu.memory_space<semaphore_mem>>)
      } else {
      }
      %dma_wait3A_270 = arith.constant 0 : i32
      %dma_wait3A_271 = arith.constant 1 : i32
      %dma_wait3A_272 = arith.constant 0 : i32
      %dma_wait3A_273 = arith.constant 0 : i32
      %dma_wait3A_274 = tpu.memref_slice %arg9[%dma_wait3A_271, %dma_wait3A_272, %dma_wait3A_273] : memref<2x256x48xf32, #tpu.memory_space<vmem>> -> memref<1x128x48xf32, #tpu.memory_space<vmem>>
      %dma_wait3A_275 = tpu.memref_squeeze %dma_wait3A_274 : memref<1x128x48xf32, #tpu.memory_space<vmem>> -> memref<128x48xf32, #tpu.memory_space<vmem>>
      %dma_wait3A_276 = arith.constant 0 : i32
      %dma_wait3A_277 = tpu.memref_slice %arg7[%add3A_251, %dma_wait3A_270, %dma_wait3A_276] : memref<82x2x128xi32, #tpu.memory_space<vmem>> -> memref<1x1x128xi32, #tpu.memory_space<vmem>>
      %dma_wait3A_278 = tpu.memref_squeeze %dma_wait3A_277 : memref<1x1x128xi32, #tpu.memory_space<vmem>> -> memref<128xi32, #tpu.memory_space<vmem>>
      %dma_wait3A_279 = arith.constant 0 : i32
      %dma_wait3A_280 = arith.constant 0 : i32
      %dma_wait3A_281 = tpu.memref_slice %arg2[%dma_wait3A_279, %dma_wait3A_280] : memref<20000x48xf32, #tpu.memory_space<hbm>> -> memref<20000x48xf32, #tpu.memory_space<hbm>>
      tpu.wait_indirect_dma semaphore(%arg12 : memref<!tpu.dma_semaphore, #tpu.memory_space<semaphore_mem>>) src(%dma_wait3A_281 : memref<20000x48xf32, #tpu.memory_space<hbm>>) dst(%dma_wait3A_275 : memref<128x48xf32, #tpu.memory_space<vmem>>)
      %dma_wait3A_282 = arith.constant 1 : i32
      %dma_wait3A_283 = arith.constant 1 : i32
      %dma_wait3A_284 = arith.constant 128 : i32
      %dma_wait3A_285 = arith.constant 0 : i32
      %dma_wait3A_286 = tpu.memref_slice %arg9[%dma_wait3A_283, %dma_wait3A_284, %dma_wait3A_285] : memref<2x256x48xf32, #tpu.memory_space<vmem>> -> memref<1x128x48xf32, #tpu.memory_space<vmem>>
      %dma_wait3A_287 = tpu.memref_squeeze %dma_wait3A_286 : memref<1x128x48xf32, #tpu.memory_space<vmem>> -> memref<128x48xf32, #tpu.memory_space<vmem>>
      %dma_wait3A_288 = arith.constant 0 : i32
      %dma_wait3A_289 = tpu.memref_slice %arg7[%add3A_251, %dma_wait3A_282, %dma_wait3A_288] : memref<82x2x128xi32, #tpu.memory_space<vmem>> -> memref<1x1x128xi32, #tpu.memory_space<vmem>>
      %dma_wait3A_290 = tpu.memref_squeeze %dma_wait3A_289 : memref<1x1x128xi32, #tpu.memory_space<vmem>> -> memref<128xi32, #tpu.memory_space<vmem>>
      %dma_wait3A_291 = arith.constant 0 : i32
      %dma_wait3A_292 = arith.constant 0 : i32
      %dma_wait3A_293 = tpu.memref_slice %arg2[%dma_wait3A_291, %dma_wait3A_292] : memref<20000x48xf32, #tpu.memory_space<hbm>> -> memref<20000x48xf32, #tpu.memory_space<hbm>>
      tpu.wait_indirect_dma semaphore(%arg12 : memref<!tpu.dma_semaphore, #tpu.memory_space<semaphore_mem>>) src(%dma_wait3A_293 : memref<20000x48xf32, #tpu.memory_space<hbm>>) dst(%dma_wait3A_287 : memref<128x48xf32, #tpu.memory_space<vmem>>)
      %mul3A_294 = arith.constant 10496 : i32
      %mul3A_295 = arith.muli %add3A, %mul3A_294 : i32
      %mul3A_296 = arith.constant 128 : i32
      %mul3A_297 = arith.muli %add3A_251, %mul3A_296 : i32
      %add3A_298 = arith.addi %mul3A_295, %mul3A_297 : i32
      %get3A_299 = arith.constant 1 : i32
      %get3A_300 = arith.index_cast %add3A_251 : i32 to index
      %get3A_301 = arith.index_cast %get3A_299 : i32 to index
      %get3A_302 = arith.constant 0 : index
      %get3A_303 = tpu.vector_load %arg7[%get3A_300, %get3A_301, %get3A_302] {strides = array<i32>} : memref<82x2x128xi32, #tpu.memory_space<vmem>>, vector<16xi32>,
      %sub3A_304 = arith.subi %get3A_303, %broadcast_in_dim3A_21 : vector<16xi32>
      %swap3A_305 = arith.constant 1 : i32
      %swap3A_306 = arith.index_cast %swap3A_305 : i32 to index
      %swap3A_307 = arith.constant 0 : index
      %swap3A_308 = tpu.vector_load %arg8[%swap3A_306, %swap3A_307] {strides = array<i32>} : memref<2x128xi32, #tpu.memory_space<vmem>>, vector<16xi32>,
      tpu.vector_store %arg8[%swap3A_306, %swap3A_307], %sub3A_304 {strides = array<i32>} : memref<2x128xi32, #tpu.memory_space<vmem>>, vector<16xi32>,
      %get3A_309 = arith.constant 1 : i32
      %get3A_310 = arith.index_cast %add3A_251 : i32 to index
      %get3A_311 = arith.index_cast %get3A_309 : i32 to index
      %get3A_312 = arith.constant 16 : index
      %get3A_313 = tpu.vector_load %arg7[%get3A_310, %get3A_311, %get3A_312] {strides = array<i32>} : memref<82x2x128xi32, #tpu.memory_space<vmem>>, vector<16xi32>,
      %sub3A_314 = arith.subi %get3A_313, %broadcast_in_dim3A_21 : vector<16xi32>
      %swap3A_315 = arith.constant 1 : i32
      %swap3A_316 = arith.index_cast %swap3A_315 : i32 to index
      %swap3A_317 = arith.constant 16 : index
      %swap3A_318 = tpu.vector_load %arg8[%swap3A_316, %swap3A_317] {strides = array<i32>} : memref<2x128xi32, #tpu.memory_space<vmem>>, vector<16xi32>,
      tpu.vector_store %arg8[%swap3A_316, %swap3A_317], %sub3A_314 {strides = array<i32>} : memref<2x128xi32, #tpu.memory_space<vmem>>, vector<16xi32>,
      %get3A_319 = arith.constant 1 : i32
      %get3A_320 = arith.index_cast %add3A_251 : i32 to index
      %get3A_321 = arith.index_cast %get3A_319 : i32 to index
      %get3A_322 = arith.constant 32 : index
      %get3A_323 = tpu.vector_load %arg7[%get3A_320, %get3A_321, %get3A_322] {strides = array<i32>} : memref<82x2x128xi32, #tpu.memory_space<vmem>>, vector<16xi32>,
      %sub3A_324 = arith.subi %get3A_323, %broadcast_in_dim3A_21 : vector<16xi32>
      %swap3A_325 = arith.constant 1 : i32
      %swap3A_326 = arith.index_cast %swap3A_325 : i32 to index
      %swap3A_327 = arith.constant 32 : index
      %swap3A_328 = tpu.vector_load %arg8[%swap3A_326, %swap3A_327] {strides = array<i32>} : memref<2x128xi32, #tpu.memory_space<vmem>>, vector<16xi32>,
      tpu.vector_store %arg8[%swap3A_326, %swap3A_327], %sub3A_324 {strides = array<i32>} : memref<2x128xi32, #tpu.memory_space<vmem>>, vector<16xi32>,
      %get3A_329 = arith.constant 1 : i32
      %get3A_330 = arith.index_cast %add3A_251 : i32 to index
      %get3A_331 = arith.index_cast %get3A_329 : i32 to index
      %get3A_332 = arith.constant 48 : index
      %get3A_333 = tpu.vector_load %arg7[%get3A_330, %get3A_331, %get3A_332] {strides = array<i32>} : memref<82x2x128xi32, #tpu.memory_space<vmem>>, vector<16xi32>,
      %sub3A_334 = arith.subi %get3A_333, %broadcast_in_dim3A_21 : vector<16xi32>
      %swap3A_335 = arith.constant 1 : i32
      %swap3A_336 = arith.index_cast %swap3A_335 : i32 to index
      %swap3A_337 = arith.constant 48 : index
      %swap3A_338 = tpu.vector_load %arg8[%swap3A_336, %swap3A_337] {strides = array<i32>} : memref<2x128xi32, #tpu.memory_space<vmem>>, vector<16xi32>,
      tpu.vector_store %arg8[%swap3A_336, %swap3A_337], %sub3A_334 {strides = array<i32>} : memref<2x128xi32, #tpu.memory_space<vmem>>, vector<16xi32>,
      %get3A_339 = arith.constant 1 : i32
      %get3A_340 = arith.index_cast %add3A_251 : i32 to index
      %get3A_341 = arith.index_cast %get3A_339 : i32 to index
      %get3A_342 = arith.constant 64 : index
      %get3A_343 = tpu.vector_load %arg7[%get3A_340, %get3A_341, %get3A_342] {strides = array<i32>} : memref<82x2x128xi32, #tpu.memory_space<vmem>>, vector<16xi32>,
      %sub3A_344 = arith.subi %get3A_343, %broadcast_in_dim3A_21 : vector<16xi32>
      %swap3A_345 = arith.constant 1 : i32
      %swap3A_346 = arith.index_cast %swap3A_345 : i32 to index
      %swap3A_347 = arith.constant 64 : index
      %swap3A_348 = tpu.vector_load %arg8[%swap3A_346, %swap3A_347] {strides = array<i32>} : memref<2x128xi32, #tpu.memory_space<vmem>>, vector<16xi32>,
      tpu.vector_store %arg8[%swap3A_346, %swap3A_347], %sub3A_344 {strides = array<i32>} : memref<2x128xi32, #tpu.memory_space<vmem>>, vector<16xi32>,
      %get3A_349 = arith.constant 1 : i32
      %get3A_350 = arith.index_cast %add3A_251 : i32 to index
      %get3A_351 = arith.index_cast %get3A_349 : i32 to index
      %get3A_352 = arith.constant 80 : index
      %get3A_353 = tpu.vector_load %arg7[%get3A_350, %get3A_351, %get3A_352] {strides = array<i32>} : memref<82x2x128xi32, #tpu.memory_space<vmem>>, vector<16xi32>,
      %sub3A_354 = arith.subi %get3A_353, %broadcast_in_dim3A_21 : vector<16xi32>
      %swap3A_355 = arith.constant 1 : i32
      %swap3A_356 = arith.index_cast %swap3A_355 : i32 to index
      %swap3A_357 = arith.constant 80 : index
      %swap3A_358 = tpu.vector_load %arg8[%swap3A_356, %swap3A_357] {strides = array<i32>} : memref<2x128xi32, #tpu.memory_space<vmem>>, vector<16xi32>,
      tpu.vector_store %arg8[%swap3A_356, %swap3A_357], %sub3A_354 {strides = array<i32>} : memref<2x128xi32, #tpu.memory_space<vmem>>, vector<16xi32>,
      %get3A_359 = arith.constant 1 : i32
      %get3A_360 = arith.index_cast %add3A_251 : i32 to index
      %get3A_361 = arith.index_cast %get3A_359 : i32 to index
      %get3A_362 = arith.constant 96 : index
      %get3A_363 = tpu.vector_load %arg7[%get3A_360, %get3A_361, %get3A_362] {strides = array<i32>} : memref<82x2x128xi32, #tpu.memory_space<vmem>>, vector<16xi32>,
      %sub3A_364 = arith.subi %get3A_363, %broadcast_in_dim3A_21 : vector<16xi32>
      %swap3A_365 = arith.constant 1 : i32
      %swap3A_366 = arith.index_cast %swap3A_365 : i32 to index
      %swap3A_367 = arith.constant 96 : index
      %swap3A_368 = tpu.vector_load %arg8[%swap3A_366, %swap3A_367] {strides = array<i32>} : memref<2x128xi32, #tpu.memory_space<vmem>>, vector<16xi32>,
      tpu.vector_store %arg8[%swap3A_366, %swap3A_367], %sub3A_364 {strides = array<i32>} : memref<2x128xi32, #tpu.memory_space<vmem>>, vector<16xi32>,
      %get3A_369 = arith.constant 1 : i32
      %get3A_370 = arith.index_cast %add3A_251 : i32 to index
      %get3A_371 = arith.index_cast %get3A_369 : i32 to index
      %get3A_372 = arith.constant 112 : index
      %get3A_373 = tpu.vector_load %arg7[%get3A_370, %get3A_371, %get3A_372] {strides = array<i32>} : memref<82x2x128xi32, #tpu.memory_space<vmem>>, vector<16xi32>,
      %sub3A_374 = arith.subi %get3A_373, %broadcast_in_dim3A_21 : vector<16xi32>
      %swap3A_375 = arith.constant 1 : i32
      %swap3A_376 = arith.index_cast %swap3A_375 : i32 to index
      %swap3A_377 = arith.constant 112 : index
      %swap3A_378 = tpu.vector_load %arg8[%swap3A_376, %swap3A_377] {strides = array<i32>} : memref<2x128xi32, #tpu.memory_space<vmem>>, vector<16xi32>,
      tpu.vector_store %arg8[%swap3A_376, %swap3A_377], %sub3A_374 {strides = array<i32>} : memref<2x128xi32, #tpu.memory_space<vmem>>, vector<16xi32>,
      %scan3A_379 = arith.constant 0 : i32
      %scan3A_380 = arith.constant 0 : i32
      %scan3A_381 = arith.constant 128 : i32
      %scan3A_382 = arith.addi %scan3A_380, %scan3A_381 : i32
      %scan3A_383 = arith.constant 1 : i32
      scf.for %scan3A_397 = %scan3A_380 to %scan3A_382 step %scan3A_383  : i32 {
        %broadcast_in_dim3A_398 = arith.constant 0.000000e+00 : f32
        %broadcast_in_dim3A_399 = vector.broadcast %broadcast_in_dim3A_398 : f32 to vector<16xf32>
        %broadcast_in_dim3A_400 = arith.constant 0.000000e+00 : f32
        %broadcast_in_dim3A_401 = vector.broadcast %broadcast_in_dim3A_400 : f32 to vector<16xf32>
        %get3A_402 = arith.constant 1 : i32
        %get3A_403 = arith.index_cast %get3A_402 : i32 to index
        %get3A_404 = arith.index_cast %scan3A_397 : i32 to index
        %get3A_405 = arith.constant 0 : index
        %get3A_406 = tpu.vector_load %arg9[%get3A_403, %get3A_404, %get3A_405] {strides = array<i32>} : memref<2x256x48xf32, #tpu.memory_space<vmem>>, vector<16xf32>,
        %add3A_407 = arith.constant 128 : i32
        %add3A_408 = arith.addi %add3A_407, %scan3A_397 : i32
        %get3A_409 = arith.constant 1 : i32
        %get3A_410 = arith.index_cast %get3A_409 : i32 to index
        %get3A_411 = arith.index_cast %add3A_408 : i32 to index
        %get3A_412 = arith.constant 0 : index
        %get3A_413 = tpu.vector_load %arg9[%get3A_410, %get3A_411, %get3A_412] {strides = array<i32>} : memref<2x256x48xf32, #tpu.memory_space<vmem>>, vector<16xf32>,
        %add3A_414 = arith.addf %get3A_406, %get3A_413 : vector<16xf32>
        %mul3A_415 = arith.constant 2.000000e-01 : f32
        %mul3A_416 = vector.broadcast %mul3A_415 : f32 to vector<16xf32>
        %mul3A_417 = arith.mulf %mul3A_416, %add3A_414 : vector<16xf32>
        %max3A = arith.maximumf %add3A_414, %mul3A_417 : vector<16xf32>
        %mul3A_418 = arith.mulf %max3A, %get3A_17 : vector<16xf32>
        %add3A_419 = arith.addf %broadcast_in_dim3A_399, %mul3A_418 : vector<16xf32>
        %get3A_420 = arith.constant 1 : i32
        %get3A_421 = arith.index_cast %get3A_420 : i32 to index
        %get3A_422 = arith.index_cast %scan3A_397 : i32 to index
        %get3A_423 = arith.constant 16 : index
        %get3A_424 = tpu.vector_load %arg9[%get3A_421, %get3A_422, %get3A_423] {strides = array<i32>} : memref<2x256x48xf32, #tpu.memory_space<vmem>>, vector<16xf32>,
        %add3A_425 = arith.constant 128 : i32
        %add3A_426 = arith.addi %add3A_425, %scan3A_397 : i32
        %get3A_427 = arith.constant 1 : i32
        %get3A_428 = arith.index_cast %get3A_427 : i32 to index
        %get3A_429 = arith.index_cast %add3A_426 : i32 to index
        %get3A_430 = arith.constant 16 : index
        %get3A_431 = tpu.vector_load %arg9[%get3A_428, %get3A_429, %get3A_430] {strides = array<i32>} : memref<2x256x48xf32, #tpu.memory_space<vmem>>, vector<16xf32>,
        %add3A_432 = arith.addf %get3A_424, %get3A_431 : vector<16xf32>
        %mul3A_433 = arith.constant 2.000000e-01 : f32
        %mul3A_434 = vector.broadcast %mul3A_433 : f32 to vector<16xf32>
        %mul3A_435 = arith.mulf %mul3A_434, %add3A_432 : vector<16xf32>
        %max3A_436 = arith.maximumf %add3A_432, %mul3A_435 : vector<16xf32>
        %mul3A_437 = arith.mulf %max3A_436, %get3A_19 : vector<16xf32>
        %add3A_438 = arith.addf %broadcast_in_dim3A_401, %mul3A_437 : vector<16xf32>
        %add3A_439 = arith.addf %add3A_419, %add3A_438 : vector<16xf32>
        %reduce_sum3A = arith.constant true
        %reduce_sum3A_440 = vector.broadcast %reduce_sum3A : i1 to vector<16xi1>
        %reduce_sum3A_441 = tpu.scan <sum>, %add3A_439 masked %reduce_sum3A_440 : vector<16xf32>, vector<16xi1> -> vector<16xf32>
        %reduce_sum3A_442 = vector.extract %reduce_sum3A_441[15] : f32 from vector<16xf32>
        %add3A_443 = arith.constant 128 : i32
        %add3A_444 = arith.addi %add3A_443, %scan3A_397 : i32
        %get3A_445 = arith.constant 1 : i32
        %get3A_446 = arith.index_cast %get3A_445 : i32 to index
        %get3A_447 = arith.index_cast %add3A_444 : i32 to index
        %get3A_448 = arith.constant 32 : index
        %get3A_449 = tpu.vector_load %arg9[%get3A_446, %get3A_447, %get3A_448] {strides = array<i32>} : memref<2x256x48xf32, #tpu.memory_space<vmem>>, vector<16xf32>,
        %broadcast_in_dim3A_450 = vector.broadcast %reduce_sum3A_442 : f32 to vector<16xf32>
        %sub3A_451 = arith.subf %broadcast_in_dim3A_450, %get3A_449 : vector<16xf32>
        %jit3A = arith.constant -6.000000e+01 : f32
        %jit3A_452 = arith.constant 6.000000e+01 : f32
        %max3A_453 = vector.broadcast %jit3A : f32 to vector<16xf32>
        %max3A_454 = arith.maximumf %max3A_453, %sub3A_451 : vector<16xf32>
        %min3A = vector.broadcast %jit3A_452 : f32 to vector<16xf32>
        %min3A_455 = arith.minimumf %min3A, %max3A_454 : vector<16xf32>
        %exp3A = math.exp %min3A_455 : vector<16xf32>
        %add3A_456 = arith.addi %add3A_298, %scan3A_397 : i32
        %broadcast_in_dim3A_457 = vector.broadcast %add3A_456 : i32 to vector<16xi32>
        %lt3A_458 = arith.constant 330000 : i32
        %lt3A_459 = vector.broadcast %lt3A_458 : i32 to vector<16xi32>
        %lt3A_460 = arith.cmpi slt, %broadcast_in_dim3A_457, %lt3A_459 : vector<16xi32>
        %jit3A_461 = arith.constant 0.000000e+00 : f32
        %broadcast_in_dim3A_462 = vector.broadcast %jit3A_461 : f32 to vector<16xf32>
        %select_n3A = arith.select %lt3A_460, %exp3A, %broadcast_in_dim3A_462 : vector<16xi1>, vector<16xf32>
        %mul3A_463 = arith.mulf %get3A_406, %select_n3A : vector<16xf32>
        %swap3A_464 = arith.constant 1 : i32
        %swap3A_465 = arith.index_cast %swap3A_464 : i32 to index
        %swap3A_466 = arith.index_cast %scan3A_397 : i32 to index
        %swap3A_467 = arith.constant 0 : index
        %swap3A_468 = tpu.vector_load %arg9[%swap3A_465, %swap3A_466, %swap3A_467] {strides = array<i32>} : memref<2x256x48xf32, #tpu.memory_space<vmem>>, vector<16xf32>,
        tpu.vector_store %arg9[%swap3A_465, %swap3A_466, %swap3A_467], %mul3A_463 {strides = array<i32>} : memref<2x256x48xf32, #tpu.memory_space<vmem>>, vector<16xf32>,
        %mul3A_469 = arith.mulf %get3A_424, %select_n3A : vector<16xf32>
        %swap3A_470 = arith.constant 1 : i32
        %swap3A_471 = arith.index_cast %swap3A_470 : i32 to index
        %swap3A_472 = arith.index_cast %scan3A_397 : i32 to index
        %swap3A_473 = arith.constant 16 : index
        %swap3A_474 = tpu.vector_load %arg9[%swap3A_471, %swap3A_472, %swap3A_473] {strides = array<i32>} : memref<2x256x48xf32, #tpu.memory_space<vmem>>, vector<16xf32>,
        tpu.vector_store %arg9[%swap3A_471, %swap3A_472, %swap3A_473], %mul3A_469 {strides = array<i32>} : memref<2x256x48xf32, #tpu.memory_space<vmem>>, vector<16xf32>,
        %swap3A_475 = arith.constant 1 : i32
        %swap3A_476 = arith.index_cast %swap3A_475 : i32 to index
        %swap3A_477 = arith.index_cast %scan3A_397 : i32 to index
        %swap3A_478 = arith.constant 32 : index
        %swap3A_479 = tpu.vector_load %arg9[%swap3A_476, %swap3A_477, %swap3A_478] {strides = array<i32>} : memref<2x256x48xf32, #tpu.memory_space<vmem>>, vector<16xf32>,
        tpu.vector_store %arg9[%swap3A_476, %swap3A_477, %swap3A_478], %select_n3A {strides = array<i32>} : memref<2x256x48xf32, #tpu.memory_space<vmem>>, vector<16xf32>,
      }
      %scan3A_384 = arith.constant 128 : i32
      %dma_start3A_385 = arith.constant 1 : i32
      %dma_start3A_386 = arith.constant 1 : i32
      %dma_start3A_387 = arith.constant 0 : i32
      %dma_start3A_388 = arith.constant 0 : i32
      %dma_start3A_389 = tpu.memref_slice %arg9[%dma_start3A_385, %dma_start3A_387, %dma_start3A_388] : memref<2x256x48xf32, #tpu.memory_space<vmem>> -> memref<1x128x48xf32, #tpu.memory_space<vmem>>
      %dma_start3A_390 = tpu.memref_squeeze %dma_start3A_389 : memref<1x128x48xf32, #tpu.memory_space<vmem>> -> memref<128x48xf32, #tpu.memory_space<vmem>>
      %dma_start3A_391 = arith.constant 0 : i32
      %dma_start3A_392 = tpu.memref_slice %arg8[%dma_start3A_386, %dma_start3A_391] : memref<2x128xi32, #tpu.memory_space<vmem>> -> memref<1x128xi32, #tpu.memory_space<vmem>>
      %dma_start3A_393 = tpu.memref_squeeze %dma_start3A_392 : memref<1x128xi32, #tpu.memory_space<vmem>> -> memref<128xi32, #tpu.memory_space<vmem>>
      %dma_start3A_394 = arith.constant 0 : i32
      %dma_start3A_395 = arith.constant 0 : i32
      %dma_start3A_396 = tpu.memref_slice %arg6[%dma_start3A_394, %dma_start3A_395] : memref<10000x48xf32, #tpu.memory_space<vmem_shared>> -> memref<10000x48xf32, #tpu.memory_space<vmem_shared>>
      tpu.enqueue_indirect_dma source(%dma_start3A_390 : memref<128x48xf32, #tpu.memory_space<vmem>>) target(%dma_start3A_396 : memref<10000x48xf32, #tpu.memory_space<vmem_shared>>) offsets(%dma_start3A_393 : memref<128xi32, #tpu.memory_space<vmem>>) semaphore(%arg14 : memref<!tpu.dma_semaphore, #tpu.memory_space<semaphore_mem>>) {add = true}
    }
    %scan3A_52 = arith.constant 41 : i32
    %dma_wait3A = arith.constant 1 : i32
    %dma_wait3A_53 = arith.constant 1 : i32
    %dma_wait3A_54 = arith.constant 0 : i32
    %dma_wait3A_55 = arith.constant 0 : i32
    %dma_wait3A_56 = tpu.memref_slice %arg9[%dma_wait3A, %dma_wait3A_54, %dma_wait3A_55] : memref<2x256x48xf32, #tpu.memory_space<vmem>> -> memref<1x128x48xf32, #tpu.memory_space<vmem>>
    %dma_wait3A_57 = tpu.memref_squeeze %dma_wait3A_56 : memref<1x128x48xf32, #tpu.memory_space<vmem>> -> memref<128x48xf32, #tpu.memory_space<vmem>>
    %dma_wait3A_58 = arith.constant 0 : i32
    %dma_wait3A_59 = tpu.memref_slice %arg8[%dma_wait3A_53, %dma_wait3A_58] : memref<2x128xi32, #tpu.memory_space<vmem>> -> memref<1x128xi32, #tpu.memory_space<vmem>>
    %dma_wait3A_60 = tpu.memref_squeeze %dma_wait3A_59 : memref<1x128xi32, #tpu.memory_space<vmem>> -> memref<128xi32, #tpu.memory_space<vmem>>
    %dma_wait3A_61 = arith.constant 0 : i32
    %dma_wait3A_62 = arith.constant 0 : i32
    %dma_wait3A_63 = tpu.memref_slice %arg6[%dma_wait3A_61, %dma_wait3A_62] : memref<10000x48xf32, #tpu.memory_space<vmem_shared>> -> memref<10000x48xf32, #tpu.memory_space<vmem_shared>>
    tpu.wait_indirect_dma semaphore(%arg14 : memref<!tpu.dma_semaphore, #tpu.memory_space<semaphore_mem>>) src(%dma_wait3A_57 : memref<128x48xf32, #tpu.memory_space<vmem>>) dst(%dma_wait3A_63 : memref<10000x48xf32, #tpu.memory_space<vmem_shared>>)
    %barrier3A_64 = arith.constant 0 : index
    tpu.barrier barrier_id(%barrier3A_64)
    %add3A_65 = arith.constant 0 : i32
    %add3A_66 = arith.addi %multiple_of3A, %add3A_65 : i32
    %multiple_of3A_67 = tpu.assume_multiple %add3A_66, 8 : i32
    %add3A_68 = arith.constant 0 : i32
    %add3A_69 = arith.addi %multiple_of3A, %add3A_68 : i32
    %multiple_of3A_70 = tpu.assume_multiple %add3A_69, 8 : i32
    "tpu.region"() ({
      %run_scoped3A = tpu.sem_alloc : memref<!tpu.dma_semaphore, #tpu.memory_space<semaphore_mem>>
      %dma_start3A_88 = arith.constant 0 : i32
      %dma_start3A_89 = tpu.memref_slice %arg5[%arg0, %multiple_of3A_70, %dma_start3A_88] : memref<2x10000x48xf32, #tpu.memory_space<hbm>> -> memref<1x208x48xf32, #tpu.memory_space<hbm>>
      %dma_start3A_90 = tpu.memref_squeeze %dma_start3A_89 : memref<1x208x48xf32, #tpu.memory_space<hbm>> -> memref<208x48xf32, #tpu.memory_space<hbm>>
      %dma_start3A_91 = arith.constant 0 : i32
      %dma_start3A_92 = tpu.memref_slice %arg6[%multiple_of3A_67, %dma_start3A_91] : memref<10000x48xf32, #tpu.memory_space<vmem_shared>> -> memref<208x48xf32, #tpu.memory_space<vmem_shared>>
      tpu.enqueue_dma source(%dma_start3A_92 : memref<208x48xf32, #tpu.memory_space<vmem_shared>>) target(%dma_start3A_90 : memref<208x48xf32, #tpu.memory_space<hbm>>) target_semaphore(%run_scoped3A : memref<!tpu.dma_semaphore, #tpu.memory_space<semaphore_mem>>)
      %dma_wait3A_93 = arith.constant 0 : i32
      %dma_wait3A_94 = tpu.memref_slice %arg5[%arg0, %multiple_of3A_70, %dma_wait3A_93] : memref<2x10000x48xf32, #tpu.memory_space<hbm>> -> memref<1x208x48xf32, #tpu.memory_space<hbm>>
      %dma_wait3A_95 = tpu.memref_squeeze %dma_wait3A_94 : memref<1x208x48xf32, #tpu.memory_space<hbm>> -> memref<208x48xf32, #tpu.memory_space<hbm>>
      %dma_wait3A_96 = arith.constant 0 : i32
      %dma_wait3A_97 = tpu.memref_slice %arg6[%multiple_of3A_67, %dma_wait3A_96] : memref<10000x48xf32, #tpu.memory_space<vmem_shared>> -> memref<208x48xf32, #tpu.memory_space<vmem_shared>>
      tpu.wait_dma2 semaphore(%run_scoped3A : memref<!tpu.dma_semaphore, #tpu.memory_space<semaphore_mem>>) src(%dma_wait3A_97 : memref<208x48xf32, #tpu.memory_space<vmem_shared>>) dst(%dma_wait3A_95 : memref<208x48xf32, #tpu.memory_space<hbm>>)
      tpu.yield
    }) : () -> ()
    %add3A_71 = arith.constant 208 : i32
    %add3A_72 = arith.addi %multiple_of3A, %add3A_71 : i32
    %multiple_of3A_73 = tpu.assume_multiple %add3A_72, 8 : i32
    %add3A_74 = arith.constant 208 : i32
    %add3A_75 = arith.addi %multiple_of3A, %add3A_74 : i32
    %multiple_of3A_76 = tpu.assume_multiple %add3A_75, 8 : i32
    "tpu.region"() ({
      %run_scoped3A = tpu.sem_alloc : memref<!tpu.dma_semaphore, #tpu.memory_space<semaphore_mem>>
      %dma_start3A_88 = arith.constant 0 : i32
      %dma_start3A_89 = tpu.memref_slice %arg5[%arg0, %multiple_of3A_76, %dma_start3A_88] : memref<2x10000x48xf32, #tpu.memory_space<hbm>> -> memref<1x208x48xf32, #tpu.memory_space<hbm>>
      %dma_start3A_90 = tpu.memref_squeeze %dma_start3A_89 : memref<1x208x48xf32, #tpu.memory_space<hbm>> -> memref<208x48xf32, #tpu.memory_space<hbm>>
      %dma_start3A_91 = arith.constant 0 : i32
      %dma_start3A_92 = tpu.memref_slice %arg6[%multiple_of3A_73, %dma_start3A_91] : memref<10000x48xf32, #tpu.memory_space<vmem_shared>> -> memref<208x48xf32, #tpu.memory_space<vmem_shared>>
      tpu.enqueue_dma source(%dma_start3A_92 : memref<208x48xf32, #tpu.memory_space<vmem_shared>>) target(%dma_start3A_90 : memref<208x48xf32, #tpu.memory_space<hbm>>) target_semaphore(%run_scoped3A : memref<!tpu.dma_semaphore, #tpu.memory_space<semaphore_mem>>)
      %dma_wait3A_93 = arith.constant 0 : i32
      %dma_wait3A_94 = tpu.memref_slice %arg5[%arg0, %multiple_of3A_76, %dma_wait3A_93] : memref<2x10000x48xf32, #tpu.memory_space<hbm>> -> memref<1x208x48xf32, #tpu.memory_space<hbm>>
      %dma_wait3A_95 = tpu.memref_squeeze %dma_wait3A_94 : memref<1x208x48xf32, #tpu.memory_space<hbm>> -> memref<208x48xf32, #tpu.memory_space<hbm>>
      %dma_wait3A_96 = arith.constant 0 : i32
      %dma_wait3A_97 = tpu.memref_slice %arg6[%multiple_of3A_73, %dma_wait3A_96] : memref<10000x48xf32, #tpu.memory_space<vmem_shared>> -> memref<208x48xf32, #tpu.memory_space<vmem_shared>>
      tpu.wait_dma2 semaphore(%run_scoped3A : memref<!tpu.dma_semaphore, #tpu.memory_space<semaphore_mem>>) src(%dma_wait3A_97 : memref<208x48xf32, #tpu.memory_space<vmem_shared>>) dst(%dma_wait3A_95 : memref<208x48xf32, #tpu.memory_space<hbm>>)
      tpu.yield
    }) : () -> ()
    %add3A_77 = arith.constant 416 : i32
    %add3A_78 = arith.addi %multiple_of3A, %add3A_77 : i32
    %multiple_of3A_79 = tpu.assume_multiple %add3A_78, 8 : i32
    %add3A_80 = arith.constant 416 : i32
    %add3A_81 = arith.addi %multiple_of3A, %add3A_80 : i32
    %multiple_of3A_82 = tpu.assume_multiple %add3A_81, 8 : i32
    "tpu.region"() ({
      %run_scoped3A = tpu.sem_alloc : memref<!tpu.dma_semaphore, #tpu.memory_space<semaphore_mem>>
      %dma_start3A_88 = arith.constant 0 : i32
      %dma_start3A_89 = tpu.memref_slice %arg5[%arg0, %multiple_of3A_82, %dma_start3A_88] : memref<2x10000x48xf32, #tpu.memory_space<hbm>> -> memref<1x208x48xf32, #tpu.memory_space<hbm>>
      %dma_start3A_90 = tpu.memref_squeeze %dma_start3A_89 : memref<1x208x48xf32, #tpu.memory_space<hbm>> -> memref<208x48xf32, #tpu.memory_space<hbm>>
      %dma_start3A_91 = arith.constant 0 : i32
      %dma_start3A_92 = tpu.memref_slice %arg6[%multiple_of3A_79, %dma_start3A_91] : memref<10000x48xf32, #tpu.memory_space<vmem_shared>> -> memref<208x48xf32, #tpu.memory_space<vmem_shared>>
      tpu.enqueue_dma source(%dma_start3A_92 : memref<208x48xf32, #tpu.memory_space<vmem_shared>>) target(%dma_start3A_90 : memref<208x48xf32, #tpu.memory_space<hbm>>) target_semaphore(%run_scoped3A : memref<!tpu.dma_semaphore, #tpu.memory_space<semaphore_mem>>)
      %dma_wait3A_93 = arith.constant 0 : i32
      %dma_wait3A_94 = tpu.memref_slice %arg5[%arg0, %multiple_of3A_82, %dma_wait3A_93] : memref<2x10000x48xf32, #tpu.memory_space<hbm>> -> memref<1x208x48xf32, #tpu.memory_space<hbm>>
      %dma_wait3A_95 = tpu.memref_squeeze %dma_wait3A_94 : memref<1x208x48xf32, #tpu.memory_space<hbm>> -> memref<208x48xf32, #tpu.memory_space<hbm>>
      %dma_wait3A_96 = arith.constant 0 : i32
      %dma_wait3A_97 = tpu.memref_slice %arg6[%multiple_of3A_79, %dma_wait3A_96] : memref<10000x48xf32, #tpu.memory_space<vmem_shared>> -> memref<208x48xf32, #tpu.memory_space<vmem_shared>>
      tpu.wait_dma2 semaphore(%run_scoped3A : memref<!tpu.dma_semaphore, #tpu.memory_space<semaphore_mem>>) src(%dma_wait3A_97 : memref<208x48xf32, #tpu.memory_space<vmem_shared>>) dst(%dma_wait3A_95 : memref<208x48xf32, #tpu.memory_space<hbm>>)
      tpu.yield
    }) : () -> ()
    %eq3A_83 = arith.constant 15 : i32
    %eq3A_84 = arith.cmpi eq, %arg1, %eq3A_83 : i32
    %convert_element_type3A_85 = arith.extui %eq3A_84 : i1 to i32
    %cond3A_86 = arith.constant 0 : i32
    %cond3A_87 = arith.cmpi ne, %convert_element_type3A_85, %cond3A_86 : i32
    scf.if %cond3A_87 {
      "tpu.region"() ({
        %run_scoped3A = tpu.sem_alloc : memref<!tpu.dma_semaphore, #tpu.memory_space<semaphore_mem>>
        %dma_start3A_88 = arith.constant 9984 : i32
        %dma_start3A_89 = arith.constant 0 : i32
        %dma_start3A_90 = tpu.memref_slice %arg5[%arg0, %dma_start3A_88, %dma_start3A_89] : memref<2x10000x48xf32, #tpu.memory_space<hbm>> -> memref<1x16x48xf32, #tpu.memory_space<hbm>>
        %dma_start3A_91 = tpu.memref_squeeze %dma_start3A_90 : memref<1x16x48xf32, #tpu.memory_space<hbm>> -> memref<16x48xf32, #tpu.memory_space<hbm>>
        %dma_start3A_92 = arith.constant 9984 : i32
        %dma_start3A_93 = arith.constant 0 : i32
        %dma_start3A_94 = tpu.memref_slice %arg6[%dma_start3A_92, %dma_start3A_93] : memref<10000x48xf32, #tpu.memory_space<vmem_shared>> -> memref<16x48xf32, #tpu.memory_space<vmem_shared>>
        tpu.enqueue_dma source(%dma_start3A_94 : memref<16x48xf32, #tpu.memory_space<vmem_shared>>) target(%dma_start3A_91 : memref<16x48xf32, #tpu.memory_space<hbm>>) target_semaphore(%run_scoped3A : memref<!tpu.dma_semaphore, #tpu.memory_space<semaphore_mem>>)
        %dma_wait3A_95 = arith.constant 9984 : i32
        %dma_wait3A_96 = arith.constant 0 : i32
        %dma_wait3A_97 = tpu.memref_slice %arg5[%arg0, %dma_wait3A_95, %dma_wait3A_96] : memref<2x10000x48xf32, #tpu.memory_space<hbm>> -> memref<1x16x48xf32, #tpu.memory_space<hbm>>
        %dma_wait3A_98 = tpu.memref_squeeze %dma_wait3A_97 : memref<1x16x48xf32, #tpu.memory_space<hbm>> -> memref<16x48xf32, #tpu.memory_space<hbm>>
        %dma_wait3A_99 = arith.constant 9984 : i32
        %dma_wait3A_100 = arith.constant 0 : i32
        %dma_wait3A_101 = tpu.memref_slice %arg6[%dma_wait3A_99, %dma_wait3A_100] : memref<10000x48xf32, #tpu.memory_space<vmem_shared>> -> memref<16x48xf32, #tpu.memory_space<vmem_shared>>
        tpu.wait_dma2 semaphore(%run_scoped3A : memref<!tpu.dma_semaphore, #tpu.memory_space<semaphore_mem>>) src(%dma_wait3A_101 : memref<16x48xf32, #tpu.memory_space<vmem_shared>>) dst(%dma_wait3A_98 : memref<16x48xf32, #tpu.memory_space<hbm>>)
        tpu.yield
      }) : () -> ()
    } else {
    }
    return
  }
}

module attributes {stable_mosaic.version = 14 : i64} {
  func.func @body(%arg0: memref<10000x128xf32, #tpu.memory_space<vmem>>, %arg1: memref<128x128xf32, #tpu.memory_space<vmem>>, %arg2: memref<1x128xf32, #tpu.memory_space<vmem>>, %arg3: memref<128x128xf32, #tpu.memory_space<vmem>>, %arg4: memref<1x128xf32, #tpu.memory_space<vmem>>, %arg5: memref<1x128xf32, #tpu.memory_space<vmem>>, %arg6: memref<20000x144xf32, #tpu.memory_space<vmem>>) attributes {dimension_semantics = [], scalar_prefetch = 0 : i64, scratch_operands = 0 : i64, tpu.core_type = #tpu.core_type<tc>} {
    %get3A = arith.constant 0 : index
    %get3A_0 = arith.constant 0 : index
    %get3A_1 = vector.load %arg0[%get3A, %get3A_0] : memref<10000x128xf32, #tpu.memory_space<vmem>>, vector<10000x128xf32>
    %get3A_2 = arith.constant 0 : index
    %get3A_3 = arith.constant 0 : index
    %get3A_4 = vector.load %arg1[%get3A_2, %get3A_3] : memref<128x128xf32, #tpu.memory_space<vmem>>, vector<128x128xf32>
    %dot_general3A = arith.constant dense<0.000000e+00> : vector<10000x128xf32>
    %dot_general3A_5 = tpu.matmul %get3A_1, %get3A_4, %dot_general3A {dimension_numbers = #tpu.dot_dimension_numbers<[1], [0], [0], [1], [0, 0, 1, 1], [], []>, transpose_lhs_hint = false} : vector<10000x128xf32>, vector<128x128xf32>, vector<10000x128xf32> -> vector<10000x128xf32>
    %get3A_6 = arith.constant 0 : index
    %get3A_7 = arith.constant 0 : index
    %get3A_8 = vector.load %arg2[%get3A_6, %get3A_7] : memref<1x128xf32, #tpu.memory_space<vmem>>, vector<1x128xf32>
    %add3A = vector.broadcast %get3A_8 : vector<1x128xf32> to vector<10000x128xf32>
    %add3A_9 = arith.addf %dot_general3A_5, %add3A : vector<10000x128xf32>
    %get3A_10 = arith.constant 0 : index
    %get3A_11 = arith.constant 0 : index
    %get3A_12 = vector.load %arg3[%get3A_10, %get3A_11] : memref<128x128xf32, #tpu.memory_space<vmem>>, vector<128x128xf32>
    %dot_general3A_13 = arith.constant dense<0.000000e+00> : vector<10000x128xf32>
    %dot_general3A_14 = tpu.matmul %get3A_1, %get3A_12, %dot_general3A_13 {dimension_numbers = #tpu.dot_dimension_numbers<[1], [0], [0], [1], [0, 0, 1, 1], [], []>, transpose_lhs_hint = false} : vector<10000x128xf32>, vector<128x128xf32>, vector<10000x128xf32> -> vector<10000x128xf32>
    %get3A_15 = arith.constant 0 : index
    %get3A_16 = arith.constant 0 : index
    %get3A_17 = vector.load %arg4[%get3A_15, %get3A_16] : memref<1x128xf32, #tpu.memory_space<vmem>>, vector<1x128xf32>
    %add3A_18 = vector.broadcast %get3A_17 : vector<1x128xf32> to vector<10000x128xf32>
    %add3A_19 = arith.addf %dot_general3A_14, %add3A_18 : vector<10000x128xf32>
    %add3A_20 = arith.addf %add3A_9, %add3A_19 : vector<10000x128xf32>
    %mul3A = arith.constant 2.000000e-01 : f32
    %mul3A_21 = vector.broadcast %mul3A : f32 to vector<10000x128xf32>
    %mul3A_22 = arith.mulf %mul3A_21, %add3A_20 : vector<10000x128xf32>
    %max3A = arith.maximumf %add3A_20, %mul3A_22 : vector<10000x128xf32>
    %get3A_23 = arith.constant 0 : index
    %get3A_24 = arith.constant 0 : index
    %get3A_25 = vector.load %arg5[%get3A_23, %get3A_24] : memref<1x128xf32, #tpu.memory_space<vmem>>, vector<1x128xf32>
    %mul3A_26 = vector.broadcast %get3A_25 : vector<1x128xf32> to vector<10000x128xf32>
    %mul3A_27 = arith.mulf %max3A, %mul3A_26 : vector<10000x128xf32>
    %reduce_sum3A = arith.constant dense<0.000000e+00> : vector<10000xf32>
    %reduce_sum3A_28 = vector.multi_reduction <add>, %mul3A_27, %reduce_sum3A [1] : vector<10000x128xf32> to vector<10000xf32>
    %broadcast_in_dim3A = vector.shape_cast %reduce_sum3A_28 : vector<10000xf32> to vector<10000x1xf32>
    %jit3A = arith.constant 0 : i32
    %convert_element_type3A = arith.sitofp %jit3A : i32 to f32
    %pad3A = vector.broadcast %convert_element_type3A : f32 to vector<10000x16xf32>
    %pad3A_29 = tpu.concatenate %add3A_9, %pad3A in 1 : vector<10000x128xf32>, vector<10000x16xf32> -> vector<10000x144xf32>
    %broadcast_in_dim3A_30 = vector.shape_cast %broadcast_in_dim3A : vector<10000x1xf32> to vector<10000x1xf32>
    %broadcast_in_dim3A_31 = vector.broadcast %broadcast_in_dim3A_30 : vector<10000x1xf32> to vector<10000x16xf32>
    %concatenate3A = tpu.concatenate %add3A_19, %broadcast_in_dim3A_31 in 1 : vector<10000x128xf32>, vector<10000x16xf32> -> vector<10000x144xf32>
    %concatenate3A_32 = tpu.concatenate %pad3A_29, %concatenate3A in 0 : vector<10000x144xf32>, vector<10000x144xf32> -> vector<20000x144xf32>
    %swap3A = arith.constant 0 : index
    %swap3A_33 = arith.constant 0 : index
    %swap3A_34 = vector.load %arg6[%swap3A, %swap3A_33] : memref<20000x144xf32, #tpu.memory_space<vmem>>, vector<20000x144xf32>
    tpu.vector_store %arg6[%swap3A, %swap3A_33], %concatenate3A_32 {strides = array<i32>} : memref<20000x144xf32, #tpu.memory_space<vmem>>, vector<20000x144xf32>,
    return
  }
}

module attributes {stable_mosaic.version = 14 : i64} {
  func.func @body(%arg0: memref<2x10000x144xf32, #tpu.memory_space<vmem>>, %arg1: memref<1x128xf32, #tpu.memory_space<vmem>>, %arg2: memref<1x128xf32, #tpu.memory_space<vmem>>, %arg3: memref<1x128xf32, #tpu.memory_space<vmem>>, %arg4: memref<10000x1xi32, #tpu.memory_space<vmem>>, %arg5: memref<10000x128xf32, #tpu.memory_space<vmem>>, %arg6: memref<64x128xf32, #tpu.memory_space<vmem>>) attributes {dimension_semantics = [], scalar_prefetch = 0 : i64, scratch_operands = 0 : i64, tpu.core_type = #tpu.core_type<tc>} {
    %get3A = arith.constant 0 : index
    %get3A_0 = arith.constant 0 : index
    %get3A_1 = arith.constant 0 : index
    %get3A_2 = vector.load %arg0[%get3A, %get3A_0, %get3A_1] : memref<2x10000x144xf32, #tpu.memory_space<vmem>>, vector<1x10000x144xf32>
    %get3A_3 = vector.shape_cast %get3A_2 : vector<1x10000x144xf32> to vector<10000x144xf32>
    %get3A_4 = arith.constant 1 : index
    %get3A_5 = arith.constant 0 : index
    %get3A_6 = arith.constant 0 : index
    %get3A_7 = vector.load %arg0[%get3A_4, %get3A_5, %get3A_6] : memref<2x10000x144xf32, #tpu.memory_space<vmem>>, vector<1x10000x144xf32>
    %get3A_8 = vector.shape_cast %get3A_7 : vector<1x10000x144xf32> to vector<10000x144xf32>
    %add3A = arith.addf %get3A_3, %get3A_8 : vector<10000x144xf32>
    %slice3A = vector.extract_strided_slice %add3A {offsets = [0, 128], sizes = [10000, 1], strides = [1, 1]} : vector<10000x144xf32> to vector<10000x1xf32>
    %slice3A_9 = vector.extract_strided_slice %add3A {offsets = [0, 0], sizes = [10000, 128], strides = [1, 1]} : vector<10000x144xf32> to vector<10000x128xf32>
    %div3A = vector.broadcast %slice3A : vector<10000x1xf32> to vector<10000x128xf32>
    %div3A_10 = arith.divf %slice3A_9, %div3A : vector<10000x128xf32>
    %get3A_11 = arith.constant 0 : index
    %get3A_12 = arith.constant 0 : index
    %get3A_13 = vector.load %arg1[%get3A_11, %get3A_12] : memref<1x128xf32, #tpu.memory_space<vmem>>, vector<1x128xf32>
    %add3A_14 = vector.broadcast %get3A_13 : vector<1x128xf32> to vector<10000x128xf32>
    %add3A_15 = arith.addf %div3A_10, %add3A_14 : vector<10000x128xf32>
    %max3A = arith.constant 0.000000e+00 : f32
    %max3A_16 = vector.broadcast %max3A : f32 to vector<10000x128xf32>
    %max3A_17 = arith.maximumf %add3A_15, %max3A_16 : vector<10000x128xf32>
    %reduce_sum3A = arith.constant dense<0.000000e+00> : vector<128xf32>
    %reduce_sum3A_18 = vector.multi_reduction <add>, %max3A_17, %reduce_sum3A [0] : vector<10000x128xf32> to vector<128xf32>
    %broadcast_in_dim3A = vector.shape_cast %reduce_sum3A_18 : vector<128xf32> to vector<1x128xf32>
    %div3A_19 = arith.constant 1.000000e+04 : f32
    %div3A_20 = vector.broadcast %div3A_19 : f32 to vector<1x128xf32>
    %div3A_21 = arith.divf %broadcast_in_dim3A, %div3A_20 : vector<1x128xf32>
    %sub3A = vector.broadcast %div3A_21 : vector<1x128xf32> to vector<10000x128xf32>
    %sub3A_22 = arith.subf %max3A_17, %sub3A : vector<10000x128xf32>
    %integer_pow3A = arith.mulf %sub3A_22, %sub3A_22 : vector<10000x128xf32>
    %reduce_sum3A_23 = arith.constant dense<0.000000e+00> : vector<128xf32>
    %reduce_sum3A_24 = vector.multi_reduction <add>, %integer_pow3A, %reduce_sum3A_23 [0] : vector<10000x128xf32> to vector<128xf32>
    %broadcast_in_dim3A_25 = vector.shape_cast %reduce_sum3A_24 : vector<128xf32> to vector<1x128xf32>
    %div3A_26 = arith.constant 1.000000e+04 : f32
    %div3A_27 = vector.broadcast %div3A_26 : f32 to vector<1x128xf32>
    %div3A_28 = arith.divf %broadcast_in_dim3A_25, %div3A_27 : vector<1x128xf32>
    %get3A_29 = arith.constant 0 : index
    %get3A_30 = arith.constant 0 : index
    %get3A_31 = vector.load %arg2[%get3A_29, %get3A_30] : memref<1x128xf32, #tpu.memory_space<vmem>>, vector<1x128xf32>
    %sub3A_32 = vector.broadcast %div3A_21 : vector<1x128xf32> to vector<10000x128xf32>
    %sub3A_33 = arith.subf %max3A_17, %sub3A_32 : vector<10000x128xf32>
    %mul3A = vector.broadcast %get3A_31 : vector<1x128xf32> to vector<10000x128xf32>
    %mul3A_34 = arith.mulf %mul3A, %sub3A_33 : vector<10000x128xf32>
    %add3A_35 = arith.constant 9.99999974E-6 : f32
    %add3A_36 = vector.broadcast %add3A_35 : f32 to vector<1x128xf32>
    %add3A_37 = arith.addf %div3A_28, %add3A_36 : vector<1x128xf32>
    %rsqrt3A = math.rsqrt %add3A_37 : vector<1x128xf32>
    %mul3A_38 = vector.broadcast %rsqrt3A : vector<1x128xf32> to vector<10000x128xf32>
    %mul3A_39 = arith.mulf %mul3A_34, %mul3A_38 : vector<10000x128xf32>
    %get3A_40 = arith.constant 0 : index
    %get3A_41 = arith.constant 0 : index
    %get3A_42 = vector.load %arg3[%get3A_40, %get3A_41] : memref<1x128xf32, #tpu.memory_space<vmem>>, vector<1x128xf32>
    %add3A_43 = vector.broadcast %get3A_42 : vector<1x128xf32> to vector<10000x128xf32>
    %add3A_44 = arith.addf %mul3A_39, %add3A_43 : vector<10000x128xf32>
    %swap3A = arith.constant 0 : index
    %swap3A_45 = arith.constant 0 : index
    %swap3A_46 = vector.load %arg5[%swap3A, %swap3A_45] : memref<10000x128xf32, #tpu.memory_space<vmem>>, vector<10000x128xf32>
    tpu.vector_store %arg5[%swap3A, %swap3A_45], %add3A_44 {strides = array<i32>} : memref<10000x128xf32, #tpu.memory_space<vmem>>, vector<10000x128xf32>,
    %get3A_47 = arith.constant 0 : index
    %get3A_48 = arith.constant 0 : index
    %get3A_49 = vector.load %arg4[%get3A_47, %get3A_48] : memref<10000x1xi32, #tpu.memory_space<vmem>>, vector<10000x1xi32>
    %iota3A = tpu.iota {dimensions = array<i32: 1>} : vector<10000x64xi32>
    %eq3A = vector.broadcast %get3A_49 : vector<10000x1xi32> to vector<10000x64xi32>
    %eq3A_50 = arith.cmpi eq, %eq3A, %iota3A : vector<10000x64xi32>
    %convert_element_type3A = arith.extui %eq3A_50 : vector<10000x64xi1> to vector<10000x64xi32>
    %convert_element_type3A_51 = arith.sitofp %convert_element_type3A : vector<10000x64xi32> to vector<10000x64xf32>
    %dot_general3A = arith.constant dense<0.000000e+00> : vector<64x128xf32>
    %dot_general3A_52 = tpu.matmul %convert_element_type3A_51, %add3A_44, %dot_general3A {dimension_numbers = #tpu.dot_dimension_numbers<[0], [0], [1], [1], [0, 1, 1, 1], [], []>, transpose_lhs_hint = false} : vector<10000x64xf32>, vector<10000x128xf32>, vector<64x128xf32> -> vector<64x128xf32>
    %swap3A_53 = arith.constant 0 : index
    %swap3A_54 = arith.constant 0 : index
    %swap3A_55 = vector.load %arg6[%swap3A_53, %swap3A_54] : memref<64x128xf32, #tpu.memory_space<vmem>>, vector<64x128xf32>
    tpu.vector_store %arg6[%swap3A_53, %swap3A_54], %dot_general3A_52 {strides = array<i32>} : memref<64x128xf32, #tpu.memory_space<vmem>>, vector<64x128xf32>,
    return
  }
}

module attributes {stable_mosaic.version = 14 : i64} {
  func.func @body(%arg0: memref<10000x128xf32, #tpu.memory_space<vmem>>, %arg1: memref<128x64xf32, #tpu.memory_space<vmem>>, %arg2: memref<1x64xf32, #tpu.memory_space<vmem>>, %arg3: memref<128x64xf32, #tpu.memory_space<vmem>>, %arg4: memref<1x64xf32, #tpu.memory_space<vmem>>, %arg5: memref<1x64xf32, #tpu.memory_space<vmem>>, %arg6: memref<20000x80xf32, #tpu.memory_space<vmem>>) attributes {dimension_semantics = [], scalar_prefetch = 0 : i64, scratch_operands = 0 : i64, tpu.core_type = #tpu.core_type<tc>} {
    %get3A = arith.constant 0 : index
    %get3A_0 = arith.constant 0 : index
    %get3A_1 = vector.load %arg0[%get3A, %get3A_0] : memref<10000x128xf32, #tpu.memory_space<vmem>>, vector<10000x128xf32>
    %get3A_2 = arith.constant 0 : index
    %get3A_3 = arith.constant 0 : index
    %get3A_4 = vector.load %arg1[%get3A_2, %get3A_3] : memref<128x64xf32, #tpu.memory_space<vmem>>, vector<128x64xf32>
    %dot_general3A = arith.constant dense<0.000000e+00> : vector<10000x64xf32>
    %dot_general3A_5 = tpu.matmul %get3A_1, %get3A_4, %dot_general3A {dimension_numbers = #tpu.dot_dimension_numbers<[1], [0], [0], [1], [0, 0, 1, 1], [], []>, transpose_lhs_hint = false} : vector<10000x128xf32>, vector<128x64xf32>, vector<10000x64xf32> -> vector<10000x64xf32>
    %get3A_6 = arith.constant 0 : index
    %get3A_7 = arith.constant 0 : index
    %get3A_8 = vector.load %arg2[%get3A_6, %get3A_7] : memref<1x64xf32, #tpu.memory_space<vmem>>, vector<1x64xf32>
    %add3A = vector.broadcast %get3A_8 : vector<1x64xf32> to vector<10000x64xf32>
    %add3A_9 = arith.addf %dot_general3A_5, %add3A : vector<10000x64xf32>
    %get3A_10 = arith.constant 0 : index
    %get3A_11 = arith.constant 0 : index
    %get3A_12 = vector.load %arg3[%get3A_10, %get3A_11] : memref<128x64xf32, #tpu.memory_space<vmem>>, vector<128x64xf32>
    %dot_general3A_13 = arith.constant dense<0.000000e+00> : vector<10000x64xf32>
    %dot_general3A_14 = tpu.matmul %get3A_1, %get3A_12, %dot_general3A_13 {dimension_numbers = #tpu.dot_dimension_numbers<[1], [0], [0], [1], [0, 0, 1, 1], [], []>, transpose_lhs_hint = false} : vector<10000x128xf32>, vector<128x64xf32>, vector<10000x64xf32> -> vector<10000x64xf32>
    %get3A_15 = arith.constant 0 : index
    %get3A_16 = arith.constant 0 : index
    %get3A_17 = vector.load %arg4[%get3A_15, %get3A_16] : memref<1x64xf32, #tpu.memory_space<vmem>>, vector<1x64xf32>
    %add3A_18 = vector.broadcast %get3A_17 : vector<1x64xf32> to vector<10000x64xf32>
    %add3A_19 = arith.addf %dot_general3A_14, %add3A_18 : vector<10000x64xf32>
    %add3A_20 = arith.addf %add3A_9, %add3A_19 : vector<10000x64xf32>
    %mul3A = arith.constant 2.000000e-01 : f32
    %mul3A_21 = vector.broadcast %mul3A : f32 to vector<10000x64xf32>
    %mul3A_22 = arith.mulf %mul3A_21, %add3A_20 : vector<10000x64xf32>
    %max3A = arith.maximumf %add3A_20, %mul3A_22 : vector<10000x64xf32>
    %get3A_23 = arith.constant 0 : index
    %get3A_24 = arith.constant 0 : index
    %get3A_25 = vector.load %arg5[%get3A_23, %get3A_24] : memref<1x64xf32, #tpu.memory_space<vmem>>, vector<1x64xf32>
    %mul3A_26 = vector.broadcast %get3A_25 : vector<1x64xf32> to vector<10000x64xf32>
    %mul3A_27 = arith.mulf %max3A, %mul3A_26 : vector<10000x64xf32>
    %reduce_sum3A = arith.constant dense<0.000000e+00> : vector<10000xf32>
    %reduce_sum3A_28 = vector.multi_reduction <add>, %mul3A_27, %reduce_sum3A [1] : vector<10000x64xf32> to vector<10000xf32>
    %broadcast_in_dim3A = vector.shape_cast %reduce_sum3A_28 : vector<10000xf32> to vector<10000x1xf32>
    %jit3A = arith.constant 0 : i32
    %convert_element_type3A = arith.sitofp %jit3A : i32 to f32
    %pad3A = vector.broadcast %convert_element_type3A : f32 to vector<10000x16xf32>
    %pad3A_29 = tpu.concatenate %add3A_9, %pad3A in 1 : vector<10000x64xf32>, vector<10000x16xf32> -> vector<10000x80xf32>
    %broadcast_in_dim3A_30 = vector.shape_cast %broadcast_in_dim3A : vector<10000x1xf32> to vector<10000x1xf32>
    %broadcast_in_dim3A_31 = vector.broadcast %broadcast_in_dim3A_30 : vector<10000x1xf32> to vector<10000x16xf32>
    %concatenate3A = tpu.concatenate %add3A_19, %broadcast_in_dim3A_31 in 1 : vector<10000x64xf32>, vector<10000x16xf32> -> vector<10000x80xf32>
    %concatenate3A_32 = tpu.concatenate %pad3A_29, %concatenate3A in 0 : vector<10000x80xf32>, vector<10000x80xf32> -> vector<20000x80xf32>
    %swap3A = arith.constant 0 : index
    %swap3A_33 = arith.constant 0 : index
    %swap3A_34 = vector.load %arg6[%swap3A, %swap3A_33] : memref<20000x80xf32, #tpu.memory_space<vmem>>, vector<20000x80xf32>
    tpu.vector_store %arg6[%swap3A, %swap3A_33], %concatenate3A_32 {strides = array<i32>} : memref<20000x80xf32, #tpu.memory_space<vmem>>, vector<20000x80xf32>,
    return
  }
}

module attributes {stable_mosaic.version = 14 : i64} {
  func.func @body(%arg0: memref<2x10000x80xf32, #tpu.memory_space<vmem>>, %arg1: memref<1x64xf32, #tpu.memory_space<vmem>>, %arg2: memref<1x64xf32, #tpu.memory_space<vmem>>, %arg3: memref<1x64xf32, #tpu.memory_space<vmem>>, %arg4: memref<10000x1xi32, #tpu.memory_space<vmem>>, %arg5: memref<10000x64xf32, #tpu.memory_space<vmem>>, %arg6: memref<64x64xf32, #tpu.memory_space<vmem>>) attributes {dimension_semantics = [], scalar_prefetch = 0 : i64, scratch_operands = 0 : i64, tpu.core_type = #tpu.core_type<tc>} {
    %get3A = arith.constant 0 : index
    %get3A_0 = arith.constant 0 : index
    %get3A_1 = arith.constant 0 : index
    %get3A_2 = vector.load %arg0[%get3A, %get3A_0, %get3A_1] : memref<2x10000x80xf32, #tpu.memory_space<vmem>>, vector<1x10000x80xf32>
    %get3A_3 = vector.shape_cast %get3A_2 : vector<1x10000x80xf32> to vector<10000x80xf32>
    %get3A_4 = arith.constant 1 : index
    %get3A_5 = arith.constant 0 : index
    %get3A_6 = arith.constant 0 : index
    %get3A_7 = vector.load %arg0[%get3A_4, %get3A_5, %get3A_6] : memref<2x10000x80xf32, #tpu.memory_space<vmem>>, vector<1x10000x80xf32>
    %get3A_8 = vector.shape_cast %get3A_7 : vector<1x10000x80xf32> to vector<10000x80xf32>
    %add3A = arith.addf %get3A_3, %get3A_8 : vector<10000x80xf32>
    %slice3A = vector.extract_strided_slice %add3A {offsets = [0, 64], sizes = [10000, 1], strides = [1, 1]} : vector<10000x80xf32> to vector<10000x1xf32>
    %slice3A_9 = vector.extract_strided_slice %add3A {offsets = [0, 0], sizes = [10000, 64], strides = [1, 1]} : vector<10000x80xf32> to vector<10000x64xf32>
    %div3A = vector.broadcast %slice3A : vector<10000x1xf32> to vector<10000x64xf32>
    %div3A_10 = arith.divf %slice3A_9, %div3A : vector<10000x64xf32>
    %get3A_11 = arith.constant 0 : index
    %get3A_12 = arith.constant 0 : index
    %get3A_13 = vector.load %arg1[%get3A_11, %get3A_12] : memref<1x64xf32, #tpu.memory_space<vmem>>, vector<1x64xf32>
    %add3A_14 = vector.broadcast %get3A_13 : vector<1x64xf32> to vector<10000x64xf32>
    %add3A_15 = arith.addf %div3A_10, %add3A_14 : vector<10000x64xf32>
    %max3A = arith.constant 0.000000e+00 : f32
    %max3A_16 = vector.broadcast %max3A : f32 to vector<10000x64xf32>
    %max3A_17 = arith.maximumf %add3A_15, %max3A_16 : vector<10000x64xf32>
    %reduce_sum3A = arith.constant dense<0.000000e+00> : vector<64xf32>
    %reduce_sum3A_18 = vector.multi_reduction <add>, %max3A_17, %reduce_sum3A [0] : vector<10000x64xf32> to vector<64xf32>
    %broadcast_in_dim3A = vector.shape_cast %reduce_sum3A_18 : vector<64xf32> to vector<1x64xf32>
    %div3A_19 = arith.constant 1.000000e+04 : f32
    %div3A_20 = vector.broadcast %div3A_19 : f32 to vector<1x64xf32>
    %div3A_21 = arith.divf %broadcast_in_dim3A, %div3A_20 : vector<1x64xf32>
    %sub3A = vector.broadcast %div3A_21 : vector<1x64xf32> to vector<10000x64xf32>
    %sub3A_22 = arith.subf %max3A_17, %sub3A : vector<10000x64xf32>
    %integer_pow3A = arith.mulf %sub3A_22, %sub3A_22 : vector<10000x64xf32>
    %reduce_sum3A_23 = arith.constant dense<0.000000e+00> : vector<64xf32>
    %reduce_sum3A_24 = vector.multi_reduction <add>, %integer_pow3A, %reduce_sum3A_23 [0] : vector<10000x64xf32> to vector<64xf32>
    %broadcast_in_dim3A_25 = vector.shape_cast %reduce_sum3A_24 : vector<64xf32> to vector<1x64xf32>
    %div3A_26 = arith.constant 1.000000e+04 : f32
    %div3A_27 = vector.broadcast %div3A_26 : f32 to vector<1x64xf32>
    %div3A_28 = arith.divf %broadcast_in_dim3A_25, %div3A_27 : vector<1x64xf32>
    %get3A_29 = arith.constant 0 : index
    %get3A_30 = arith.constant 0 : index
    %get3A_31 = vector.load %arg2[%get3A_29, %get3A_30] : memref<1x64xf32, #tpu.memory_space<vmem>>, vector<1x64xf32>
    %sub3A_32 = vector.broadcast %div3A_21 : vector<1x64xf32> to vector<10000x64xf32>
    %sub3A_33 = arith.subf %max3A_17, %sub3A_32 : vector<10000x64xf32>
    %mul3A = vector.broadcast %get3A_31 : vector<1x64xf32> to vector<10000x64xf32>
    %mul3A_34 = arith.mulf %mul3A, %sub3A_33 : vector<10000x64xf32>
    %add3A_35 = arith.constant 9.99999974E-6 : f32
    %add3A_36 = vector.broadcast %add3A_35 : f32 to vector<1x64xf32>
    %add3A_37 = arith.addf %div3A_28, %add3A_36 : vector<1x64xf32>
    %rsqrt3A = math.rsqrt %add3A_37 : vector<1x64xf32>
    %mul3A_38 = vector.broadcast %rsqrt3A : vector<1x64xf32> to vector<10000x64xf32>
    %mul3A_39 = arith.mulf %mul3A_34, %mul3A_38 : vector<10000x64xf32>
    %get3A_40 = arith.constant 0 : index
    %get3A_41 = arith.constant 0 : index
    %get3A_42 = vector.load %arg3[%get3A_40, %get3A_41] : memref<1x64xf32, #tpu.memory_space<vmem>>, vector<1x64xf32>
    %add3A_43 = vector.broadcast %get3A_42 : vector<1x64xf32> to vector<10000x64xf32>
    %add3A_44 = arith.addf %mul3A_39, %add3A_43 : vector<10000x64xf32>
    %swap3A = arith.constant 0 : index
    %swap3A_45 = arith.constant 0 : index
    %swap3A_46 = vector.load %arg5[%swap3A, %swap3A_45] : memref<10000x64xf32, #tpu.memory_space<vmem>>, vector<10000x64xf32>
    tpu.vector_store %arg5[%swap3A, %swap3A_45], %add3A_44 {strides = array<i32>} : memref<10000x64xf32, #tpu.memory_space<vmem>>, vector<10000x64xf32>,
    %get3A_47 = arith.constant 0 : index
    %get3A_48 = arith.constant 0 : index
    %get3A_49 = vector.load %arg4[%get3A_47, %get3A_48] : memref<10000x1xi32, #tpu.memory_space<vmem>>, vector<10000x1xi32>
    %iota3A = tpu.iota {dimensions = array<i32: 1>} : vector<10000x64xi32>
    %eq3A = vector.broadcast %get3A_49 : vector<10000x1xi32> to vector<10000x64xi32>
    %eq3A_50 = arith.cmpi eq, %eq3A, %iota3A : vector<10000x64xi32>
    %convert_element_type3A = arith.extui %eq3A_50 : vector<10000x64xi1> to vector<10000x64xi32>
    %convert_element_type3A_51 = arith.sitofp %convert_element_type3A : vector<10000x64xi32> to vector<10000x64xf32>
    %dot_general3A = arith.constant dense<0.000000e+00> : vector<64x64xf32>
    %dot_general3A_52 = tpu.matmul %convert_element_type3A_51, %add3A_44, %dot_general3A {dimension_numbers = #tpu.dot_dimension_numbers<[0], [0], [1], [1], [0, 1, 1, 1], [], []>, transpose_lhs_hint = false} : vector<10000x64xf32>, vector<10000x64xf32>, vector<64x64xf32> -> vector<64x64xf32>
    %swap3A_53 = arith.constant 0 : index
    %swap3A_54 = arith.constant 0 : index
    %swap3A_55 = vector.load %arg6[%swap3A_53, %swap3A_54] : memref<64x64xf32, #tpu.memory_space<vmem>>, vector<64x64xf32>
    tpu.vector_store %arg6[%swap3A_53, %swap3A_54], %dot_general3A_52 {strides = array<i32>} : memref<64x64xf32, #tpu.memory_space<vmem>>, vector<64x64xf32>,
    return
  }
}

module attributes {stable_mosaic.version = 14 : i64} {
  func.func @body(%arg0: memref<10000x64xf32, #tpu.memory_space<vmem>>, %arg1: memref<64x32xf32, #tpu.memory_space<vmem>>, %arg2: memref<1x32xf32, #tpu.memory_space<vmem>>, %arg3: memref<64x32xf32, #tpu.memory_space<vmem>>, %arg4: memref<1x32xf32, #tpu.memory_space<vmem>>, %arg5: memref<1x32xf32, #tpu.memory_space<vmem>>, %arg6: memref<20000x48xf32, #tpu.memory_space<vmem>>) attributes {dimension_semantics = [], scalar_prefetch = 0 : i64, scratch_operands = 0 : i64, tpu.core_type = #tpu.core_type<tc>} {
    %get3A = arith.constant 0 : index
    %get3A_0 = arith.constant 0 : index
    %get3A_1 = vector.load %arg0[%get3A, %get3A_0] : memref<10000x64xf32, #tpu.memory_space<vmem>>, vector<10000x64xf32>
    %get3A_2 = arith.constant 0 : index
    %get3A_3 = arith.constant 0 : index
    %get3A_4 = vector.load %arg1[%get3A_2, %get3A_3] : memref<64x32xf32, #tpu.memory_space<vmem>>, vector<64x32xf32>
    %dot_general3A = arith.constant dense<0.000000e+00> : vector<10000x32xf32>
    %dot_general3A_5 = tpu.matmul %get3A_1, %get3A_4, %dot_general3A {dimension_numbers = #tpu.dot_dimension_numbers<[1], [0], [0], [1], [0, 0, 1, 1], [], []>, transpose_lhs_hint = false} : vector<10000x64xf32>, vector<64x32xf32>, vector<10000x32xf32> -> vector<10000x32xf32>
    %get3A_6 = arith.constant 0 : index
    %get3A_7 = arith.constant 0 : index
    %get3A_8 = vector.load %arg2[%get3A_6, %get3A_7] : memref<1x32xf32, #tpu.memory_space<vmem>>, vector<1x32xf32>
    %add3A = vector.broadcast %get3A_8 : vector<1x32xf32> to vector<10000x32xf32>
    %add3A_9 = arith.addf %dot_general3A_5, %add3A : vector<10000x32xf32>
    %get3A_10 = arith.constant 0 : index
    %get3A_11 = arith.constant 0 : index
    %get3A_12 = vector.load %arg3[%get3A_10, %get3A_11] : memref<64x32xf32, #tpu.memory_space<vmem>>, vector<64x32xf32>
    %dot_general3A_13 = arith.constant dense<0.000000e+00> : vector<10000x32xf32>
    %dot_general3A_14 = tpu.matmul %get3A_1, %get3A_12, %dot_general3A_13 {dimension_numbers = #tpu.dot_dimension_numbers<[1], [0], [0], [1], [0, 0, 1, 1], [], []>, transpose_lhs_hint = false} : vector<10000x64xf32>, vector<64x32xf32>, vector<10000x32xf32> -> vector<10000x32xf32>
    %get3A_15 = arith.constant 0 : index
    %get3A_16 = arith.constant 0 : index
    %get3A_17 = vector.load %arg4[%get3A_15, %get3A_16] : memref<1x32xf32, #tpu.memory_space<vmem>>, vector<1x32xf32>
    %add3A_18 = vector.broadcast %get3A_17 : vector<1x32xf32> to vector<10000x32xf32>
    %add3A_19 = arith.addf %dot_general3A_14, %add3A_18 : vector<10000x32xf32>
    %add3A_20 = arith.addf %add3A_9, %add3A_19 : vector<10000x32xf32>
    %mul3A = arith.constant 2.000000e-01 : f32
    %mul3A_21 = vector.broadcast %mul3A : f32 to vector<10000x32xf32>
    %mul3A_22 = arith.mulf %mul3A_21, %add3A_20 : vector<10000x32xf32>
    %max3A = arith.maximumf %add3A_20, %mul3A_22 : vector<10000x32xf32>
    %get3A_23 = arith.constant 0 : index
    %get3A_24 = arith.constant 0 : index
    %get3A_25 = vector.load %arg5[%get3A_23, %get3A_24] : memref<1x32xf32, #tpu.memory_space<vmem>>, vector<1x32xf32>
    %mul3A_26 = vector.broadcast %get3A_25 : vector<1x32xf32> to vector<10000x32xf32>
    %mul3A_27 = arith.mulf %max3A, %mul3A_26 : vector<10000x32xf32>
    %reduce_sum3A = arith.constant dense<0.000000e+00> : vector<10000xf32>
    %reduce_sum3A_28 = vector.multi_reduction <add>, %mul3A_27, %reduce_sum3A [1] : vector<10000x32xf32> to vector<10000xf32>
    %broadcast_in_dim3A = vector.shape_cast %reduce_sum3A_28 : vector<10000xf32> to vector<10000x1xf32>
    %jit3A = arith.constant 0 : i32
    %convert_element_type3A = arith.sitofp %jit3A : i32 to f32
    %pad3A = vector.broadcast %convert_element_type3A : f32 to vector<10000x16xf32>
    %pad3A_29 = tpu.concatenate %add3A_9, %pad3A in 1 : vector<10000x32xf32>, vector<10000x16xf32> -> vector<10000x48xf32>
    %broadcast_in_dim3A_30 = vector.shape_cast %broadcast_in_dim3A : vector<10000x1xf32> to vector<10000x1xf32>
    %broadcast_in_dim3A_31 = vector.broadcast %broadcast_in_dim3A_30 : vector<10000x1xf32> to vector<10000x16xf32>
    %concatenate3A = tpu.concatenate %add3A_19, %broadcast_in_dim3A_31 in 1 : vector<10000x32xf32>, vector<10000x16xf32> -> vector<10000x48xf32>
    %concatenate3A_32 = tpu.concatenate %pad3A_29, %concatenate3A in 0 : vector<10000x48xf32>, vector<10000x48xf32> -> vector<20000x48xf32>
    %swap3A = arith.constant 0 : index
    %swap3A_33 = arith.constant 0 : index
    %swap3A_34 = vector.load %arg6[%swap3A, %swap3A_33] : memref<20000x48xf32, #tpu.memory_space<vmem>>, vector<20000x48xf32>
    tpu.vector_store %arg6[%swap3A, %swap3A_33], %concatenate3A_32 {strides = array<i32>} : memref<20000x48xf32, #tpu.memory_space<vmem>>, vector<20000x48xf32>,
    return
  }
}

module attributes {stable_mosaic.version = 14 : i64} {
  func.func @body(%arg0: memref<2x10000x48xf32, #tpu.memory_space<vmem>>, %arg1: memref<1x32xf32, #tpu.memory_space<vmem>>, %arg2: memref<1x32xf32, #tpu.memory_space<vmem>>, %arg3: memref<1x32xf32, #tpu.memory_space<vmem>>, %arg4: memref<10000x1xi32, #tpu.memory_space<vmem>>, %arg5: memref<10000x32xf32, #tpu.memory_space<vmem>>, %arg6: memref<64x32xf32, #tpu.memory_space<vmem>>) attributes {dimension_semantics = [], scalar_prefetch = 0 : i64, scratch_operands = 0 : i64, tpu.core_type = #tpu.core_type<tc>} {
    %get3A = arith.constant 0 : index
    %get3A_0 = arith.constant 0 : index
    %get3A_1 = arith.constant 0 : index
    %get3A_2 = vector.load %arg0[%get3A, %get3A_0, %get3A_1] : memref<2x10000x48xf32, #tpu.memory_space<vmem>>, vector<1x10000x48xf32>
    %get3A_3 = vector.shape_cast %get3A_2 : vector<1x10000x48xf32> to vector<10000x48xf32>
    %get3A_4 = arith.constant 1 : index
    %get3A_5 = arith.constant 0 : index
    %get3A_6 = arith.constant 0 : index
    %get3A_7 = vector.load %arg0[%get3A_4, %get3A_5, %get3A_6] : memref<2x10000x48xf32, #tpu.memory_space<vmem>>, vector<1x10000x48xf32>
    %get3A_8 = vector.shape_cast %get3A_7 : vector<1x10000x48xf32> to vector<10000x48xf32>
    %add3A = arith.addf %get3A_3, %get3A_8 : vector<10000x48xf32>
    %slice3A = vector.extract_strided_slice %add3A {offsets = [0, 32], sizes = [10000, 1], strides = [1, 1]} : vector<10000x48xf32> to vector<10000x1xf32>
    %slice3A_9 = vector.extract_strided_slice %add3A {offsets = [0, 0], sizes = [10000, 32], strides = [1, 1]} : vector<10000x48xf32> to vector<10000x32xf32>
    %div3A = vector.broadcast %slice3A : vector<10000x1xf32> to vector<10000x32xf32>
    %div3A_10 = arith.divf %slice3A_9, %div3A : vector<10000x32xf32>
    %get3A_11 = arith.constant 0 : index
    %get3A_12 = arith.constant 0 : index
    %get3A_13 = vector.load %arg1[%get3A_11, %get3A_12] : memref<1x32xf32, #tpu.memory_space<vmem>>, vector<1x32xf32>
    %add3A_14 = vector.broadcast %get3A_13 : vector<1x32xf32> to vector<10000x32xf32>
    %add3A_15 = arith.addf %div3A_10, %add3A_14 : vector<10000x32xf32>
    %max3A = arith.constant 0.000000e+00 : f32
    %max3A_16 = vector.broadcast %max3A : f32 to vector<10000x32xf32>
    %max3A_17 = arith.maximumf %add3A_15, %max3A_16 : vector<10000x32xf32>
    %reduce_sum3A = arith.constant dense<0.000000e+00> : vector<32xf32>
    %reduce_sum3A_18 = vector.multi_reduction <add>, %max3A_17, %reduce_sum3A [0] : vector<10000x32xf32> to vector<32xf32>
    %broadcast_in_dim3A = vector.shape_cast %reduce_sum3A_18 : vector<32xf32> to vector<1x32xf32>
    %div3A_19 = arith.constant 1.000000e+04 : f32
    %div3A_20 = vector.broadcast %div3A_19 : f32 to vector<1x32xf32>
    %div3A_21 = arith.divf %broadcast_in_dim3A, %div3A_20 : vector<1x32xf32>
    %sub3A = vector.broadcast %div3A_21 : vector<1x32xf32> to vector<10000x32xf32>
    %sub3A_22 = arith.subf %max3A_17, %sub3A : vector<10000x32xf32>
    %integer_pow3A = arith.mulf %sub3A_22, %sub3A_22 : vector<10000x32xf32>
    %reduce_sum3A_23 = arith.constant dense<0.000000e+00> : vector<32xf32>
    %reduce_sum3A_24 = vector.multi_reduction <add>, %integer_pow3A, %reduce_sum3A_23 [0] : vector<10000x32xf32> to vector<32xf32>
    %broadcast_in_dim3A_25 = vector.shape_cast %reduce_sum3A_24 : vector<32xf32> to vector<1x32xf32>
    %div3A_26 = arith.constant 1.000000e+04 : f32
    %div3A_27 = vector.broadcast %div3A_26 : f32 to vector<1x32xf32>
    %div3A_28 = arith.divf %broadcast_in_dim3A_25, %div3A_27 : vector<1x32xf32>
    %get3A_29 = arith.constant 0 : index
    %get3A_30 = arith.constant 0 : index
    %get3A_31 = vector.load %arg2[%get3A_29, %get3A_30] : memref<1x32xf32, #tpu.memory_space<vmem>>, vector<1x32xf32>
    %sub3A_32 = vector.broadcast %div3A_21 : vector<1x32xf32> to vector<10000x32xf32>
    %sub3A_33 = arith.subf %max3A_17, %sub3A_32 : vector<10000x32xf32>
    %mul3A = vector.broadcast %get3A_31 : vector<1x32xf32> to vector<10000x32xf32>
    %mul3A_34 = arith.mulf %mul3A, %sub3A_33 : vector<10000x32xf32>
    %add3A_35 = arith.constant 9.99999974E-6 : f32
    %add3A_36 = vector.broadcast %add3A_35 : f32 to vector<1x32xf32>
    %add3A_37 = arith.addf %div3A_28, %add3A_36 : vector<1x32xf32>
    %rsqrt3A = math.rsqrt %add3A_37 : vector<1x32xf32>
    %mul3A_38 = vector.broadcast %rsqrt3A : vector<1x32xf32> to vector<10000x32xf32>
    %mul3A_39 = arith.mulf %mul3A_34, %mul3A_38 : vector<10000x32xf32>
    %get3A_40 = arith.constant 0 : index
    %get3A_41 = arith.constant 0 : index
    %get3A_42 = vector.load %arg3[%get3A_40, %get3A_41] : memref<1x32xf32, #tpu.memory_space<vmem>>, vector<1x32xf32>
    %add3A_43 = vector.broadcast %get3A_42 : vector<1x32xf32> to vector<10000x32xf32>
    %add3A_44 = arith.addf %mul3A_39, %add3A_43 : vector<10000x32xf32>
    %swap3A = arith.constant 0 : index
    %swap3A_45 = arith.constant 0 : index
    %swap3A_46 = vector.load %arg5[%swap3A, %swap3A_45] : memref<10000x32xf32, #tpu.memory_space<vmem>>, vector<10000x32xf32>
    tpu.vector_store %arg5[%swap3A, %swap3A_45], %add3A_44 {strides = array<i32>} : memref<10000x32xf32, #tpu.memory_space<vmem>>, vector<10000x32xf32>,
    %get3A_47 = arith.constant 0 : index
    %get3A_48 = arith.constant 0 : index
    %get3A_49 = vector.load %arg4[%get3A_47, %get3A_48] : memref<10000x1xi32, #tpu.memory_space<vmem>>, vector<10000x1xi32>
    %iota3A = tpu.iota {dimensions = array<i32: 1>} : vector<10000x64xi32>
    %eq3A = vector.broadcast %get3A_49 : vector<10000x1xi32> to vector<10000x64xi32>
    %eq3A_50 = arith.cmpi eq, %eq3A, %iota3A : vector<10000x64xi32>
    %convert_element_type3A = arith.extui %eq3A_50 : vector<10000x64xi1> to vector<10000x64xi32>
    %convert_element_type3A_51 = arith.sitofp %convert_element_type3A : vector<10000x64xi32> to vector<10000x64xf32>
    %dot_general3A = arith.constant dense<0.000000e+00> : vector<64x32xf32>
    %dot_general3A_52 = tpu.matmul %convert_element_type3A_51, %add3A_44, %dot_general3A {dimension_numbers = #tpu.dot_dimension_numbers<[0], [0], [1], [1], [0, 1, 1, 1], [], []>, transpose_lhs_hint = false} : vector<10000x64xf32>, vector<10000x32xf32>, vector<64x32xf32> -> vector<64x32xf32>
    %swap3A_53 = arith.constant 0 : index
    %swap3A_54 = arith.constant 0 : index
    %swap3A_55 = vector.load %arg6[%swap3A_53, %swap3A_54] : memref<64x32xf32, #tpu.memory_space<vmem>>, vector<64x32xf32>
    tpu.vector_store %arg6[%swap3A_53, %swap3A_54], %dot_general3A_52 {strides = array<i32>} : memref<64x32xf32, #tpu.memory_space<vmem>>, vector<64x32xf32>,
    return
  }
}

module attributes {stable_mosaic.version = 14 : i64} {
  func.func @_head_body(%arg0: memref<64x128xf32, #tpu.memory_space<vmem>>, %arg1: memref<64x64xf32, #tpu.memory_space<vmem>>, %arg2: memref<64x32xf32, #tpu.memory_space<vmem>>, %arg3: memref<256x128xf32, #tpu.memory_space<vmem>>, %arg4: memref<1x128xf32, #tpu.memory_space<vmem>>, %arg5: memref<1x128xf32, #tpu.memory_space<vmem>>, %arg6: memref<1x128xf32, #tpu.memory_space<vmem>>, %arg7: memref<128x10xf32, #tpu.memory_space<vmem>>, %arg8: memref<1x10xf32, #tpu.memory_space<vmem>>, %arg9: memref<64x10xf32, #tpu.memory_space<vmem>>, %arg10: memref<64x10xf32, #tpu.memory_space<vmem>>) attributes {dimension_semantics = [], scalar_prefetch = 0 : i64, scratch_operands = 0 : i64, tpu.core_type = #tpu.core_type<tc>} {
    %get3A = arith.constant 0 : index
    %get3A_0 = arith.constant 0 : index
    %get3A_1 = vector.load %arg0[%get3A, %get3A_0] : memref<64x128xf32, #tpu.memory_space<vmem>>, vector<64x128xf32>
    %get3A_2 = arith.constant 0 : index
    %get3A_3 = arith.constant 0 : index
    %get3A_4 = vector.load %arg1[%get3A_2, %get3A_3] : memref<64x64xf32, #tpu.memory_space<vmem>>, vector<64x64xf32>
    %get3A_5 = arith.constant 0 : index
    %get3A_6 = arith.constant 0 : index
    %get3A_7 = vector.load %arg2[%get3A_5, %get3A_6] : memref<64x32xf32, #tpu.memory_space<vmem>>, vector<64x32xf32>
    %get3A_8 = arith.constant 0 : index
    %get3A_9 = arith.constant 0 : index
    %get3A_10 = vector.load %arg2[%get3A_8, %get3A_9] : memref<64x32xf32, #tpu.memory_space<vmem>>, vector<64x32xf32>
    %concatenate3A = tpu.concatenate %get3A_1, %get3A_4, %get3A_7, %get3A_10 in 1 : vector<64x128xf32>, vector<64x64xf32>, vector<64x32xf32>, vector<64x32xf32> -> vector<64x256xf32>
    %get3A_11 = arith.constant 0 : index
    %get3A_12 = arith.constant 0 : index
    %get3A_13 = vector.load %arg3[%get3A_11, %get3A_12] : memref<256x128xf32, #tpu.memory_space<vmem>>, vector<256x128xf32>
    %dot_general3A = arith.constant dense<0.000000e+00> : vector<64x128xf32>
    %dot_general3A_14 = tpu.matmul %concatenate3A, %get3A_13, %dot_general3A {dimension_numbers = #tpu.dot_dimension_numbers<[1], [0], [0], [1], [0, 0, 1, 1], [], []>, transpose_lhs_hint = false} : vector<64x256xf32>, vector<256x128xf32>, vector<64x128xf32> -> vector<64x128xf32>
    %get3A_15 = arith.constant 0 : index
    %get3A_16 = arith.constant 0 : index
    %get3A_17 = vector.load %arg4[%get3A_15, %get3A_16] : memref<1x128xf32, #tpu.memory_space<vmem>>, vector<1x128xf32>
    %add3A = vector.broadcast %get3A_17 : vector<1x128xf32> to vector<64x128xf32>
    %add3A_18 = arith.addf %dot_general3A_14, %add3A : vector<64x128xf32>
    %max3A = arith.constant 0.000000e+00 : f32
    %max3A_19 = vector.broadcast %max3A : f32 to vector<64x128xf32>
    %max3A_20 = arith.maximumf %add3A_18, %max3A_19 : vector<64x128xf32>
    %reduce_sum3A = arith.constant dense<0.000000e+00> : vector<128xf32>
    %reduce_sum3A_21 = vector.multi_reduction <add>, %max3A_20, %reduce_sum3A [0] : vector<64x128xf32> to vector<128xf32>
    %broadcast_in_dim3A = vector.shape_cast %reduce_sum3A_21 : vector<128xf32> to vector<1x128xf32>
    %div3A = arith.constant 6.400000e+01 : f32
    %div3A_22 = vector.broadcast %div3A : f32 to vector<1x128xf32>
    %div3A_23 = arith.divf %broadcast_in_dim3A, %div3A_22 : vector<1x128xf32>
    %sub3A = vector.broadcast %div3A_23 : vector<1x128xf32> to vector<64x128xf32>
    %sub3A_24 = arith.subf %max3A_20, %sub3A : vector<64x128xf32>
    %integer_pow3A = arith.mulf %sub3A_24, %sub3A_24 : vector<64x128xf32>
    %reduce_sum3A_25 = arith.constant dense<0.000000e+00> : vector<128xf32>
    %reduce_sum3A_26 = vector.multi_reduction <add>, %integer_pow3A, %reduce_sum3A_25 [0] : vector<64x128xf32> to vector<128xf32>
    %broadcast_in_dim3A_27 = vector.shape_cast %reduce_sum3A_26 : vector<128xf32> to vector<1x128xf32>
    %div3A_28 = arith.constant 6.400000e+01 : f32
    %div3A_29 = vector.broadcast %div3A_28 : f32 to vector<1x128xf32>
    %div3A_30 = arith.divf %broadcast_in_dim3A_27, %div3A_29 : vector<1x128xf32>
    %get3A_31 = arith.constant 0 : index
    %get3A_32 = arith.constant 0 : index
    %get3A_33 = vector.load %arg5[%get3A_31, %get3A_32] : memref<1x128xf32, #tpu.memory_space<vmem>>, vector<1x128xf32>
    %sub3A_34 = vector.broadcast %div3A_23 : vector<1x128xf32> to vector<64x128xf32>
    %sub3A_35 = arith.subf %max3A_20, %sub3A_34 : vector<64x128xf32>
    %mul3A = vector.broadcast %get3A_33 : vector<1x128xf32> to vector<64x128xf32>
    %mul3A_36 = arith.mulf %mul3A, %sub3A_35 : vector<64x128xf32>
    %add3A_37 = arith.constant 9.99999974E-6 : f32
    %add3A_38 = vector.broadcast %add3A_37 : f32 to vector<1x128xf32>
    %add3A_39 = arith.addf %div3A_30, %add3A_38 : vector<1x128xf32>
    %rsqrt3A = math.rsqrt %add3A_39 : vector<1x128xf32>
    %mul3A_40 = vector.broadcast %rsqrt3A : vector<1x128xf32> to vector<64x128xf32>
    %mul3A_41 = arith.mulf %mul3A_36, %mul3A_40 : vector<64x128xf32>
    %get3A_42 = arith.constant 0 : index
    %get3A_43 = arith.constant 0 : index
    %get3A_44 = vector.load %arg6[%get3A_42, %get3A_43] : memref<1x128xf32, #tpu.memory_space<vmem>>, vector<1x128xf32>
    %add3A_45 = vector.broadcast %get3A_44 : vector<1x128xf32> to vector<64x128xf32>
    %add3A_46 = arith.addf %mul3A_41, %add3A_45 : vector<64x128xf32>
    %get3A_47 = arith.constant 0 : index
    %get3A_48 = arith.constant 0 : index
    %get3A_49 = vector.load %arg7[%get3A_47, %get3A_48] : memref<128x10xf32, #tpu.memory_space<vmem>>, vector<128x10xf32>
    %dot_general3A_50 = arith.constant dense<0.000000e+00> : vector<64x10xf32>
    %dot_general3A_51 = tpu.matmul %add3A_46, %get3A_49, %dot_general3A_50 {dimension_numbers = #tpu.dot_dimension_numbers<[1], [0], [0], [1], [0, 0, 1, 1], [], []>, transpose_lhs_hint = false} : vector<64x128xf32>, vector<128x10xf32>, vector<64x10xf32> -> vector<64x10xf32>
    %get3A_52 = arith.constant 0 : index
    %get3A_53 = arith.constant 0 : index
    %get3A_54 = vector.load %arg8[%get3A_52, %get3A_53] : memref<1x10xf32, #tpu.memory_space<vmem>>, vector<1x10xf32>
    %add3A_55 = vector.broadcast %get3A_54 : vector<1x10xf32> to vector<64x10xf32>
    %add3A_56 = arith.addf %dot_general3A_51, %add3A_55 : vector<64x10xf32>
    %neg3A = arith.constant 0.000000e+00 : f32
    %neg3A_57 = vector.broadcast %neg3A : f32 to vector<64x10xf32>
    %neg3A_58 = arith.subf %neg3A_57, %add3A_56 : vector<64x10xf32>
    %exp3A = math.exp %neg3A_58 : vector<64x10xf32>
    %add3A_59 = arith.constant 1.000000e+00 : f32
    %add3A_60 = vector.broadcast %add3A_59 : f32 to vector<64x10xf32>
    %add3A_61 = arith.addf %add3A_60, %exp3A : vector<64x10xf32>
    %div3A_62 = arith.constant 1.000000e+00 : f32
    %div3A_63 = vector.broadcast %div3A_62 : f32 to vector<64x10xf32>
    %div3A_64 = arith.divf %div3A_63, %add3A_61 : vector<64x10xf32>
    %swap3A = arith.constant 0 : index
    %swap3A_65 = arith.constant 0 : index
    %swap3A_66 = vector.load %arg9[%swap3A, %swap3A_65] : memref<64x10xf32, #tpu.memory_space<vmem>>, vector<64x10xf32>
    tpu.vector_store %arg9[%swap3A, %swap3A_65], %div3A_64 {strides = array<i32>} : memref<64x10xf32, #tpu.memory_space<vmem>>, vector<64x10xf32>,
    %reduce_max3A = arith.constant dense<0xFF800000> : vector<64xf32>
    %reduce_max3A_67 = vector.multi_reduction <maximumf>, %add3A_56, %reduce_max3A [1] : vector<64x10xf32> to vector<64xf32>
    %broadcast_in_dim3A_68 = vector.shape_cast %reduce_max3A_67 : vector<64xf32> to vector<64x1xf32>
    %sub3A_69 = vector.broadcast %broadcast_in_dim3A_68 : vector<64x1xf32> to vector<64x10xf32>
    %sub3A_70 = arith.subf %add3A_56, %sub3A_69 : vector<64x10xf32>
    %exp3A_71 = math.exp %sub3A_70 : vector<64x10xf32>
    %reduce_sum3A_72 = arith.constant dense<0.000000e+00> : vector<64xf32>
    %reduce_sum3A_73 = vector.multi_reduction <add>, %exp3A_71, %reduce_sum3A_72 [1] : vector<64x10xf32> to vector<64xf32>
    %broadcast_in_dim3A_74 = vector.shape_cast %reduce_sum3A_73 : vector<64xf32> to vector<64x1xf32>
    %log3A = math.log %broadcast_in_dim3A_74 : vector<64x1xf32>
    %add3A_75 = arith.addf %broadcast_in_dim3A_68, %log3A : vector<64x1xf32>
    %sub3A_76 = vector.broadcast %add3A_75 : vector<64x1xf32> to vector<64x10xf32>
    %sub3A_77 = arith.subf %add3A_56, %sub3A_76 : vector<64x10xf32>
    %swap3A_78 = arith.constant 0 : index
    %swap3A_79 = arith.constant 0 : index
    %swap3A_80 = vector.load %arg10[%swap3A_78, %swap3A_79] : memref<64x10xf32, #tpu.memory_space<vmem>>, vector<64x10xf32>
    tpu.vector_store %arg10[%swap3A_78, %swap3A_79], %sub3A_77 {strides = array<i32>} : memref<64x10xf32, #tpu.memory_space<vmem>>, vector<64x10xf32>,
    return
  }
}

</mosaic_0001>

<sc_bundles>
// kernel: kernel.12.cloned.1.call-start
scs
__scs_entry_jumppad:
0x0: {  	(pc) =	sbr.rel $0x88, $3  }
0x1: {  	(tag) =	ssettag $0x0;
	lr =	simm.s32 $0x1  }
0x2: {  	[smem:$0x3F80] =	sst lr;
	_ =	strace $0xD0000000  }
0x3: {  	_ = 	snop  }
0x4: {  	_ = 	snop  }
0x5: {  	_ = 	snop  }
0x6: {  	_ = 	snop  }
0x7: {  	_ = 	snop  }
__scs_overlays_trampoline_lowered:
0x8: {  	[smem:$0x3F8F] =	sst s0  }
0x9: {  	[smem:$0x3F90] =	sst s1  }
0xa: {  	[smem:$0x3F91] =	sst s2  }
0xb: {  	[smem:$0x3F92] =	sst s3  }
0xc: {  	[smem:$0x3F93] =	sst s4  }
0xd: {  	[smem:$0x3F94] =	sst s5  }
0xe: {  	[smem:$0x3F95] =	sst s6  }
0xf: {  	[smem:$0x3F96] =	sst s7  }
0x10: {  	[smem:$0x3F97] =	sst s8  }
0x11: {  	[smem:$0x3F98] =	sst s9;
	s0 =	simm.s32 @!p0 $0x0  }
0x12: {  	s1 =	sld [smem:$0x3F7E];
	s0 =	simm.s32 @p0 $0x1  }
0x13: {  	[smem:$0x3F99] =	sst s0;
	s0 =	simm.s32 @!p1 $0x0  }
0x14: {  	s2 =	sld [smem:$0x3F7D];
	s0 =	simm.s32 @p1 $0x1  }
0x15: {  	[smem:$0x3F9A] =	sst s0;
	s0 =	simm.s32 @!p2 $0x0  }
0x16: {  	s3 =	sld [smem:$0x3FDB];
	s0 =	simm.s32 @p2 $0x1  }
0x17: {  	s4 =	simm.s32 $0x1BF5;
	[smem:$0x3F9C] =	sst s0  }
0x18: {  	s0 =	sld [smem:$0x3F7F];
	_ =	swait.ge [sflag:s4], $0x0  }
0x19: {  	s7 =	sld [smem:$0x3F80]  }
0x1a: {  	s8 =	sadd.s32 $0xFFFFE003, lr  }
0x1b: {  	s9 =	sadd.s32 $0xFFFFFEF7, lr;
	s5 =	simm.s32 $0xFFFFFFFF;
	p2 =	slt.u32 s8, $0xFFFFF086  }
0x1c: {  	p1 =	slt.u32 s9, $0xF7A;
	s5 =	simm.s32 @!p2 $0x0  }
0x1d: {  	s5 =	simm.s32 @p1 $0x1;
	p0 =	seq.s32 s7, s2  }
0x1e: {  	s7 =	smul.u32 @!p0 $0xF7A, s2;
	p2 =	seq.s32 @!p0 s5, $0x0  }
0x1f: {  	s9 =	smul.u32 $0xF7A, s1;
	s8 =	simm.s32 @!p0 $0x1BF5;
	p2 =	por !p2, p0  }
0x20: {  	[sflag:s8] =	ssyncset.s32 @!p0 $0xFFFFF086;
	s6 =	sadd.s32 @!p0 s3, s7;
	s7 =	simm.s32 @!p0 $0x108  }
0x21: {  	s3 =	sadd.s32 s3, s9;
	s6 =	sadd.s32 @!p0 $0x88, s6;
	s7 =	simm.s32 @p2 $0x1082  }
0x22: {  	[simem:s7], [sflag:s8] =	dma.local @!p0 [hbm:s6], $0xF7A  }
0x23: {  	s9 =	sor.u32 $0xD0000000, s2;
	s6 =	simm.s32 $0x108;
	_ =	swait.ge @!p0 [sflag:s8], $0x0  }
0x24: {  	s3 =	sadd.s32 $0x88, s3;
	s6 =	simm.s32 @!p1 $0x1082;
	[sflag:s4] =	ssyncset.s32 $0xFFFFF086  }
0x25: {  	[simem:s6], [sflag:s4] =	dma.local [hbm:s3], $0xF7A  }
0x26: {  	[smem:$0x3F80] =	sst s1;
	(tag) =	ssettag s2;
	_ =	strace s9  }
0x27: {  	s1 =	sld [smem:$0x3F90]  }
0x28: {  	s2 =	sld [smem:$0x3F91]  }
0x29: {  	s4 =	sld [smem:$0x3F93]  }
0x2a: {  	p0 =	seq.s32 s5, $0x0;
	s5 =	sld [smem:$0x3F94]  }
0x2b: {  	s6 =	sld [smem:$0x3F95]  }
0x2c: {  	s7 =	sld [smem:$0x3F96]  }
0x2d: {  	s3 =	simm.s32 $0x108;
	s8 =	sld [smem:$0x3F97]  }
0x2e: {  	s3 =	simm.s32 @!p0 $0x1082;
	s9 =	sld [smem:$0x3F98]  }
0x2f: {  	lr =	sadd.s32 s0, s3;
	s0 =	sld [smem:$0x3F8F]  }
0x30: {  	s3 =	sld [smem:$0x3F92]  }
0x31: {  	[smem:$0x3F9B] =	sst s10  }
0x32: {  	s10 =	sld [smem:$0x3F99];
	_ =	sdelay $0x3  }
0x33: {  	p0 =	seq.s32 s10, $0x1;
	s10 =	sld [smem:$0x3F9B];
	_ =	sdelay $0x3  }
0x34: {  	[smem:$0x3F9B] =	sst s10  }
0x35: {  	s10 =	sld [smem:$0x3F9A];
	_ =	sdelay $0x3  }
0x36: {  	p1 =	seq.s32 s10, $0x1;
	s10 =	sld [smem:$0x3F9B];
	_ =	sdelay $0x3  }
0x37: {  	[smem:$0x3F9B] =	sst s10  }
0x38: {  	s10 =	sld [smem:$0x3F9C]  }
0x39: {  	_ = 	snop;
	(pc) =	sbr.ind lr, $3  }
0x3a: {  	_ = 	snop  }
0x3b: {  	_ = 	snop  }
0x3c: {  	p2 =	seq.s32 s10, $0x1;
	s10 =	sld [smem:$0x3F9B]  }
0x3d: {  	_ =	shalt  }
0x3e: {  	_ =	shalt  }
0x3f: {  	_ =	shalt  }
0x40: {  	_ =	shalt  }
0x41: {  	_ =	shalt  }
0x42: {  	_ =	shalt  }
0x43: {  	_ =	shalt  }
0x44: {  	_ =	shalt  }
0x45: {  	_ =	shalt  }
0x46: {  	_ =	shalt  }
0x47: {  	_ =	shalt  }
0x48: {  	_ =	shalt  }
0x49: {  	_ =	shalt  }
0x4a: {  	_ =	shalt  }
0x4b: {  	_ =	shalt  }
0x4c: {  	_ =	shalt  }
0x4d: {  	_ =	shalt  }
0x4e: {  	_ =	shalt  }
0x4f: {  	_ =	shalt  }
0x50: {  	_ =	shalt  }
0x51: {  	_ =	shalt  }
0x52: {  	_ =	shalt  }
0x53: {  	_ =	shalt  }
0x54: {  	_ =	shalt  }
0x55: {  	_ =	shalt  }
0x56: {  	_ =	shalt  }
0x57: {  	_ =	shalt  }
0x58: {  	_ =	shalt  }
0x59: {  	_ =	shalt  }
0x5a: {  	_ =	shalt  }
0x5b: {  	_ =	shalt  }
0x5c: {  	_ =	shalt  }
0x5d: {  	_ =	shalt  }
0x5e: {  	_ =	shalt  }
0x5f: {  	_ =	shalt  }
0x60: {  	_ =	shalt  }
0x61: {  	_ =	shalt  }
0x62: {  	_ =	shalt  }
0x63: {  	_ =	shalt  }
0x64: {  	_ =	shalt  }
0x65: {  	_ =	shalt  }
0x66: {  	_ =	shalt  }
0x67: {  	_ =	shalt  }
0x68: {  	_ =	shalt  }
0x69: {  	_ =	shalt  }
0x6a: {  	_ =	shalt  }
0x6b: {  	_ =	shalt  }
0x6c: {  	_ =	shalt  }
0x6d: {  	_ =	shalt  }
0x6e: {  	_ =	shalt  }
0x6f: {  	_ =	shalt  }
0x70: {  	_ =	shalt  }
0x71: {  	_ =	shalt  }
0x72: {  	_ =	shalt  }
0x73: {  	_ =	shalt  }
0x74: {  	_ =	shalt  }
0x75: {  	_ =	shalt  }
0x76: {  	_ =	shalt  }
0x77: {  	_ =	shalt  }
0x78: {  	_ =	shalt  }
0x79: {  	_ =	shalt  }
0x7a: {  	_ =	shalt  }
0x7b: {  	_ =	shalt  }
0x7c: {  	_ =	shalt  }
0x7d: {  	_ =	shalt  }
0x7e: {  	_ =	shalt  }
0x7f: {  	_ =	shalt  }
0x80: {  	_ =	shalt  }
0x81: {  	_ =	shalt  }
0x82: {  	_ =	shalt  }
0x83: {  	_ =	shalt  }
0x84: {  	_ =	shalt  }
0x85: {  	_ =	shalt  }
0x86: {  	_ =	shalt  }
0x87: {  	_ =	shalt  }
.Lfunc_end0:
.L_simem_size_0:
called_computation_lowered:
.L_overlay_start_0:
0x88: {  	s2 =	sld [smem:$0x3FD9]  }
0x89: {  	s3 =	sld [smem:$0x3FFE];
	_ =	sdelay $0x1  }
0x8a: {  	s1 =	srdreg.scid  }
0x8b: {  	s0 =	sand.u32 $0x1, s1  }
0x8c: {  	s17 =	sshll.u32 s0, $0xA;
	s2 =	sadd.s32 s3, s2  }
0x8d: {  	s2 =	sadd.s32 s2, s17  }
0x8e: {  	[smem:$0x3FA7] =	sst s2  }
0x8f: {  	_ = 	snop  }
0x90: {  	s2 =	sld [smem:$0x3FBE];
	(tm) =	ssettm $0x1  }
0x91: {  	s18 =	sld [smem:$0x3FFB];
	_ =	sdelay $0x3  }
0x92: {  	_ =	strace s18  }
0x93: {  	s3 =	sld [smem:$0x3FFC];
	_ =	sdelay $0x3  }
0x94: {  	_ =	strace s3  }
0x95: {  	s3 =	sld [smem:$0x3FFD];
	_ =	sdelay $0x3  }
0x96: {  	_ =	strace s3  }
0x97: {  	_ =	strace $0x8FFFFFFF  }
0x98: {  	s19 =	sld [smem:$0x3FDB];
	_ =	sdelay $0x1  }
0x99: {  	s4 =	simm.s32 $_scs_section_size  }
0x9a: {  	s5 =	simm.s32 $_size__tile_overlayer_lowered;
	s6 =	simm.s32 $_tile_overlayer_lowered  }
0x9b: {  	s22 =	simm.s32 $0x1BFF;
	s21 =	sshll.u32 s6, $0x1;
	s3 =	sadd.s32 s4, s19  }
0x9c: {  	s7 =	simm.s32 $0x0;
	s20 =	sshll.u32 s5, $0x1;
	s5 =	sadd.s32 s21, s3  }
0x9d: {  	[timem:s7], [sflag:s22] =	dma.local [hbm:s5], s20  }
0x9e: {  	_ =	swait.ge [sflag:s22], s20  }
0x9f: {  	s4 =	ssub.s32 $0x0, s20;
	[sflag:s22] =	ssyncset.done $0x0  }
0xa0: {  	[sflag:s22] =	ssyncadd.s32 s4;
	_ =	sdelay $0x1  }
0xa1: {  	s23 =	simm.s32 $0x1B8B  }
0xa2: {  	_ =	swait.ge [sflag:s23], $0x1  }
0xa3: {  	[sflag:s23] =	ssyncset.done $0x0  }
0xa4: {  	s25 =	simm.s32 $0x1B8E;
	s24 =	sld [smem:$0x3FFE];
	[sflag:s23] =	ssyncadd.s32 $0xFFFFFFFF  }
0xa5: {  	s26 =	simm.s32 $execute0_lowered;
	[smem:$0x3FD2] =	sst s25  }
0xa6: {  	s5 =	sshll.u32 s26, $0x1;
	_ =	strace $0x80000046;
	[dreg:$0x1] =	wrdreg $0xFFFFFFFF  }
0xa7: {  	s28 =	simm.s32 $_size_execute0_lowered;
	s3 =	sadd.s32 s3, s5;
	[dreg:$0x0] =	wrdreg $0x0  }
0xa8: {  	s5 =	sshll.u32 s28, $0x1;
	[dreg:$0x2] =	wrdreg s3  }
0xa9: {  	[dreg:$0x3] =	wrdreg s5  }
0xaa: {  	[dreg:$0x4] =	wrdreg $0xC0  }
0xab: {  	_ =	task [dreg:s7], $0x5FFFF  }
0xac: {  	[dreg:$0x1] =	wrdreg $0xFFFFFFFF  }
0xad: {  	[dreg:$0x0] =	wrdreg $0x60  }
0xae: {  	[dreg:$0x2] =	wrdreg s24  }
0xaf: {  	[dreg:$0x3] =	wrdreg s2  }
0xb0: {  	[dreg:$0x4] =	wrdreg $0x0  }
0xb1: {  	[dreg:$0x5] =	wrdreg $0x9  }
0xb2: {  	_ =	task.clear_ibuf [dreg:s7], $0x6FFFF;
	_ =	strace $0x90000046  }
0xb3: {  	s29 =	simm.s32 $0x9;
	_ =	strace $0x80000048  }
0xb4: {  	_ =	swait.ge [sflag:s29], $0x1  }
0xb5: {  	[sflag:s29] =	ssyncadd.s32 $0xFFFFFFFF  }
0xb6: {  	_ =	strace $0x90000048  }
0xb7: {  	_ =	sfence  }
0xb8: {  	s30 =	sld [smem:$0x0];
	_ =	sdelay $0x2  }
0xb9: {  	s31 =	sshll.u32 s1, $0xD;
	s1 =	sshrl.u32 s1, $0x2  }
0xba: {  	s3 =	sand.u32 $0x4000, s31;
	s1 =	sadd.s32 s1, s30  }
0xbb: {  	s0 =	sor.u32 s3, s0;
	s1 =	sshll.u32 s1, $0x11  }
0xbc: {  	s0 =	sor.u32 s1, s0  }
0xbd: {  	s0 =	sadd.s32 $0x8F2B, s0  }
0xbe: {  	[sflag:s0] =	ssyncadd.remote.s32 $0x1  }
0xbf: {  	_ =	sfence.sel $0xFFFF  }
0xc0: {  	[dreg:$0x0] =	wrdreg $0xFFFFFFFF;
	(pc) =	sbr.abs _section_cstart, $3  }
0xc1: {  	[dreg:$0x1] =	wrdreg $0xFFFFFFFF  }
0xc2: {  	_ =	task.clear_ibuf [dreg:s7], $0x2FFFF;
	_ =	strace $0x9FFFFFFF  }
0xc3: {  	(tm) =	ssettm $0x7FFFFFFF  }
tec
execute0_lowered:
.L_overlay_start_1:
0x0: {  	(tag) =	ssettag $0x1  }
0x1: {  	s0 =	rddreg [dreg:$0x0]  }
0x2: {  	s2 =	rddreg [dreg:$0x2];
	s1 =	srdreg.scid  }
0x3: {  	s4 =	simm.s32 $0x0;
	s17 =	stileid.u32;
	s1 =	sand.u32 $0x1, s1  }
0x4: {  	[smem:$0x7FF] =	sst s4;
	s5 =	sadd.s32 $0xA0E00, s0;
	s12 =	smul.u32 $0x15F00, s17  }
0x5: {  	s6 =	sadd.s32 $0x4A00, s0;
	s0 =	sadd.s32 $0x19200, s0;
	s15 =	smul.u32 $0x57C00, s17  }
0x6: {  	s30 =	smul.u32 $0x2900, s17;
	p0 =	sne.s32 s17, $0xF;
	s3 =	sshll.u32 s1, $0x4  }
0x7: {  	_ =	strace $0x80000047;
	s7 =	ssub.s32 $0x2, s1;
	s9 =	smul.u32 $0x15F900, s1  }
0x8: {  	s1 =	smul.u32 $0x29000, s1;
	s3 =	sor.u32 s17, s3;
	s10 =	sshrl.u32 s7, $0x1  }
0x9: {  	s14 =	sadd.s32 $0x7500, s12;
	s24 =	sadd.s32 $0xEA00, s12;
	s29 =	sshrl.u32 s15, $0x2  }
0xa: {  	s17 =	simm.s32 $0x6;
	s3 =	smul.u32 $0x5200, s3;
	s7 =	ssub.s32 s7, s10  }
0xb: {  	s13 =	sadd.s32 s12, s9;
	s22 =	sadd.s32 s9, s14;
	s12 =	sadd.s32 s12, s2  }
0xc: {  	s25 =	sadd.s32 s9, s24;
	s16 =	sadd.s32 s29, s2;
	s7 =	smax.u32 s7, $0x1  }
0xd: {  	s14 =	sadd.s32 s14, s2;
	s31 =	sadd.s32 $0x1B00, s16;
	[dreg:$0xa] =	wrdreg s7  }
0xe: {  	s21 =	sshrl.u32 s13, $0x3;
	s13 =	sadd.s32 $0x5100, s16;
	[dreg:$0xb] =	wrdreg s31  }
0xf: {  	s26 =	sadd.s32 s24, s2;
	s15 =	sadd.s32 $0x6C00, s16;
	[dreg:$0xd] =	wrdreg s13  }
0x10: {  	s9 =	sshrl.u32 s9, $0x3;
	s18 =	sshrl.u32 s12, $0x3;
	[dreg:$0xe] =	wrdreg s15  }
0x11: {  	s28 =	sadd.s32 s30, s1;
	s19 =	sshrl.u32 s14, $0x3;
	[dreg:$0xf] =	wrdreg s18  }
0x12: {  	s23 =	sshrl.u32 s22, $0x3;
	s22 =	sadd.s32 $0xA200, s16;
	[dreg:$0x10] =	wrdreg s19  }
0x13: {  	s24 =	sadd.s32 $0xD800, s16;
	s29 =	sadd.s32 $0x12900, s16;
	[dreg:$0x13] =	wrdreg s22  }
0x14: {  	s30 =	sadd.s32 $0x14400, s16;
	s12 =	simm.s32 $0x16110;
	[dreg:$0x15] =	wrdreg s24  }
0x15: {  	s8 =	sshrl.u32 s3, $0x3;
	s10 =	sor.u32 $0x100, s3;
	[dreg:$0x18] =	wrdreg s29  }
0x16: {  	[dreg:$0x19] =	wrdreg s30;
	s31 =	sor.u32 $0x40, s28;
	s13 =	simm.s32 $0x7  }
0x17: {  	s7 =	simm.s32 $0x16010;
	s11 =	sadd.s32 s6, s8;
	[dreg:$0x1a] =	wrdreg s31  }
0x18: {  	s15 =	simm.s32 $0x80;
	[dreg:$0x4] =	wrdreg s11;
	s20 =	sadd.s32 $0x10, s11  }
0x19: {  	s11 =	sor.u32 $0x180, s3;
	s3 =	sadd.s32 s0, s21;
	[dreg:$0x5] =	wrdreg s20  }
0x1a: {  	s18 =	simm.s32 $0x1A910;
	s21 =	sadd.s32 $0x8700, s16;
	[dreg:$0x6] =	wrdreg s3  }
0x1b: {  	s19 =	simm.s32 $0x1;
	s3 =	sadd.s32 s0, s23;
	[dreg:$0x12] =	wrdreg s21  }
0x1c: {  	s22 =	simm.s32 $0x40;
	s20 =	sshrl.u32 s26, $0x3;
	[dreg:$0x7] =	wrdreg s3  }
0x1d: {  	s24 =	simm.s32 $0x4;
	s23 =	sadd.s32 $0xBD00, s16;
	[dreg:$0x11] =	wrdreg s20  }
0x1e: {  	s26 =	sadd.s32 $0x10E00, s16;
	s3 =	sshrl.u32 s25, $0x3;
	[dreg:$0x14] =	wrdreg s23  }
.Ltmp0:
0x1f: {  	s25 =	sadd.s32 $0xF300, s16;
	[dreg:$0x17] =	wrdreg s26;
	(pc) =	sbr.rel .LBB2_1-.Ltmp0, $4  }
0x20: {  	s8 =	sadd.s32 $0x15F000, s2;
	s3 =	sadd.s32 s0, s3;
	[dreg:$0x16] =	wrdreg s25  }
0x21: {  	s0 =	sadd.s32 s0, s9;
	s9 =	sadd.s32 $0x3600, s16;
	[dreg:$0x8] =	wrdreg s3  }
0x22: {  	s20 =	simm.s32 $0x2;
	s0 =	sadd.s32 $0x2BE00, s0;
	[dreg:$0xc] =	wrdreg s9  }
0x23: {  	v0 =	vimm.f32 $0.0e+00;
	s23 =	simm.s32 $0x160D0;
	s25 =	simm.s32 $0x0;
	[dreg:$0x9] =	wrdreg s0  }
.LBB2_10:
0x24: {  	[spmem:s2] =	stream.indirect.scatter.add.f32 [tilespmem:s18], [sflag:$0x4], $0x90, s23, s22, $0xb8;
	[tilespmem:$0x1F190] =	vst v63  }
0x25: {  	_ =	swait.ge [sflag:s24], $0x2400  }
0x26: {  	[sflag:s24] =	ssyncset.done $0x0  }
0x27: {  	[sflag:s24] =	ssyncadd.s32 $0xFFFFDC00  }
0x28: {  	s0 =	stileid.u32;
	[bflag:$0x0] =	sbarrier.arrive $0xFFFF  }
0x29: {  	s0 =	sshll.u32 s0, $0x6;
	s1 =	rddreg [dreg:$0x6]  }
0x2a: {  	s0 =	sor.u32 $0x1C07, s0;
	s3 =	rddreg [dreg:$0xf]  }
0x2b: {  	[hbm:s1], [sflag:s0] =	dma.local [spmem:s3], $0xEA0  }
0x2c: {  	_ =	swait.ge [sflag:s13], $0xEA0  }
0x2d: {  	[sflag:s13] =	ssyncset.done $0x0;
	s21 =	rddreg [dreg:$0x7]  }
0x2e: {  	s26 =	rddreg [dreg:$0x10];
	[sflag:s13] =	ssyncadd.s32 $0xFFFFF160  }
0x2f: {  	[hbm:s21], [sflag:s0] =	dma.local [spmem:s26], $0xEA0  }
0x30: {  	_ =	swait.ge [sflag:s13], $0xEA0  }
0x31: {  	[sflag:s13] =	ssyncset.done $0x0;
	s29 =	rddreg [dreg:$0x8]  }
0x32: {  	s30 =	rddreg [dreg:$0x11];
	[sflag:s13] =	ssyncadd.s32 $0xFFFFF160  }
0x33: {  	[hbm:s29], [sflag:s0] =	dma.local [spmem:s30], $0xEA0  }
0x34: {  	_ =	swait.ge [sflag:s13], $0xEA0  }
0x35: {  	[sflag:s13] =	ssyncset.done $0x0  }
0x36: {  	s1 =	sshrl.u32 @!p0 s8, $0x3;
	s3 =	rddreg [dreg:$0x9];
	[sflag:s13] =	ssyncadd.s32 $0xFFFFF160  }
0x37: {  	[hbm:s3], [sflag:s0] =	dma.local @!p0 [spmem:s1], $0x120  }
0x38: {  	s0 =	simm.s32 @!p0 $0x7  }
0x39: {  	_ =	swait.ge @!p0 [sflag:s0], $0x120  }
0x3a: {  	s25 =	sadd.s32 $0x1, s25;
	s31 =	rddreg [dreg:$0xa]  }
0x3b: {  	p1 =	sne.s32 s25, s31  }
.Ltmp1:
0x3c: {  	_ = 	snop;
	(pc) =	sbr.rel @!p1 .LBB2_11-.Ltmp1, $3  }
0x3d: {  	_ =	sdelay $0x1  }
0x3e: {  	[sflag:s0] =	ssyncset.done @!p0 $0x0  }
0x3f: {  	[sflag:s0] =	ssyncadd.s32 @!p0 $0xFFFFFEE0  }
.LBB2_1:
0x40: {  	s0 =	simm.s32 $0x0;
	s1 =	simm.s32 $0x240  }
.LBB2_2:
0x41: {  	p1 =	sne.s32 s1, $0x69C0;
	[tilespmem:s0+$0x16190] =	vst v0  }
0x42: {  	[tilespmem:s0+$0x16110] =	vst v0  }
0x43: {  	[tilespmem:s0+$0x16120] =	vst v0  }
0x44: {  	[tilespmem:s0+$0x16130] =	vst v0  }
.Ltmp2:
0x45: {  	[tilespmem:s0+$0x16140] =	vst v0;
	(pc) =	sbr.rel @p1 .LBB2_2-.Ltmp2, $4  }
0x46: {  	[tilespmem:s0+$0x16150] =	vst v0  }
0x47: {  	[tilespmem:s0+$0x16160] =	vst v0  }
0x48: {  	[tilespmem:s0+$0x16170] =	vst v0  }
0x49: {  	[tilespmem:s0+$0x16180] =	vst v0;
	s0 =	sshra.s32 s1, $0x2;
	s1 =	sadd.s32 $0x240, s1  }
0x4a: {  	[tilespmem:s0+$0x16190] =	vst v0  }
0x4b: {  	[tilespmem:s0+$0x16110] =	vst v0  }
0x4c: {  	[tilespmem:s0+$0x16120] =	vst v0  }
0x4d: {  	[tilespmem:s0+$0x16130] =	vst v0  }
0x4e: {  	[tilespmem:s0+$0x16140] =	vst v0  }
0x4f: {  	[tilespmem:s0+$0x16150] =	vst v0  }
0x50: {  	[tilespmem:s0+$0x16160] =	vst v0  }
0x51: {  	[tilespmem:s0+$0x16170] =	vst v0  }
0x52: {  	[tilespmem:s0+$0x16180] =	vst v0  }
0x53: {  	[spmem:s16] =	stream.linear.scatter [tilespmem:s12], [sflag:$0x7], $0x1B00, $0x38;
	[tilespmem:$0x1F190] =	vst v63  }
0x54: {  	_ =	swait.ge [sflag:s13], $0x1B00  }
0x55: {  	[sflag:s13] =	ssyncset.done $0x0  }
0x56: {  	s3 =	rddreg [dreg:$0xb];
	[sflag:s13] =	ssyncadd.s32 $0xFFFFE500  }
0x57: {  	[spmem:s3] =	stream.linear.scatter [tilespmem:s12], [sflag:$0x7], $0x1B00, $0x38;
	[tilespmem:$0x1F190] =	vst v63  }
0x58: {  	_ =	swait.ge [sflag:s13], $0x1B00  }
0x59: {  	[sflag:s13] =	ssyncset.done $0x0  }
0x5a: {  	s9 =	rddreg [dreg:$0xc];
	[sflag:s13] =	ssyncadd.s32 $0xFFFFE500  }
0x5b: {  	[spmem:s9] =	stream.linear.scatter [tilespmem:s12], [sflag:$0x7], $0x1B00, $0x38;
	[tilespmem:$0x1F190] =	vst v63  }
0x5c: {  	_ =	swait.ge [sflag:s13], $0x1B00  }
0x5d: {  	[sflag:s13] =	ssyncset.done $0x0  }
0x5e: {  	s14 =	rddreg [dreg:$0xd];
	[sflag:s13] =	ssyncadd.s32 $0xFFFFE500  }
0x5f: {  	[spmem:s14] =	stream.linear.scatter [tilespmem:s12], [sflag:$0x7], $0x1B00, $0x38;
	[tilespmem:$0x1F190] =	vst v63  }
0x60: {  	_ =	swait.ge [sflag:s13], $0x1B00  }
0x61: {  	[sflag:s13] =	ssyncset.done $0x0  }
0x62: {  	s21 =	rddreg [dreg:$0xe];
	[sflag:s13] =	ssyncadd.s32 $0xFFFFE500  }
0x63: {  	[spmem:s21] =	stream.linear.scatter [tilespmem:s12], [sflag:$0x7], $0x1B00, $0x38;
	[tilespmem:$0x1F190] =	vst v63  }
0x64: {  	_ =	swait.ge [sflag:s13], $0x1B00  }
0x65: {  	[sflag:s13] =	ssyncset.done $0x0  }
0x66: {  	s26 =	rddreg [dreg:$0x12];
	[sflag:s13] =	ssyncadd.s32 $0xFFFFE500  }
0x67: {  	[spmem:s26] =	stream.linear.scatter [tilespmem:s12], [sflag:$0x7], $0x1B00, $0x38;
	[tilespmem:$0x1F190] =	vst v63  }
0x68: {  	_ =	swait.ge [sflag:s13], $0x1B00  }
0x69: {  	[sflag:s13] =	ssyncset.done $0x0  }
0x6a: {  	s29 =	rddreg [dreg:$0x13];
	[sflag:s13] =	ssyncadd.s32 $0xFFFFE500  }
0x6b: {  	[spmem:s29] =	stream.linear.scatter [tilespmem:s12], [sflag:$0x7], $0x1B00, $0x38;
	[tilespmem:$0x1F190] =	vst v63  }
0x6c: {  	_ =	swait.ge [sflag:s13], $0x1B00  }
0x6d: {  	[sflag:s13] =	ssyncset.done $0x0  }
0x6e: {  	s30 =	rddreg [dreg:$0x14];
	[sflag:s13] =	ssyncadd.s32 $0xFFFFE500  }
0x6f: {  	[spmem:s30] =	stream.linear.scatter [tilespmem:s12], [sflag:$0x7], $0x1B00, $0x38;
	[tilespmem:$0x1F190] =	vst v63  }
0x70: {  	_ =	swait.ge [sflag:s13], $0x1B00  }
0x71: {  	[sflag:s13] =	ssyncset.done $0x0  }
0x72: {  	s31 =	rddreg [dreg:$0x15];
	[sflag:s13] =	ssyncadd.s32 $0xFFFFE500  }
0x73: {  	[spmem:s31] =	stream.linear.scatter [tilespmem:s12], [sflag:$0x7], $0x1B00, $0x38;
	[tilespmem:$0x1F190] =	vst v63  }
0x74: {  	_ =	swait.ge [sflag:s13], $0x1B00  }
0x75: {  	[sflag:s13] =	ssyncset.done $0x0  }
0x76: {  	s1 =	rddreg [dreg:$0x16];
	[sflag:s13] =	ssyncadd.s32 $0xFFFFE500  }
0x77: {  	[spmem:s1] =	stream.linear.scatter [tilespmem:s12], [sflag:$0x7], $0x1B00, $0x38;
	[tilespmem:$0x1F190] =	vst v63  }
0x78: {  	_ =	swait.ge [sflag:s13], $0x1B00  }
0x79: {  	[sflag:s13] =	ssyncset.done $0x0  }
0x7a: {  	s3 =	rddreg [dreg:$0x17];
	[sflag:s13] =	ssyncadd.s32 $0xFFFFE500  }
0x7b: {  	[spmem:s3] =	stream.linear.scatter [tilespmem:s12], [sflag:$0x7], $0x1B00, $0x38;
	[tilespmem:$0x1F190] =	vst v63  }
0x7c: {  	_ =	swait.ge [sflag:s13], $0x1B00  }
0x7d: {  	[sflag:s13] =	ssyncset.done $0x0  }
0x7e: {  	s9 =	rddreg [dreg:$0x18];
	[sflag:s13] =	ssyncadd.s32 $0xFFFFE500  }
0x7f: {  	[spmem:s9] =	stream.linear.scatter [tilespmem:s12], [sflag:$0x7], $0x1B00, $0x38;
	[tilespmem:$0x1F190] =	vst v63  }
0x80: {  	_ =	swait.ge [sflag:s13], $0x1B00  }
0x81: {  	[sflag:s13] =	ssyncset.done $0x0  }
0x82: {  	s14 =	rddreg [dreg:$0x19];
	[sflag:s13] =	ssyncadd.s32 $0xFFFFE500  }
0x83: {  	[spmem:s14] =	stream.linear.scatter [tilespmem:s12], [sflag:$0x7], $0x1B00, $0x38;
	[tilespmem:$0x1F190] =	vst v63  }
0x84: {  	_ =	swait.ge [sflag:s13], $0x1B00  }
0x85: {  	[sflag:s13] =	ssyncset.done $0x0  }
0x86: {  	s0 =	simm.s32 @!p0 $0x16110;
	[sflag:s13] =	ssyncadd.s32 $0xFFFFE500  }
0x87: {  	[spmem:s8] =	stream.linear.scatter @!p0 [tilespmem:s0], [sflag:$0x7], $0x900, $0x38;
	[tilespmem:$0x1F190] =	vst v63  }
0x88: {  	s0 =	simm.s32 @!p0 $0x7  }
0x89: {  	_ =	swait.ge @!p0 [sflag:s0], $0x900  }
0x8a: {  	[sflag:s0] =	ssyncset.done @!p0 $0x0  }
0x8b: {  	[sflag:s0] =	ssyncadd.s32 @!p0 $0xFFFFF700  }
0x8c: {  	[bflag:$0x0] =	sbarrier.arrive $0xFFFF  }
0x8d: {  	s26 =	simm.s32 $0x0;
	s1 =	simm.s32 $0x1F110;
	s21 =	rddreg [dreg:$0x1]  }
0x8e: {  	[tilespmem:s1], [sflag:$0x7] =	stream.linear.gather [hbm4b:s21+s26], $0x80, $0x38;
	[tilespmem:$0x1F190] =	vst v63  }
0x8f: {  	_ =	swait.ge [sflag:s13], $0x80  }
0x90: {  	[sflag:s13] =	ssyncset.done $0x0  }
0x91: {  	s30 =	simm.s32 $0x15F90;
	s29 =	rddreg [dreg:$0x4];
	[sflag:s13] =	ssyncadd.s32 $0xFFFFFF80  }
0x92: {  	[tilespmem:s30], [sflag:$0x7] =	stream.linear.gather [hbm4b:s29+s26], $0x80, $0x38;
	[tilespmem:$0x1F190] =	vst v63  }
0x93: {  	_ =	swait.ge [sflag:s13], $0x80  }
0x94: {  	[sflag:s13] =	ssyncset.done $0x0  }
0x95: {  	[sflag:s13] =	ssyncadd.s32 $0xFFFFFF80  }
0x96: {  	v1 =	vld [tilespmem:$0x1F110]  }
0x97: {  	v2 =	vld [tilespmem:$0x1F120]  }
0x98: {  	v3 =	vld [tilespmem:$0x1F130]  }
0x99: {  	v4 =	vld [tilespmem:$0x1F140]  }
0x9a: {  	v5 =	vld [tilespmem:$0x1F150]  }
0x9b: {  	v6 =	vld [tilespmem:$0x1F160]  }
0x9c: {  	s31 =	rddreg [dreg:$0x5];
	v7 =	vld [tilespmem:$0x1F170]  }
0x9d: {  	v8 =	vld [tilespmem:$0x1F180];
	[tilespmem:s7], [sflag:$0x6] =	stream.linear.gather [hbm4b:s31+s26], $0x80, $0x38  }
0x9e: {  	s21 =	smov.u32 s28;
	s9 =	rddreg [dreg:$0x1a]  }
0x9f: {  	[tilespmem:s12], [sflag:$0x1] =	stream.indirect.gather [hbm4b:s5+s15], $0x90, s30, s15, $0xb8;
	[tilespmem:$0x1F190] =	vst v63  }
.LBB2_4:
0xa0: {  	p1 =	seq.s32 s26, $0x0  }
0xa1: {  	s0 =	simm.s32 @!p1 $0x4  }
0xa2: {  	_ =	swait.ge @!p1 [sflag:s0], $0x2400  }
0xa3: {  	[sflag:s0] =	ssyncset.done @!p1 $0x0  }
0xa4: {  	[sflag:s0] =	ssyncadd.s32 @!p1 $0xFFFFDC00  }
0xa5: {  	_ =	swait.ge [sflag:s17], $0x80  }
0xa6: {  	[sflag:s17] =	ssyncset.done $0x0  }
0xa7: {  	[sflag:s17] =	ssyncadd.s32 $0xFFFFFF80  }
0xa8: {  	[tilespmem:s18], [sflag:$0x2] =	stream.indirect.gather [hbm4b:s5+s15], $0x90, s7, s15, $0xb8;
	[tilespmem:$0x1F190] =	vst v63  }
0xa9: {  	_ =	swait.ge [sflag:s19], $0x4800  }
0xaa: {  	[sflag:s19] =	ssyncset.done $0x0  }
0xab: {  	[sflag:s19] =	ssyncadd.s32 $0xFFFFB800  }
0xac: {  	v9 =	vld [tilespmem:$0x15FD0]  }
0xad: {  	v10 =	vld [tilespmem:$0x15FE0]  }
0xae: {  	v11 =	vld [tilespmem:$0x15FF0]  }
0xaf: {  	v12 =	vld [tilespmem:$0x16000];
	_ =	sdelay $0x1  }
0xb0: {  	v9 =	vadd.s32 $0xFFFFD8F0, v9  }
0xb1: {  	[tilespmem:$0x16090] =	vst v9;
	v9 =	vadd.s32 $0xFFFFD8F0, v10  }
0xb2: {  	[tilespmem:$0x160A0] =	vst v9;
	v9 =	vadd.s32 $0xFFFFD8F0, v11  }
0xb3: {  	[tilespmem:$0x160B0] =	vst v9;
	v9 =	vadd.s32 $0xFFFFD8F0, v12  }
0xb4: {  	s31 =	simm.s32 $0x16110;
	[tilespmem:$0x160C0] =	vst v9  }
0xb5: {  	v16 =	vld [tilespmem:s31+$0x2440]  }
0xb6: {  	v14 =	vld [tilespmem:s31+$0x2400]  }
0xb7: {  	v13 =	vld [tilespmem:s31+$0x2410]  }
0xb8: {  	v9 =	vld [tilespmem:s31+$0x10]  }
0xb9: {  	v11 =	vld [tilespmem:s31+$0x0]  }
0xba: {  	v17 =	vld [tilespmem:s31+$0x2450]  }
0xbb: {  	v15 =	vld [tilespmem:s31+$0x2420]  }
0xbc: {  	v10 =	vld [tilespmem:s31+$0x20]  }
0xbd: {  	v18 =	vld [tilespmem:s31+$0x2430]  }
0xbe: {  	v19 =	vadd.f32 v13, v9;
	v13 =	vld [tilespmem:s31+$0x30];
	v20 =	vadd.f32 v14, v11  }
0xbf: {  	v14 =	vld [tilespmem:s31+$0x40]  }
0xc0: {  	v12 =	vld [tilespmem:s31+$0x50];
	v23 =	vmul.f32 $2.000000030e-01, v20  }
0xc1: {  	v24 =	vld [tilespmem:s31+$0x2460];
	v22 =	vadd.f32 v15, v10;
	v21 =	vmul.f32 $2.000000030e-01, v19  }
0xc2: {  	v15 =	vld [tilespmem:s31+$0x60];
	v20 =	vmax.f32 v20, v23  }
0xc3: {  	v19 =	vmax.f32 v19, v21;
	v21 =	vmul.f32 $2.000000030e-01, v22;
	v23 =	vmul.f32 v20, v1  }
0xc4: {  	v19 =	vmul.f32 v19, v2;
	v25 =	vadd.f32 v18, v13;
	v20 =	vadd.f32 v16, v14;
	v16 =	vld [tilespmem:s31+$0x70]  }
0xc5: {  	v18 =	vadd.f32 v17, v12;
	v26 =	vmax.f32 v22, v21;
	v21 =	vadd.f32 $0.0e+00, v23;
	v23 =	vld [tilespmem:s31+$0x2470]  }
0xc6: {  	v27 =	vmul.f32 $2.000000030e-01, v25  }
0xc7: {  	s29 =	sshll.u32 s26, $0x8;
	v17 =	vadd.f32 $0.0e+00, v19;
	v22 =	vmul.f32 $2.000000030e-01, v18;
	v19 =	vadd.f32 v24, v15  }
0xc8: {  	s1 =	simm.s32 $0x1;
	s30 =	simm.s32 $0x16110;
	s0 =	simm.s32 $0x0;
	v24 =	vmul.f32 v26, v3;
	v26 =	vmax.f32 v25, v27;
	v25 =	vmul.f32 $2.000000030e-01, v20  }
.LBB2_5:
0xc9: {  	p1 =	sne.s32 s1, $0x3F  }
0xca: {  	v26 =	vmul.f32 v26, v4;
	v27 =	vmul.f32 $2.000000030e-01, v19;
	v23 =	vadd.f32 v23, v16;
	s31 =	sadd.s32 $0x90, s31;
	s3 =	smov.u32 s1;
	s1 =	sadd.s32 $0x1, s1  }
0xcb: {  	v18 =	vmax.f32 v18, v22;
	v20 =	vmax.f32 v20, v25  }
0xcc: {  	v21 =	vadd.f32 v24, v21;
	v18 =	vmul.f32 v18, v6;
	v22 =	vmul.f32 $2.000000030e-01, v23  }
0xcd: {  	v17 =	vadd.f32 v26, v17;
	v20 =	vmul.f32 v20, v5;
	v19 =	vmax.f32 v19, v27  }
0xce: {  	v19 =	vmul.f32 v19, v7;
	v22 =	vmax.f32 v23, v22  }
0xcf: {  	v20 =	vadd.f32 v20, v21;
	v17 =	vadd.f32 v18, v17;
	v18 =	vmul.f32 v22, v8;
	_ =	sdelay $0x1  }
0xd0: {  	v19 =	vadd.f32 v19, v20;
	v17 =	vadd.f32 v18, v17;
	_ =	sdelay $0x1  }
0xd1: {  	v17 =	vadd.f32 v17, v19;
	_ =	sdelay $0x1  }
0xd2: {  	(xrf2) =	vadd.scan.msk.f32 $0xffff, v17;
	_ =	sdelay $0x7  }
0xd3: {  	v17 =	vld [tilespmem:s30+$0x2480];
	_ =	sdelay $0x1  }
0xd4: {  	v18, _, _ =	vpop (xrf2)  }
0xd5: {  	v18 =	vbroadcast v18, $0xF;
	_ =	sdelay $0x1  }
0xd6: {  	v17 =	vsub.f32 v18, v17;
	_ =	sdelay $0x1  }
0xd7: {  	v17 =	vmax.f32 v17, $-6.000000000e+01  }
0xd8: {  	v17 =	vmin.f32 v17, $6.000000000e+01  }
0xd9: {  	v17 =	vmul.f32 $1.442695020e+00, v17;
	_ =	sdelay $0x1  }
0xda: {  	(erf) = vpow2.f32 v17;
	_ =	sdelay $0x7  }
0xdb: {  	s14 =	sadd.s32 s0, s21;
	s0 =	smov.u32 s3  }
0xdc: {  	p2 =	slt.s32 s14, $0x50910;
	v19 =	vld [tilespmem:s31+$0x2440];
	v17 =	vpop (erf)  }
0xdd: {  	v18 =	vld [tilespmem:s31+$0x2450];
	v17 =	vpsel !p2, $0x0, v17  }
0xde: {  	v20 =	vld [tilespmem:s31+$0x2420];
	v11 =	vmul.f32 v17, v11;
	v9 =	vmul.f32 v17, v9;
	[tilespmem:s30+$0x80] =	vst v17  }
0xdf: {  	v10 =	vmul.f32 v17, v10;
	v12 =	vmul.f32 v17, v12;
	v21 =	vld [tilespmem:s31+$0x2400]  }
0xe0: {  	v13 =	vmul.f32 v17, v13;
	v14 =	vmul.f32 v17, v14;
	v22 =	vld [tilespmem:s31+$0x2410];
	[tilespmem:s30+$0x10] =	vst v9  }
0xe1: {  	v15 =	vmul.f32 v17, v15;
	v16 =	vmul.f32 v17, v16;
	v9 =	vld [tilespmem:s31+$0x10];
	[tilespmem:s30+$0x0] =	vst v11  }
0xe2: {  	v11 =	vld [tilespmem:s31+$0x0];
	[tilespmem:s30+$0x20] =	vst v10  }
0xe3: {  	v10 =	vld [tilespmem:s31+$0x20];
	[tilespmem:s30+$0x50] =	vst v12  }
0xe4: {  	v17 =	vld [tilespmem:s31+$0x2430];
	[tilespmem:s30+$0x30] =	vst v13  }
0xe5: {  	v12 =	vld [tilespmem:s31+$0x50];
	[tilespmem:s30+$0x40] =	vst v14  }
0xe6: {  	v22 =	vadd.f32 v22, v9;
	v13 =	vld [tilespmem:s31+$0x30];
	[tilespmem:s30+$0x70] =	vst v16  }
0xe7: {  	v21 =	vadd.f32 v21, v11;
	v14 =	vld [tilespmem:s31+$0x40];
	[tilespmem:s30+$0x60] =	vst v15;
	s30 =	smov.u32 s31  }
0xe8: {  	v16 =	vmul.f32 $2.000000030e-01, v22;
	v20 =	vadd.f32 v20, v10;
	v15 =	vld [tilespmem:s31+$0x60]  }
0xe9: {  	v23 =	vmul.f32 $2.000000030e-01, v21;
	v24 =	vld [tilespmem:s31+$0x2460]  }
0xea: {  	v22 =	vmax.f32 v22, v16;
	v25 =	vmul.f32 $2.000000030e-01, v20;
	v16 =	vld [tilespmem:s31+$0x70]  }
.Ltmp3:
0xeb: {  	v21 =	vmax.f32 v21, v23;
	v22 =	vmul.f32 v22, v2;
	v26 =	vadd.f32 v17, v13;
	v23 =	vld [tilespmem:s31+$0x2470];
	(pc) =	sbr.rel @p1 .LBB2_5-.Ltmp3, $4  }
0xec: {  	v18 =	vadd.f32 v18, v12;
	v21 =	vmul.f32 v21, v1;
	v25 =	vmax.f32 v20, v25  }
0xed: {  	v20 =	vadd.f32 v19, v14;
	v17 =	vadd.f32 $0.0e+00, v22;
	v27 =	vmul.f32 $2.000000030e-01, v26  }
0xee: {  	v22 =	vmul.f32 $2.000000030e-01, v18;
	v21 =	vadd.f32 $0.0e+00, v21;
	v19 =	vadd.f32 v24, v15  }
0xef: {  	v24 =	vmul.f32 v25, v3;
	v25 =	vmul.f32 $2.000000030e-01, v20;
	v26 =	vmax.f32 v26, v27  }
0xf0: {  	v26 =	vmul.f32 v26, v4;
	v23 =	vadd.f32 v23, v16  }
0xf1: {  	v27 =	vmul.f32 $2.000000030e-01, v19;
	v18 =	vmax.f32 v18, v22;
	v20 =	vmax.f32 v20, v25  }
0xf2: {  	v21 =	vadd.f32 v24, v21;
	v18 =	vmul.f32 v18, v6;
	v50 =	vmul.f32 $2.000000030e-01, v23  }
0xf3: {  	v17 =	vadd.f32 v26, v17;
	v20 =	vmul.f32 v20, v5;
	v19 =	vmax.f32 v19, v27  }
0xf4: {  	v19 =	vmul.f32 v19, v7;
	v22 =	vmax.f32 v23, v50  }
0xf5: {  	v20 =	vadd.f32 v20, v21;
	v17 =	vadd.f32 v18, v17;
	v18 =	vmul.f32 v22, v8;
	_ =	sdelay $0x1  }
0xf6: {  	v19 =	vadd.f32 v19, v20;
	v17 =	vadd.f32 v18, v17;
	_ =	sdelay $0x1  }
0xf7: {  	v17 =	vadd.f32 v17, v19;
	_ =	sdelay $0x1  }
0xf8: {  	(xrf2) =	vadd.scan.msk.f32 $0xffff, v17;
	_ =	sdelay $0x7  }
0xf9: {  	v17 =	vld [tilespmem:s30+$0x2480];
	_ =	sdelay $0x1  }
0xfa: {  	v18, _, _ =	vpop (xrf2)  }
0xfb: {  	v18 =	vbroadcast v18, $0xF;
	_ =	sdelay $0x1  }
0xfc: {  	v17 =	vsub.f32 v18, v17;
	_ =	sdelay $0x1  }
0xfd: {  	v17 =	vmax.f32 v17, $-6.000000000e+01  }
0xfe: {  	v17 =	vmin.f32 v17, $6.000000000e+01  }
0xff: {  	v17 =	vmul.f32 $1.442695020e+00, v17;
	_ =	sdelay $0x1  }
0x100: {  	(erf) = vpow2.f32 v17;
	_ =	sdelay $0x7  }
0x101: {  	s0 =	sadd.s32 s0, s21  }
0x102: {  	p1 =	slt.s32 s0, $0x50910;
	v17 =	vpop (erf)  }
0x103: {  	v17 =	vpsel !p1, $0x0, v17  }
0x104: {  	v9 =	vmul.f32 v17, v9  }
0x105: {  	v11 =	vmul.f32 v17, v11;
	[tilespmem:s30+$0x80] =	vst v17  }
0x106: {  	v10 =	vmul.f32 v17, v10;
	[tilespmem:s30+$0x10] =	vst v9  }
0x107: {  	v9 =	vmul.f32 v17, v12;
	[tilespmem:s30+$0x0] =	vst v11  }
0x108: {  	v11 =	vmul.f32 v17, v13;
	[tilespmem:s30+$0x20] =	vst v10  }
0x109: {  	v10 =	vmul.f32 v17, v14;
	[tilespmem:s30+$0x50] =	vst v9  }
0x10a: {  	v9 =	vmul.f32 v17, v16;
	[tilespmem:s30+$0x30] =	vst v11  }
0x10b: {  	v11 =	vmul.f32 v17, v15;
	[tilespmem:s30+$0x40] =	vst v10  }
0x10c: {  	p1 =	seq.s32 s26, $0x51;
	[tilespmem:s30+$0x70] =	vst v9  }
0x10d: {  	s0 =	simm.s32 @p1 $0x40;
	s1 =	simm.s32 @p1 $0x16090;
	s3 =	simm.s32 @p1 $0x16110;
	[tilespmem:s30+$0x60] =	vst v11  }
0x10e: {  	[spmem:s2] =	stream.indirect.scatter.add.f32 @p1 [tilespmem:s3], [sflag:$0x3], $0x90, s1, s0, $0xb8;
	[tilespmem:$0x1F190] =	vst v63  }
0x10f: {  	s0 =	simm.s32 @p1 $0x3  }
0x110: {  	_ =	swait.ge @p1 [sflag:s0], $0x2400  }
0x111: {  	s1 =	sadd.s32 @!p1 s29, s10;
	[sflag:s0] =	ssyncset.done @p1 $0x0  }
0x112: {  	[sflag:s0] =	ssyncadd.s32 @p1 $0xFFFFDC00;
	s0 =	sshrl.u32 @!p1 s1, $0x3  }
0x113: {  	s3 =	simm.s32 @!p1 $0x15F90;
	s1 =	simm.s32 @!p1 $0x0;
	s0 =	sadd.s32 @!p1 s6, s0  }
0x114: {  	[tilespmem:s3], [sflag:$0x5] =	stream.linear.gather @!p1 [hbm4b:s0+s1], $0x80, $0x38;
	[tilespmem:$0x1F190] =	vst v63  }
0x115: {  	s14 =	simm.s32 @!p1 $0x16110;
	s0 =	simm.s32 @!p1 $0x40;
	s1 =	simm.s32 @!p1 $0x16090  }
0x116: {  	[spmem:s2] =	stream.indirect.scatter.add.f32 @!p1 [tilespmem:s14], [sflag:$0x3], $0x90, s1, s0, $0xb8;
	[tilespmem:$0x1F190] =	vst v63  }
0x117: {  	s0 =	simm.s32 @!p1 $0x3  }
0x118: {  	_ =	swait.ge @!p1 [sflag:s0], $0x2400  }
0x119: {  	[sflag:s0] =	ssyncset.done @!p1 $0x0  }
0x11a: {  	[sflag:s0] =	ssyncadd.s32 @!p1 $0xFFFFDC00;
	s0 =	simm.s32 @!p1 $0x5  }
0x11b: {  	_ =	swait.ge @!p1 [sflag:s0], $0x80  }
0x11c: {  	[sflag:s0] =	ssyncset.done @!p1 $0x0  }
0x11d: {  	[sflag:s0] =	ssyncadd.s32 @!p1 $0xFFFFFF80;
	s0 =	simm.s32 @!p1 $0x80  }
0x11e: {  	[tilespmem:s14], [sflag:$0x1] =	stream.indirect.gather @!p1 [hbm4b:s5+s0], $0x90, s3, s0, $0xb8;
	[tilespmem:$0x1F190] =	vst v63  }
0x11f: {  	_ =	swait.ge [sflag:s20], $0x4800  }
0x120: {  	[sflag:s20] =	ssyncset.done $0x0  }
0x121: {  	[sflag:s20] =	ssyncadd.s32 $0xFFFFB800  }
0x122: {  	v9 =	vld [tilespmem:$0x16050]  }
0x123: {  	v10 =	vld [tilespmem:$0x16060]  }
0x124: {  	v11 =	vld [tilespmem:$0x16070]  }
0x125: {  	v12 =	vld [tilespmem:$0x16080];
	_ =	sdelay $0x1  }
0x126: {  	v9 =	vadd.s32 $0xFFFFD8F0, v9  }
0x127: {  	[tilespmem:$0x160D0] =	vst v9;
	v9 =	vadd.s32 $0xFFFFD8F0, v10  }
0x128: {  	[tilespmem:$0x160E0] =	vst v9;
	v9 =	vadd.s32 $0xFFFFD8F0, v11  }
0x129: {  	[tilespmem:$0x160F0] =	vst v9;
	v9 =	vadd.s32 $0xFFFFD8F0, v12  }
0x12a: {  	s30 =	simm.s32 $0x0;
	[tilespmem:$0x16100] =	vst v9  }
0x12b: {  	v15 =	vld [tilespmem:s30+$0x1CD20]  }
0x12c: {  	v16 =	vld [tilespmem:s30+$0x1CD40]  }
0x12d: {  	v11 =	vld [tilespmem:s30+$0x1CD10]  }
0x12e: {  	v20 =	vld [tilespmem:s30+$0x1CD30]  }
0x12f: {  	v9 =	vld [tilespmem:s30+$0x1A910]  }
0x130: {  	v12 =	vld [tilespmem:s30+$0x1A920]  }
0x131: {  	v10 =	vld [tilespmem:s30+$0x1A940]  }
0x132: {  	v51 =	vld [tilespmem:s30+$0x1CD60]  }
0x133: {  	v14 =	vld [tilespmem:s30+$0x1A960]  }
0x134: {  	v13 =	vld [tilespmem:s30+$0x1A930]  }
0x135: {  	v17 =	vld [tilespmem:s30+$0x1CD50]  }
0x136: {  	v18 =	vld [tilespmem:s30+$0x1CD70]  }
0x137: {  	v19 =	vld [tilespmem:s30+$0x1CD80];
	v52 =	vadd.f32 v11, v9  }
0x138: {  	v11 =	vld [tilespmem:s30+$0x1A950];
	v53 =	vadd.f32 v15, v12;
	v54 =	vadd.f32 v16, v10  }
0x139: {  	v16 =	vld [tilespmem:s30+$0x1A980];
	v21 =	vadd.f32 v51, v14;
	v20 =	vadd.f32 v20, v13;
	v55 =	vmul.f32 $2.000000030e-01, v52  }
0x13a: {  	v15 =	vld [tilespmem:s30+$0x1A970];
	v56 =	vmul.f32 $2.000000030e-01, v53;
	v57 =	vmul.f32 $2.000000030e-01, v54  }
0x13b: {  	v58 =	vmul.f32 $2.000000030e-01, v20;
	v60 =	vmul.f32 $2.000000030e-01, v21  }
0x13c: {  	v22 =	vmax.f32 v52, v55;
	v23 =	vmax.f32 v53, v56  }
0x13d: {  	v24 =	vmax.f32 v54, v57;
	v20 =	vmax.f32 v20, v58;
	v21 =	vmax.f32 v21, v60  }
0x13e: {  	v17 =	vadd.f32 v17, v11;
	v24 =	vmul.f32 v24, v4;
	v22 =	vmul.f32 v22, v1  }
0x13f: {  	v19 =	vadd.f32 v19, v16;
	v23 =	vmul.f32 v23, v2;
	v18 =	vadd.f32 v18, v15  }
0x140: {  	v20 =	vmul.f32 v20, v3;
	v59 =	vmul.f32 $2.000000030e-01, v17;
	v22 =	vadd.f32 $0.0e+00, v22  }
0x141: {  	v21 =	vmul.f32 v21, v6;
	v61 =	vmul.f32 $2.000000030e-01, v18;
	v23 =	vadd.f32 $0.0e+00, v23  }
0x142: {  	v62 =	vmul.f32 $2.000000030e-01, v19;
	v17 =	vmax.f32 v17, v59;
	v20 =	vadd.f32 v20, v22  }
0x143: {  	v63 =	vadd.f32 v24, v23;
	v18 =	vmax.f32 v18, v61;
	v17 =	vmul.f32 v17, v5  }
0x144: {  	v19 =	vmax.f32 v19, v62;
	v18 =	vmul.f32 v18, v7  }
0x145: {  	v19 =	vmul.f32 v19, v8;
	v17 =	vadd.f32 v17, v20;
	v20 =	vadd.f32 v21, v63;
	_ =	sdelay $0x1  }
0x146: {  	s31 =	smov.u32 s9;
	s1 =	simm.s32 $0x240;
	s0 =	smov.u32 s9;
	v17 =	vadd.f32 v18, v17;
	v18 =	vadd.f32 v19, v20  }
.LBB2_7:
0x147: {  	p2 =	sne.s32 s1, $0x8DC0  }
0x148: {  	s31 =	sadd.s32 $0x1, s31;
	s3 =	smov.u32 s1;
	s1 =	sadd.s32 $0x240, s1  }
0x149: {  	v17 =	vadd.f32 v18, v17;
	_ =	sdelay $0x1  }
0x14a: {  	(xrf2) =	vadd.scan.msk.f32 $0xffff, v17  }
0x14b: {  	s3 =	sshra.s32 s3, $0x2  }
0x14c: {  	v17 =	vld [tilespmem:s3+$0x1CD50]  }
0x14d: {  	v18 =	vld [tilespmem:s3+$0x1CD20]  }
0x14e: {  	v19 =	vld [tilespmem:s3+$0x1CD40]  }
0x14f: {  	v20 =	vld [tilespmem:s3+$0x1CD10];
	_ =	sdelay $0x2  }
0x150: {  	v21 =	vld [tilespmem:s30+$0x1CD90];
	_ =	sdelay $0x1  }
0x151: {  	v22, _, _ =	vpop (xrf2)  }
0x152: {  	v22 =	vbroadcast v22, $0xF;
	_ =	sdelay $0x1  }
0x153: {  	v21 =	vsub.f32 v22, v21;
	_ =	sdelay $0x1  }
0x154: {  	v21 =	vmax.f32 v21, $-6.000000000e+01  }
0x155: {  	v21 =	vmin.f32 v21, $6.000000000e+01  }
0x156: {  	v21 =	vmul.f32 $1.442695020e+00, v21;
	_ =	sdelay $0x1  }
0x157: {  	(erf) = vpow2.f32 v21;
	_ =	sdelay $0x8  }
0x158: {  	p3 =	slt.s32 s0, $0x50910;
	s0 =	smov.u32 s31;
	v21 =	vpop (erf)  }
0x159: {  	v21 =	vpsel !p3, $0x0, v21  }
0x15a: {  	v22 =	vld [tilespmem:s3+$0x1CD70];
	v9 =	vmul.f32 v21, v9;
	v12 =	vmul.f32 v21, v12;
	[tilespmem:s30+$0x1A990] =	vst v21  }
0x15b: {  	v10 =	vmul.f32 v21, v10;
	v14 =	vmul.f32 v21, v14;
	v23 =	vld [tilespmem:s3+$0x1CD80]  }
0x15c: {  	v13 =	vmul.f32 v21, v13;
	v16 =	vmul.f32 v21, v16;
	v24 =	vld [tilespmem:s3+$0x1CD30];
	[tilespmem:s30+$0x1A910] =	vst v9  }
0x15d: {  	v11 =	vmul.f32 v21, v11;
	v15 =	vmul.f32 v21, v15;
	v9 =	vld [tilespmem:s3+$0x1A910];
	[tilespmem:s30+$0x1A920] =	vst v12  }
0x15e: {  	v12 =	vld [tilespmem:s3+$0x1A920];
	[tilespmem:s30+$0x1A940] =	vst v10  }
0x15f: {  	v10 =	vld [tilespmem:s3+$0x1A940];
	[tilespmem:s30+$0x1A960] =	vst v14  }
0x160: {  	v21 =	vld [tilespmem:s3+$0x1CD60];
	[tilespmem:s30+$0x1A980] =	vst v16  }
0x161: {  	v14 =	vld [tilespmem:s3+$0x1A960];
	[tilespmem:s30+$0x1A930] =	vst v13  }
0x162: {  	v20 =	vadd.f32 v20, v9;
	v13 =	vld [tilespmem:s3+$0x1A930];
	[tilespmem:s30+$0x1A950] =	vst v11  }
0x163: {  	v11 =	vld [tilespmem:s3+$0x1A950];
	[tilespmem:s30+$0x1A970] =	vst v15;
	s30 =	smov.u32 s3  }
0x164: {  	v18 =	vadd.f32 v18, v12;
	v25 =	vmul.f32 $2.000000030e-01, v20;
	v19 =	vadd.f32 v19, v10;
	v16 =	vld [tilespmem:s30+$0x1A980]  }
0x165: {  	v15 =	vld [tilespmem:s30+$0x1A970]  }
0x166: {  	v26 =	vmul.f32 $2.000000030e-01, v18;
	v27 =	vmul.f32 $2.000000030e-01, v19;
	v21 =	vadd.f32 v21, v14  }
0x167: {  	v20 =	vmax.f32 v20, v25;
	v24 =	vadd.f32 v24, v13  }
0x168: {  	v18 =	vmax.f32 v18, v26;
	v19 =	vmax.f32 v19, v27;
	v17 =	vadd.f32 v17, v11  }
0x169: {  	v25 =	vmul.f32 $2.000000030e-01, v24;
	v19 =	vmul.f32 v19, v4;
	v23 =	vadd.f32 v23, v16  }
0x16a: {  	v20 =	vmul.f32 v20, v1;
	v18 =	vmul.f32 v18, v2;
	v22 =	vadd.f32 v22, v15  }
0x16b: {  	v26 =	vmul.f32 $2.000000030e-01, v21;
	v24 =	vmax.f32 v24, v25;
	v25 =	vmul.f32 $2.000000030e-01, v17  }
0x16c: {  	v20 =	vadd.f32 $0.0e+00, v20;
	v24 =	vmul.f32 v24, v3;
	v27 =	vmul.f32 $2.000000030e-01, v22  }
0x16d: {  	v18 =	vadd.f32 $0.0e+00, v18;
	v17 =	vmax.f32 v17, v25;
	v25 =	vmul.f32 $2.000000030e-01, v23  }
0x16e: {  	v21 =	vmax.f32 v21, v26;
	v20 =	vadd.f32 v24, v20;
	v17 =	vmul.f32 v17, v5  }
.Ltmp4:
0x16f: {  	v18 =	vadd.f32 v19, v18;
	v19 =	vmul.f32 v21, v6;
	v21 =	vmax.f32 v22, v27;
	(pc) =	sbr.rel @p2 .LBB2_7-.Ltmp4, $3  }
0x170: {  	v17 =	vadd.f32 v17, v20;
	v20 =	vmax.f32 v23, v25  }
0x171: {  	v18 =	vadd.f32 v19, v18;
	v19 =	vmul.f32 v21, v7;
	v20 =	vmul.f32 v20, v8;
	_ =	sdelay $0x1  }
0x172: {  	v17 =	vadd.f32 v19, v17;
	v18 =	vadd.f32 v20, v18  }
0x173: {  	_ = 	snop  }
0x174: {  	v17 =	vadd.f32 v18, v17;
	_ =	sdelay $0x1  }
0x175: {  	(xrf2) =	vadd.scan.msk.f32 $0xffff, v17;
	_ =	sdelay $0x7  }
0x176: {  	v61 =	vld [tilespmem:s30+$0x1CD90];
	_ =	sdelay $0x1  }
0x177: {  	v62, _, _ =	vpop (xrf2)  }
0x178: {  	v18 =	vbroadcast v62, $0xF;
	_ =	sdelay $0x1  }
0x179: {  	v17 =	vsub.f32 v18, v61;
	_ =	sdelay $0x1  }
0x17a: {  	v17 =	vmax.f32 v17, $-6.000000000e+01  }
0x17b: {  	v17 =	vmin.f32 v17, $6.000000000e+01  }
0x17c: {  	v17 =	vmul.f32 $1.442695020e+00, v17;
	_ =	sdelay $0x1  }
0x17d: {  	(erf) = vpow2.f32 v17;
	_ =	sdelay $0x8  }
0x17e: {  	p2 =	slt.s32 s0, $0x50910;
	v17 =	vpop (erf)  }
0x17f: {  	v17 =	vpsel !p2, $0x0, v17  }
0x180: {  	v9 =	vmul.f32 v17, v9  }
0x181: {  	v12 =	vmul.f32 v17, v12;
	[tilespmem:s30+$0x1A990] =	vst v17  }
0x182: {  	v10 =	vmul.f32 v17, v10;
	[tilespmem:s30+$0x1A910] =	vst v9  }
0x183: {  	v63 =	vmul.f32 v17, v16;
	[tilespmem:s30+$0x1A920] =	vst v12  }
0x184: {  	v9 =	vmul.f32 v17, v14;
	[tilespmem:s30+$0x1A940] =	vst v10  }
.Ltmp5:
0x185: {  	v10 =	vmul.f32 v17, v13;
	[tilespmem:s30+$0x1A980] =	vst v63;
	(pc) =	sbr.rel @p1 .LBB2_10-.Ltmp5, $4  }
0x186: {  	[tilespmem:s30+$0x1A960] =	vst v9;
	v9 =	vmul.f32 v17, v11  }
0x187: {  	v11 =	vmul.f32 v17, v15;
	[tilespmem:s30+$0x1A930] =	vst v10  }
0x188: {  	[tilespmem:s30+$0x1A950] =	vst v9  }
0x189: {  	[tilespmem:s30+$0x1A970] =	vst v11  }
0x18a: {  	s0 =	sadd.s32 s29, s11  }
.Ltmp6:
0x18b: {  	s0 =	sshrl.u32 s0, $0x3;
	(pc) =	sbr.rel .LBB2_4-.Ltmp6, $4  }
0x18c: {  	s0 =	sadd.s32 s6, s0  }
0x18d: {  	[tilespmem:s7], [sflag:$0x6] =	stream.linear.gather [hbm4b:s0+s4], $0x80, $0x38;
	[tilespmem:$0x1F190] =	vst v63  }
0x18e: {  	s26 =	sadd.s32 $0x1, s26;
	s21 =	sadd.s32 $0x80, s21;
	s9 =	sadd.s32 $0x80, s9  }
0x18f: {  	[spmem:s2] =	stream.indirect.scatter.add.f32 [tilespmem:s18], [sflag:$0x4], $0x90, s23, s22, $0xb8;
	[tilespmem:$0x1F190] =	vst v63  }
.LBB2_11:
0x190: {  	_ =	sfence.sel $0x180000  }
0x191: {  	[bflag:$0x0] =	sbarrier.arrive $0xFFFF  }
0x192: {  	_ =	strace $0x90000047  }
0x193: {  	s0 =	stileid.u32;
	[bflag:$0x2] =	sbarrier.arrive $0xFFFF  }
0x194: {  	p0 =	sne.s32 s0, $0x0;
	s0 =	rddreg [dreg:$0x3]  }
0x195: {  	s0 =	sadd.s32 @!p0 $0x100000, s0  }
0x196: {  	[sflag:s0] =	ssyncadd.tile.s32 @!p0 $0x1;
	_ =	shalt  }
.Lfunc_end2:
_tile_overlayer_lowered:
.L_overlay_start_2:
0x197: {  	(tag) =	ssettag $0x2  }
0x198: {  	s0 =	rddreg [dreg:$0x0];
	s2 =	stileid.u32  }
0x199: {  	s1 =	rddreg [dreg:$0x1];
	p0 =	sne.s32 s2, $0x0  }
0x19a: {  	s3 =	rddreg [dreg:$0x2];
	[bflag:$0x3] =	sbarrier.arrive $0xFFFF;
	s2 =	simm.s32 @!p0 $0x1C07  }
0x19b: {  	[timem:s3], [sflag:s2] =	dma.local @!p0 [hbm:s0], s1  }
0x19c: {  	s0 =	simm.s32 @!p0 $0x7  }
0x19d: {  	_ =	swait.ge @!p0 [sflag:s0], s1  }
0x19e: {  	s1 =	ssub.s32 @!p0 $0x0, s1;
	[sflag:s0] =	ssyncset.done @!p0 $0x0  }
0x19f: {  	[sflag:s0] =	ssyncadd.s32 @!p0 s1  }
0x1a0: {  	[bflag:$0x3] =	sbarrier.arrive $0xFFFF  }
0x1a1: {  	_ =	shalt  }

// kernel: kernel.15.cloned.1.call-start
scs
__scs_entry_jumppad:
0x0: {  	(pc) =	sbr.rel $0x88, $3  }
0x1: {  	(tag) =	ssettag $0x0;
	lr =	simm.s32 $0x1  }
0x2: {  	[smem:$0x3F80] =	sst lr;
	_ =	strace $0xD0000000  }
0x3: {  	_ = 	snop  }
0x4: {  	_ = 	snop  }
0x5: {  	_ = 	snop  }
0x6: {  	_ = 	snop  }
0x7: {  	_ = 	snop  }
__scs_overlays_trampoline_lowered:
0x8: {  	[smem:$0x3F8F] =	sst s0  }
0x9: {  	[smem:$0x3F90] =	sst s1  }
0xa: {  	[smem:$0x3F91] =	sst s2  }
0xb: {  	[smem:$0x3F92] =	sst s3  }
0xc: {  	[smem:$0x3F93] =	sst s4  }
0xd: {  	[smem:$0x3F94] =	sst s5  }
0xe: {  	[smem:$0x3F95] =	sst s6  }
0xf: {  	[smem:$0x3F96] =	sst s7  }
0x10: {  	[smem:$0x3F97] =	sst s8  }
0x11: {  	[smem:$0x3F98] =	sst s9;
	s0 =	simm.s32 @!p0 $0x0  }
0x12: {  	s1 =	sld [smem:$0x3F7E];
	s0 =	simm.s32 @p0 $0x1  }
0x13: {  	[smem:$0x3F99] =	sst s0;
	s0 =	simm.s32 @!p1 $0x0  }
0x14: {  	s2 =	sld [smem:$0x3F7D];
	s0 =	simm.s32 @p1 $0x1  }
0x15: {  	[smem:$0x3F9A] =	sst s0;
	s0 =	simm.s32 @!p2 $0x0  }
0x16: {  	s3 =	sld [smem:$0x3FDB];
	s0 =	simm.s32 @p2 $0x1  }
0x17: {  	s4 =	simm.s32 $0x1BF5;
	[smem:$0x3F9C] =	sst s0  }
0x18: {  	s0 =	sld [smem:$0x3F7F];
	_ =	swait.ge [sflag:s4], $0x0  }
0x19: {  	s7 =	sld [smem:$0x3F80]  }
0x1a: {  	s8 =	sadd.s32 $0xFFFFE003, lr  }
0x1b: {  	s9 =	sadd.s32 $0xFFFFFEF7, lr;
	s5 =	simm.s32 $0xFFFFFFFF;
	p2 =	slt.u32 s8, $0xFFFFF086  }
0x1c: {  	p1 =	slt.u32 s9, $0xF7A;
	s5 =	simm.s32 @!p2 $0x0  }
0x1d: {  	s5 =	simm.s32 @p1 $0x1;
	p0 =	seq.s32 s7, s2  }
0x1e: {  	s7 =	smul.u32 @!p0 $0xF7A, s2;
	p2 =	seq.s32 @!p0 s5, $0x0  }
0x1f: {  	s9 =	smul.u32 $0xF7A, s1;
	s8 =	simm.s32 @!p0 $0x1BF5;
	p2 =	por !p2, p0  }
0x20: {  	[sflag:s8] =	ssyncset.s32 @!p0 $0xFFFFF086;
	s6 =	sadd.s32 @!p0 s3, s7;
	s7 =	simm.s32 @!p0 $0x108  }
0x21: {  	s3 =	sadd.s32 s3, s9;
	s6 =	sadd.s32 @!p0 $0x88, s6;
	s7 =	simm.s32 @p2 $0x1082  }
0x22: {  	[simem:s7], [sflag:s8] =	dma.local @!p0 [hbm:s6], $0xF7A  }
0x23: {  	s9 =	sor.u32 $0xD0000000, s2;
	s6 =	simm.s32 $0x108;
	_ =	swait.ge @!p0 [sflag:s8], $0x0  }
0x24: {  	s3 =	sadd.s32 $0x88, s3;
	s6 =	simm.s32 @!p1 $0x1082;
	[sflag:s4] =	ssyncset.s32 $0xFFFFF086  }
0x25: {  	[simem:s6], [sflag:s4] =	dma.local [hbm:s3], $0xF7A  }
0x26: {  	[smem:$0x3F80] =	sst s1;
	(tag) =	ssettag s2;
	_ =	strace s9  }
0x27: {  	s1 =	sld [smem:$0x3F90]  }
0x28: {  	s2 =	sld [smem:$0x3F91]  }
0x29: {  	s4 =	sld [smem:$0x3F93]  }
0x2a: {  	p0 =	seq.s32 s5, $0x0;
	s5 =	sld [smem:$0x3F94]  }
0x2b: {  	s6 =	sld [smem:$0x3F95]  }
0x2c: {  	s7 =	sld [smem:$0x3F96]  }
0x2d: {  	s3 =	simm.s32 $0x108;
	s8 =	sld [smem:$0x3F97]  }
0x2e: {  	s3 =	simm.s32 @!p0 $0x1082;
	s9 =	sld [smem:$0x3F98]  }
0x2f: {  	lr =	sadd.s32 s0, s3;
	s0 =	sld [smem:$0x3F8F]  }
0x30: {  	s3 =	sld [smem:$0x3F92]  }
0x31: {  	[smem:$0x3F9B] =	sst s10  }
0x32: {  	s10 =	sld [smem:$0x3F99];
	_ =	sdelay $0x3  }
0x33: {  	p0 =	seq.s32 s10, $0x1;
	s10 =	sld [smem:$0x3F9B];
	_ =	sdelay $0x3  }
0x34: {  	[smem:$0x3F9B] =	sst s10  }
0x35: {  	s10 =	sld [smem:$0x3F9A];
	_ =	sdelay $0x3  }
0x36: {  	p1 =	seq.s32 s10, $0x1;
	s10 =	sld [smem:$0x3F9B];
	_ =	sdelay $0x3  }
0x37: {  	[smem:$0x3F9B] =	sst s10  }
0x38: {  	s10 =	sld [smem:$0x3F9C]  }
0x39: {  	_ = 	snop;
	(pc) =	sbr.ind lr, $3  }
0x3a: {  	_ = 	snop  }
0x3b: {  	_ = 	snop  }
0x3c: {  	p2 =	seq.s32 s10, $0x1;
	s10 =	sld [smem:$0x3F9B]  }
0x3d: {  	_ =	shalt  }
0x3e: {  	_ =	shalt  }
0x3f: {  	_ =	shalt  }
0x40: {  	_ =	shalt  }
0x41: {  	_ =	shalt  }
0x42: {  	_ =	shalt  }
0x43: {  	_ =	shalt  }
0x44: {  	_ =	shalt  }
0x45: {  	_ =	shalt  }
0x46: {  	_ =	shalt  }
0x47: {  	_ =	shalt  }
0x48: {  	_ =	shalt  }
0x49: {  	_ =	shalt  }
0x4a: {  	_ =	shalt  }
0x4b: {  	_ =	shalt  }
0x4c: {  	_ =	shalt  }
0x4d: {  	_ =	shalt  }
0x4e: {  	_ =	shalt  }
0x4f: {  	_ =	shalt  }
0x50: {  	_ =	shalt  }
0x51: {  	_ =	shalt  }
0x52: {  	_ =	shalt  }
0x53: {  	_ =	shalt  }
0x54: {  	_ =	shalt  }
0x55: {  	_ =	shalt  }
0x56: {  	_ =	shalt  }
0x57: {  	_ =	shalt  }
0x58: {  	_ =	shalt  }
0x59: {  	_ =	shalt  }
0x5a: {  	_ =	shalt  }
0x5b: {  	_ =	shalt  }
0x5c: {  	_ =	shalt  }
0x5d: {  	_ =	shalt  }
0x5e: {  	_ =	shalt  }
0x5f: {  	_ =	shalt  }
0x60: {  	_ =	shalt  }
0x61: {  	_ =	shalt  }
0x62: {  	_ =	shalt  }
0x63: {  	_ =	shalt  }
0x64: {  	_ =	shalt  }
0x65: {  	_ =	shalt  }
0x66: {  	_ =	shalt  }
0x67: {  	_ =	shalt  }
0x68: {  	_ =	shalt  }
0x69: {  	_ =	shalt  }
0x6a: {  	_ =	shalt  }
0x6b: {  	_ =	shalt  }
0x6c: {  	_ =	shalt  }
0x6d: {  	_ =	shalt  }
0x6e: {  	_ =	shalt  }
0x6f: {  	_ =	shalt  }
0x70: {  	_ =	shalt  }
0x71: {  	_ =	shalt  }
0x72: {  	_ =	shalt  }
0x73: {  	_ =	shalt  }
0x74: {  	_ =	shalt  }
0x75: {  	_ =	shalt  }
0x76: {  	_ =	shalt  }
0x77: {  	_ =	shalt  }
0x78: {  	_ =	shalt  }
0x79: {  	_ =	shalt  }
0x7a: {  	_ =	shalt  }
0x7b: {  	_ =	shalt  }
0x7c: {  	_ =	shalt  }
0x7d: {  	_ =	shalt  }
0x7e: {  	_ =	shalt  }
0x7f: {  	_ =	shalt  }
0x80: {  	_ =	shalt  }
0x81: {  	_ =	shalt  }
0x82: {  	_ =	shalt  }
0x83: {  	_ =	shalt  }
0x84: {  	_ =	shalt  }
0x85: {  	_ =	shalt  }
0x86: {  	_ =	shalt  }
0x87: {  	_ =	shalt  }
.Lfunc_end0:
.L_simem_size_0:
called_computation.1_lowered:
.L_overlay_start_0:
0x88: {  	s2 =	sld [smem:$0x3FD9]  }
0x89: {  	s3 =	sld [smem:$0x3FFE];
	_ =	sdelay $0x1  }
0x8a: {  	s1 =	srdreg.scid  }
0x8b: {  	s0 =	sand.u32 $0x1, s1  }
0x8c: {  	s17 =	sshll.u32 s0, $0xA;
	s2 =	sadd.s32 s3, s2  }
0x8d: {  	s2 =	sadd.s32 s2, s17  }
0x8e: {  	[smem:$0x3FA7] =	sst s2  }
0x8f: {  	_ = 	snop  }
0x90: {  	s2 =	sld [smem:$0x3FB8];
	(tm) =	ssettm $0x1  }
0x91: {  	s18 =	sld [smem:$0x3FFB];
	_ =	sdelay $0x3  }
0x92: {  	_ =	strace s18  }
0x93: {  	s3 =	sld [smem:$0x3FFC];
	_ =	sdelay $0x3  }
0x94: {  	_ =	strace s3  }
0x95: {  	s3 =	sld [smem:$0x3FFD];
	_ =	sdelay $0x3  }
0x96: {  	_ =	strace s3  }
0x97: {  	_ =	strace $0x8FFFFFFF  }
0x98: {  	s19 =	sld [smem:$0x3FDB];
	_ =	sdelay $0x1  }
0x99: {  	s4 =	simm.s32 $_scs_section_size  }
0x9a: {  	s5 =	simm.s32 $_size__tile_overlayer_lowered;
	s6 =	simm.s32 $_tile_overlayer_lowered  }
0x9b: {  	s22 =	simm.s32 $0x1BFF;
	s21 =	sshll.u32 s6, $0x1;
	s3 =	sadd.s32 s4, s19  }
0x9c: {  	s7 =	simm.s32 $0x0;
	s20 =	sshll.u32 s5, $0x1;
	s5 =	sadd.s32 s21, s3  }
0x9d: {  	[timem:s7], [sflag:s22] =	dma.local [hbm:s5], s20  }
0x9e: {  	_ =	swait.ge [sflag:s22], s20  }
0x9f: {  	s4 =	ssub.s32 $0x0, s20;
	[sflag:s22] =	ssyncset.done $0x0  }
0xa0: {  	[sflag:s22] =	ssyncadd.s32 s4;
	_ =	sdelay $0x1  }
0xa1: {  	s23 =	simm.s32 $0x1B8B  }
0xa2: {  	_ =	swait.ge [sflag:s23], $0x1  }
0xa3: {  	[sflag:s23] =	ssyncset.done $0x0  }
0xa4: {  	s25 =	simm.s32 $0x1B8E;
	s24 =	sld [smem:$0x3FFE];
	[sflag:s23] =	ssyncadd.s32 $0xFFFFFFFF  }
0xa5: {  	s26 =	simm.s32 $execute0_lowered;
	[smem:$0x3FD2] =	sst s25  }
0xa6: {  	s5 =	sshll.u32 s26, $0x1;
	_ =	strace $0x80000049;
	[dreg:$0x1] =	wrdreg $0xFFFFFFFF  }
0xa7: {  	s28 =	simm.s32 $_size_execute0_lowered;
	s3 =	sadd.s32 s3, s5;
	[dreg:$0x0] =	wrdreg $0x0  }
0xa8: {  	s5 =	sshll.u32 s28, $0x1;
	[dreg:$0x2] =	wrdreg s3  }
0xa9: {  	[dreg:$0x3] =	wrdreg s5  }
0xaa: {  	[dreg:$0x4] =	wrdreg $0xC0  }
0xab: {  	_ =	task [dreg:s7], $0x5FFFF  }
0xac: {  	[dreg:$0x1] =	wrdreg $0xFFFFFFFF  }
0xad: {  	[dreg:$0x0] =	wrdreg $0x60  }
0xae: {  	[dreg:$0x2] =	wrdreg s24  }
0xaf: {  	[dreg:$0x3] =	wrdreg s2  }
0xb0: {  	[dreg:$0x4] =	wrdreg $0x0  }
0xb1: {  	[dreg:$0x5] =	wrdreg $0x9  }
0xb2: {  	_ =	task.clear_ibuf [dreg:s7], $0x6FFFF;
	_ =	strace $0x90000049  }
0xb3: {  	s29 =	simm.s32 $0x9;
	_ =	strace $0x8000004B  }
0xb4: {  	_ =	swait.ge [sflag:s29], $0x1  }
0xb5: {  	[sflag:s29] =	ssyncadd.s32 $0xFFFFFFFF  }
0xb6: {  	_ =	strace $0x9000004B  }
0xb7: {  	_ =	sfence  }
0xb8: {  	s30 =	sld [smem:$0x0];
	_ =	sdelay $0x2  }
0xb9: {  	s31 =	sshll.u32 s1, $0xD;
	s1 =	sshrl.u32 s1, $0x2  }
0xba: {  	s3 =	sand.u32 $0x4000, s31;
	s1 =	sadd.s32 s1, s30  }
0xbb: {  	s0 =	sor.u32 s3, s0;
	s1 =	sshll.u32 s1, $0x11  }
0xbc: {  	s0 =	sor.u32 s1, s0  }
0xbd: {  	s0 =	sadd.s32 $0x8F2B, s0  }
0xbe: {  	[sflag:s0] =	ssyncadd.remote.s32 $0x1  }
0xbf: {  	_ =	sfence.sel $0xFFFF  }
0xc0: {  	[dreg:$0x0] =	wrdreg $0xFFFFFFFF;
	(pc) =	sbr.abs _section_cstart, $3  }
0xc1: {  	[dreg:$0x1] =	wrdreg $0xFFFFFFFF  }
0xc2: {  	_ =	task.clear_ibuf [dreg:s7], $0x2FFFF;
	_ =	strace $0x9FFFFFFF  }
0xc3: {  	(tm) =	ssettm $0x7FFFFFFF  }
tec
execute0_lowered:
.L_overlay_start_1:
0x0: {  	(tag) =	ssettag $0x1  }
0x1: {  	s0 =	srdreg.scid;
	s1 =	rddreg [dreg:$0x0]  }
0x2: {  	s13 =	stileid.u32;
	s3 =	rddreg [dreg:$0x2]  }
0x3: {  	s4 =	simm.s32 $0x0;
	s0 =	sand.u32 $0x1, s0;
	s8 =	smul.u32 $0xC300, s13  }
0x4: {  	[smem:$0x7FF] =	sst s4;
	s5 =	sadd.s32 $0x4A00, s1;
	s12 =	smul.u32 $0x30C00, s13  }
0x5: {  	s19 =	smul.u32 $0x2900, s13;
	p0 =	sne.s32 s13, $0xF;
	s2 =	sshll.u32 s0, $0x4  }
0x6: {  	s7 =	smul.u32 $0xC3500, s0;
	_ =	strace $0x8000004A;
	s6 =	ssub.s32 $0x2, s0  }
0x7: {  	s0 =	smul.u32 $0x29000, s0;
	s2 =	sor.u32 s13, s2;
	s9 =	sshrl.u32 s6, $0x1  }
0x8: {  	s11 =	sadd.s32 $0x4100, s8;
	s26 =	sadd.s32 s8, s3;
	s12 =	sshrl.u32 s12, $0x2  }
0x9: {  	s13 =	simm.s32 $0x3;
	s2 =	smul.u32 $0xA40, s2;
	s9 =	ssub.s32 s6, s9  }
0xa: {  	s10 =	sadd.s32 s8, s7;
	s6 =	sadd.s32 $0xC3000, s3;
	s25 =	sadd.s32 s7, s11  }
0xb: {  	s8 =	sadd.s32 $0x8200, s8;
	s11 =	sadd.s32 s11, s3;
	s12 =	sadd.s32 s12, s3  }
0xc: {  	s19 =	sadd.s32 s19, s0;
	s10 =	sshrl.u32 s10, $0x3;
	s31 =	sadd.s32 s7, s8  }
0xd: {  	s7 =	sshrl.u32 s7, $0x3;
	s14 =	sadd.s32 s8, s3;
	s15 =	smax.u32 s9, $0x1  }
0xe: {  	s16 =	sadd.s32 $0xF00, s12;
	s17 =	sadd.s32 $0x1E00, s12;
	[dreg:$0x9] =	wrdreg s15  }
0xf: {  	s18 =	sadd.s32 $0x2D00, s12;
	s20 =	sadd.s32 $0x4B00, s12;
	[dreg:$0xa] =	wrdreg s16  }
0x10: {  	s21 =	sadd.s32 $0x5A00, s12;
	s22 =	sadd.s32 $0x6900, s12;
	[dreg:$0xb] =	wrdreg s17  }
0x11: {  	s23 =	sadd.s32 $0x7800, s12;
	s28 =	sadd.s32 $0x9600, s12;
	[dreg:$0xc] =	wrdreg s18  }
0x12: {  	s29 =	sadd.s32 $0xA500, s12;
	s30 =	sadd.s32 $0xB400, s12;
	[dreg:$0xe] =	wrdreg s20  }
0x13: {  	s8 =	simm.s32 $0x16650;
	s9 =	simm.s32 $0x18E50;
	[dreg:$0xf] =	wrdreg s21  }
0x14: {  	s2 =	sadd.s32 s2, s1;
	s1 =	sadd.s32 $0x35800, s1;
	[dreg:$0x10] =	wrdreg s22  }
0x15: {  	[dreg:$0x11] =	wrdreg s23;
	s18 =	sor.u32 $0x80, s19;
	s2 =	sadd.s32 $0x71200, s2  }
0x16: {  	s15 =	simm.s32 $0x115D0;
	s24 =	sadd.s32 s1, s10;
	[dreg:$0x4] =	wrdreg s2  }
0x17: {  	s16 =	simm.s32 $0x4;
	[dreg:$0x5] =	wrdreg s24;
	s24 =	sshrl.u32 s26, $0x3  }
0x18: {  	s2 =	sshrl.u32 s25, $0x3;
	s25 =	sshrl.u32 s11, $0x3;
	[dreg:$0x12] =	wrdreg s24  }
0x19: {  	s10 =	simm.s32 $0x1;
	s26 =	sshrl.u32 s14, $0x3;
	[dreg:$0x13] =	wrdreg s25  }
0x1a: {  	s11 =	simm.s32 $0x11550;
	s2 =	sadd.s32 s1, s2;
	[dreg:$0x14] =	wrdreg s26  }
0x1b: {  	[dreg:$0x6] =	wrdreg s2;
	s2 =	sshrl.u32 s31, $0x3;
	s31 =	sadd.s32 $0x8700, s12  }
0x1c: {  	s2 =	sadd.s32 s1, s2;
	s1 =	sadd.s32 s1, s7;
	[dreg:$0x15] =	wrdreg s31  }
0x1d: {  	s14 =	simm.s32 $0x2;
	[dreg:$0x7] =	wrdreg s2;
	s1 =	sadd.s32 $0x18600, s1  }
0x1e: {  	s7 =	simm.s32 $0x80;
	s2 =	sadd.s32 $0x3C00, s12;
	[dreg:$0x8] =	wrdreg s1  }
0x1f: {  	v0 =	vimm.f32 $0.0e+00;
	[dreg:$0xd] =	wrdreg s2;
	s1 =	simm.s32 $0x11650;
	s2 =	simm.s32 $0x5  }
.LBB2_1:
0x20: {  	s17 =	simm.s32 $0x140;
	s0 =	simm.s32 $0x0  }
.LBB2_2:
0x21: {  	p1 =	sne.s32 s17, $0x3AC0;
	[tilespmem:s0+$0x11690] =	vst v0;
	s20 =	smov.u32 s17;
	s17 =	sadd.s32 $0x140, s17  }
.Ltmp0:
0x22: {  	[tilespmem:s0+$0x11680] =	vst v0;
	(pc) =	sbr.rel @p1 .LBB2_2-.Ltmp0, $4  }
0x23: {  	[tilespmem:s0+$0x11670] =	vst v0  }
0x24: {  	[tilespmem:s0+$0x11650] =	vst v0  }
0x25: {  	[tilespmem:s0+$0x11660] =	vst v0  }
0x26: {  	s0 =	sshra.s32 s20, $0x2  }
0x27: {  	[tilespmem:s0+$0x11690] =	vst v0  }
0x28: {  	[tilespmem:s0+$0x11680] =	vst v0  }
0x29: {  	[tilespmem:s0+$0x11670] =	vst v0  }
0x2a: {  	[tilespmem:s0+$0x11650] =	vst v0  }
0x2b: {  	[tilespmem:s0+$0x11660] =	vst v0  }
0x2c: {  	[spmem:s12] =	stream.linear.scatter [tilespmem:s1], [sflag:$0x5], $0xF00, $0x38;
	[tilespmem:$0x1B690] =	vst v63  }
0x2d: {  	_ =	swait.ge [sflag:s2], $0xF00  }
0x2e: {  	[sflag:s2] =	ssyncset.done $0x0  }
0x2f: {  	s21 =	rddreg [dreg:$0xa];
	[sflag:s2] =	ssyncadd.s32 $0xFFFFF100  }
0x30: {  	[spmem:s21] =	stream.linear.scatter [tilespmem:s1], [sflag:$0x5], $0xF00, $0x38;
	[tilespmem:$0x1B690] =	vst v63  }
0x31: {  	_ =	swait.ge [sflag:s2], $0xF00  }
0x32: {  	[sflag:s2] =	ssyncset.done $0x0  }
0x33: {  	s22 =	rddreg [dreg:$0xb];
	[sflag:s2] =	ssyncadd.s32 $0xFFFFF100  }
0x34: {  	[spmem:s22] =	stream.linear.scatter [tilespmem:s1], [sflag:$0x5], $0xF00, $0x38;
	[tilespmem:$0x1B690] =	vst v63  }
0x35: {  	_ =	swait.ge [sflag:s2], $0xF00  }
0x36: {  	[sflag:s2] =	ssyncset.done $0x0  }
0x37: {  	s23 =	rddreg [dreg:$0xc];
	[sflag:s2] =	ssyncadd.s32 $0xFFFFF100  }
0x38: {  	[spmem:s23] =	stream.linear.scatter [tilespmem:s1], [sflag:$0x5], $0xF00, $0x38;
	[tilespmem:$0x1B690] =	vst v63  }
0x39: {  	_ =	swait.ge [sflag:s2], $0xF00  }
0x3a: {  	[sflag:s2] =	ssyncset.done $0x0  }
0x3b: {  	s24 =	rddreg [dreg:$0xd];
	[sflag:s2] =	ssyncadd.s32 $0xFFFFF100  }
0x3c: {  	[spmem:s24] =	stream.linear.scatter [tilespmem:s1], [sflag:$0x5], $0xF00, $0x38;
	[tilespmem:$0x1B690] =	vst v63  }
0x3d: {  	_ =	swait.ge [sflag:s2], $0xF00  }
0x3e: {  	[sflag:s2] =	ssyncset.done $0x0  }
0x3f: {  	s25 =	rddreg [dreg:$0xe];
	[sflag:s2] =	ssyncadd.s32 $0xFFFFF100  }
0x40: {  	[spmem:s25] =	stream.linear.scatter [tilespmem:s1], [sflag:$0x5], $0xF00, $0x38;
	[tilespmem:$0x1B690] =	vst v63  }
0x41: {  	_ =	swait.ge [sflag:s2], $0xF00  }
0x42: {  	[sflag:s2] =	ssyncset.done $0x0  }
0x43: {  	s26 =	rddreg [dreg:$0xf];
	[sflag:s2] =	ssyncadd.s32 $0xFFFFF100  }
0x44: {  	[spmem:s26] =	stream.linear.scatter [tilespmem:s1], [sflag:$0x5], $0xF00, $0x38;
	[tilespmem:$0x1B690] =	vst v63  }
0x45: {  	_ =	swait.ge [sflag:s2], $0xF00  }
0x46: {  	[sflag:s2] =	ssyncset.done $0x0  }
0x47: {  	s17 =	rddreg [dreg:$0x10];
	[sflag:s2] =	ssyncadd.s32 $0xFFFFF100  }
0x48: {  	[spmem:s17] =	stream.linear.scatter [tilespmem:s1], [sflag:$0x5], $0xF00, $0x38;
	[tilespmem:$0x1B690] =	vst v63  }
0x49: {  	_ =	swait.ge [sflag:s2], $0xF00  }
0x4a: {  	[sflag:s2] =	ssyncset.done $0x0  }
0x4b: {  	s20 =	rddreg [dreg:$0x11];
	[sflag:s2] =	ssyncadd.s32 $0xFFFFF100  }
0x4c: {  	[spmem:s20] =	stream.linear.scatter [tilespmem:s1], [sflag:$0x5], $0xF00, $0x38;
	[tilespmem:$0x1B690] =	vst v63  }
0x4d: {  	_ =	swait.ge [sflag:s2], $0xF00  }
0x4e: {  	[sflag:s2] =	ssyncset.done $0x0  }
0x4f: {  	s21 =	rddreg [dreg:$0x15];
	[sflag:s2] =	ssyncadd.s32 $0xFFFFF100  }
0x50: {  	[spmem:s21] =	stream.linear.scatter [tilespmem:s1], [sflag:$0x5], $0xF00, $0x38;
	[tilespmem:$0x1B690] =	vst v63  }
0x51: {  	_ =	swait.ge [sflag:s2], $0xF00  }
0x52: {  	[sflag:s2] =	ssyncset.done $0x0  }
0x53: {  	[sflag:s2] =	ssyncadd.s32 $0xFFFFF100  }
0x54: {  	[spmem:s28] =	stream.linear.scatter [tilespmem:s1], [sflag:$0x5], $0xF00, $0x38;
	[tilespmem:$0x1B690] =	vst v63  }
0x55: {  	_ =	swait.ge [sflag:s2], $0xF00  }
0x56: {  	[sflag:s2] =	ssyncset.done $0x0  }
0x57: {  	[sflag:s2] =	ssyncadd.s32 $0xFFFFF100  }
0x58: {  	[spmem:s29] =	stream.linear.scatter [tilespmem:s1], [sflag:$0x5], $0xF00, $0x38;
	[tilespmem:$0x1B690] =	vst v63  }
0x59: {  	_ =	swait.ge [sflag:s2], $0xF00  }
0x5a: {  	[sflag:s2] =	ssyncset.done $0x0  }
0x5b: {  	[sflag:s2] =	ssyncadd.s32 $0xFFFFF100  }
0x5c: {  	[spmem:s30] =	stream.linear.scatter [tilespmem:s1], [sflag:$0x5], $0xF00, $0x38;
	[tilespmem:$0x1B690] =	vst v63  }
0x5d: {  	_ =	swait.ge [sflag:s2], $0xF00  }
0x5e: {  	[sflag:s2] =	ssyncset.done $0x0  }
0x5f: {  	s0 =	simm.s32 @!p0 $0x11650;
	[sflag:s2] =	ssyncadd.s32 $0xFFFFF100  }
0x60: {  	[spmem:s6] =	stream.linear.scatter @!p0 [tilespmem:s0], [sflag:$0x5], $0x500, $0x38;
	[tilespmem:$0x1B690] =	vst v63  }
0x61: {  	s0 =	simm.s32 @!p0 $0x5  }
0x62: {  	_ =	swait.ge @!p0 [sflag:s0], $0x500  }
0x63: {  	[sflag:s0] =	ssyncset.done @!p0 $0x0  }
0x64: {  	[sflag:s0] =	ssyncadd.s32 @!p0 $0xFFFFFB00  }
0x65: {  	[bflag:$0x0] =	sbarrier.arrive $0xFFFF  }
0x66: {  	s17 =	simm.s32 $0x0;
	s20 =	simm.s32 $0x1B650;
	s22 =	rddreg [dreg:$0x1]  }
0x67: {  	[tilespmem:s20], [sflag:$0x5] =	stream.linear.gather [hbm4b:s22+s17], $0x40, $0x38;
	[tilespmem:$0x1B690] =	vst v63  }
0x68: {  	_ =	swait.ge [sflag:s2], $0x40  }
0x69: {  	[sflag:s2] =	ssyncset.done $0x0  }
0x6a: {  	s24 =	simm.s32 $0xC350;
	s23 =	rddreg [dreg:$0x4];
	[sflag:s2] =	ssyncadd.s32 $0xFFFFFFC0  }
0x6b: {  	[tilespmem:s24], [sflag:$0x5] =	stream.linear.gather [hbm4b:s23+s17], $0x5200, $0x38;
	[tilespmem:$0x1B690] =	vst v63  }
0x6c: {  	_ =	swait.ge [sflag:s2], $0x5200  }
0x6d: {  	[sflag:s2] =	ssyncset.done $0x0  }
0x6e: {  	[sflag:s2] =	ssyncadd.s32 $0xFFFFAE00  }
0x6f: {  	v1 =	vld [tilespmem:$0x1B650]  }
0x70: {  	v2 =	vld [tilespmem:$0x1B660]  }
0x71: {  	s31 =	smov.u32 s18;
	v3 =	vld [tilespmem:$0x1B670]  }
0x72: {  	v4 =	vld [tilespmem:$0x1B680];
	[tilespmem:s1], [sflag:$0x1] =	stream.indirect.gather [hbm4b:s5+s7], $0x50, s24, s7, $0xb8  }
0x73: {  	s25 =	simm.s32 $0xC3D0;
	s26 =	simm.s32 $0x13E50;
	s21 =	smov.u32 s19  }
0x74: {  	[tilespmem:s26], [sflag:$0x1] =	stream.indirect.gather [hbm4b:s5+s7], $0x50, s25, s7, $0xb8;
	[tilespmem:$0x1B690] =	vst v63  }
.LBB2_4:
0x75: {  	s0 =	sshll.u32 s17, $0x1;
	p1 =	seq.s32 s17, $0x0  }
0x76: {  	s22 =	simm.s32 @!p1 $0x4;
	s0 =	sshll.u32 s0, $0x8  }
0x77: {  	_ =	swait.ge @!p1 [sflag:s22], $0x2800;
	s0 =	sor.u32 $0x100, s0  }
0x78: {  	[sflag:s22] =	ssyncset.done @!p1 $0x0;
	s20 =	sand.u32 $0x3FFFFF00, s0  }
0x79: {  	[sflag:s22] =	ssyncadd.s32 @!p1 $0xFFFFD800;
	s0 =	sadd.s32 $0xC350, s20  }
0x7a: {  	[tilespmem:s8], [sflag:$0x2] =	stream.indirect.gather [hbm4b:s5+s7], $0x50, s0, s7, $0xb8;
	[tilespmem:$0x1B690] =	vst v63  }
0x7b: {  	s25 =	sadd.s32 $0xC3D0, s20  }
0x7c: {  	[tilespmem:s9], [sflag:$0x2] =	stream.indirect.gather [hbm4b:s5+s7], $0x50, s25, s7, $0xb8;
	[tilespmem:$0x1B690] =	vst v63  }
0x7d: {  	_ =	swait.ge [sflag:s10], $0x2800  }
0x7e: {  	[sflag:s10] =	ssyncset.done $0x0  }
0x7f: {  	[sflag:s10] =	ssyncadd.s32 $0xFFFFD800  }
0x80: {  	_ =	swait.ge [sflag:s10], $0x2800  }
0x81: {  	s26 =	sshll.u32 s17, $0x9;
	[sflag:s10] =	ssyncset.done $0x0  }
0x82: {  	s22 =	sand.u32 $0x3FFFFE00, s26;
	[sflag:s10] =	ssyncadd.s32 $0xFFFFD800  }
0x83: {  	v5 =	vld [tilespmem:s22+$0xC3D0];
	_ =	sdelay $0x4  }
0x84: {  	v5 =	vadd.s32 $0xFFFFD8F0, v5  }
0x85: {  	[tilespmem:$0x11550] =	vst v5  }
0x86: {  	v5 =	vld [tilespmem:s22+$0xC3E0];
	_ =	sdelay $0x4  }
0x87: {  	v5 =	vadd.s32 $0xFFFFD8F0, v5  }
0x88: {  	[tilespmem:$0x11560] =	vst v5  }
0x89: {  	v5 =	vld [tilespmem:s22+$0xC3F0];
	_ =	sdelay $0x4  }
0x8a: {  	v5 =	vadd.s32 $0xFFFFD8F0, v5  }
0x8b: {  	[tilespmem:$0x11570] =	vst v5  }
0x8c: {  	v5 =	vld [tilespmem:s22+$0xC400];
	_ =	sdelay $0x4  }
0x8d: {  	v5 =	vadd.s32 $0xFFFFD8F0, v5  }
0x8e: {  	[tilespmem:$0x11580] =	vst v5  }
0x8f: {  	v5 =	vld [tilespmem:s22+$0xC410];
	_ =	sdelay $0x4  }
0x90: {  	v5 =	vadd.s32 $0xFFFFD8F0, v5  }
0x91: {  	[tilespmem:$0x11590] =	vst v5  }
0x92: {  	v5 =	vld [tilespmem:s22+$0xC420];
	_ =	sdelay $0x4  }
0x93: {  	v5 =	vadd.s32 $0xFFFFD8F0, v5  }
0x94: {  	[tilespmem:$0x115A0] =	vst v5  }
0x95: {  	v5 =	vld [tilespmem:s22+$0xC430];
	_ =	sdelay $0x4  }
0x96: {  	v5 =	vadd.s32 $0xFFFFD8F0, v5  }
0x97: {  	[tilespmem:$0x115B0] =	vst v5  }
0x98: {  	v5 =	vld [tilespmem:s22+$0xC440];
	_ =	sdelay $0x4  }
0x99: {  	v5 =	vadd.s32 $0xFFFFD8F0, v5  }
0x9a: {  	s24 =	simm.s32 $0x11650;
	[tilespmem:$0x115C0] =	vst v5  }
0x9b: {  	v8 =	vld [tilespmem:s24+$0x2820]  }
0x9c: {  	v7 =	vld [tilespmem:s24+$0x2830]  }
0x9d: {  	v9 =	vld [tilespmem:s24+$0x2800]  }
0x9e: {  	v10 =	vld [tilespmem:s24+$0x2810]  }
0x9f: {  	v5 =	vld [tilespmem:s24+$0x0]  }
0xa0: {  	s23 =	simm.s32 $0x11650;
	s0 =	simm.s32 $0x0;
	s25 =	simm.s32 $0x1;
	v6 =	vld [tilespmem:s24+$0x10]  }
.LBB2_5:
0xa1: {  	p1 =	sne.s32 s25, $0x7F;
	v11 =	vld [tilespmem:s24+$0x20]  }
0xa2: {  	v12 =	vld [tilespmem:s24+$0x30];
	_ =	sdelay $0x2  }
0xa3: {  	v9 =	vadd.f32 v9, v5;
	v10 =	vadd.f32 v10, v6  }
0xa4: {  	v8 =	vadd.f32 v8, v11  }
0xa5: {  	v13 =	vmul.f32 $2.000000030e-01, v9;
	v14 =	vmul.f32 $2.000000030e-01, v10;
	v7 =	vadd.f32 v7, v12  }
0xa6: {  	v15 =	vmul.f32 $2.000000030e-01, v8  }
0xa7: {  	v9 =	vmax.f32 v9, v13;
	v10 =	vmax.f32 v10, v14;
	v13 =	vmul.f32 $2.000000030e-01, v7  }
0xa8: {  	v9 =	vmul.f32 v9, v1;
	v10 =	vmul.f32 v10, v2;
	v8 =	vmax.f32 v8, v15  }
0xa9: {  	v8 =	vmul.f32 v8, v3;
	v7 =	vmax.f32 v7, v13  }
0xaa: {  	v9 =	vadd.f32 $0.0e+00, v9;
	v10 =	vadd.f32 $0.0e+00, v10;
	v7 =	vmul.f32 v7, v4;
	_ =	sdelay $0x1  }
0xab: {  	v8 =	vadd.f32 v8, v9;
	v7 =	vadd.f32 v7, v10;
	_ =	sdelay $0x1  }
0xac: {  	v7 =	vadd.f32 v7, v8;
	_ =	sdelay $0x1  }
0xad: {  	(xrf2) =	vadd.scan.msk.f32 $0xffff, v7;
	_ =	sdelay $0x7  }
0xae: {  	v7 =	vld [tilespmem:s24+$0x2840];
	_ =	sdelay $0x1  }
0xaf: {  	v8, _, _ =	vpop (xrf2)  }
0xb0: {  	v8 =	vbroadcast v8, $0xF;
	_ =	sdelay $0x1  }
0xb1: {  	v7 =	vsub.f32 v8, v7;
	_ =	sdelay $0x1  }
0xb2: {  	v7 =	vmax.f32 v7, $-6.000000000e+01  }
0xb3: {  	v7 =	vmin.f32 v7, $6.000000000e+01  }
0xb4: {  	v7 =	vmul.f32 $1.442695020e+00, v7;
	_ =	sdelay $0x1  }
0xb5: {  	(erf) = vpow2.f32 v7;
	_ =	sdelay $0x7  }
0xb6: {  	s26 =	sadd.s32 s0, s21;
	s0 =	smov.u32 s25  }
0xb7: {  	p2 =	slt.s32 s26, $0x50910;
	v7 =	vpop (erf)  }
0xb8: {  	s24 =	sadd.s32 $0x50, s24;
	v9 =	vpsel !p2, $0x0, v7  }
0xb9: {  	v8 =	vld [tilespmem:s24+$0x2820];
	v5 =	vmul.f32 v9, v5;
	v6 =	vmul.f32 v9, v6;
	[tilespmem:s23+$0x40] =	vst v9  }
.Ltmp1:
0xba: {  	v11 =	vmul.f32 v9, v11;
	v12 =	vmul.f32 v9, v12;
	v7 =	vld [tilespmem:s24+$0x2830];
	(pc) =	sbr.rel @p1 .LBB2_5-.Ltmp1, $4  }
0xbb: {  	v9 =	vld [tilespmem:s24+$0x2800];
	[tilespmem:s23+$0x10] =	vst v6  }
0xbc: {  	v10 =	vld [tilespmem:s24+$0x2810];
	[tilespmem:s23+$0x0] =	vst v5  }
0xbd: {  	v5 =	vld [tilespmem:s24+$0x0];
	[tilespmem:s23+$0x30] =	vst v12  }
0xbe: {  	s25 =	sadd.s32 $0x1, s25;
	v6 =	vld [tilespmem:s24+$0x10];
	[tilespmem:s23+$0x20] =	vst v11;
	s23 =	smov.u32 s24  }
0xbf: {  	v11 =	vld [tilespmem:s24+$0x20]  }
0xc0: {  	v12 =	vld [tilespmem:s24+$0x30];
	_ =	sdelay $0x2  }
0xc1: {  	v9 =	vadd.f32 v9, v5;
	v10 =	vadd.f32 v10, v6  }
0xc2: {  	v8 =	vadd.f32 v8, v11  }
0xc3: {  	v13 =	vmul.f32 $2.000000030e-01, v9;
	v7 =	vadd.f32 v7, v12;
	v14 =	vmul.f32 $2.000000030e-01, v10  }
0xc4: {  	v15 =	vmul.f32 $2.000000030e-01, v8  }
0xc5: {  	v9 =	vmax.f32 v9, v13;
	v58 =	vmul.f32 $2.000000030e-01, v7;
	v10 =	vmax.f32 v10, v14  }
0xc6: {  	v9 =	vmul.f32 v9, v1;
	v10 =	vmul.f32 v10, v2;
	v8 =	vmax.f32 v8, v15  }
0xc7: {  	v7 =	vmax.f32 v7, v58;
	v8 =	vmul.f32 v8, v3  }
0xc8: {  	v9 =	vadd.f32 $0.0e+00, v9;
	v7 =	vmul.f32 v7, v4;
	v10 =	vadd.f32 $0.0e+00, v10;
	_ =	sdelay $0x1  }
0xc9: {  	v8 =	vadd.f32 v8, v9;
	v7 =	vadd.f32 v7, v10;
	_ =	sdelay $0x1  }
0xca: {  	v7 =	vadd.f32 v7, v8;
	_ =	sdelay $0x1  }
0xcb: {  	(xrf2) =	vadd.scan.msk.f32 $0xffff, v7;
	_ =	sdelay $0x7  }
0xcc: {  	v7 =	vld [tilespmem:s24+$0x2840];
	_ =	sdelay $0x1  }
0xcd: {  	v8, _, _ =	vpop (xrf2)  }
0xce: {  	v8 =	vbroadcast v8, $0xF;
	_ =	sdelay $0x1  }
0xcf: {  	v7 =	vsub.f32 v8, v7;
	_ =	sdelay $0x1  }
0xd0: {  	v7 =	vmax.f32 v7, $-6.000000000e+01  }
0xd1: {  	v7 =	vmin.f32 v7, $6.000000000e+01  }
0xd2: {  	v7 =	vmul.f32 $1.442695020e+00, v7;
	_ =	sdelay $0x1  }
0xd3: {  	(erf) = vpow2.f32 v7;
	_ =	sdelay $0x7  }
0xd4: {  	s0 =	sadd.s32 s0, s21  }
0xd5: {  	p1 =	slt.s32 s0, $0x50910;
	v7 =	vpop (erf)  }
0xd6: {  	v7 =	vpsel !p1, $0x0, v7  }
0xd7: {  	v6 =	vmul.f32 v7, v6  }
0xd8: {  	v5 =	vmul.f32 v7, v5;
	[tilespmem:s23+$0x40] =	vst v7  }
0xd9: {  	v8 =	vmul.f32 v7, v12;
	[tilespmem:s23+$0x10] =	vst v6  }
0xda: {  	v6 =	vmul.f32 v7, v11;
	[tilespmem:s23+$0x0] =	vst v5  }
0xdb: {  	[tilespmem:s23+$0x30] =	vst v8  }
0xdc: {  	[tilespmem:s23+$0x20] =	vst v6  }
0xdd: {  	[spmem:s3] =	stream.indirect.scatter.add.f32 [tilespmem:s1], [sflag:$0x3], $0x50, s11, s7, $0xb8;
	[tilespmem:$0x1B690] =	vst v63  }
0xde: {  	p1 =	seq.s32 s17, $0x28;
	_ =	swait.ge [sflag:s13], $0x2800  }
0xdf: {  	s0 =	sadd.s32 @!p1 $0xC550, s22;
	[sflag:s13] =	ssyncset.done $0x0  }
0xe0: {  	s24 =	simm.s32 @!p1 $0x11650;
	s23 =	simm.s32 @!p1 $0x80;
	[sflag:s13] =	ssyncadd.s32 $0xFFFFD800  }
0xe1: {  	[tilespmem:s24], [sflag:$0x1] =	stream.indirect.gather @!p1 [hbm4b:s5+s23], $0x50, s0, s23, $0xb8;
	[tilespmem:$0x1B690] =	vst v63  }
0xe2: {  	s0 =	sadd.s32 @!p1 $0xC5D0, s22;
	s22 =	simm.s32 @!p1 $0x13E50  }
0xe3: {  	[tilespmem:s22], [sflag:$0x1] =	stream.indirect.gather @!p1 [hbm4b:s5+s23], $0x50, s0, s23, $0xb8;
	[tilespmem:$0x1B690] =	vst v63  }
0xe4: {  	_ =	swait.ge [sflag:s14], $0x2800  }
0xe5: {  	[sflag:s14] =	ssyncset.done $0x0  }
0xe6: {  	[sflag:s14] =	ssyncadd.s32 $0xFFFFD800  }
0xe7: {  	_ =	swait.ge [sflag:s14], $0x2800  }
0xe8: {  	[sflag:s14] =	ssyncset.done $0x0  }
0xe9: {  	[sflag:s14] =	ssyncadd.s32 $0xFFFFD800  }
0xea: {  	v5 =	vld [tilespmem:s20+$0xC3D0];
	_ =	sdelay $0x4  }
0xeb: {  	v5 =	vadd.s32 $0xFFFFD8F0, v5  }
0xec: {  	[tilespmem:$0x115D0] =	vst v5  }
0xed: {  	v5 =	vld [tilespmem:s20+$0xC3E0];
	_ =	sdelay $0x4  }
0xee: {  	v5 =	vadd.s32 $0xFFFFD8F0, v5  }
0xef: {  	[tilespmem:$0x115E0] =	vst v5  }
0xf0: {  	v5 =	vld [tilespmem:s20+$0xC3F0];
	_ =	sdelay $0x4  }
0xf1: {  	v5 =	vadd.s32 $0xFFFFD8F0, v5  }
0xf2: {  	[tilespmem:$0x115F0] =	vst v5  }
0xf3: {  	v5 =	vld [tilespmem:s20+$0xC400];
	_ =	sdelay $0x4  }
0xf4: {  	v5 =	vadd.s32 $0xFFFFD8F0, v5  }
0xf5: {  	[tilespmem:$0x11600] =	vst v5  }
0xf6: {  	v5 =	vld [tilespmem:s20+$0xC410];
	_ =	sdelay $0x4  }
0xf7: {  	v5 =	vadd.s32 $0xFFFFD8F0, v5  }
0xf8: {  	[tilespmem:$0x11610] =	vst v5  }
0xf9: {  	v5 =	vld [tilespmem:s20+$0xC420];
	_ =	sdelay $0x4  }
0xfa: {  	v5 =	vadd.s32 $0xFFFFD8F0, v5  }
0xfb: {  	[tilespmem:$0x11620] =	vst v5  }
0xfc: {  	v5 =	vld [tilespmem:s20+$0xC430];
	_ =	sdelay $0x4  }
0xfd: {  	v5 =	vadd.s32 $0xFFFFD8F0, v5  }
0xfe: {  	[tilespmem:$0x11630] =	vst v5  }
0xff: {  	v5 =	vld [tilespmem:s20+$0xC440];
	_ =	sdelay $0x4  }
0x100: {  	v5 =	vadd.s32 $0xFFFFD8F0, v5  }
0x101: {  	s20 =	simm.s32 $0x0;
	[tilespmem:$0x11640] =	vst v5  }
0x102: {  	v9 =	vld [tilespmem:s20+$0x18E60]  }
0x103: {  	v10 =	vld [tilespmem:s20+$0x18E70]  }
0x104: {  	v11 =	vld [tilespmem:s20+$0x18E80]  }
0x105: {  	v59 =	vld [tilespmem:s20+$0x18E50]  }
0x106: {  	v7 =	vld [tilespmem:s20+$0x16660]  }
0x107: {  	v5 =	vld [tilespmem:s20+$0x16650]  }
0x108: {  	v6 =	vld [tilespmem:s20+$0x16680]  }
0x109: {  	v8 =	vld [tilespmem:s20+$0x16670];
	_ =	sdelay $0x2  }
0x10a: {  	v12 =	vadd.f32 v59, v5;
	v9 =	vadd.f32 v9, v7  }
0x10b: {  	v11 =	vadd.f32 v11, v6  }
0x10c: {  	v10 =	vadd.f32 v10, v8;
	v60 =	vmul.f32 $2.000000030e-01, v12;
	v61 =	vmul.f32 $2.000000030e-01, v9  }
0x10d: {  	v62 =	vmul.f32 $2.000000030e-01, v11  }
0x10e: {  	v63 =	vmul.f32 $2.000000030e-01, v10;
	v12 =	vmax.f32 v12, v60;
	v9 =	vmax.f32 v9, v61  }
0x10f: {  	v11 =	vmax.f32 v11, v62;
	v12 =	vmul.f32 v12, v1;
	v9 =	vmul.f32 v9, v2  }
0x110: {  	v10 =	vmax.f32 v10, v63;
	v11 =	vmul.f32 v11, v4  }
0x111: {  	v10 =	vmul.f32 v10, v3;
	v12 =	vadd.f32 $0.0e+00, v12;
	v9 =	vadd.f32 $0.0e+00, v9;
	_ =	sdelay $0x1  }
0x112: {  	v10 =	vadd.f32 v10, v12;
	v9 =	vadd.f32 v11, v9;
	_ =	sdelay $0x1  }
0x113: {  	v9 =	vadd.f32 v9, v10;
	_ =	sdelay $0x1  }
0x114: {  	(xrf2) =	vadd.scan.msk.f32 $0xffff, v9;
	_ =	sdelay $0x7  }
0x115: {  	v9 =	vld [tilespmem:s20+$0x18E90];
	_ =	sdelay $0x1  }
0x116: {  	v10, _, _ =	vpop (xrf2)  }
0x117: {  	v10 =	vbroadcast v10, $0xF;
	_ =	sdelay $0x1  }
0x118: {  	v9 =	vsub.f32 v10, v9;
	_ =	sdelay $0x1  }
0x119: {  	v9 =	vmax.f32 v9, $-6.000000000e+01  }
0x11a: {  	v9 =	vmin.f32 v9, $6.000000000e+01  }
0x11b: {  	v9 =	vmul.f32 $1.442695020e+00, v9;
	_ =	sdelay $0x1  }
0x11c: {  	s0 =	simm.s32 $0x140;
	s22 =	smov.u32 s31;
	s23 =	smov.u32 s31;
	(erf) = vpow2.f32 v9  }
.LBB2_7:
0x11d: {  	_ =	sdelay $0x4  }
0x11e: {  	p1 =	sne.s32 s0, $0x9EC0  }
0x11f: {  	s22 =	sadd.s32 $0x1, s22;
	s24 =	smov.u32 s0;
	s0 =	sadd.s32 $0x140, s0  }
0x120: {  	s24 =	sshra.s32 s24, $0x2  }
0x121: {  	p2 =	slt.s32 s23, $0x50910;
	s23 =	smov.u32 s22;
	v9 =	vld [tilespmem:s24+$0x18E60];
	v10 =	vpop (erf)  }
0x122: {  	v10 =	vpsel !p2, $0x0, v10  }
0x123: {  	v11 =	vld [tilespmem:s24+$0x18E70];
	v7 =	vmul.f32 v10, v7;
	v8 =	vmul.f32 v10, v8;
	[tilespmem:s20+$0x16690] =	vst v10  }
0x124: {  	v5 =	vmul.f32 v10, v5;
	v6 =	vmul.f32 v10, v6;
	v12 =	vld [tilespmem:s24+$0x18E80]  }
0x125: {  	v10 =	vld [tilespmem:s24+$0x18E50];
	[tilespmem:s20+$0x16660] =	vst v7  }
0x126: {  	v7 =	vld [tilespmem:s24+$0x16660];
	[tilespmem:s20+$0x16650] =	vst v5  }
0x127: {  	v5 =	vld [tilespmem:s24+$0x16650];
	[tilespmem:s20+$0x16680] =	vst v6  }
0x128: {  	v6 =	vld [tilespmem:s24+$0x16680];
	[tilespmem:s20+$0x16670] =	vst v8;
	s20 =	smov.u32 s24  }
0x129: {  	v8 =	vld [tilespmem:s20+$0x16670];
	_ =	sdelay $0x2  }
0x12a: {  	v9 =	vadd.f32 v9, v7;
	v10 =	vadd.f32 v10, v5  }
0x12b: {  	v12 =	vadd.f32 v12, v6  }
0x12c: {  	v14 =	vmul.f32 $2.000000030e-01, v9;
	v13 =	vmul.f32 $2.000000030e-01, v10;
	v11 =	vadd.f32 v11, v8  }
0x12d: {  	v15 =	vmul.f32 $2.000000030e-01, v12  }
0x12e: {  	v9 =	vmax.f32 v9, v14;
	v10 =	vmax.f32 v10, v13;
	v13 =	vmul.f32 $2.000000030e-01, v11  }
0x12f: {  	v9 =	vmul.f32 v9, v2;
	v10 =	vmul.f32 v10, v1;
	v12 =	vmax.f32 v12, v15  }
0x130: {  	v11 =	vmax.f32 v11, v13;
	v12 =	vmul.f32 v12, v4  }
0x131: {  	v9 =	vadd.f32 $0.0e+00, v9;
	v10 =	vadd.f32 $0.0e+00, v10;
	v11 =	vmul.f32 v11, v3;
	_ =	sdelay $0x1  }
0x132: {  	v9 =	vadd.f32 v12, v9;
	v10 =	vadd.f32 v11, v10;
	_ =	sdelay $0x1  }
0x133: {  	v9 =	vadd.f32 v9, v10;
	_ =	sdelay $0x1  }
0x134: {  	(xrf2) =	vadd.scan.msk.f32 $0xffff, v9;
	_ =	sdelay $0x7  }
0x135: {  	v9 =	vld [tilespmem:s20+$0x18E90];
	_ =	sdelay $0x1  }
0x136: {  	v10, _, _ =	vpop (xrf2)  }
0x137: {  	v10 =	vbroadcast v10, $0xF;
	_ =	sdelay $0x1  }
0x138: {  	v9 =	vsub.f32 v10, v9;
	_ =	sdelay $0x1  }
.Ltmp2:
0x139: {  	v9 =	vmax.f32 v9, $-6.000000000e+01;
	(pc) =	sbr.rel @p1 .LBB2_7-.Ltmp2, $3  }
0x13a: {  	v9 =	vmin.f32 v9, $6.000000000e+01  }
0x13b: {  	v9 =	vmul.f32 $1.442695020e+00, v9;
	_ =	sdelay $0x1  }
0x13c: {  	(erf) = vpow2.f32 v9  }
0x13d: {  	_ =	sdelay $0x7  }
0x13e: {  	p1 =	slt.s32 s23, $0x50910;
	v9 =	vpop (erf)  }
0x13f: {  	v9 =	vpsel !p1, $0x0, v9  }
0x140: {  	s17 =	sadd.s32 $0x1, s17;
	v7 =	vmul.f32 v9, v7  }
0x141: {  	p1 =	sne.s32 s17, $0x29;
	[tilespmem:s20+$0x16690] =	vst v9;
	v5 =	vmul.f32 v9, v5  }
.Ltmp3:
0x142: {  	v6 =	vmul.f32 v9, v6;
	[tilespmem:s20+$0x16660] =	vst v7;
	(pc) =	sbr.rel @p1 .LBB2_4-.Ltmp3, $4  }
0x143: {  	v7 =	vmul.f32 v9, v8;
	[tilespmem:s20+$0x16650] =	vst v5  }
0x144: {  	[tilespmem:s20+$0x16680] =	vst v6  }
0x145: {  	s21 =	sadd.s32 $0x100, s21;
	s31 =	sadd.s32 $0x100, s31;
	[tilespmem:s20+$0x16670] =	vst v7  }
0x146: {  	[spmem:s3] =	stream.indirect.scatter.add.f32 [tilespmem:s8], [sflag:$0x4], $0x50, s15, s7, $0xb8;
	[tilespmem:$0x1B690] =	vst v63  }
0x147: {  	_ =	swait.ge [sflag:s16], $0x2800  }
0x148: {  	[sflag:s16] =	ssyncset.done $0x0  }
0x149: {  	[sflag:s16] =	ssyncadd.s32 $0xFFFFD800  }
0x14a: {  	s0 =	stileid.u32;
	[bflag:$0x0] =	sbarrier.arrive $0xFFFF  }
0x14b: {  	s0 =	sshll.u32 s0, $0x6;
	s17 =	rddreg [dreg:$0x5]  }
0x14c: {  	s0 =	sor.u32 $0x1C05, s0;
	s20 =	rddreg [dreg:$0x12]  }
0x14d: {  	[hbm:s17], [sflag:s0] =	dma.local [spmem:s20], $0x820  }
0x14e: {  	_ =	swait.ge [sflag:s2], $0x820  }
0x14f: {  	[sflag:s2] =	ssyncset.done $0x0;
	s23 =	rddreg [dreg:$0x6]  }
0x150: {  	s24 =	rddreg [dreg:$0x13];
	[sflag:s2] =	ssyncadd.s32 $0xFFFFF7E0  }
0x151: {  	[hbm:s23], [sflag:s0] =	dma.local [spmem:s24], $0x820  }
0x152: {  	_ =	swait.ge [sflag:s2], $0x820  }
0x153: {  	[sflag:s2] =	ssyncset.done $0x0;
	s25 =	rddreg [dreg:$0x7]  }
0x154: {  	s26 =	rddreg [dreg:$0x14];
	[sflag:s2] =	ssyncadd.s32 $0xFFFFF7E0  }
0x155: {  	[hbm:s25], [sflag:s0] =	dma.local [spmem:s26], $0x820  }
0x156: {  	_ =	swait.ge [sflag:s2], $0x820  }
0x157: {  	[sflag:s2] =	ssyncset.done $0x0  }
0x158: {  	s17 =	sshrl.u32 @!p0 s6, $0x3;
	s20 =	rddreg [dreg:$0x8];
	[sflag:s2] =	ssyncadd.s32 $0xFFFFF7E0  }
0x159: {  	[hbm:s20], [sflag:s0] =	dma.local @!p0 [spmem:s17], $0xA0  }
0x15a: {  	s0 =	simm.s32 @!p0 $0x5  }
0x15b: {  	_ =	swait.ge @!p0 [sflag:s0], $0xA0  }
0x15c: {  	s4 =	sadd.s32 $0x1, s4;
	s31 =	rddreg [dreg:$0x9]  }
0x15d: {  	p1 =	sne.s32 s4, s31  }
.Ltmp4:
0x15e: {  	_ = 	snop;
	(pc) =	sbr.rel @p1 .LBB2_1-.Ltmp4, $3  }
0x15f: {  	_ =	sdelay $0x1  }
0x160: {  	[sflag:s0] =	ssyncset.done @!p0 $0x0  }
0x161: {  	[sflag:s0] =	ssyncadd.s32 @!p0 $0xFFFFFF60  }
0x162: {  	_ =	sfence.sel $0x180000  }
0x163: {  	[bflag:$0x0] =	sbarrier.arrive $0xFFFF  }
0x164: {  	_ =	strace $0x9000004A  }
0x165: {  	s0 =	stileid.u32;
	[bflag:$0x2] =	sbarrier.arrive $0xFFFF  }
0x166: {  	p0 =	sne.s32 s0, $0x0;
	s0 =	rddreg [dreg:$0x3]  }
0x167: {  	s0 =	sadd.s32 @!p0 $0x100000, s0  }
0x168: {  	[sflag:s0] =	ssyncadd.tile.s32 @!p0 $0x1;
	_ =	shalt  }
.Lfunc_end2:
_tile_overlayer_lowered:
.L_overlay_start_2:
0x169: {  	(tag) =	ssettag $0x2  }
0x16a: {  	s0 =	rddreg [dreg:$0x0];
	s2 =	stileid.u32  }
0x16b: {  	s1 =	rddreg [dreg:$0x1];
	p0 =	sne.s32 s2, $0x0  }
0x16c: {  	s3 =	rddreg [dreg:$0x2];
	[bflag:$0x3] =	sbarrier.arrive $0xFFFF;
	s2 =	simm.s32 @!p0 $0x1C05  }
0x16d: {  	[timem:s3], [sflag:s2] =	dma.local @!p0 [hbm:s0], s1  }
0x16e: {  	s0 =	simm.s32 @!p0 $0x5  }
0x16f: {  	_ =	swait.ge @!p0 [sflag:s0], s1  }
0x170: {  	s1 =	ssub.s32 @!p0 $0x0, s1;
	[sflag:s0] =	ssyncset.done @!p0 $0x0  }
0x171: {  	[sflag:s0] =	ssyncadd.s32 @!p0 s1  }
0x172: {  	[bflag:$0x3] =	sbarrier.arrive $0xFFFF  }
0x173: {  	_ =	shalt  }

// kernel: kernel.18.cloned.1.call-start
scs
__scs_entry_jumppad:
0x0: {  	(pc) =	sbr.rel $0x88, $3  }
0x1: {  	(tag) =	ssettag $0x0;
	lr =	simm.s32 $0x1  }
0x2: {  	[smem:$0x3F80] =	sst lr;
	_ =	strace $0xD0000000  }
0x3: {  	_ = 	snop  }
0x4: {  	_ = 	snop  }
0x5: {  	_ = 	snop  }
0x6: {  	_ = 	snop  }
0x7: {  	_ = 	snop  }
__scs_overlays_trampoline_lowered:
0x8: {  	[smem:$0x3F8F] =	sst s0  }
0x9: {  	[smem:$0x3F90] =	sst s1  }
0xa: {  	[smem:$0x3F91] =	sst s2  }
0xb: {  	[smem:$0x3F92] =	sst s3  }
0xc: {  	[smem:$0x3F93] =	sst s4  }
0xd: {  	[smem:$0x3F94] =	sst s5  }
0xe: {  	[smem:$0x3F95] =	sst s6  }
0xf: {  	[smem:$0x3F96] =	sst s7  }
0x10: {  	[smem:$0x3F97] =	sst s8  }
0x11: {  	[smem:$0x3F98] =	sst s9;
	s0 =	simm.s32 @!p0 $0x0  }
0x12: {  	s1 =	sld [smem:$0x3F7E];
	s0 =	simm.s32 @p0 $0x1  }
0x13: {  	[smem:$0x3F99] =	sst s0;
	s0 =	simm.s32 @!p1 $0x0  }
0x14: {  	s2 =	sld [smem:$0x3F7D];
	s0 =	simm.s32 @p1 $0x1  }
0x15: {  	[smem:$0x3F9A] =	sst s0;
	s0 =	simm.s32 @!p2 $0x0  }
0x16: {  	s3 =	sld [smem:$0x3FDB];
	s0 =	simm.s32 @p2 $0x1  }
0x17: {  	s4 =	simm.s32 $0x1BF5;
	[smem:$0x3F9C] =	sst s0  }
0x18: {  	s0 =	sld [smem:$0x3F7F];
	_ =	swait.ge [sflag:s4], $0x0  }
0x19: {  	s7 =	sld [smem:$0x3F80]  }
0x1a: {  	s8 =	sadd.s32 $0xFFFFE003, lr  }
0x1b: {  	s9 =	sadd.s32 $0xFFFFFEF7, lr;
	s5 =	simm.s32 $0xFFFFFFFF;
	p2 =	slt.u32 s8, $0xFFFFF086  }
0x1c: {  	p1 =	slt.u32 s9, $0xF7A;
	s5 =	simm.s32 @!p2 $0x0  }
0x1d: {  	s5 =	simm.s32 @p1 $0x1;
	p0 =	seq.s32 s7, s2  }
0x1e: {  	s7 =	smul.u32 @!p0 $0xF7A, s2;
	p2 =	seq.s32 @!p0 s5, $0x0  }
0x1f: {  	s9 =	smul.u32 $0xF7A, s1;
	s8 =	simm.s32 @!p0 $0x1BF5;
	p2 =	por !p2, p0  }
0x20: {  	[sflag:s8] =	ssyncset.s32 @!p0 $0xFFFFF086;
	s6 =	sadd.s32 @!p0 s3, s7;
	s7 =	simm.s32 @!p0 $0x108  }
0x21: {  	s3 =	sadd.s32 s3, s9;
	s6 =	sadd.s32 @!p0 $0x88, s6;
	s7 =	simm.s32 @p2 $0x1082  }
0x22: {  	[simem:s7], [sflag:s8] =	dma.local @!p0 [hbm:s6], $0xF7A  }
0x23: {  	s9 =	sor.u32 $0xD0000000, s2;
	s6 =	simm.s32 $0x108;
	_ =	swait.ge @!p0 [sflag:s8], $0x0  }
0x24: {  	s3 =	sadd.s32 $0x88, s3;
	s6 =	simm.s32 @!p1 $0x1082;
	[sflag:s4] =	ssyncset.s32 $0xFFFFF086  }
0x25: {  	[simem:s6], [sflag:s4] =	dma.local [hbm:s3], $0xF7A  }
0x26: {  	[smem:$0x3F80] =	sst s1;
	(tag) =	ssettag s2;
	_ =	strace s9  }
0x27: {  	s1 =	sld [smem:$0x3F90]  }
0x28: {  	s2 =	sld [smem:$0x3F91]  }
0x29: {  	s4 =	sld [smem:$0x3F93]  }
0x2a: {  	p0 =	seq.s32 s5, $0x0;
	s5 =	sld [smem:$0x3F94]  }
0x2b: {  	s6 =	sld [smem:$0x3F95]  }
0x2c: {  	s7 =	sld [smem:$0x3F96]  }
0x2d: {  	s3 =	simm.s32 $0x108;
	s8 =	sld [smem:$0x3F97]  }
0x2e: {  	s3 =	simm.s32 @!p0 $0x1082;
	s9 =	sld [smem:$0x3F98]  }
0x2f: {  	lr =	sadd.s32 s0, s3;
	s0 =	sld [smem:$0x3F8F]  }
0x30: {  	s3 =	sld [smem:$0x3F92]  }
0x31: {  	[smem:$0x3F9B] =	sst s10  }
0x32: {  	s10 =	sld [smem:$0x3F99];
	_ =	sdelay $0x3  }
0x33: {  	p0 =	seq.s32 s10, $0x1;
	s10 =	sld [smem:$0x3F9B];
	_ =	sdelay $0x3  }
0x34: {  	[smem:$0x3F9B] =	sst s10  }
0x35: {  	s10 =	sld [smem:$0x3F9A];
	_ =	sdelay $0x3  }
0x36: {  	p1 =	seq.s32 s10, $0x1;
	s10 =	sld [smem:$0x3F9B];
	_ =	sdelay $0x3  }
0x37: {  	[smem:$0x3F9B] =	sst s10  }
0x38: {  	s10 =	sld [smem:$0x3F9C]  }
0x39: {  	_ = 	snop;
	(pc) =	sbr.ind lr, $3  }
0x3a: {  	_ = 	snop  }
0x3b: {  	_ = 	snop  }
0x3c: {  	p2 =	seq.s32 s10, $0x1;
	s10 =	sld [smem:$0x3F9B]  }
0x3d: {  	_ =	shalt  }
0x3e: {  	_ =	shalt  }
0x3f: {  	_ =	shalt  }
0x40: {  	_ =	shalt  }
0x41: {  	_ =	shalt  }
0x42: {  	_ =	shalt  }
0x43: {  	_ =	shalt  }
0x44: {  	_ =	shalt  }
0x45: {  	_ =	shalt  }
0x46: {  	_ =	shalt  }
0x47: {  	_ =	shalt  }
0x48: {  	_ =	shalt  }
0x49: {  	_ =	shalt  }
0x4a: {  	_ =	shalt  }
0x4b: {  	_ =	shalt  }
0x4c: {  	_ =	shalt  }
0x4d: {  	_ =	shalt  }
0x4e: {  	_ =	shalt  }
0x4f: {  	_ =	shalt  }
0x50: {  	_ =	shalt  }
0x51: {  	_ =	shalt  }
0x52: {  	_ =	shalt  }
0x53: {  	_ =	shalt  }
0x54: {  	_ =	shalt  }
0x55: {  	_ =	shalt  }
0x56: {  	_ =	shalt  }
0x57: {  	_ =	shalt  }
0x58: {  	_ =	shalt  }
0x59: {  	_ =	shalt  }
0x5a: {  	_ =	shalt  }
0x5b: {  	_ =	shalt  }
0x5c: {  	_ =	shalt  }
0x5d: {  	_ =	shalt  }
0x5e: {  	_ =	shalt  }
0x5f: {  	_ =	shalt  }
0x60: {  	_ =	shalt  }
0x61: {  	_ =	shalt  }
0x62: {  	_ =	shalt  }
0x63: {  	_ =	shalt  }
0x64: {  	_ =	shalt  }
0x65: {  	_ =	shalt  }
0x66: {  	_ =	shalt  }
0x67: {  	_ =	shalt  }
0x68: {  	_ =	shalt  }
0x69: {  	_ =	shalt  }
0x6a: {  	_ =	shalt  }
0x6b: {  	_ =	shalt  }
0x6c: {  	_ =	shalt  }
0x6d: {  	_ =	shalt  }
0x6e: {  	_ =	shalt  }
0x6f: {  	_ =	shalt  }
0x70: {  	_ =	shalt  }
0x71: {  	_ =	shalt  }
0x72: {  	_ =	shalt  }
0x73: {  	_ =	shalt  }
0x74: {  	_ =	shalt  }
0x75: {  	_ =	shalt  }
0x76: {  	_ =	shalt  }
0x77: {  	_ =	shalt  }
0x78: {  	_ =	shalt  }
0x79: {  	_ =	shalt  }
0x7a: {  	_ =	shalt  }
0x7b: {  	_ =	shalt  }
0x7c: {  	_ =	shalt  }
0x7d: {  	_ =	shalt  }
0x7e: {  	_ =	shalt  }
0x7f: {  	_ =	shalt  }
0x80: {  	_ =	shalt  }
0x81: {  	_ =	shalt  }
0x82: {  	_ =	shalt  }
0x83: {  	_ =	shalt  }
0x84: {  	_ =	shalt  }
0x85: {  	_ =	shalt  }
0x86: {  	_ =	shalt  }
0x87: {  	_ =	shalt  }
.Lfunc_end0:
.L_simem_size_0:
called_computation.2_lowered:
.L_overlay_start_0:
0x88: {  	s2 =	sld [smem:$0x3FD9]  }
0x89: {  	s3 =	sld [smem:$0x3FFE];
	_ =	sdelay $0x1  }
0x8a: {  	s1 =	srdreg.scid  }
0x8b: {  	s0 =	sand.u32 $0x1, s1  }
0x8c: {  	s17 =	sshll.u32 s0, $0xA;
	s2 =	sadd.s32 s3, s2  }
0x8d: {  	s2 =	sadd.s32 s2, s17  }
0x8e: {  	[smem:$0x3FA7] =	sst s2  }
0x8f: {  	_ = 	snop  }
0x90: {  	s2 =	sld [smem:$0x3FB2];
	(tm) =	ssettm $0x1  }
0x91: {  	s18 =	sld [smem:$0x3FFB];
	_ =	sdelay $0x3  }
0x92: {  	_ =	strace s18  }
0x93: {  	s3 =	sld [smem:$0x3FFC];
	_ =	sdelay $0x3  }
0x94: {  	_ =	strace s3  }
0x95: {  	s3 =	sld [smem:$0x3FFD];
	_ =	sdelay $0x3  }
0x96: {  	_ =	strace s3  }
0x97: {  	_ =	strace $0x8FFFFFFF  }
0x98: {  	s19 =	sld [smem:$0x3FDB];
	_ =	sdelay $0x1  }
0x99: {  	s4 =	simm.s32 $_scs_section_size  }
0x9a: {  	s5 =	simm.s32 $_size__tile_overlayer_lowered;
	s6 =	simm.s32 $_tile_overlayer_lowered  }
0x9b: {  	s22 =	simm.s32 $0x1BFF;
	s21 =	sshll.u32 s6, $0x1;
	s3 =	sadd.s32 s4, s19  }
0x9c: {  	s7 =	simm.s32 $0x0;
	s20 =	sshll.u32 s5, $0x1;
	s5 =	sadd.s32 s21, s3  }
0x9d: {  	[timem:s7], [sflag:s22] =	dma.local [hbm:s5], s20  }
0x9e: {  	_ =	swait.ge [sflag:s22], s20  }
0x9f: {  	s4 =	ssub.s32 $0x0, s20;
	[sflag:s22] =	ssyncset.done $0x0  }
0xa0: {  	[sflag:s22] =	ssyncadd.s32 s4;
	_ =	sdelay $0x1  }
0xa1: {  	s23 =	simm.s32 $0x1B8B  }
0xa2: {  	_ =	swait.ge [sflag:s23], $0x1  }
0xa3: {  	[sflag:s23] =	ssyncset.done $0x0  }
0xa4: {  	s25 =	simm.s32 $0x1B8E;
	s24 =	sld [smem:$0x3FFE];
	[sflag:s23] =	ssyncadd.s32 $0xFFFFFFFF  }
0xa5: {  	s26 =	simm.s32 $execute0_lowered;
	[smem:$0x3FD2] =	sst s25  }
0xa6: {  	s5 =	sshll.u32 s26, $0x1;
	_ =	strace $0x8000004C;
	[dreg:$0x1] =	wrdreg $0xFFFFFFFF  }
0xa7: {  	s28 =	simm.s32 $_size_execute0_lowered;
	s3 =	sadd.s32 s3, s5;
	[dreg:$0x0] =	wrdreg $0x0  }
0xa8: {  	s5 =	sshll.u32 s28, $0x1;
	[dreg:$0x2] =	wrdreg s3  }
0xa9: {  	[dreg:$0x3] =	wrdreg s5  }
0xaa: {  	[dreg:$0x4] =	wrdreg $0xC0  }
0xab: {  	_ =	task [dreg:s7], $0x5FFFF  }
0xac: {  	[dreg:$0x1] =	wrdreg $0xFFFFFFFF  }
0xad: {  	[dreg:$0x0] =	wrdreg $0x60  }
0xae: {  	[dreg:$0x2] =	wrdreg s24  }
0xaf: {  	[dreg:$0x3] =	wrdreg s2  }
0xb0: {  	[dreg:$0x4] =	wrdreg $0x0  }
0xb1: {  	[dreg:$0x5] =	wrdreg $0x9  }
0xb2: {  	_ =	task.clear_ibuf [dreg:s7], $0x6FFFF;
	_ =	strace $0x9000004C  }
0xb3: {  	s29 =	simm.s32 $0x9;
	_ =	strace $0x8000004E  }
0xb4: {  	_ =	swait.ge [sflag:s29], $0x1  }
0xb5: {  	[sflag:s29] =	ssyncadd.s32 $0xFFFFFFFF  }
0xb6: {  	_ =	strace $0x9000004E  }
0xb7: {  	_ =	sfence  }
0xb8: {  	s30 =	sld [smem:$0x0];
	_ =	sdelay $0x2  }
0xb9: {  	s31 =	sshll.u32 s1, $0xD;
	s1 =	sshrl.u32 s1, $0x2  }
0xba: {  	s3 =	sand.u32 $0x4000, s31;
	s1 =	sadd.s32 s1, s30  }
0xbb: {  	s0 =	sor.u32 s3, s0;
	s1 =	sshll.u32 s1, $0x11  }
0xbc: {  	s0 =	sor.u32 s1, s0  }
0xbd: {  	s0 =	sadd.s32 $0x8F2B, s0  }
0xbe: {  	[sflag:s0] =	ssyncadd.remote.s32 $0x1  }
0xbf: {  	_ =	sfence.sel $0xFFFF  }
0xc0: {  	[dreg:$0x0] =	wrdreg $0xFFFFFFFF;
	(pc) =	sbr.abs _section_cstart, $3  }
0xc1: {  	[dreg:$0x1] =	wrdreg $0xFFFFFFFF  }
0xc2: {  	_ =	task.clear_ibuf [dreg:s7], $0x2FFFF;
	_ =	strace $0x9FFFFFFF  }
0xc3: {  	(tm) =	ssettm $0x7FFFFFFF  }
tec
execute0_lowered:
.L_overlay_start_1:
0x0: {  	(tag) =	ssettag $0x1  }
0x1: {  	s0 =	srdreg.scid  }
0x2: {  	s1 =	rddreg [dreg:$0x0];
	s13 =	stileid.u32  }
0x3: {  	s3 =	rddreg [dreg:$0x2];
	s8 =	smul.u32 $0x7500, s13  }
0x4: {  	s4 =	simm.s32 $0x0;
	s0 =	sand.u32 $0x1, s0;
	s12 =	smul.u32 $0x1D400, s13  }
0x5: {  	[smem:$0x7FF] =	sst s4;
	s5 =	sadd.s32 $0x4A00, s1;
	s19 =	smul.u32 $0x2900, s13  }
0x6: {  	p0 =	sne.s32 s13, $0xF;
	s2 =	sshll.u32 s0, $0x4;
	s7 =	smul.u32 $0x75300, s0  }
0x7: {  	_ =	strace $0x8000004D;
	s6 =	ssub.s32 $0x2, s0;
	s0 =	smul.u32 $0x29000, s0  }
0x8: {  	s2 =	sor.u32 s13, s2;
	s9 =	sshrl.u32 s6, $0x1;
	s11 =	sadd.s32 $0x2700, s8  }
0x9: {  	s26 =	sadd.s32 s8, s3;
	s12 =	sshrl.u32 s12, $0x2;
	s13 =	simm.s32 $0x3  }
0xa: {  	s2 =	smul.u32 $0xA40, s2;
	s9 =	ssub.s32 s6, s9;
	s10 =	sadd.s32 s8, s7  }
0xb: {  	s6 =	sadd.s32 $0x75000, s3;
	s25 =	sadd.s32 s7, s11;
	s8 =	sadd.s32 $0x4E00, s8  }
0xc: {  	s11 =	sadd.s32 s11, s3;
	s12 =	sadd.s32 s12, s3;
	s19 =	sadd.s32 s19, s0  }
0xd: {  	s0 =	simm.s32 $0x7530;
	s10 =	sshrl.u32 s10, $0x3;
	s31 =	sadd.s32 s7, s8  }
0xe: {  	s7 =	sshrl.u32 s7, $0x3;
	s14 =	sadd.s32 s8, s3;
	s15 =	smax.u32 s9, $0x1  }
0xf: {  	s16 =	sadd.s32 $0x900, s12;
	s17 =	sadd.s32 $0x1200, s12;
	[dreg:$0x9] =	wrdreg s15  }
0x10: {  	s18 =	sadd.s32 $0x1B00, s12;
	s20 =	sadd.s32 $0x2D00, s12;
	[dreg:$0xa] =	wrdreg s16  }
0x11: {  	s21 =	sadd.s32 $0x3600, s12;
	s22 =	sadd.s32 $0x3F00, s12;
	[dreg:$0xb] =	wrdreg s17  }
0x12: {  	s23 =	sadd.s32 $0x4800, s12;
	s28 =	sadd.s32 $0x5A00, s12;
	[dreg:$0xc] =	wrdreg s18  }
0x13: {  	s29 =	sadd.s32 $0x6300, s12;
	s30 =	sadd.s32 $0x6C00, s12;
	[dreg:$0xe] =	wrdreg s20  }
0x14: {  	s8 =	simm.s32 $0xF830;
	s9 =	simm.s32 $0x11030;
	[dreg:$0xf] =	wrdreg s21  }
0x15: {  	s2 =	sadd.s32 s2, s1;
	s1 =	sadd.s32 $0x22000, s1;
	[dreg:$0x10] =	wrdreg s22  }
0x16: {  	[dreg:$0x11] =	wrdreg s23;
	s18 =	sor.u32 $0x80, s19;
	s2 =	sadd.s32 $0x71200, s2  }
0x17: {  	s15 =	simm.s32 $0xC7B0;
	s24 =	sadd.s32 s1, s10;
	[dreg:$0x4] =	wrdreg s2  }
0x18: {  	s16 =	simm.s32 $0x4;
	[dreg:$0x5] =	wrdreg s24;
	s24 =	sshrl.u32 s26, $0x3  }
0x19: {  	s2 =	sshrl.u32 s25, $0x3;
	s25 =	sshrl.u32 s11, $0x3;
	[dreg:$0x12] =	wrdreg s24  }
0x1a: {  	s10 =	simm.s32 $0x1;
	s26 =	sshrl.u32 s14, $0x3;
	[dreg:$0x13] =	wrdreg s25  }
0x1b: {  	s11 =	simm.s32 $0xC730;
	s2 =	sadd.s32 s1, s2;
	[dreg:$0x14] =	wrdreg s26  }
0x1c: {  	[dreg:$0x6] =	wrdreg s2;
	s2 =	sshrl.u32 s31, $0x3;
	s31 =	sadd.s32 $0x5100, s12  }
0x1d: {  	s2 =	sadd.s32 s1, s2;
	s1 =	sadd.s32 s1, s7;
	[dreg:$0x15] =	wrdreg s31  }
0x1e: {  	s14 =	simm.s32 $0x2;
	[dreg:$0x7] =	wrdreg s2;
	s1 =	sadd.s32 $0xEA00, s1  }
0x1f: {  	s7 =	simm.s32 $0x80;
	s2 =	sadd.s32 $0x2400, s12;
	[dreg:$0x8] =	wrdreg s1  }
0x20: {  	v0 =	vimm.f32 $0.0e+00;
	[dreg:$0xd] =	wrdreg s2;
	s1 =	simm.s32 $0xC830;
	s2 =	simm.s32 $0x5  }
.LBB2_1:
0x21: {  	s17 =	simm.s32 $0xC0;
	s20 =	simm.s32 $0x0  }
.LBB2_2:
0x22: {  	p1 =	sne.s32 s17, $0x2340;
	[tilespmem:s20+$0xC850] =	vst v0;
	s21 =	smov.u32 s17;
	s17 =	sadd.s32 $0xC0, s17  }
.Ltmp0:
0x23: {  	[tilespmem:s20+$0xC830] =	vst v0;
	(pc) =	sbr.rel @p1 .LBB2_2-.Ltmp0, $2  }
0x24: {  	[tilespmem:s20+$0xC840] =	vst v0;
	_ =	sdelay $0x2  }
0x25: {  	s20 =	sshra.s32 s21, $0x2  }
0x26: {  	[tilespmem:s20+$0xC850] =	vst v0  }
0x27: {  	[tilespmem:s20+$0xC830] =	vst v0  }
0x28: {  	[tilespmem:s20+$0xC840] =	vst v0  }
0x29: {  	[spmem:s12] =	stream.linear.scatter [tilespmem:s1], [sflag:$0x5], $0x900, $0x38;
	[tilespmem:$0x12850] =	vst v63  }
0x2a: {  	_ =	swait.ge [sflag:s2], $0x900  }
0x2b: {  	[sflag:s2] =	ssyncset.done $0x0  }
0x2c: {  	s17 =	rddreg [dreg:$0xa];
	[sflag:s2] =	ssyncadd.s32 $0xFFFFF700  }
0x2d: {  	[spmem:s17] =	stream.linear.scatter [tilespmem:s1], [sflag:$0x5], $0x900, $0x38;
	[tilespmem:$0x12850] =	vst v63  }
0x2e: {  	_ =	swait.ge [sflag:s2], $0x900  }
0x2f: {  	[sflag:s2] =	ssyncset.done $0x0  }
0x30: {  	s22 =	rddreg [dreg:$0xb];
	[sflag:s2] =	ssyncadd.s32 $0xFFFFF700  }
0x31: {  	[spmem:s22] =	stream.linear.scatter [tilespmem:s1], [sflag:$0x5], $0x900, $0x38;
	[tilespmem:$0x12850] =	vst v63  }
0x32: {  	_ =	swait.ge [sflag:s2], $0x900  }
0x33: {  	[sflag:s2] =	ssyncset.done $0x0  }
0x34: {  	s23 =	rddreg [dreg:$0xc];
	[sflag:s2] =	ssyncadd.s32 $0xFFFFF700  }
0x35: {  	[spmem:s23] =	stream.linear.scatter [tilespmem:s1], [sflag:$0x5], $0x900, $0x38;
	[tilespmem:$0x12850] =	vst v63  }
0x36: {  	_ =	swait.ge [sflag:s2], $0x900  }
0x37: {  	[sflag:s2] =	ssyncset.done $0x0  }
0x38: {  	s24 =	rddreg [dreg:$0xd];
	[sflag:s2] =	ssyncadd.s32 $0xFFFFF700  }
0x39: {  	[spmem:s24] =	stream.linear.scatter [tilespmem:s1], [sflag:$0x5], $0x900, $0x38;
	[tilespmem:$0x12850] =	vst v63  }
0x3a: {  	_ =	swait.ge [sflag:s2], $0x900  }
0x3b: {  	[sflag:s2] =	ssyncset.done $0x0  }
0x3c: {  	s25 =	rddreg [dreg:$0xe];
	[sflag:s2] =	ssyncadd.s32 $0xFFFFF700  }
0x3d: {  	[spmem:s25] =	stream.linear.scatter [tilespmem:s1], [sflag:$0x5], $0x900, $0x38;
	[tilespmem:$0x12850] =	vst v63  }
0x3e: {  	_ =	swait.ge [sflag:s2], $0x900  }
0x3f: {  	[sflag:s2] =	ssyncset.done $0x0  }
0x40: {  	s26 =	rddreg [dreg:$0xf];
	[sflag:s2] =	ssyncadd.s32 $0xFFFFF700  }
0x41: {  	[spmem:s26] =	stream.linear.scatter [tilespmem:s1], [sflag:$0x5], $0x900, $0x38;
	[tilespmem:$0x12850] =	vst v63  }
0x42: {  	_ =	swait.ge [sflag:s2], $0x900  }
0x43: {  	[sflag:s2] =	ssyncset.done $0x0  }
0x44: {  	s20 =	rddreg [dreg:$0x10];
	[sflag:s2] =	ssyncadd.s32 $0xFFFFF700  }
0x45: {  	[spmem:s20] =	stream.linear.scatter [tilespmem:s1], [sflag:$0x5], $0x900, $0x38;
	[tilespmem:$0x12850] =	vst v63  }
0x46: {  	_ =	swait.ge [sflag:s2], $0x900  }
0x47: {  	[sflag:s2] =	ssyncset.done $0x0  }
0x48: {  	s21 =	rddreg [dreg:$0x11];
	[sflag:s2] =	ssyncadd.s32 $0xFFFFF700  }
0x49: {  	[spmem:s21] =	stream.linear.scatter [tilespmem:s1], [sflag:$0x5], $0x900, $0x38;
	[tilespmem:$0x12850] =	vst v63  }
0x4a: {  	_ =	swait.ge [sflag:s2], $0x900  }
0x4b: {  	[sflag:s2] =	ssyncset.done $0x0  }
0x4c: {  	s22 =	rddreg [dreg:$0x15];
	[sflag:s2] =	ssyncadd.s32 $0xFFFFF700  }
0x4d: {  	[spmem:s22] =	stream.linear.scatter [tilespmem:s1], [sflag:$0x5], $0x900, $0x38;
	[tilespmem:$0x12850] =	vst v63  }
0x4e: {  	_ =	swait.ge [sflag:s2], $0x900  }
0x4f: {  	[sflag:s2] =	ssyncset.done $0x0  }
0x50: {  	[sflag:s2] =	ssyncadd.s32 $0xFFFFF700  }
0x51: {  	[spmem:s28] =	stream.linear.scatter [tilespmem:s1], [sflag:$0x5], $0x900, $0x38;
	[tilespmem:$0x12850] =	vst v63  }
0x52: {  	_ =	swait.ge [sflag:s2], $0x900  }
0x53: {  	[sflag:s2] =	ssyncset.done $0x0  }
0x54: {  	[sflag:s2] =	ssyncadd.s32 $0xFFFFF700  }
0x55: {  	[spmem:s29] =	stream.linear.scatter [tilespmem:s1], [sflag:$0x5], $0x900, $0x38;
	[tilespmem:$0x12850] =	vst v63  }
0x56: {  	_ =	swait.ge [sflag:s2], $0x900  }
0x57: {  	[sflag:s2] =	ssyncset.done $0x0  }
0x58: {  	[sflag:s2] =	ssyncadd.s32 $0xFFFFF700  }
0x59: {  	[spmem:s30] =	stream.linear.scatter [tilespmem:s1], [sflag:$0x5], $0x900, $0x38;
	[tilespmem:$0x12850] =	vst v63  }
0x5a: {  	_ =	swait.ge [sflag:s2], $0x900  }
0x5b: {  	[sflag:s2] =	ssyncset.done $0x0  }
0x5c: {  	s17 =	simm.s32 @!p0 $0xC830;
	[sflag:s2] =	ssyncadd.s32 $0xFFFFF700  }
0x5d: {  	[spmem:s6] =	stream.linear.scatter @!p0 [tilespmem:s17], [sflag:$0x5], $0x300, $0x38;
	[tilespmem:$0x12850] =	vst v63  }
0x5e: {  	s17 =	simm.s32 @!p0 $0x5  }
0x5f: {  	_ =	swait.ge @!p0 [sflag:s17], $0x300  }
0x60: {  	[sflag:s17] =	ssyncset.done @!p0 $0x0  }
0x61: {  	[sflag:s17] =	ssyncadd.s32 @!p0 $0xFFFFFD00  }
0x62: {  	[bflag:$0x0] =	sbarrier.arrive $0xFFFF  }
0x63: {  	s21 =	simm.s32 $0x12830;
	s17 =	simm.s32 $0x0;
	s23 =	rddreg [dreg:$0x1]  }
0x64: {  	[tilespmem:s21], [sflag:$0x5] =	stream.linear.gather [hbm4b:s23+s17], $0x20, $0x38;
	[tilespmem:$0x12850] =	vst v63  }
0x65: {  	_ =	swait.ge [sflag:s2], $0x20  }
0x66: {  	[sflag:s2] =	ssyncset.done $0x0  }
0x67: {  	s24 =	rddreg [dreg:$0x4];
	[sflag:s2] =	ssyncadd.s32 $0xFFFFFFE0  }
0x68: {  	[tilespmem:s0], [sflag:$0x5] =	stream.linear.gather [hbm4b:s24+s17], $0x5200, $0x38;
	[tilespmem:$0x12850] =	vst v63  }
0x69: {  	_ =	swait.ge [sflag:s2], $0x5200  }
0x6a: {  	[sflag:s2] =	ssyncset.done $0x0  }
0x6b: {  	[sflag:s2] =	ssyncadd.s32 $0xFFFFAE00  }
0x6c: {  	s31 =	smov.u32 s18;
	v1 =	vld [tilespmem:$0x12830]  }
0x6d: {  	v2 =	vld [tilespmem:$0x12840];
	[tilespmem:s1], [sflag:$0x1] =	stream.indirect.gather [hbm4b:s5+s7], $0x30, s0, s7, $0xb8  }
0x6e: {  	s25 =	simm.s32 $0x75B0;
	s26 =	simm.s32 $0xE030;
	s21 =	smov.u32 s19  }
0x6f: {  	[tilespmem:s26], [sflag:$0x1] =	stream.indirect.gather [hbm4b:s5+s7], $0x30, s25, s7, $0xb8;
	[tilespmem:$0x12850] =	vst v63  }
.LBB2_4:
0x70: {  	s20 =	sshll.u32 s17, $0x1;
	p1 =	seq.s32 s17, $0x0  }
0x71: {  	s22 =	simm.s32 @!p1 $0x4;
	s20 =	sshll.u32 s20, $0x8  }
0x72: {  	_ =	swait.ge @!p1 [sflag:s22], $0x1800;
	s20 =	sor.u32 $0x100, s20  }
0x73: {  	[sflag:s22] =	ssyncset.done @!p1 $0x0;
	s20 =	sand.u32 $0x3FFFFF00, s20  }
0x74: {  	[sflag:s22] =	ssyncadd.s32 @!p1 $0xFFFFE800;
	s24 =	sadd.s32 $0x7530, s20  }
0x75: {  	[tilespmem:s8], [sflag:$0x2] =	stream.indirect.gather [hbm4b:s5+s7], $0x30, s24, s7, $0xb8;
	[tilespmem:$0x12850] =	vst v63  }
0x76: {  	s25 =	sadd.s32 $0x75B0, s20  }
0x77: {  	[tilespmem:s9], [sflag:$0x2] =	stream.indirect.gather [hbm4b:s5+s7], $0x30, s25, s7, $0xb8;
	[tilespmem:$0x12850] =	vst v63  }
0x78: {  	_ =	swait.ge [sflag:s10], $0x1800  }
0x79: {  	[sflag:s10] =	ssyncset.done $0x0  }
0x7a: {  	[sflag:s10] =	ssyncadd.s32 $0xFFFFE800  }
0x7b: {  	_ =	swait.ge [sflag:s10], $0x1800  }
0x7c: {  	s26 =	sshll.u32 s17, $0x9;
	[sflag:s10] =	ssyncset.done $0x0  }
0x7d: {  	s22 =	sand.u32 $0x3FFFFE00, s26;
	[sflag:s10] =	ssyncadd.s32 $0xFFFFE800  }
0x7e: {  	v3 =	vld [tilespmem:s22+$0x75B0];
	_ =	sdelay $0x4  }
0x7f: {  	v3 =	vadd.s32 $0xFFFFD8F0, v3  }
0x80: {  	[tilespmem:$0xC730] =	vst v3  }
0x81: {  	v3 =	vld [tilespmem:s22+$0x75C0];
	_ =	sdelay $0x4  }
0x82: {  	v3 =	vadd.s32 $0xFFFFD8F0, v3  }
0x83: {  	[tilespmem:$0xC740] =	vst v3  }
0x84: {  	v3 =	vld [tilespmem:s22+$0x75D0];
	_ =	sdelay $0x4  }
0x85: {  	v3 =	vadd.s32 $0xFFFFD8F0, v3  }
0x86: {  	[tilespmem:$0xC750] =	vst v3  }
0x87: {  	v3 =	vld [tilespmem:s22+$0x75E0];
	_ =	sdelay $0x4  }
0x88: {  	v3 =	vadd.s32 $0xFFFFD8F0, v3  }
0x89: {  	[tilespmem:$0xC760] =	vst v3  }
0x8a: {  	v3 =	vld [tilespmem:s22+$0x75F0];
	_ =	sdelay $0x4  }
0x8b: {  	v3 =	vadd.s32 $0xFFFFD8F0, v3  }
0x8c: {  	[tilespmem:$0xC770] =	vst v3  }
0x8d: {  	v3 =	vld [tilespmem:s22+$0x7600];
	_ =	sdelay $0x4  }
0x8e: {  	v3 =	vadd.s32 $0xFFFFD8F0, v3  }
0x8f: {  	[tilespmem:$0xC780] =	vst v3  }
0x90: {  	v3 =	vld [tilespmem:s22+$0x7610];
	_ =	sdelay $0x4  }
0x91: {  	v3 =	vadd.s32 $0xFFFFD8F0, v3  }
0x92: {  	[tilespmem:$0xC790] =	vst v3  }
0x93: {  	v3 =	vld [tilespmem:s22+$0x7620];
	_ =	sdelay $0x4  }
0x94: {  	v3 =	vadd.s32 $0xFFFFD8F0, v3  }
0x95: {  	s23 =	simm.s32 $0xC830;
	[tilespmem:$0xC7A0] =	vst v3  }
0x96: {  	v3 =	vld [tilespmem:s23+$0x1810]  }
0x97: {  	v4 =	vld [tilespmem:s23+$0x1800]  }
0x98: {  	v5 =	vld [tilespmem:s23+$0x10]  }
0x99: {  	v6 =	vld [tilespmem:s23+$0x0];
	_ =	sdelay $0x4  }
0x9a: {  	v3 =	vadd.f32 v3, v5;
	v4 =	vadd.f32 v4, v6;
	_ =	sdelay $0x1  }
0x9b: {  	v7 =	vmul.f32 $2.000000030e-01, v3;
	v8 =	vmul.f32 $2.000000030e-01, v4;
	_ =	sdelay $0x1  }
0x9c: {  	v3 =	vmax.f32 v3, v7;
	v4 =	vmax.f32 v4, v8  }
0x9d: {  	v3 =	vmul.f32 v3, v2;
	v4 =	vmul.f32 v4, v1;
	_ =	sdelay $0x1  }
0x9e: {  	v3 =	vadd.f32 $0.0e+00, v3;
	v4 =	vadd.f32 $0.0e+00, v4;
	_ =	sdelay $0x1  }
0x9f: {  	v3 =	vadd.f32 v3, v4;
	_ =	sdelay $0x1  }
0xa0: {  	(xrf2) =	vadd.scan.msk.f32 $0xffff, v3;
	_ =	sdelay $0x7  }
0xa1: {  	v3 =	vld [tilespmem:s23+$0x1820];
	_ =	sdelay $0x1  }
0xa2: {  	v4, _, _ =	vpop (xrf2)  }
0xa3: {  	v4 =	vbroadcast v4, $0xF;
	_ =	sdelay $0x1  }
0xa4: {  	v3 =	vsub.f32 v4, v3;
	_ =	sdelay $0x1  }
0xa5: {  	v3 =	vmax.f32 v3, $-6.000000000e+01  }
0xa6: {  	v3 =	vmin.f32 v3, $6.000000000e+01  }
0xa7: {  	v3 =	vmul.f32 $1.442695020e+00, v3;
	_ =	sdelay $0x1  }
0xa8: {  	(erf) = vpow2.f32 v3;
	_ =	sdelay $0x7  }
0xa9: {  	s24 =	sadd.s32 $0x0, s21  }
0xaa: {  	p6 =	slt.s32 s24, $0x50910;
	v3 =	vpop (erf)  }
0xab: {  	v7 =	vpsel !p6, $0x0, v3  }
0xac: {  	s24 =	simm.s32 $0x1;
	s25 =	simm.s32 $0xC860;
	v3 =	vmul.f32 v7, v6;
	v4 =	vmul.f32 v7, v5;
	[tilespmem:s23+$0x20] =	vst v7  }
.LBB2_5:
0xad: {  	v5 =	vld [tilespmem:s25+$0x1810];
	p1 =	sne.s32 s24, $0x7F;
	s26 =	smov.u32 s24;
	s24 =	sadd.s32 $0x1, s24  }
0xae: {  	v6 =	vld [tilespmem:s25+$0x1800];
	[tilespmem:s23+$0x10] =	vst v4  }
0xaf: {  	v4 =	vld [tilespmem:s25+$0x10];
	[tilespmem:s23+$0x0] =	vst v3;
	s23 =	smov.u32 s25  }
0xb0: {  	v3 =	vld [tilespmem:s25+$0x0];
	_ =	sdelay $0x3  }
0xb1: {  	v5 =	vadd.f32 v5, v4  }
0xb2: {  	v6 =	vadd.f32 v6, v3  }
0xb3: {  	v7 =	vmul.f32 $2.000000030e-01, v5  }
0xb4: {  	v8 =	vmul.f32 $2.000000030e-01, v6  }
0xb5: {  	v5 =	vmax.f32 v5, v7  }
0xb6: {  	v6 =	vmax.f32 v6, v8;
	v5 =	vmul.f32 v5, v2  }
0xb7: {  	v6 =	vmul.f32 v6, v1  }
0xb8: {  	v5 =	vadd.f32 $0.0e+00, v5  }
0xb9: {  	v6 =	vadd.f32 $0.0e+00, v6;
	_ =	sdelay $0x1  }
0xba: {  	v5 =	vadd.f32 v5, v6;
	_ =	sdelay $0x1  }
0xbb: {  	(xrf2) =	vadd.scan.msk.f32 $0xffff, v5;
	_ =	sdelay $0x6  }
0xbc: {  	v5 =	vld [tilespmem:s25+$0x1820];
	_ =	sdelay $0x2  }
0xbd: {  	v6, _, _ =	vpop (xrf2)  }
0xbe: {  	v6 =	vbroadcast v6, $0xF;
	_ =	sdelay $0x1  }
0xbf: {  	v5 =	vsub.f32 v6, v5;
	_ =	sdelay $0x1  }
0xc0: {  	v5 =	vmax.f32 v5, $-6.000000000e+01  }
0xc1: {  	v5 =	vmin.f32 v5, $6.000000000e+01  }
0xc2: {  	v5 =	vmul.f32 $1.442695020e+00, v5;
	_ =	sdelay $0x1  }
0xc3: {  	(erf) = vpow2.f32 v5;
	_ =	sdelay $0x6  }
.Ltmp1:
0xc4: {  	s26 =	sadd.s32 s26, s21;
	(pc) =	sbr.rel @p1 .LBB2_5-.Ltmp1, $4  }
0xc5: {  	p2 =	slt.s32 s26, $0x50910  }
0xc6: {  	v5 =	vpop (erf)  }
0xc7: {  	v5 =	vpsel !p2, $0x0, v5  }
0xc8: {  	s25 =	sadd.s32 $0x30, s25;
	v3 =	vmul.f32 v5, v3;
	v4 =	vmul.f32 v5, v4;
	[tilespmem:s23+$0x20] =	vst v5  }
0xc9: {  	_ = 	snop  }
0xca: {  	[tilespmem:s23+$0x10] =	vst v4  }
0xcb: {  	[tilespmem:s23+$0x0] =	vst v3  }
0xcc: {  	[spmem:s3] =	stream.indirect.scatter.add.f32 [tilespmem:s1], [sflag:$0x3], $0x30, s11, s7, $0xb8;
	[tilespmem:$0x12850] =	vst v63  }
0xcd: {  	p1 =	seq.s32 s17, $0x28;
	_ =	swait.ge [sflag:s13], $0x1800  }
0xce: {  	s23 =	sadd.s32 @!p1 $0x7730, s22;
	[sflag:s13] =	ssyncset.done $0x0  }
0xcf: {  	s24 =	simm.s32 @!p1 $0x80;
	s25 =	simm.s32 @!p1 $0xC830;
	[sflag:s13] =	ssyncadd.s32 $0xFFFFE800  }
0xd0: {  	[tilespmem:s25], [sflag:$0x1] =	stream.indirect.gather @!p1 [hbm4b:s5+s24], $0x30, s23, s24, $0xb8;
	[tilespmem:$0x12850] =	vst v63  }
0xd1: {  	s22 =	sadd.s32 @!p1 $0x77B0, s22;
	s23 =	simm.s32 @!p1 $0xE030  }
0xd2: {  	[tilespmem:s23], [sflag:$0x1] =	stream.indirect.gather @!p1 [hbm4b:s5+s24], $0x30, s22, s24, $0xb8;
	[tilespmem:$0x12850] =	vst v63  }
0xd3: {  	_ =	swait.ge [sflag:s14], $0x1800  }
0xd4: {  	[sflag:s14] =	ssyncset.done $0x0  }
0xd5: {  	[sflag:s14] =	ssyncadd.s32 $0xFFFFE800  }
0xd6: {  	_ =	swait.ge [sflag:s14], $0x1800  }
0xd7: {  	[sflag:s14] =	ssyncset.done $0x0  }
0xd8: {  	[sflag:s14] =	ssyncadd.s32 $0xFFFFE800  }
0xd9: {  	v3 =	vld [tilespmem:s20+$0x75B0];
	_ =	sdelay $0x4  }
0xda: {  	v3 =	vadd.s32 $0xFFFFD8F0, v3  }
0xdb: {  	[tilespmem:$0xC7B0] =	vst v3  }
0xdc: {  	v3 =	vld [tilespmem:s20+$0x75C0];
	_ =	sdelay $0x4  }
0xdd: {  	v3 =	vadd.s32 $0xFFFFD8F0, v3  }
0xde: {  	[tilespmem:$0xC7C0] =	vst v3  }
0xdf: {  	v3 =	vld [tilespmem:s20+$0x75D0];
	_ =	sdelay $0x4  }
0xe0: {  	v3 =	vadd.s32 $0xFFFFD8F0, v3  }
0xe1: {  	[tilespmem:$0xC7D0] =	vst v3  }
0xe2: {  	v3 =	vld [tilespmem:s20+$0x75E0];
	_ =	sdelay $0x4  }
0xe3: {  	v3 =	vadd.s32 $0xFFFFD8F0, v3  }
0xe4: {  	[tilespmem:$0xC7E0] =	vst v3  }
0xe5: {  	v3 =	vld [tilespmem:s20+$0x75F0];
	_ =	sdelay $0x4  }
0xe6: {  	v3 =	vadd.s32 $0xFFFFD8F0, v3  }
0xe7: {  	[tilespmem:$0xC7F0] =	vst v3  }
0xe8: {  	v3 =	vld [tilespmem:s20+$0x7600];
	_ =	sdelay $0x4  }
0xe9: {  	v3 =	vadd.s32 $0xFFFFD8F0, v3  }
0xea: {  	[tilespmem:$0xC800] =	vst v3  }
0xeb: {  	v3 =	vld [tilespmem:s20+$0x7610];
	_ =	sdelay $0x4  }
0xec: {  	v3 =	vadd.s32 $0xFFFFD8F0, v3  }
0xed: {  	[tilespmem:$0xC810] =	vst v3  }
0xee: {  	v3 =	vld [tilespmem:s20+$0x7620];
	_ =	sdelay $0x4  }
0xef: {  	v3 =	vadd.s32 $0xFFFFD8F0, v3  }
0xf0: {  	s20 =	simm.s32 $0x11050;
	[tilespmem:$0xC820] =	vst v3  }
0xf1: {  	v3 =	vld [tilespmem:s20+$0xFFFFFFF0]  }
0xf2: {  	v4 =	vld [tilespmem:s20+$0xFFFFFFE0]  }
0xf3: {  	v5 =	vld [tilespmem:s20+$0xFFFFE7F0]  }
0xf4: {  	v6 =	vld [tilespmem:s20+$0xFFFFE7E0];
	_ =	sdelay $0x4  }
0xf5: {  	v3 =	vadd.f32 v3, v5;
	v4 =	vadd.f32 v4, v6;
	_ =	sdelay $0x1  }
0xf6: {  	v7 =	vmul.f32 $2.000000030e-01, v3;
	v8 =	vmul.f32 $2.000000030e-01, v4;
	_ =	sdelay $0x1  }
0xf7: {  	v3 =	vmax.f32 v3, v7;
	v4 =	vmax.f32 v4, v8  }
0xf8: {  	v3 =	vmul.f32 v3, v2;
	v4 =	vmul.f32 v4, v1;
	_ =	sdelay $0x1  }
0xf9: {  	v3 =	vadd.f32 $0.0e+00, v3;
	v4 =	vadd.f32 $0.0e+00, v4;
	_ =	sdelay $0x1  }
0xfa: {  	v3 =	vadd.f32 v3, v4;
	_ =	sdelay $0x1  }
0xfb: {  	(xrf2) =	vadd.scan.msk.f32 $0xffff, v3;
	_ =	sdelay $0x7  }
0xfc: {  	v3 =	vld [tilespmem:s20+$0x0];
	_ =	sdelay $0x1  }
0xfd: {  	v4, _, _ =	vpop (xrf2)  }
0xfe: {  	v4 =	vbroadcast v4, $0xF;
	_ =	sdelay $0x1  }
0xff: {  	v3 =	vsub.f32 v4, v3;
	_ =	sdelay $0x1  }
0x100: {  	v3 =	vmax.f32 v3, $-6.000000000e+01  }
0x101: {  	v3 =	vmin.f32 v3, $6.000000000e+01  }
0x102: {  	v3 =	vmul.f32 $1.442695020e+00, v3;
	_ =	sdelay $0x1  }
0x103: {  	(erf) = vpow2.f32 v3;
	_ =	sdelay $0x7  }
0x104: {  	s26 =	sadd.s32 $0x0, s31  }
0x105: {  	p6 =	slt.s32 s26, $0x50910;
	v3 =	vpop (erf)  }
0x106: {  	v7 =	vpsel !p6, $0x0, v3  }
0x107: {  	s22 =	simm.s32 $0x1;
	s23 =	simm.s32 $0x11080;
	v3 =	vmul.f32 v7, v6;
	v4 =	vmul.f32 v7, v5;
	[tilespmem:s20+$0xFFFFE800] =	vst v7  }
.LBB2_7:
0x108: {  	v5 =	vld [tilespmem:s23+$0xFFFFFFF0];
	p1 =	sne.s32 s22, $0x7F;
	s24 =	smov.u32 s22;
	s22 =	sadd.s32 $0x1, s22  }
0x109: {  	v6 =	vld [tilespmem:s23+$0xFFFFFFE0];
	[tilespmem:s20+$0xFFFFE7F0] =	vst v4  }
0x10a: {  	v4 =	vld [tilespmem:s23+$0xFFFFE7F0];
	[tilespmem:s20+$0xFFFFE7E0] =	vst v3;
	s20 =	smov.u32 s23  }
0x10b: {  	v3 =	vld [tilespmem:s23+$0xFFFFE7E0];
	_ =	sdelay $0x3  }
0x10c: {  	v5 =	vadd.f32 v5, v4  }
0x10d: {  	v6 =	vadd.f32 v6, v3  }
0x10e: {  	v7 =	vmul.f32 $2.000000030e-01, v5  }
0x10f: {  	v8 =	vmul.f32 $2.000000030e-01, v6  }
0x110: {  	v5 =	vmax.f32 v5, v7  }
0x111: {  	v6 =	vmax.f32 v6, v8;
	v5 =	vmul.f32 v5, v2  }
0x112: {  	v6 =	vmul.f32 v6, v1  }
0x113: {  	v5 =	vadd.f32 $0.0e+00, v5  }
0x114: {  	v6 =	vadd.f32 $0.0e+00, v6;
	_ =	sdelay $0x1  }
0x115: {  	v5 =	vadd.f32 v5, v6;
	_ =	sdelay $0x1  }
0x116: {  	(xrf2) =	vadd.scan.msk.f32 $0xffff, v5;
	_ =	sdelay $0x6  }
0x117: {  	v5 =	vld [tilespmem:s23+$0x0];
	_ =	sdelay $0x2  }
0x118: {  	v6, _, _ =	vpop (xrf2)  }
0x119: {  	v6 =	vbroadcast v6, $0xF;
	_ =	sdelay $0x1  }
0x11a: {  	v5 =	vsub.f32 v6, v5;
	_ =	sdelay $0x1  }
0x11b: {  	v5 =	vmax.f32 v5, $-6.000000000e+01  }
0x11c: {  	v5 =	vmin.f32 v5, $6.000000000e+01  }
0x11d: {  	v5 =	vmul.f32 $1.442695020e+00, v5;
	_ =	sdelay $0x1  }
0x11e: {  	(erf) = vpow2.f32 v5;
	_ =	sdelay $0x6  }
.Ltmp2:
0x11f: {  	s24 =	sadd.s32 s24, s31;
	(pc) =	sbr.rel @p1 .LBB2_7-.Ltmp2, $4  }
0x120: {  	p2 =	slt.s32 s24, $0x50910  }
0x121: {  	v5 =	vpop (erf)  }
0x122: {  	v5 =	vpsel !p2, $0x0, v5  }
0x123: {  	s23 =	sadd.s32 $0x30, s23;
	v3 =	vmul.f32 v5, v3;
	v4 =	vmul.f32 v5, v4;
	[tilespmem:s20+$0xFFFFE800] =	vst v5  }
0x124: {  	s17 =	sadd.s32 $0x1, s17  }
0x125: {  	p1 =	sne.s32 s17, $0x29  }
.Ltmp3:
0x126: {  	_ = 	snop;
	(pc) =	sbr.rel @p1 .LBB2_4-.Ltmp3, $4  }
0x127: {  	_ = 	snop  }
0x128: {  	[tilespmem:s20+$0xFFFFE7F0] =	vst v4  }
0x129: {  	s21 =	sadd.s32 $0x100, s21;
	s31 =	sadd.s32 $0x100, s31;
	[tilespmem:s20+$0xFFFFE7E0] =	vst v3  }
0x12a: {  	[spmem:s3] =	stream.indirect.scatter.add.f32 [tilespmem:s8], [sflag:$0x4], $0x30, s15, s7, $0xb8;
	[tilespmem:$0x12850] =	vst v63  }
0x12b: {  	_ =	swait.ge [sflag:s16], $0x1800  }
0x12c: {  	[sflag:s16] =	ssyncset.done $0x0  }
0x12d: {  	[sflag:s16] =	ssyncadd.s32 $0xFFFFE800  }
0x12e: {  	s17 =	stileid.u32;
	[bflag:$0x0] =	sbarrier.arrive $0xFFFF  }
0x12f: {  	s17 =	sshll.u32 s17, $0x6;
	s20 =	rddreg [dreg:$0x5]  }
0x130: {  	s17 =	sor.u32 $0x1C05, s17;
	s21 =	rddreg [dreg:$0x12]  }
0x131: {  	[hbm:s20], [sflag:s17] =	dma.local [spmem:s21], $0x4E0  }
0x132: {  	_ =	swait.ge [sflag:s2], $0x4E0  }
0x133: {  	[sflag:s2] =	ssyncset.done $0x0;
	s23 =	rddreg [dreg:$0x6]  }
0x134: {  	s24 =	rddreg [dreg:$0x13];
	[sflag:s2] =	ssyncadd.s32 $0xFFFFFB20  }
0x135: {  	[hbm:s23], [sflag:s17] =	dma.local [spmem:s24], $0x4E0  }
0x136: {  	_ =	swait.ge [sflag:s2], $0x4E0  }
0x137: {  	[sflag:s2] =	ssyncset.done $0x0;
	s25 =	rddreg [dreg:$0x7]  }
0x138: {  	s26 =	rddreg [dreg:$0x14];
	[sflag:s2] =	ssyncadd.s32 $0xFFFFFB20  }
0x139: {  	[hbm:s25], [sflag:s17] =	dma.local [spmem:s26], $0x4E0  }
0x13a: {  	_ =	swait.ge [sflag:s2], $0x4E0  }
0x13b: {  	[sflag:s2] =	ssyncset.done $0x0  }
0x13c: {  	s20 =	sshrl.u32 @!p0 s6, $0x3;
	s21 =	rddreg [dreg:$0x8];
	[sflag:s2] =	ssyncadd.s32 $0xFFFFFB20  }
0x13d: {  	[hbm:s21], [sflag:s17] =	dma.local @!p0 [spmem:s20], $0x60  }
0x13e: {  	s17 =	simm.s32 @!p0 $0x5  }
0x13f: {  	_ =	swait.ge @!p0 [sflag:s17], $0x60  }
0x140: {  	s4 =	sadd.s32 $0x1, s4;
	s31 =	rddreg [dreg:$0x9]  }
0x141: {  	p1 =	sne.s32 s4, s31  }
.Ltmp4:
0x142: {  	_ = 	snop;
	(pc) =	sbr.rel @p1 .LBB2_1-.Ltmp4, $3  }
0x143: {  	_ =	sdelay $0x1  }
0x144: {  	[sflag:s17] =	ssyncset.done @!p0 $0x0  }
0x145: {  	[sflag:s17] =	ssyncadd.s32 @!p0 $0xFFFFFFA0  }
0x146: {  	_ =	sfence.sel $0x180000  }
0x147: {  	[bflag:$0x0] =	sbarrier.arrive $0xFFFF  }
0x148: {  	_ =	strace $0x9000004D  }
0x149: {  	s0 =	stileid.u32;
	[bflag:$0x2] =	sbarrier.arrive $0xFFFF  }
0x14a: {  	p0 =	sne.s32 s0, $0x0;
	s0 =	rddreg [dreg:$0x3]  }
0x14b: {  	s0 =	sadd.s32 @!p0 $0x100000, s0  }
0x14c: {  	[sflag:s0] =	ssyncadd.tile.s32 @!p0 $0x1;
	_ =	shalt  }
.Lfunc_end2:
_tile_overlayer_lowered:
.L_overlay_start_2:
0x14d: {  	(tag) =	ssettag $0x2  }
0x14e: {  	s0 =	rddreg [dreg:$0x0];
	s2 =	stileid.u32  }
0x14f: {  	s1 =	rddreg [dreg:$0x1];
	p0 =	sne.s32 s2, $0x0  }
0x150: {  	s3 =	rddreg [dreg:$0x2];
	[bflag:$0x3] =	sbarrier.arrive $0xFFFF;
	s2 =	simm.s32 @!p0 $0x1C05  }
0x151: {  	[timem:s3], [sflag:s2] =	dma.local @!p0 [hbm:s0], s1  }
0x152: {  	s0 =	simm.s32 @!p0 $0x5  }
0x153: {  	_ =	swait.ge @!p0 [sflag:s0], s1  }
0x154: {  	s1 =	ssub.s32 @!p0 $0x0, s1;
	[sflag:s0] =	ssyncset.done @!p0 $0x0  }
0x155: {  	[sflag:s0] =	ssyncadd.s32 @!p0 s1  }
0x156: {  	[bflag:$0x3] =	sbarrier.arrive $0xFFFF  }
0x157: {  	_ =	shalt  }

</sc_bundles>
